<compile_context>
chip_gen: v7x
topology: tpu7x:2x2x1
jax: 0.10.2.dev20260603
libtpu: 0.0.44.dev20260713+nightly
codegen_flags: <defaults>
</compile_context>

<pallas_src>
import functools

import jax
import jax.numpy as jnp
from jax import lax
from jax.experimental import pallas as pl
from jax.experimental.pallas import tpu as pltpu
from jax.experimental.pallas import tpu_sc as plsc

N = 10000
E = 160000
NUM_TYPES = 100
NUM_GRAPHS = 16
R = 1000
NB = N // R

f32 = jnp.float32
i32 = jnp.int32


def _sc_mesh():
    return plsc.VectorSubcoreMesh(core_axis_name="c", subcore_axis_name="s")


EVEC = E // 16
VMAX = 313
EPW_PAD = VMAX * 16


@functools.cache
def _make_deg():
    @functools.partial(
        pl.kernel,
        out_type=jax.ShapeDtypeStruct((NB, 32, R), f32),
        mesh=_sc_mesh(),
        compiler_params=pltpu.CompilerParams(needs_layout_passes=False, use_tc_tiling_on_sc=False),
        scratch_types=[
            pltpu.VMEM((N,), f32),
            pltpu.VMEM((EPW_PAD,), i32),
        ],
    )
    def _deg_kernel(dst_hbm, out_hbm, acc_v, dst_v):
        c = lax.axis_index("c")
        s = lax.axis_index("s")
        wid = c * 16 + s

        def zbody(i, _):
            acc_v[pl.ds(i * 16, 16)] = jnp.zeros((16,), f32)
            return 0

        lax.fori_loop(0, N // 16, zbody, 0)

        b = 312 * wid + wid // 2
        n = 313 - (wid % 2)
        pltpu.sync_copy(dst_hbm.at[pl.ds(b * 16, EPW_PAD)], dst_v)

        ones = jnp.ones((16,), f32)

        def ebody(i, _):
            idx = dst_v[pl.ds(i * 16, 16)]
            plsc.addupdate_scatter(acc_v, [idx], ones)
            return 0

        lax.fori_loop(0, n, ebody, 0)
        for b in range(NB):
            pltpu.sync_copy(acc_v.at[pl.ds(b * R, R)], out_hbm.at[b, wid])

    return _deg_kernel


@functools.cache
def _make_agg(n_chunks, D, CH, NBUF, dtype=f32):
    per_sc = n_chunks // 2
    EPT = E // 16
    ITER = EPT // CH
    RPT = N // 16
    P = 4
    assert ITER % NBUF == 0 and CH % 8 == 0 and CH <= 128 and P < NBUF

    @functools.partial(
        pl.kernel,
        out_type=jax.ShapeDtypeStruct((n_chunks * N, D), dtype),
        mesh=_sc_mesh(),
        compiler_params=pltpu.CompilerParams(needs_layout_passes=False, use_tc_tiling_on_sc=False),
        scratch_types=[
            pltpu.VMEM((EPT,), i32),
            pltpu.VMEM((ITER, CH), i32),
            pltpu.VMEM((NBUF, CH, D), dtype),
            pltpu.VMEM_SHARED((N, D), dtype),
            pltpu.SemaphoreType.DMA((NBUF,)),
            pltpu.SemaphoreType.DMA((NBUF,)),
        ],
    )
    def _agg(src_hbm, dst_hbm, g_hbm, out_hbm,
             src_v, dst_v, rows_v, acc_sh, sem_g, sem_s):
        c = lax.axis_index("c")
        s = lax.axis_index("s")

        def gather(i, b):
            pltpu.async_copy(g_hbm.at[src_v.at[pl.ds(i * CH, CH)]],
                             rows_v.at[b], sem_g.at[b])

        def wait_gather(b):
            pltpu.make_async_copy(g_hbm.at[pl.ds(0, CH)], rows_v.at[b],
                                  sem_g.at[b]).wait()

        def scatter(i, b):
            pltpu.async_copy(rows_v.at[b], acc_sh.at[dst_v.at[i]],
                             sem_s.at[b], add=True)

        def wait_scatter(b):
            pltpu.make_async_copy(rows_v.at[b], acc_sh.at[pl.ds(0, CH)],
                                  sem_s.at[b]).wait()

        for k in range(per_sc):
            chunk = c * per_sc + k
            pltpu.sync_copy(src_hbm.at[pl.ds(chunk * E + s * EPT, EPT)], src_v)
            pltpu.sync_copy(dst_hbm.at[s], dst_v)
            for b in range(P):
                gather(b, b)
            pltpu.sync_copy(g_hbm.at[pl.ds(chunk * N + s * RPT, RPT)],
                            acc_sh.at[pl.ds(s * RPT, RPT)])
            plsc.subcore_barrier()

            def obody(io, _):
                for b in range(NBUF):
                    i = io * NBUF + b
                    bg = (b + P) % NBUF
                    wait_gather(b)
                    scatter(i, b)

                    @pl.when(i >= NBUF - P)
                    def _():
                        wait_scatter(bg)

                    @pl.when(i + P < ITER)
                    def _():
                        gather(i + P, bg)
                return 0

            lax.fori_loop(0, ITER // NBUF, obody, 0)
            for i in range(ITER - (NBUF - P), ITER):
                wait_scatter(i % NBUF)
            plsc.subcore_barrier()
            pltpu.sync_copy(acc_sh.at[pl.ds(s * RPT, RPT)],
                            out_hbm.at[pl.ds(chunk * N + s * RPT, RPT)])

    return _agg


def _prep_body(x_ref, degp_ref, emb_ref, g1_ref, dis_ref):
    xb = x_ref[...]
    ones32 = jnp.ones((32, 1), f32)
    deg = lax.dot_general(degp_ref[0], ones32,
                          (((0,), (0,)), ((), ())),
                          preferred_element_type=f32) + 1.0
    dis = lax.rsqrt(deg)
    ids = xb[:, 0:1].astype(i32)
    oh = (ids == jnp.arange(NUM_TYPES, dtype=i32)[None, :]).astype(f32)
    te = jnp.dot(oh, emb_ref[...], preferred_element_type=f32)
    half0 = jnp.concatenate([te, xb[:, 1:49]], axis=1)
    half1 = jnp.concatenate([xb[:, 49:128], jnp.zeros((R, 1), f32)], axis=1)
    g1_ref[0] = (half0 * dis).astype(jnp.bfloat16)
    g1_ref[1] = (half1 * dis).astype(jnp.bfloat16)
    dis_ref[...] = dis


_prep_call = pl.pallas_call(
    _prep_body,
    grid=(NB,),
    in_specs=[
        pl.BlockSpec((R, 128), lambda i: (i, 0)),
        pl.BlockSpec((1, 32, R), lambda i: (i, 0, 0)),
        pl.BlockSpec((NUM_TYPES, 32), lambda i: (0, 0)),
    ],
    out_specs=[
        pl.BlockSpec((2, R, 80), lambda i: (0, i, 0)),
        pl.BlockSpec((R, 1), lambda i: (i, 0)),
    ],
    out_shape=[
        jax.ShapeDtypeStruct((2, N, 80), jnp.bfloat16),
        jax.ShapeDtypeStruct((N, 1), f32),
    ],
)


def _mm_body(a1_ref, dis_ref, W1_ref, b1_ref, W2_ref, out_ref):
    d = dis_ref[...]
    x0 = (a1_ref[0].astype(f32) * d).astype(jnp.bfloat16)
    x1 = (a1_ref[1].astype(f32) * d).astype(jnp.bfloat16)
    h1 = jnp.dot(x0, W1_ref[0:80, :], preferred_element_type=f32)
    h1 = h1 + jnp.dot(x1, W1_ref[80:160, :], preferred_element_type=f32)
    h1 = jnp.maximum(h1 + b1_ref[...], 0.0).astype(jnp.bfloat16)
    t = (jnp.dot(h1, W2_ref[...], preferred_element_type=f32) * d).astype(
        jnp.bfloat16)
    for j in range(8):
        out_ref[j] = t[:, j * 128:(j + 1) * 128]


_mm_call = pl.pallas_call(
    _mm_body,
    grid=(NB,),
    in_specs=[
        pl.BlockSpec((2, R, 80), lambda i: (0, i, 0)),
        pl.BlockSpec((R, 1), lambda i: (i, 0)),
        pl.BlockSpec((160, 2048), lambda i: (0, 0)),
        pl.BlockSpec((1, 2048), lambda i: (0, 0)),
        pl.BlockSpec((2048, 1024), lambda i: (0, 0)),
    ],
    out_specs=pl.BlockSpec((8, R, 128), lambda i: (0, i, 0)),
    out_shape=jax.ShapeDtypeStruct((8, N, 128), jnp.bfloat16),
)


def _head_body(a2_ref, dis_ref, b2_ref, batch_ref,
               Wh1_ref, bh1_ref, Wh2_ref, bh2_ref, Wo_ref, bo_ref,
               out_ref, pool_s, cnt_s):
    i = pl.program_id(0)

    @pl.when(i == 0)
    def _():
        pool_s[...] = jnp.zeros_like(pool_s)
        cnt_s[...] = jnp.zeros_like(cnt_s)

    d = dis_ref[...]
    bvals = batch_ref[0]
    oh = (bvals == jnp.arange(NUM_GRAPHS, dtype=i32)[:, None]).astype(f32)
    cnt_s[...] += jnp.broadcast_to(
        jnp.sum(oh, axis=1, keepdims=True), cnt_s.shape)
    for j in range(8):
        h2 = a2_ref[j].astype(f32) * d
        h2 = jnp.maximum(h2 + b2_ref[0, j * 128:(j + 1) * 128], 0.0)
        pool_s[:, j * 128:(j + 1) * 128] += jnp.dot(
            oh, h2, preferred_element_type=f32)

    @pl.when(i == NB - 1)
    def _():
        cnt = jnp.maximum(cnt_s[:, 0:1], 1.0)
        p = pool_s[...] / cnt
        hh = jnp.maximum(
            jnp.dot(p, Wh1_ref[...], preferred_element_type=f32)
            + bh1_ref[...], 0.0)
        hh = jnp.maximum(
            jnp.dot(hh, Wh2_ref[...], preferred_element_type=f32)
            + bh2_ref[...], 0.0)
        lo = jnp.dot(hh, Wo_ref[...], preferred_element_type=f32) + bo_ref[...]
        m = jnp.max(lo, axis=1, keepdims=True)
        e = jnp.exp(lo - m)
        out_ref[...] = e / jnp.sum(e, axis=1, keepdims=True)


_head_call = pl.pallas_call(
    _head_body,
    grid=(NB,),
    in_specs=[
        pl.BlockSpec((8, R, 128), lambda i: (0, i, 0)),
        pl.BlockSpec((R, 1), lambda i: (i, 0)),
        pl.BlockSpec((1, 1024), lambda i: (0, 0)),
        pl.BlockSpec((1, 1, R), lambda i: (i, 0, 0)),
        pl.BlockSpec((1024, 1024), lambda i: (0, 0)),
        pl.BlockSpec((1, 1024), lambda i: (0, 0)),
        pl.BlockSpec((1024, 512), lambda i: (0, 0)),
        pl.BlockSpec((1, 512), lambda i: (0, 0)),
        pl.BlockSpec((512, 10), lambda i: (0, 0)),
        pl.BlockSpec((1, 10), lambda i: (0, 0)),
    ],
    out_specs=pl.BlockSpec((NUM_GRAPHS, 10), lambda i: (0, 0)),
    out_shape=jax.ShapeDtypeStruct((NUM_GRAPHS, 10), f32),
    scratch_shapes=[
        pltpu.VMEM((NUM_GRAPHS, 1024), f32),
        pltpu.VMEM((NUM_GRAPHS, 128), f32),
    ],
)


def kernel(x, edge_index, batch, emb_table, W1, b1, W2, b2,
           Wh1, bh1, Wh2, bh2, Wo, bo):
    src = edge_index[0]
    dst = edge_index[1]

    degp = _make_deg()(dst)
    g1, dis2 = _prep_call(x, degp, emb_table)

    off1 = (jnp.arange(2, dtype=i32) * N)[:, None]
    src1 = jnp.reshape(src[None, :] + off1, (-1,))
    a1 = _make_agg(2, 80, 80, 5, jnp.bfloat16)(
        src1, dst.reshape(16, 125, 80), g1.reshape(2 * N, 80))
    a1 = a1.reshape(2, N, 80)

    W1p = jnp.concatenate([W1, jnp.zeros((1, 2048), f32)], axis=0)
    g2 = _mm_call(a1, dis2, W1p.astype(jnp.bfloat16),
                  b1.reshape(1, 2048), W2.astype(jnp.bfloat16))

    off2 = (jnp.arange(8, dtype=i32) * N)[:, None]
    src2 = jnp.reshape(src[None, :] + off2, (-1,))
    a2 = _make_agg(8, 128, 80, 5, jnp.bfloat16)(
        src2, dst.reshape(16, 125, 80), g2.reshape(8 * N, 128))
    a2 = a2.reshape(8, N, 128)

    return _head_call(a2, dis2, b2.reshape(1, 1024),
                      batch.reshape(NB, 1, R), Wh1, bh1.reshape(1, 1024),
                      Wh2, bh2.reshape(1, 512), Wo, bo.reshape(1, 10))

# --- scband reference (transcript-rebuilt; emitter-appended) ---
"""Pipeline reference for scband-graph-classifier-34325378629914 (READ-ONLY COPY).

The authoritative reference and input builder live on the scoring server;
editing this copy changes nothing except your own understanding.
"""

import jax, jax.numpy as jnp
import numpy as np

N = 10000
E = 160000
IN_CH = 128
EMB = 32
NUM_TYPES = 100
NUM_GRAPHS = 16
NUM_CLASSES = 10
IN_GNN = EMB + IN_CH - 1


def _gcn_conv(x, src, dst, W, b, n_nodes):
    # x @ W, then symmetric-normalized aggregation with self loops (PyG GCNConv default)
    x = x @ W
    loop = jnp.arange(n_nodes, dtype=src.dtype)
    s = jnp.concatenate([src, loop])
    d = jnp.concatenate([dst, loop])
    ones = jnp.ones(s.shape[0], dtype=x.dtype)
    deg = jax.ops.segment_sum(ones, d, num_segments=n_nodes)
    dis = jnp.where(deg > 0, jax.lax.rsqrt(jnp.maximum(deg, 1e-12)), 0.0)
    norm = dis[s] * dis[d]
    msgs = jnp.take(x, s, axis=0) * norm[:, None]
    out = jax.ops.segment_sum(msgs, d, num_segments=n_nodes)
    return out + b


def setup_inputs(seed: int = 0):
    key = jax.random.key(seed)
    ks = jax.random.split(key, 14)
    x = jax.random.normal(ks[0], (N, IN_CH), dtype=jnp.float32)
    type_ids = jax.random.randint(ks[1], (N,), 0, NUM_TYPES).astype(jnp.float32)
    x = x.at[:, 0].set(type_ids)
    edge_index = jax.random.randint(ks[2], (2, E), 0, N, dtype=jnp.int32)
    batch = jnp.sort(jax.random.randint(ks[3], (N,), 0, NUM_GRAPHS, dtype=jnp.int32))
    emb_table = jax.random.normal(ks[4], (NUM_TYPES, EMB), dtype=jnp.float32)
    W1 = jax.random.normal(ks[5], (IN_GNN, 2048), dtype=jnp.float32) * 0.02
    b1 = jnp.zeros((2048,), jnp.float32)
    W2 = jax.random.normal(ks[6], (2048, 1024), dtype=jnp.float32) * 0.02
    b2 = jnp.zeros((1024,), jnp.float32)
    Wh1 = jax.random.normal(ks[7], (1024, 1024), dtype=jnp.float32) * 0.02
    bh1 = jnp.zeros((1024,), jnp.float32)
    Wh2 = jax.random.normal(ks[8], (1024, 512), dtype=jnp.float32) * 0.02
    bh2 = jnp.zeros((512,), jnp.float32)
    Wo = jax.random.normal(ks[9], (512, NUM_CLASSES), dtype=jnp.float32) * 0.02
    bo = jnp.zeros((NUM_CLASSES,), jnp.float32)
    return {"x": x, "edge_index": edge_index, "batch": batch, "emb_table": emb_table,
            "W1": W1, "b1": b1, "W2": W2, "b2": b2, "Wh1": Wh1, "bh1": bh1,
            "Wh2": Wh2, "bh2": bh2, "Wo": Wo, "bo": bo}


def reference(x, edge_index, batch, emb_table, W1, b1, W2, b2, Wh1, bh1, Wh2, bh2, Wo, bo):
    ids = x[:, 0].astype(jnp.int32)
    other = x[:, 1:]
    te = jnp.take(emb_table, ids, axis=0)
    h = jnp.concatenate([te, other], axis=-1)
    src = edge_index[0]
    dst = edge_index[1]
    h = jax.nn.relu(_gcn_conv(h, src, dst, W1, b1, N))
    # dropout p=0.1 is identity in eval mode
    h = jax.nn.relu(_gcn_conv(h, src, dst, W2, b2, N))
    counts = jax.ops.segment_sum(jnp.ones((N,), jnp.float32), batch, num_segments=NUM_GRAPHS)
    pooled = jax.ops.segment_sum(h, batch, num_segments=NUM_GRAPHS) / jnp.maximum(counts, 1.0)[:, None]
    h = jax.nn.relu(pooled @ Wh1 + bh1)
    h = jax.nn.relu(h @ Wh2 + bh2)
    logits = h @ Wo + bo
    return jax.nn.softmax(logits, axis=1)

if __name__ == "__main__":
    import jax
    _d = setup_inputs()
    print(jax.jit(kernel)(*tuple(_d.values())))

</pallas_src>

<mosaic_0001>
#map = affine_map<(d0, d1) -> (0)>
#map1 = affine_map<(d0, d1) -> (0, 0, 0)>
module attributes {stable_mosaic.version = 14 : i64} {
  func.func @_deg_kernel(%arg0: i32, %arg1: i32, %arg2: memref<160000xi32, #tpu.memory_space<hbm>>, %arg3: memref<10x32x1000xf32, #tpu.memory_space<hbm>>, %arg4: memref<10000xf32, #tpu.memory_space<vmem>>, %arg5: memref<5008xi32, #tpu.memory_space<vmem>>) attributes {dimension_semantics = [#tpu.dimension_semantics<core_parallel>, #tpu.dimension_semantics<subcore_parallel>], iteration_bounds = array<i64: 2, 16>, scalar_prefetch = 0 : i64, scratch_operands = 2 : i64, tpu.core_type = #tpu.core_type<sc_vector_subcore>, window_params = [{transform_indices = #map}, {transform_indices = #map1}]} {
    %mul3A = arith.constant 16 : i32
    %mul3A_0 = arith.muli %arg0, %mul3A : i32
    %add3A = arith.addi %mul3A_0, %arg1 : i32
    %scan3A = arith.constant 0 : i32
    %scan3A_1 = arith.constant 0 : i32
    %scan3A_2 = arith.constant 625 : i32
    %scan3A_3 = arith.addi %scan3A_1, %scan3A_2 : i32
    %scan3A_4 = arith.constant 1 : i32
    %scan3A_5 = scf.for %scan3A_65 = %scan3A_1 to %scan3A_3 step %scan3A_4 iter_args(%scan3A_66 = %scan3A) -> (i32)  : i32 {
      %broadcast_in_dim3A_67 = arith.constant 0.000000e+00 : f32
      %broadcast_in_dim3A_68 = vector.broadcast %broadcast_in_dim3A_67 : f32 to vector<16xf32>
      %mul3A_69 = arith.constant 16 : i32
      %mul3A_70 = arith.muli %scan3A_65, %mul3A_69 : i32
      %swap3A = arith.index_cast %mul3A_70 : i32 to index
      %swap3A_71 = tpu.vector_load %arg4[%swap3A] {strides = array<i32>} : memref<10000xf32, #tpu.memory_space<vmem>>, vector<16xf32>,
      tpu.vector_store %arg4[%swap3A], %broadcast_in_dim3A_68 {strides = array<i32>} : memref<10000xf32, #tpu.memory_space<vmem>>, vector<16xf32>,
      %scan3A_72 = arith.constant 0 : i32
      scf.yield %scan3A_72 : i32
    }
    %scan3A_6 = arith.constant 625 : i32
    %mul3A_7 = arith.constant 312 : i32
    %mul3A_8 = arith.muli %mul3A_7, %add3A : i32
    %jit3A = arith.constant 2 : i32
    %div3A = arith.divsi %add3A, %jit3A : i32
    %sign3A = arith.constant 0 : i32
    %sign3A_9 = arith.cmpi sgt, %add3A, %sign3A : i32
    %sign3A_10 = arith.extui %sign3A_9 : i1 to i32
    %sign3A_11 = arith.constant 0 : i32
    %sign3A_12 = arith.cmpi slt, %add3A, %sign3A_11 : i32
    %sign3A_13 = arith.extui %sign3A_12 : i1 to i32
    %sign3A_14 = arith.subi %sign3A_10, %sign3A_13 : i32
    %sign3A_15 = arith.constant 0 : i32
    %sign3A_16 = arith.cmpi sgt, %jit3A, %sign3A_15 : i32
    %sign3A_17 = arith.extui %sign3A_16 : i1 to i32
    %sign3A_18 = arith.constant 0 : i32
    %sign3A_19 = arith.cmpi slt, %jit3A, %sign3A_18 : i32
    %sign3A_20 = arith.extui %sign3A_19 : i1 to i32
    %sign3A_21 = arith.subi %sign3A_17, %sign3A_20 : i32
    %ne3A = arith.cmpi ne, %sign3A_14, %sign3A_21 : i32
    %rem3A = arith.remsi %add3A, %jit3A : i32
    %ne3A_22 = arith.constant 0 : i32
    %ne3A_23 = arith.cmpi ne, %rem3A, %ne3A_22 : i32
    %and3A = arith.andi %ne3A, %ne3A_23 : i1
    %sub3A = arith.constant 1 : i32
    %sub3A_24 = arith.subi %div3A, %sub3A : i32
    %select_n3A = arith.select %and3A, %sub3A_24, %div3A : i32
    %add3A_25 = arith.addi %mul3A_8, %select_n3A : i32
    %jit3A_26 = arith.constant 2 : i32
    %eq3A = arith.constant 0 : i32
    %eq3A_27 = arith.cmpi eq, %jit3A_26, %eq3A : i32
    %jit3A_28 = arith.constant 1 : i32
    %select_n3A_29 = arith.select %eq3A_27, %jit3A_28, %jit3A_26 : i32
    %rem3A_30 = arith.remsi %add3A, %select_n3A_29 : i32
    %ne3A_31 = arith.constant 0 : i32
    %ne3A_32 = arith.cmpi ne, %rem3A_30, %ne3A_31 : i32
    %lt3A = arith.constant 0 : i32
    %lt3A_33 = arith.cmpi slt, %rem3A_30, %lt3A : i32
    %lt3A_34 = arith.constant 0 : i32
    %lt3A_35 = arith.cmpi slt, %select_n3A_29, %lt3A_34 : i32
    %ne3A_36 = arith.xori %lt3A_33, %lt3A_35 : i1
    %and3A_37 = arith.andi %ne3A_36, %ne3A_32 : i1
    %add3A_38 = arith.addi %rem3A_30, %select_n3A_29 : i32
    %select_n3A_39 = arith.select %and3A_37, %add3A_38, %rem3A_30 : i32
    %sub3A_40 = arith.constant 313 : i32
    %sub3A_41 = arith.subi %sub3A_40, %select_n3A_39 : i32
    %mul3A_42 = arith.constant 16 : i32
    %mul3A_43 = arith.muli %add3A_25, %mul3A_42 : i32
    "tpu.region"() ({
      %run_scoped3A_65 = tpu.sem_alloc : memref<!tpu.dma_semaphore, #tpu.memory_space<semaphore_mem>>
      %dma_start3A = tpu.memref_slice %arg2[%mul3A_43] : memref<160000xi32, #tpu.memory_space<hbm>> -> memref<5008xi32, #tpu.memory_space<hbm>>
      %dma_start3A_66 = tpu.memref_slice %arg2[%mul3A_43] : memref<160000xi32, #tpu.memory_space<hbm>> -> memref<5008xi32, #tpu.memory_space<hbm>>
      tpu.enqueue_dma source(%dma_start3A_66 : memref<5008xi32, #tpu.memory_space<hbm>>) target(%arg5 : memref<5008xi32, #tpu.memory_space<vmem>>) target_semaphore(%run_scoped3A_65 : memref<!tpu.dma_semaphore, #tpu.memory_space<semaphore_mem>>)
      %dma_wait3A = tpu.memref_slice %arg2[%mul3A_43] : memref<160000xi32, #tpu.memory_space<hbm>> -> memref<5008xi32, #tpu.memory_space<hbm>>
      %dma_wait3A_67 = tpu.memref_slice %arg2[%mul3A_43] : memref<160000xi32, #tpu.memory_space<hbm>> -> memref<5008xi32, #tpu.memory_space<hbm>>
      tpu.wait_dma2 semaphore(%run_scoped3A_65 : memref<!tpu.dma_semaphore, #tpu.memory_space<semaphore_mem>>) src(%dma_wait3A_67 : memref<5008xi32, #tpu.memory_space<hbm>>) dst(%arg5 : memref<5008xi32, #tpu.memory_space<vmem>>)
      tpu.yield
    }) : () -> ()
    %broadcast_in_dim3A = arith.constant 1.000000e+00 : f32
    %broadcast_in_dim3A_44 = vector.broadcast %broadcast_in_dim3A : f32 to vector<16xf32>
    %while3A = arith.constant 0 : i32
    %while3A_45 = arith.constant 0 : i32
    %while3A_46 = arith.subi %sub3A_41, %while3A : i32
    %while3A_47 = arith.addi %while3A, %while3A_46 : i32
    %while3A_48 = arith.constant 1 : i32
    %while3A_49 = arith.divsi %while3A_46, %while3A_48 : i32
    %while3A_50 = arith.muli %while3A_49, %while3A_48 : i32
    %while3A_51 = arith.addi %while3A, %while3A_50 : i32
    %while3A_52 = arith.constant 1 : i32
    %while3A_53 = scf.for %while3A_65 = %while3A to %while3A_51 step %while3A_52 iter_args(%while3A_66 = %while3A_45) -> (i32)  : i32 {
      %mul3A_67 = arith.constant 16 : i32
      %mul3A_68 = arith.muli %while3A_65, %mul3A_67 : i32
      %get3A = arith.index_cast %mul3A_68 : i32 to index
      %get3A_69 = tpu.vector_load %arg5[%get3A] {strides = array<i32>} : memref<5008xi32, #tpu.memory_space<vmem>>, vector<16xi32>,
      tpu.vector_store_idx %arg4[%get3A_69], %broadcast_in_dim3A_44 {add = true} : memref<10000xf32, #tpu.memory_space<vmem>>[vector<16xi32>], vector<16xf32>,
      %while3A_70 = arith.constant 0 : i32
      scf.yield %while3A_70 : i32
    }
    %while3A_54 = arith.constant 1 : i32
    %while3A_55 = scf.for %while3A_65 = %while3A_51 to %while3A_47 step %while3A_54 iter_args(%while3A_66 = %while3A_53) -> (i32)  : i32 {
      %mul3A_67 = arith.constant 16 : i32
      %mul3A_68 = arith.muli %while3A_65, %mul3A_67 : i32
      %get3A = arith.index_cast %mul3A_68 : i32 to index
      %get3A_69 = tpu.vector_load %arg5[%get3A] {strides = array<i32>} : memref<5008xi32, #tpu.memory_space<vmem>>, vector<16xi32>,
      tpu.vector_store_idx %arg4[%get3A_69], %broadcast_in_dim3A_44 {add = true} : memref<10000xf32, #tpu.memory_space<vmem>>[vector<16xi32>], vector<16xf32>,
      %while3A_70 = arith.constant 0 : i32
      scf.yield %while3A_70 : i32
    }
    %run_scoped3A = arith.constant 0 : i32
    "tpu.region"() ({
      %run_scoped3A_65 = tpu.sem_alloc : memref<!tpu.dma_semaphore, #tpu.memory_space<semaphore_mem>>
      %dma_start3A = arith.constant 0 : i32
      %dma_start3A_66 = tpu.memref_slice %arg4[%dma_start3A] : memref<10000xf32, #tpu.memory_space<vmem>> -> memref<1000xf32, #tpu.memory_space<vmem>>
      %dma_start3A_67 = arith.constant 0 : i32
      %dma_start3A_68 = tpu.memref_slice %arg3[%run_scoped3A, %add3A, %dma_start3A_67] : memref<10x32x1000xf32, #tpu.memory_space<hbm>> -> memref<1x1x1000xf32, #tpu.memory_space<hbm>>
      %dma_start3A_69 = tpu.memref_squeeze %dma_start3A_68 : memref<1x1x1000xf32, #tpu.memory_space<hbm>> -> memref<1000xf32, #tpu.memory_space<hbm>>
      %dma_start3A_70 = arith.constant 0 : i32
      %dma_start3A_71 = tpu.memref_slice %arg3[%run_scoped3A, %add3A, %dma_start3A_70] : memref<10x32x1000xf32, #tpu.memory_space<hbm>> -> memref<1x1x1000xf32, #tpu.memory_space<hbm>>
      %dma_start3A_72 = tpu.memref_squeeze %dma_start3A_71 : memref<1x1x1000xf32, #tpu.memory_space<hbm>> -> memref<1000xf32, #tpu.memory_space<hbm>>
      %dma_start3A_73 = arith.constant 0 : i32
      %dma_start3A_74 = tpu.memref_slice %arg4[%dma_start3A_73] : memref<10000xf32, #tpu.memory_space<vmem>> -> memref<1000xf32, #tpu.memory_space<vmem>>
      tpu.enqueue_dma source(%dma_start3A_74 : memref<1000xf32, #tpu.memory_space<vmem>>) target(%dma_start3A_72 : memref<1000xf32, #tpu.memory_space<hbm>>) target_semaphore(%run_scoped3A_65 : memref<!tpu.dma_semaphore, #tpu.memory_space<semaphore_mem>>)
      %dma_wait3A = arith.constant 0 : i32
      %dma_wait3A_75 = tpu.memref_slice %arg4[%dma_wait3A] : memref<10000xf32, #tpu.memory_space<vmem>> -> memref<1000xf32, #tpu.memory_space<vmem>>
      %dma_wait3A_76 = arith.constant 0 : i32
      %dma_wait3A_77 = tpu.memref_slice %arg3[%run_scoped3A, %add3A, %dma_wait3A_76] : memref<10x32x1000xf32, #tpu.memory_space<hbm>> -> memref<1x1x1000xf32, #tpu.memory_space<hbm>>
      %dma_wait3A_78 = tpu.memref_squeeze %dma_wait3A_77 : memref<1x1x1000xf32, #tpu.memory_space<hbm>> -> memref<1000xf32, #tpu.memory_space<hbm>>
      %dma_wait3A_79 = arith.constant 0 : i32
      %dma_wait3A_80 = tpu.memref_slice %arg3[%run_scoped3A, %add3A, %dma_wait3A_79] : memref<10x32x1000xf32, #tpu.memory_space<hbm>> -> memref<1x1x1000xf32, #tpu.memory_space<hbm>>
      %dma_wait3A_81 = tpu.memref_squeeze %dma_wait3A_80 : memref<1x1x1000xf32, #tpu.memory_space<hbm>> -> memref<1000xf32, #tpu.memory_space<hbm>>
      %dma_wait3A_82 = arith.constant 0 : i32
      %dma_wait3A_83 = tpu.memref_slice %arg4[%dma_wait3A_82] : memref<10000xf32, #tpu.memory_space<vmem>> -> memref<1000xf32, #tpu.memory_space<vmem>>
      tpu.wait_dma2 semaphore(%run_scoped3A_65 : memref<!tpu.dma_semaphore, #tpu.memory_space<semaphore_mem>>) src(%dma_wait3A_83 : memref<1000xf32, #tpu.memory_space<vmem>>) dst(%dma_wait3A_81 : memref<1000xf32, #tpu.memory_space<hbm>>)
      tpu.yield
    }) : () -> ()
    %run_scoped3A_56 = arith.constant 1 : i32
    "tpu.region"() ({
      %run_scoped3A_65 = tpu.sem_alloc : memref<!tpu.dma_semaphore, #tpu.memory_space<semaphore_mem>>
      %dma_start3A = arith.constant 1000 : i32
      %dma_start3A_66 = tpu.memref_slice %arg4[%dma_start3A] : memref<10000xf32, #tpu.memory_space<vmem>> -> memref<1000xf32, #tpu.memory_space<vmem>>
      %dma_start3A_67 = arith.constant 0 : i32
      %dma_start3A_68 = tpu.memref_slice %arg3[%run_scoped3A_56, %add3A, %dma_start3A_67] : memref<10x32x1000xf32, #tpu.memory_space<hbm>> -> memref<1x1x1000xf32, #tpu.memory_space<hbm>>
      %dma_start3A_69 = tpu.memref_squeeze %dma_start3A_68 : memref<1x1x1000xf32, #tpu.memory_space<hbm>> -> memref<1000xf32, #tpu.memory_space<hbm>>
      %dma_start3A_70 = arith.constant 0 : i32
      %dma_start3A_71 = tpu.memref_slice %arg3[%run_scoped3A_56, %add3A, %dma_start3A_70] : memref<10x32x1000xf32, #tpu.memory_space<hbm>> -> memref<1x1x1000xf32, #tpu.memory_space<hbm>>
      %dma_start3A_72 = tpu.memref_squeeze %dma_start3A_71 : memref<1x1x1000xf32, #tpu.memory_space<hbm>> -> memref<1000xf32, #tpu.memory_space<hbm>>
      %dma_start3A_73 = arith.constant 1000 : i32
      %dma_start3A_74 = tpu.memref_slice %arg4[%dma_start3A_73] : memref<10000xf32, #tpu.memory_space<vmem>> -> memref<1000xf32, #tpu.memory_space<vmem>>
      tpu.enqueue_dma source(%dma_start3A_74 : memref<1000xf32, #tpu.memory_space<vmem>>) target(%dma_start3A_72 : memref<1000xf32, #tpu.memory_space<hbm>>) target_semaphore(%run_scoped3A_65 : memref<!tpu.dma_semaphore, #tpu.memory_space<semaphore_mem>>)
      %dma_wait3A = arith.constant 1000 : i32
      %dma_wait3A_75 = tpu.memref_slice %arg4[%dma_wait3A] : memref<10000xf32, #tpu.memory_space<vmem>> -> memref<1000xf32, #tpu.memory_space<vmem>>
      %dma_wait3A_76 = arith.constant 0 : i32
      %dma_wait3A_77 = tpu.memref_slice %arg3[%run_scoped3A_56, %add3A, %dma_wait3A_76] : memref<10x32x1000xf32, #tpu.memory_space<hbm>> -> memref<1x1x1000xf32, #tpu.memory_space<hbm>>
      %dma_wait3A_78 = tpu.memref_squeeze %dma_wait3A_77 : memref<1x1x1000xf32, #tpu.memory_space<hbm>> -> memref<1000xf32, #tpu.memory_space<hbm>>
      %dma_wait3A_79 = arith.constant 0 : i32
      %dma_wait3A_80 = tpu.memref_slice %arg3[%run_scoped3A_56, %add3A, %dma_wait3A_79] : memref<10x32x1000xf32, #tpu.memory_space<hbm>> -> memref<1x1x1000xf32, #tpu.memory_space<hbm>>
      %dma_wait3A_81 = tpu.memref_squeeze %dma_wait3A_80 : memref<1x1x1000xf32, #tpu.memory_space<hbm>> -> memref<1000xf32, #tpu.memory_space<hbm>>
      %dma_wait3A_82 = arith.constant 1000 : i32
      %dma_wait3A_83 = tpu.memref_slice %arg4[%dma_wait3A_82] : memref<10000xf32, #tpu.memory_space<vmem>> -> memref<1000xf32, #tpu.memory_space<vmem>>
      tpu.wait_dma2 semaphore(%run_scoped3A_65 : memref<!tpu.dma_semaphore, #tpu.memory_space<semaphore_mem>>) src(%dma_wait3A_83 : memref<1000xf32, #tpu.memory_space<vmem>>) dst(%dma_wait3A_81 : memref<1000xf32, #tpu.memory_space<hbm>>)
      tpu.yield
    }) : () -> ()
    %run_scoped3A_57 = arith.constant 2 : i32
    "tpu.region"() ({
      %run_scoped3A_65 = tpu.sem_alloc : memref<!tpu.dma_semaphore, #tpu.memory_space<semaphore_mem>>
      %dma_start3A = arith.constant 2000 : i32
      %dma_start3A_66 = tpu.memref_slice %arg4[%dma_start3A] : memref<10000xf32, #tpu.memory_space<vmem>> -> memref<1000xf32, #tpu.memory_space<vmem>>
      %dma_start3A_67 = arith.constant 0 : i32
      %dma_start3A_68 = tpu.memref_slice %arg3[%run_scoped3A_57, %add3A, %dma_start3A_67] : memref<10x32x1000xf32, #tpu.memory_space<hbm>> -> memref<1x1x1000xf32, #tpu.memory_space<hbm>>
      %dma_start3A_69 = tpu.memref_squeeze %dma_start3A_68 : memref<1x1x1000xf32, #tpu.memory_space<hbm>> -> memref<1000xf32, #tpu.memory_space<hbm>>
      %dma_start3A_70 = arith.constant 0 : i32
      %dma_start3A_71 = tpu.memref_slice %arg3[%run_scoped3A_57, %add3A, %dma_start3A_70] : memref<10x32x1000xf32, #tpu.memory_space<hbm>> -> memref<1x1x1000xf32, #tpu.memory_space<hbm>>
      %dma_start3A_72 = tpu.memref_squeeze %dma_start3A_71 : memref<1x1x1000xf32, #tpu.memory_space<hbm>> -> memref<1000xf32, #tpu.memory_space<hbm>>
      %dma_start3A_73 = arith.constant 2000 : i32
      %dma_start3A_74 = tpu.memref_slice %arg4[%dma_start3A_73] : memref<10000xf32, #tpu.memory_space<vmem>> -> memref<1000xf32, #tpu.memory_space<vmem>>
      tpu.enqueue_dma source(%dma_start3A_74 : memref<1000xf32, #tpu.memory_space<vmem>>) target(%dma_start3A_72 : memref<1000xf32, #tpu.memory_space<hbm>>) target_semaphore(%run_scoped3A_65 : memref<!tpu.dma_semaphore, #tpu.memory_space<semaphore_mem>>)
      %dma_wait3A = arith.constant 2000 : i32
      %dma_wait3A_75 = tpu.memref_slice %arg4[%dma_wait3A] : memref<10000xf32, #tpu.memory_space<vmem>> -> memref<1000xf32, #tpu.memory_space<vmem>>
      %dma_wait3A_76 = arith.constant 0 : i32
      %dma_wait3A_77 = tpu.memref_slice %arg3[%run_scoped3A_57, %add3A, %dma_wait3A_76] : memref<10x32x1000xf32, #tpu.memory_space<hbm>> -> memref<1x1x1000xf32, #tpu.memory_space<hbm>>
      %dma_wait3A_78 = tpu.memref_squeeze %dma_wait3A_77 : memref<1x1x1000xf32, #tpu.memory_space<hbm>> -> memref<1000xf32, #tpu.memory_space<hbm>>
      %dma_wait3A_79 = arith.constant 0 : i32
      %dma_wait3A_80 = tpu.memref_slice %arg3[%run_scoped3A_57, %add3A, %dma_wait3A_79] : memref<10x32x1000xf32, #tpu.memory_space<hbm>> -> memref<1x1x1000xf32, #tpu.memory_space<hbm>>
      %dma_wait3A_81 = tpu.memref_squeeze %dma_wait3A_80 : memref<1x1x1000xf32, #tpu.memory_space<hbm>> -> memref<1000xf32, #tpu.memory_space<hbm>>
      %dma_wait3A_82 = arith.constant 2000 : i32
      %dma_wait3A_83 = tpu.memref_slice %arg4[%dma_wait3A_82] : memref<10000xf32, #tpu.memory_space<vmem>> -> memref<1000xf32, #tpu.memory_space<vmem>>
      tpu.wait_dma2 semaphore(%run_scoped3A_65 : memref<!tpu.dma_semaphore, #tpu.memory_space<semaphore_mem>>) src(%dma_wait3A_83 : memref<1000xf32, #tpu.memory_space<vmem>>) dst(%dma_wait3A_81 : memref<1000xf32, #tpu.memory_space<hbm>>)
      tpu.yield
    }) : () -> ()
    %run_scoped3A_58 = arith.constant 3 : i32
    "tpu.region"() ({
      %run_scoped3A_65 = tpu.sem_alloc : memref<!tpu.dma_semaphore, #tpu.memory_space<semaphore_mem>>
      %dma_start3A = arith.constant 3000 : i32
      %dma_start3A_66 = tpu.memref_slice %arg4[%dma_start3A] : memref<10000xf32, #tpu.memory_space<vmem>> -> memref<1000xf32, #tpu.memory_space<vmem>>
      %dma_start3A_67 = arith.constant 0 : i32
      %dma_start3A_68 = tpu.memref_slice %arg3[%run_scoped3A_58, %add3A, %dma_start3A_67] : memref<10x32x1000xf32, #tpu.memory_space<hbm>> -> memref<1x1x1000xf32, #tpu.memory_space<hbm>>
      %dma_start3A_69 = tpu.memref_squeeze %dma_start3A_68 : memref<1x1x1000xf32, #tpu.memory_space<hbm>> -> memref<1000xf32, #tpu.memory_space<hbm>>
      %dma_start3A_70 = arith.constant 0 : i32
      %dma_start3A_71 = tpu.memref_slice %arg3[%run_scoped3A_58, %add3A, %dma_start3A_70] : memref<10x32x1000xf32, #tpu.memory_space<hbm>> -> memref<1x1x1000xf32, #tpu.memory_space<hbm>>
      %dma_start3A_72 = tpu.memref_squeeze %dma_start3A_71 : memref<1x1x1000xf32, #tpu.memory_space<hbm>> -> memref<1000xf32, #tpu.memory_space<hbm>>
      %dma_start3A_73 = arith.constant 3000 : i32
      %dma_start3A_74 = tpu.memref_slice %arg4[%dma_start3A_73] : memref<10000xf32, #tpu.memory_space<vmem>> -> memref<1000xf32, #tpu.memory_space<vmem>>
      tpu.enqueue_dma source(%dma_start3A_74 : memref<1000xf32, #tpu.memory_space<vmem>>) target(%dma_start3A_72 : memref<1000xf32, #tpu.memory_space<hbm>>) target_semaphore(%run_scoped3A_65 : memref<!tpu.dma_semaphore, #tpu.memory_space<semaphore_mem>>)
      %dma_wait3A = arith.constant 3000 : i32
      %dma_wait3A_75 = tpu.memref_slice %arg4[%dma_wait3A] : memref<10000xf32, #tpu.memory_space<vmem>> -> memref<1000xf32, #tpu.memory_space<vmem>>
      %dma_wait3A_76 = arith.constant 0 : i32
      %dma_wait3A_77 = tpu.memref_slice %arg3[%run_scoped3A_58, %add3A, %dma_wait3A_76] : memref<10x32x1000xf32, #tpu.memory_space<hbm>> -> memref<1x1x1000xf32, #tpu.memory_space<hbm>>
      %dma_wait3A_78 = tpu.memref_squeeze %dma_wait3A_77 : memref<1x1x1000xf32, #tpu.memory_space<hbm>> -> memref<1000xf32, #tpu.memory_space<hbm>>
      %dma_wait3A_79 = arith.constant 0 : i32
      %dma_wait3A_80 = tpu.memref_slice %arg3[%run_scoped3A_58, %add3A, %dma_wait3A_79] : memref<10x32x1000xf32, #tpu.memory_space<hbm>> -> memref<1x1x1000xf32, #tpu.memory_space<hbm>>
      %dma_wait3A_81 = tpu.memref_squeeze %dma_wait3A_80 : memref<1x1x1000xf32, #tpu.memory_space<hbm>> -> memref<1000xf32, #tpu.memory_space<hbm>>
      %dma_wait3A_82 = arith.constant 3000 : i32
      %dma_wait3A_83 = tpu.memref_slice %arg4[%dma_wait3A_82] : memref<10000xf32, #tpu.memory_space<vmem>> -> memref<1000xf32, #tpu.memory_space<vmem>>
      tpu.wait_dma2 semaphore(%run_scoped3A_65 : memref<!tpu.dma_semaphore, #tpu.memory_space<semaphore_mem>>) src(%dma_wait3A_83 : memref<1000xf32, #tpu.memory_space<vmem>>) dst(%dma_wait3A_81 : memref<1000xf32, #tpu.memory_space<hbm>>)
      tpu.yield
    }) : () -> ()
    %run_scoped3A_59 = arith.constant 4 : i32
    "tpu.region"() ({
      %run_scoped3A_65 = tpu.sem_alloc : memref<!tpu.dma_semaphore, #tpu.memory_space<semaphore_mem>>
      %dma_start3A = arith.constant 4000 : i32
      %dma_start3A_66 = tpu.memref_slice %arg4[%dma_start3A] : memref<10000xf32, #tpu.memory_space<vmem>> -> memref<1000xf32, #tpu.memory_space<vmem>>
      %dma_start3A_67 = arith.constant 0 : i32
      %dma_start3A_68 = tpu.memref_slice %arg3[%run_scoped3A_59, %add3A, %dma_start3A_67] : memref<10x32x1000xf32, #tpu.memory_space<hbm>> -> memref<1x1x1000xf32, #tpu.memory_space<hbm>>
      %dma_start3A_69 = tpu.memref_squeeze %dma_start3A_68 : memref<1x1x1000xf32, #tpu.memory_space<hbm>> -> memref<1000xf32, #tpu.memory_space<hbm>>
      %dma_start3A_70 = arith.constant 0 : i32
      %dma_start3A_71 = tpu.memref_slice %arg3[%run_scoped3A_59, %add3A, %dma_start3A_70] : memref<10x32x1000xf32, #tpu.memory_space<hbm>> -> memref<1x1x1000xf32, #tpu.memory_space<hbm>>
      %dma_start3A_72 = tpu.memref_squeeze %dma_start3A_71 : memref<1x1x1000xf32, #tpu.memory_space<hbm>> -> memref<1000xf32, #tpu.memory_space<hbm>>
      %dma_start3A_73 = arith.constant 4000 : i32
      %dma_start3A_74 = tpu.memref_slice %arg4[%dma_start3A_73] : memref<10000xf32, #tpu.memory_space<vmem>> -> memref<1000xf32, #tpu.memory_space<vmem>>
      tpu.enqueue_dma source(%dma_start3A_74 : memref<1000xf32, #tpu.memory_space<vmem>>) target(%dma_start3A_72 : memref<1000xf32, #tpu.memory_space<hbm>>) target_semaphore(%run_scoped3A_65 : memref<!tpu.dma_semaphore, #tpu.memory_space<semaphore_mem>>)
      %dma_wait3A = arith.constant 4000 : i32
      %dma_wait3A_75 = tpu.memref_slice %arg4[%dma_wait3A] : memref<10000xf32, #tpu.memory_space<vmem>> -> memref<1000xf32, #tpu.memory_space<vmem>>
      %dma_wait3A_76 = arith.constant 0 : i32
      %dma_wait3A_77 = tpu.memref_slice %arg3[%run_scoped3A_59, %add3A, %dma_wait3A_76] : memref<10x32x1000xf32, #tpu.memory_space<hbm>> -> memref<1x1x1000xf32, #tpu.memory_space<hbm>>
      %dma_wait3A_78 = tpu.memref_squeeze %dma_wait3A_77 : memref<1x1x1000xf32, #tpu.memory_space<hbm>> -> memref<1000xf32, #tpu.memory_space<hbm>>
      %dma_wait3A_79 = arith.constant 0 : i32
      %dma_wait3A_80 = tpu.memref_slice %arg3[%run_scoped3A_59, %add3A, %dma_wait3A_79] : memref<10x32x1000xf32, #tpu.memory_space<hbm>> -> memref<1x1x1000xf32, #tpu.memory_space<hbm>>
      %dma_wait3A_81 = tpu.memref_squeeze %dma_wait3A_80 : memref<1x1x1000xf32, #tpu.memory_space<hbm>> -> memref<1000xf32, #tpu.memory_space<hbm>>
      %dma_wait3A_82 = arith.constant 4000 : i32
      %dma_wait3A_83 = tpu.memref_slice %arg4[%dma_wait3A_82] : memref<10000xf32, #tpu.memory_space<vmem>> -> memref<1000xf32, #tpu.memory_space<vmem>>
      tpu.wait_dma2 semaphore(%run_scoped3A_65 : memref<!tpu.dma_semaphore, #tpu.memory_space<semaphore_mem>>) src(%dma_wait3A_83 : memref<1000xf32, #tpu.memory_space<vmem>>) dst(%dma_wait3A_81 : memref<1000xf32, #tpu.memory_space<hbm>>)
      tpu.yield
    }) : () -> ()
    %run_scoped3A_60 = arith.constant 5 : i32
    "tpu.region"() ({
      %run_scoped3A_65 = tpu.sem_alloc : memref<!tpu.dma_semaphore, #tpu.memory_space<semaphore_mem>>
      %dma_start3A = arith.constant 5000 : i32
      %dma_start3A_66 = tpu.memref_slice %arg4[%dma_start3A] : memref<10000xf32, #tpu.memory_space<vmem>> -> memref<1000xf32, #tpu.memory_space<vmem>>
      %dma_start3A_67 = arith.constant 0 : i32
      %dma_start3A_68 = tpu.memref_slice %arg3[%run_scoped3A_60, %add3A, %dma_start3A_67] : memref<10x32x1000xf32, #tpu.memory_space<hbm>> -> memref<1x1x1000xf32, #tpu.memory_space<hbm>>
      %dma_start3A_69 = tpu.memref_squeeze %dma_start3A_68 : memref<1x1x1000xf32, #tpu.memory_space<hbm>> -> memref<1000xf32, #tpu.memory_space<hbm>>
      %dma_start3A_70 = arith.constant 0 : i32
      %dma_start3A_71 = tpu.memref_slice %arg3[%run_scoped3A_60, %add3A, %dma_start3A_70] : memref<10x32x1000xf32, #tpu.memory_space<hbm>> -> memref<1x1x1000xf32, #tpu.memory_space<hbm>>
      %dma_start3A_72 = tpu.memref_squeeze %dma_start3A_71 : memref<1x1x1000xf32, #tpu.memory_space<hbm>> -> memref<1000xf32, #tpu.memory_space<hbm>>
      %dma_start3A_73 = arith.constant 5000 : i32
      %dma_start3A_74 = tpu.memref_slice %arg4[%dma_start3A_73] : memref<10000xf32, #tpu.memory_space<vmem>> -> memref<1000xf32, #tpu.memory_space<vmem>>
      tpu.enqueue_dma source(%dma_start3A_74 : memref<1000xf32, #tpu.memory_space<vmem>>) target(%dma_start3A_72 : memref<1000xf32, #tpu.memory_space<hbm>>) target_semaphore(%run_scoped3A_65 : memref<!tpu.dma_semaphore, #tpu.memory_space<semaphore_mem>>)
      %dma_wait3A = arith.constant 5000 : i32
      %dma_wait3A_75 = tpu.memref_slice %arg4[%dma_wait3A] : memref<10000xf32, #tpu.memory_space<vmem>> -> memref<1000xf32, #tpu.memory_space<vmem>>
      %dma_wait3A_76 = arith.constant 0 : i32
      %dma_wait3A_77 = tpu.memref_slice %arg3[%run_scoped3A_60, %add3A, %dma_wait3A_76] : memref<10x32x1000xf32, #tpu.memory_space<hbm>> -> memref<1x1x1000xf32, #tpu.memory_space<hbm>>
      %dma_wait3A_78 = tpu.memref_squeeze %dma_wait3A_77 : memref<1x1x1000xf32, #tpu.memory_space<hbm>> -> memref<1000xf32, #tpu.memory_space<hbm>>
      %dma_wait3A_79 = arith.constant 0 : i32
      %dma_wait3A_80 = tpu.memref_slice %arg3[%run_scoped3A_60, %add3A, %dma_wait3A_79] : memref<10x32x1000xf32, #tpu.memory_space<hbm>> -> memref<1x1x1000xf32, #tpu.memory_space<hbm>>
      %dma_wait3A_81 = tpu.memref_squeeze %dma_wait3A_80 : memref<1x1x1000xf32, #tpu.memory_space<hbm>> -> memref<1000xf32, #tpu.memory_space<hbm>>
      %dma_wait3A_82 = arith.constant 5000 : i32
      %dma_wait3A_83 = tpu.memref_slice %arg4[%dma_wait3A_82] : memref<10000xf32, #tpu.memory_space<vmem>> -> memref<1000xf32, #tpu.memory_space<vmem>>
      tpu.wait_dma2 semaphore(%run_scoped3A_65 : memref<!tpu.dma_semaphore, #tpu.memory_space<semaphore_mem>>) src(%dma_wait3A_83 : memref<1000xf32, #tpu.memory_space<vmem>>) dst(%dma_wait3A_81 : memref<1000xf32, #tpu.memory_space<hbm>>)
      tpu.yield
    }) : () -> ()
    %run_scoped3A_61 = arith.constant 6 : i32
    "tpu.region"() ({
      %run_scoped3A_65 = tpu.sem_alloc : memref<!tpu.dma_semaphore, #tpu.memory_space<semaphore_mem>>
      %dma_start3A = arith.constant 6000 : i32
      %dma_start3A_66 = tpu.memref_slice %arg4[%dma_start3A] : memref<10000xf32, #tpu.memory_space<vmem>> -> memref<1000xf32, #tpu.memory_space<vmem>>
      %dma_start3A_67 = arith.constant 0 : i32
      %dma_start3A_68 = tpu.memref_slice %arg3[%run_scoped3A_61, %add3A, %dma_start3A_67] : memref<10x32x1000xf32, #tpu.memory_space<hbm>> -> memref<1x1x1000xf32, #tpu.memory_space<hbm>>
      %dma_start3A_69 = tpu.memref_squeeze %dma_start3A_68 : memref<1x1x1000xf32, #tpu.memory_space<hbm>> -> memref<1000xf32, #tpu.memory_space<hbm>>
      %dma_start3A_70 = arith.constant 0 : i32
      %dma_start3A_71 = tpu.memref_slice %arg3[%run_scoped3A_61, %add3A, %dma_start3A_70] : memref<10x32x1000xf32, #tpu.memory_space<hbm>> -> memref<1x1x1000xf32, #tpu.memory_space<hbm>>
      %dma_start3A_72 = tpu.memref_squeeze %dma_start3A_71 : memref<1x1x1000xf32, #tpu.memory_space<hbm>> -> memref<1000xf32, #tpu.memory_space<hbm>>
      %dma_start3A_73 = arith.constant 6000 : i32
      %dma_start3A_74 = tpu.memref_slice %arg4[%dma_start3A_73] : memref<10000xf32, #tpu.memory_space<vmem>> -> memref<1000xf32, #tpu.memory_space<vmem>>
      tpu.enqueue_dma source(%dma_start3A_74 : memref<1000xf32, #tpu.memory_space<vmem>>) target(%dma_start3A_72 : memref<1000xf32, #tpu.memory_space<hbm>>) target_semaphore(%run_scoped3A_65 : memref<!tpu.dma_semaphore, #tpu.memory_space<semaphore_mem>>)
      %dma_wait3A = arith.constant 6000 : i32
      %dma_wait3A_75 = tpu.memref_slice %arg4[%dma_wait3A] : memref<10000xf32, #tpu.memory_space<vmem>> -> memref<1000xf32, #tpu.memory_space<vmem>>
      %dma_wait3A_76 = arith.constant 0 : i32
      %dma_wait3A_77 = tpu.memref_slice %arg3[%run_scoped3A_61, %add3A, %dma_wait3A_76] : memref<10x32x1000xf32, #tpu.memory_space<hbm>> -> memref<1x1x1000xf32, #tpu.memory_space<hbm>>
      %dma_wait3A_78 = tpu.memref_squeeze %dma_wait3A_77 : memref<1x1x1000xf32, #tpu.memory_space<hbm>> -> memref<1000xf32, #tpu.memory_space<hbm>>
      %dma_wait3A_79 = arith.constant 0 : i32
      %dma_wait3A_80 = tpu.memref_slice %arg3[%run_scoped3A_61, %add3A, %dma_wait3A_79] : memref<10x32x1000xf32, #tpu.memory_space<hbm>> -> memref<1x1x1000xf32, #tpu.memory_space<hbm>>
      %dma_wait3A_81 = tpu.memref_squeeze %dma_wait3A_80 : memref<1x1x1000xf32, #tpu.memory_space<hbm>> -> memref<1000xf32, #tpu.memory_space<hbm>>
      %dma_wait3A_82 = arith.constant 6000 : i32
      %dma_wait3A_83 = tpu.memref_slice %arg4[%dma_wait3A_82] : memref<10000xf32, #tpu.memory_space<vmem>> -> memref<1000xf32, #tpu.memory_space<vmem>>
      tpu.wait_dma2 semaphore(%run_scoped3A_65 : memref<!tpu.dma_semaphore, #tpu.memory_space<semaphore_mem>>) src(%dma_wait3A_83 : memref<1000xf32, #tpu.memory_space<vmem>>) dst(%dma_wait3A_81 : memref<1000xf32, #tpu.memory_space<hbm>>)
      tpu.yield
    }) : () -> ()
    %run_scoped3A_62 = arith.constant 7 : i32
    "tpu.region"() ({
      %run_scoped3A_65 = tpu.sem_alloc : memref<!tpu.dma_semaphore, #tpu.memory_space<semaphore_mem>>
      %dma_start3A = arith.constant 7000 : i32
      %dma_start3A_66 = tpu.memref_slice %arg4[%dma_start3A] : memref<10000xf32, #tpu.memory_space<vmem>> -> memref<1000xf32, #tpu.memory_space<vmem>>
      %dma_start3A_67 = arith.constant 0 : i32
      %dma_start3A_68 = tpu.memref_slice %arg3[%run_scoped3A_62, %add3A, %dma_start3A_67] : memref<10x32x1000xf32, #tpu.memory_space<hbm>> -> memref<1x1x1000xf32, #tpu.memory_space<hbm>>
      %dma_start3A_69 = tpu.memref_squeeze %dma_start3A_68 : memref<1x1x1000xf32, #tpu.memory_space<hbm>> -> memref<1000xf32, #tpu.memory_space<hbm>>
      %dma_start3A_70 = arith.constant 0 : i32
      %dma_start3A_71 = tpu.memref_slice %arg3[%run_scoped3A_62, %add3A, %dma_start3A_70] : memref<10x32x1000xf32, #tpu.memory_space<hbm>> -> memref<1x1x1000xf32, #tpu.memory_space<hbm>>
      %dma_start3A_72 = tpu.memref_squeeze %dma_start3A_71 : memref<1x1x1000xf32, #tpu.memory_space<hbm>> -> memref<1000xf32, #tpu.memory_space<hbm>>
      %dma_start3A_73 = arith.constant 7000 : i32
      %dma_start3A_74 = tpu.memref_slice %arg4[%dma_start3A_73] : memref<10000xf32, #tpu.memory_space<vmem>> -> memref<1000xf32, #tpu.memory_space<vmem>>
      tpu.enqueue_dma source(%dma_start3A_74 : memref<1000xf32, #tpu.memory_space<vmem>>) target(%dma_start3A_72 : memref<1000xf32, #tpu.memory_space<hbm>>) target_semaphore(%run_scoped3A_65 : memref<!tpu.dma_semaphore, #tpu.memory_space<semaphore_mem>>)
      %dma_wait3A = arith.constant 7000 : i32
      %dma_wait3A_75 = tpu.memref_slice %arg4[%dma_wait3A] : memref<10000xf32, #tpu.memory_space<vmem>> -> memref<1000xf32, #tpu.memory_space<vmem>>
      %dma_wait3A_76 = arith.constant 0 : i32
      %dma_wait3A_77 = tpu.memref_slice %arg3[%run_scoped3A_62, %add3A, %dma_wait3A_76] : memref<10x32x1000xf32, #tpu.memory_space<hbm>> -> memref<1x1x1000xf32, #tpu.memory_space<hbm>>
      %dma_wait3A_78 = tpu.memref_squeeze %dma_wait3A_77 : memref<1x1x1000xf32, #tpu.memory_space<hbm>> -> memref<1000xf32, #tpu.memory_space<hbm>>
      %dma_wait3A_79 = arith.constant 0 : i32
      %dma_wait3A_80 = tpu.memref_slice %arg3[%run_scoped3A_62, %add3A, %dma_wait3A_79] : memref<10x32x1000xf32, #tpu.memory_space<hbm>> -> memref<1x1x1000xf32, #tpu.memory_space<hbm>>
      %dma_wait3A_81 = tpu.memref_squeeze %dma_wait3A_80 : memref<1x1x1000xf32, #tpu.memory_space<hbm>> -> memref<1000xf32, #tpu.memory_space<hbm>>
      %dma_wait3A_82 = arith.constant 7000 : i32
      %dma_wait3A_83 = tpu.memref_slice %arg4[%dma_wait3A_82] : memref<10000xf32, #tpu.memory_space<vmem>> -> memref<1000xf32, #tpu.memory_space<vmem>>
      tpu.wait_dma2 semaphore(%run_scoped3A_65 : memref<!tpu.dma_semaphore, #tpu.memory_space<semaphore_mem>>) src(%dma_wait3A_83 : memref<1000xf32, #tpu.memory_space<vmem>>) dst(%dma_wait3A_81 : memref<1000xf32, #tpu.memory_space<hbm>>)
      tpu.yield
    }) : () -> ()
    %run_scoped3A_63 = arith.constant 8 : i32
    "tpu.region"() ({
      %run_scoped3A_65 = tpu.sem_alloc : memref<!tpu.dma_semaphore, #tpu.memory_space<semaphore_mem>>
      %dma_start3A = arith.constant 8000 : i32
      %dma_start3A_66 = tpu.memref_slice %arg4[%dma_start3A] : memref<10000xf32, #tpu.memory_space<vmem>> -> memref<1000xf32, #tpu.memory_space<vmem>>
      %dma_start3A_67 = arith.constant 0 : i32
      %dma_start3A_68 = tpu.memref_slice %arg3[%run_scoped3A_63, %add3A, %dma_start3A_67] : memref<10x32x1000xf32, #tpu.memory_space<hbm>> -> memref<1x1x1000xf32, #tpu.memory_space<hbm>>
      %dma_start3A_69 = tpu.memref_squeeze %dma_start3A_68 : memref<1x1x1000xf32, #tpu.memory_space<hbm>> -> memref<1000xf32, #tpu.memory_space<hbm>>
      %dma_start3A_70 = arith.constant 0 : i32
      %dma_start3A_71 = tpu.memref_slice %arg3[%run_scoped3A_63, %add3A, %dma_start3A_70] : memref<10x32x1000xf32, #tpu.memory_space<hbm>> -> memref<1x1x1000xf32, #tpu.memory_space<hbm>>
      %dma_start3A_72 = tpu.memref_squeeze %dma_start3A_71 : memref<1x1x1000xf32, #tpu.memory_space<hbm>> -> memref<1000xf32, #tpu.memory_space<hbm>>
      %dma_start3A_73 = arith.constant 8000 : i32
      %dma_start3A_74 = tpu.memref_slice %arg4[%dma_start3A_73] : memref<10000xf32, #tpu.memory_space<vmem>> -> memref<1000xf32, #tpu.memory_space<vmem>>
      tpu.enqueue_dma source(%dma_start3A_74 : memref<1000xf32, #tpu.memory_space<vmem>>) target(%dma_start3A_72 : memref<1000xf32, #tpu.memory_space<hbm>>) target_semaphore(%run_scoped3A_65 : memref<!tpu.dma_semaphore, #tpu.memory_space<semaphore_mem>>)
      %dma_wait3A = arith.constant 8000 : i32
      %dma_wait3A_75 = tpu.memref_slice %arg4[%dma_wait3A] : memref<10000xf32, #tpu.memory_space<vmem>> -> memref<1000xf32, #tpu.memory_space<vmem>>
      %dma_wait3A_76 = arith.constant 0 : i32
      %dma_wait3A_77 = tpu.memref_slice %arg3[%run_scoped3A_63, %add3A, %dma_wait3A_76] : memref<10x32x1000xf32, #tpu.memory_space<hbm>> -> memref<1x1x1000xf32, #tpu.memory_space<hbm>>
      %dma_wait3A_78 = tpu.memref_squeeze %dma_wait3A_77 : memref<1x1x1000xf32, #tpu.memory_space<hbm>> -> memref<1000xf32, #tpu.memory_space<hbm>>
      %dma_wait3A_79 = arith.constant 0 : i32
      %dma_wait3A_80 = tpu.memref_slice %arg3[%run_scoped3A_63, %add3A, %dma_wait3A_79] : memref<10x32x1000xf32, #tpu.memory_space<hbm>> -> memref<1x1x1000xf32, #tpu.memory_space<hbm>>
      %dma_wait3A_81 = tpu.memref_squeeze %dma_wait3A_80 : memref<1x1x1000xf32, #tpu.memory_space<hbm>> -> memref<1000xf32, #tpu.memory_space<hbm>>
      %dma_wait3A_82 = arith.constant 8000 : i32
      %dma_wait3A_83 = tpu.memref_slice %arg4[%dma_wait3A_82] : memref<10000xf32, #tpu.memory_space<vmem>> -> memref<1000xf32, #tpu.memory_space<vmem>>
      tpu.wait_dma2 semaphore(%run_scoped3A_65 : memref<!tpu.dma_semaphore, #tpu.memory_space<semaphore_mem>>) src(%dma_wait3A_83 : memref<1000xf32, #tpu.memory_space<vmem>>) dst(%dma_wait3A_81 : memref<1000xf32, #tpu.memory_space<hbm>>)
      tpu.yield
    }) : () -> ()
    %run_scoped3A_64 = arith.constant 9 : i32
    "tpu.region"() ({
      %run_scoped3A_65 = tpu.sem_alloc : memref<!tpu.dma_semaphore, #tpu.memory_space<semaphore_mem>>
      %dma_start3A = arith.constant 9000 : i32
      %dma_start3A_66 = tpu.memref_slice %arg4[%dma_start3A] : memref<10000xf32, #tpu.memory_space<vmem>> -> memref<1000xf32, #tpu.memory_space<vmem>>
      %dma_start3A_67 = arith.constant 0 : i32
      %dma_start3A_68 = tpu.memref_slice %arg3[%run_scoped3A_64, %add3A, %dma_start3A_67] : memref<10x32x1000xf32, #tpu.memory_space<hbm>> -> memref<1x1x1000xf32, #tpu.memory_space<hbm>>
      %dma_start3A_69 = tpu.memref_squeeze %dma_start3A_68 : memref<1x1x1000xf32, #tpu.memory_space<hbm>> -> memref<1000xf32, #tpu.memory_space<hbm>>
      %dma_start3A_70 = arith.constant 0 : i32
      %dma_start3A_71 = tpu.memref_slice %arg3[%run_scoped3A_64, %add3A, %dma_start3A_70] : memref<10x32x1000xf32, #tpu.memory_space<hbm>> -> memref<1x1x1000xf32, #tpu.memory_space<hbm>>
      %dma_start3A_72 = tpu.memref_squeeze %dma_start3A_71 : memref<1x1x1000xf32, #tpu.memory_space<hbm>> -> memref<1000xf32, #tpu.memory_space<hbm>>
      %dma_start3A_73 = arith.constant 9000 : i32
      %dma_start3A_74 = tpu.memref_slice %arg4[%dma_start3A_73] : memref<10000xf32, #tpu.memory_space<vmem>> -> memref<1000xf32, #tpu.memory_space<vmem>>
      tpu.enqueue_dma source(%dma_start3A_74 : memref<1000xf32, #tpu.memory_space<vmem>>) target(%dma_start3A_72 : memref<1000xf32, #tpu.memory_space<hbm>>) target_semaphore(%run_scoped3A_65 : memref<!tpu.dma_semaphore, #tpu.memory_space<semaphore_mem>>)
      %dma_wait3A = arith.constant 9000 : i32
      %dma_wait3A_75 = tpu.memref_slice %arg4[%dma_wait3A] : memref<10000xf32, #tpu.memory_space<vmem>> -> memref<1000xf32, #tpu.memory_space<vmem>>
      %dma_wait3A_76 = arith.constant 0 : i32
      %dma_wait3A_77 = tpu.memref_slice %arg3[%run_scoped3A_64, %add3A, %dma_wait3A_76] : memref<10x32x1000xf32, #tpu.memory_space<hbm>> -> memref<1x1x1000xf32, #tpu.memory_space<hbm>>
      %dma_wait3A_78 = tpu.memref_squeeze %dma_wait3A_77 : memref<1x1x1000xf32, #tpu.memory_space<hbm>> -> memref<1000xf32, #tpu.memory_space<hbm>>
      %dma_wait3A_79 = arith.constant 0 : i32
      %dma_wait3A_80 = tpu.memref_slice %arg3[%run_scoped3A_64, %add3A, %dma_wait3A_79] : memref<10x32x1000xf32, #tpu.memory_space<hbm>> -> memref<1x1x1000xf32, #tpu.memory_space<hbm>>
      %dma_wait3A_81 = tpu.memref_squeeze %dma_wait3A_80 : memref<1x1x1000xf32, #tpu.memory_space<hbm>> -> memref<1000xf32, #tpu.memory_space<hbm>>
      %dma_wait3A_82 = arith.constant 9000 : i32
      %dma_wait3A_83 = tpu.memref_slice %arg4[%dma_wait3A_82] : memref<10000xf32, #tpu.memory_space<vmem>> -> memref<1000xf32, #tpu.memory_space<vmem>>
      tpu.wait_dma2 semaphore(%run_scoped3A_65 : memref<!tpu.dma_semaphore, #tpu.memory_space<semaphore_mem>>) src(%dma_wait3A_83 : memref<1000xf32, #tpu.memory_space<vmem>>) dst(%dma_wait3A_81 : memref<1000xf32, #tpu.memory_space<hbm>>)
      tpu.yield
    }) : () -> ()
    return
  }
}

#map = affine_map<(d0, d1) -> (0)>
#map1 = affine_map<(d0, d1) -> (0, 0, 0)>
#map2 = affine_map<(d0, d1) -> (0, 0)>
module attributes {stable_mosaic.version = 14 : i64} {
  func.func @_agg(%arg0: i32, %arg1: i32, %arg2: memref<320000xi32, #tpu.memory_space<hbm>>, %arg3: memref<16x125x80xi32, #tpu.memory_space<hbm>>, %arg4: memref<20000x80xbf16, #tpu.memory_space<hbm>>, %arg5: memref<20000x80xbf16, #tpu.memory_space<hbm>>, %arg6: memref<10000xi32, #tpu.memory_space<vmem>>, %arg7: memref<125x80xi32, #tpu.memory_space<vmem>>, %arg8: memref<5x80x80xbf16, #tpu.memory_space<vmem>>, %arg9: memref<10000x80xbf16, #tpu.memory_space<vmem_shared>>, %arg10: memref<5x!tpu.dma_semaphore, #tpu.memory_space<semaphore_mem>>, %arg11: memref<5x!tpu.dma_semaphore, #tpu.memory_space<semaphore_mem>>) attributes {dimension_semantics = [#tpu.dimension_semantics<core_parallel>, #tpu.dimension_semantics<subcore_parallel>], iteration_bounds = array<i64: 2, 16>, scalar_prefetch = 0 : i64, scratch_operands = 6 : i64, tpu.core_type = #tpu.core_type<sc_vector_subcore>, window_params = [{transform_indices = #map}, {transform_indices = #map1}, {transform_indices = #map2}, {transform_indices = #map2}]} {
    %mul3A = arith.constant 1 : i32
    %mul3A_0 = arith.muli %arg0, %mul3A : i32
    %add3A = arith.constant 0 : i32
    %add3A_1 = arith.addi %mul3A_0, %add3A : i32
    %mul3A_2 = arith.constant 160000 : i32
    %mul3A_3 = arith.muli %add3A_1, %mul3A_2 : i32
    %mul3A_4 = arith.constant 10000 : i32
    %mul3A_5 = arith.muli %arg1, %mul3A_4 : i32
    %add3A_6 = arith.addi %mul3A_3, %mul3A_5 : i32
    "tpu.region"() ({
      %run_scoped3A = tpu.sem_alloc : memref<!tpu.dma_semaphore, #tpu.memory_space<semaphore_mem>>
      %dma_start3A_96 = tpu.memref_slice %arg2[%add3A_6] : memref<320000xi32, #tpu.memory_space<hbm>> -> memref<10000xi32, #tpu.memory_space<hbm>>
      %dma_start3A_97 = tpu.memref_slice %arg2[%add3A_6] : memref<320000xi32, #tpu.memory_space<hbm>> -> memref<10000xi32, #tpu.memory_space<hbm>>
      tpu.enqueue_dma source(%dma_start3A_97 : memref<10000xi32, #tpu.memory_space<hbm>>) target(%arg6 : memref<10000xi32, #tpu.memory_space<vmem>>) target_semaphore(%run_scoped3A : memref<!tpu.dma_semaphore, #tpu.memory_space<semaphore_mem>>)
      %dma_wait3A_98 = tpu.memref_slice %arg2[%add3A_6] : memref<320000xi32, #tpu.memory_space<hbm>> -> memref<10000xi32, #tpu.memory_space<hbm>>
      %dma_wait3A_99 = tpu.memref_slice %arg2[%add3A_6] : memref<320000xi32, #tpu.memory_space<hbm>> -> memref<10000xi32, #tpu.memory_space<hbm>>
      tpu.wait_dma2 semaphore(%run_scoped3A : memref<!tpu.dma_semaphore, #tpu.memory_space<semaphore_mem>>) src(%dma_wait3A_99 : memref<10000xi32, #tpu.memory_space<hbm>>) dst(%arg6 : memref<10000xi32, #tpu.memory_space<vmem>>)
      tpu.yield
    }) : () -> ()
    "tpu.region"() ({
      %run_scoped3A = tpu.sem_alloc : memref<!tpu.dma_semaphore, #tpu.memory_space<semaphore_mem>>
      %dma_start3A_96 = arith.constant 0 : i32
      %dma_start3A_97 = arith.constant 0 : i32
      %dma_start3A_98 = tpu.memref_slice %arg3[%arg1, %dma_start3A_96, %dma_start3A_97] : memref<16x125x80xi32, #tpu.memory_space<hbm>> -> memref<1x125x80xi32, #tpu.memory_space<hbm>>
      %dma_start3A_99 = tpu.memref_squeeze %dma_start3A_98 : memref<1x125x80xi32, #tpu.memory_space<hbm>> -> memref<125x80xi32, #tpu.memory_space<hbm>>
      %dma_start3A_100 = arith.constant 0 : i32
      %dma_start3A_101 = arith.constant 0 : i32
      %dma_start3A_102 = tpu.memref_slice %arg3[%arg1, %dma_start3A_100, %dma_start3A_101] : memref<16x125x80xi32, #tpu.memory_space<hbm>> -> memref<1x125x80xi32, #tpu.memory_space<hbm>>
      %dma_start3A_103 = tpu.memref_squeeze %dma_start3A_102 : memref<1x125x80xi32, #tpu.memory_space<hbm>> -> memref<125x80xi32, #tpu.memory_space<hbm>>
      tpu.enqueue_dma source(%dma_start3A_103 : memref<125x80xi32, #tpu.memory_space<hbm>>) target(%arg7 : memref<125x80xi32, #tpu.memory_space<vmem>>) target_semaphore(%run_scoped3A : memref<!tpu.dma_semaphore, #tpu.memory_space<semaphore_mem>>)
      %dma_wait3A_104 = arith.constant 0 : i32
      %dma_wait3A_105 = arith.constant 0 : i32
      %dma_wait3A_106 = tpu.memref_slice %arg3[%arg1, %dma_wait3A_104, %dma_wait3A_105] : memref<16x125x80xi32, #tpu.memory_space<hbm>> -> memref<1x125x80xi32, #tpu.memory_space<hbm>>
      %dma_wait3A_107 = tpu.memref_squeeze %dma_wait3A_106 : memref<1x125x80xi32, #tpu.memory_space<hbm>> -> memref<125x80xi32, #tpu.memory_space<hbm>>
      %dma_wait3A_108 = arith.constant 0 : i32
      %dma_wait3A_109 = arith.constant 0 : i32
      %dma_wait3A_110 = tpu.memref_slice %arg3[%arg1, %dma_wait3A_108, %dma_wait3A_109] : memref<16x125x80xi32, #tpu.memory_space<hbm>> -> memref<1x125x80xi32, #tpu.memory_space<hbm>>
      %dma_wait3A_111 = tpu.memref_squeeze %dma_wait3A_110 : memref<1x125x80xi32, #tpu.memory_space<hbm>> -> memref<125x80xi32, #tpu.memory_space<hbm>>
      tpu.wait_dma2 semaphore(%run_scoped3A : memref<!tpu.dma_semaphore, #tpu.memory_space<semaphore_mem>>) src(%dma_wait3A_111 : memref<125x80xi32, #tpu.memory_space<hbm>>) dst(%arg7 : memref<125x80xi32, #tpu.memory_space<vmem>>)
      tpu.yield
    }) : () -> ()
    %dma_start3A = arith.constant 0 : i32
    %dma_start3A_7 = arith.constant 0 : i32
    %dma_start3A_8 = arith.constant 0 : i32
    %dma_start3A_9 = arith.constant 0 : i32
    %dma_start3A_10 = tpu.memref_slice %arg8[%dma_start3A, %dma_start3A_8, %dma_start3A_9] : memref<5x80x80xbf16, #tpu.memory_space<vmem>> -> memref<1x80x80xbf16, #tpu.memory_space<vmem>>
    %dma_start3A_11 = tpu.memref_squeeze %dma_start3A_10 : memref<1x80x80xbf16, #tpu.memory_space<vmem>> -> memref<80x80xbf16, #tpu.memory_space<vmem>>
    %dma_start3A_12 = arith.constant 0 : i32
    %dma_start3A_13 = tpu.memref_slice %arg6[%dma_start3A_12] : memref<10000xi32, #tpu.memory_space<vmem>> -> memref<80xi32, #tpu.memory_space<vmem>>
    %dma_start3A_14 = arith.constant 0 : i32
    %dma_start3A_15 = arith.constant 0 : i32
    %dma_start3A_16 = tpu.memref_slice %arg4[%dma_start3A_14, %dma_start3A_15] : memref<20000x80xbf16, #tpu.memory_space<hbm>> -> memref<20000x80xbf16, #tpu.memory_space<hbm>>
    %dma_start3A_17 = tpu.memref_slice %arg10[%dma_start3A_7] : memref<5x!tpu.dma_semaphore, #tpu.memory_space<semaphore_mem>> -> memref<1x!tpu.dma_semaphore, #tpu.memory_space<semaphore_mem>>
    %dma_start3A_18 = tpu.memref_squeeze %dma_start3A_17 : memref<1x!tpu.dma_semaphore, #tpu.memory_space<semaphore_mem>> -> memref<!tpu.dma_semaphore, #tpu.memory_space<semaphore_mem>>
    tpu.enqueue_indirect_dma source(%dma_start3A_16 : memref<20000x80xbf16, #tpu.memory_space<hbm>>) target(%dma_start3A_11 : memref<80x80xbf16, #tpu.memory_space<vmem>>) offsets(%dma_start3A_13 : memref<80xi32, #tpu.memory_space<vmem>>) semaphore(%dma_start3A_18 : memref<!tpu.dma_semaphore, #tpu.memory_space<semaphore_mem>>)
    %dma_start3A_19 = arith.constant 1 : i32
    %dma_start3A_20 = arith.constant 1 : i32
    %dma_start3A_21 = arith.constant 0 : i32
    %dma_start3A_22 = arith.constant 0 : i32
    %dma_start3A_23 = tpu.memref_slice %arg8[%dma_start3A_19, %dma_start3A_21, %dma_start3A_22] : memref<5x80x80xbf16, #tpu.memory_space<vmem>> -> memref<1x80x80xbf16, #tpu.memory_space<vmem>>
    %dma_start3A_24 = tpu.memref_squeeze %dma_start3A_23 : memref<1x80x80xbf16, #tpu.memory_space<vmem>> -> memref<80x80xbf16, #tpu.memory_space<vmem>>
    %dma_start3A_25 = arith.constant 80 : i32
    %dma_start3A_26 = tpu.memref_slice %arg6[%dma_start3A_25] : memref<10000xi32, #tpu.memory_space<vmem>> -> memref<80xi32, #tpu.memory_space<vmem>>
    %dma_start3A_27 = arith.constant 0 : i32
    %dma_start3A_28 = arith.constant 0 : i32
    %dma_start3A_29 = tpu.memref_slice %arg4[%dma_start3A_27, %dma_start3A_28] : memref<20000x80xbf16, #tpu.memory_space<hbm>> -> memref<20000x80xbf16, #tpu.memory_space<hbm>>
    %dma_start3A_30 = tpu.memref_slice %arg10[%dma_start3A_20] : memref<5x!tpu.dma_semaphore, #tpu.memory_space<semaphore_mem>> -> memref<1x!tpu.dma_semaphore, #tpu.memory_space<semaphore_mem>>
    %dma_start3A_31 = tpu.memref_squeeze %dma_start3A_30 : memref<1x!tpu.dma_semaphore, #tpu.memory_space<semaphore_mem>> -> memref<!tpu.dma_semaphore, #tpu.memory_space<semaphore_mem>>
    tpu.enqueue_indirect_dma source(%dma_start3A_29 : memref<20000x80xbf16, #tpu.memory_space<hbm>>) target(%dma_start3A_24 : memref<80x80xbf16, #tpu.memory_space<vmem>>) offsets(%dma_start3A_26 : memref<80xi32, #tpu.memory_space<vmem>>) semaphore(%dma_start3A_31 : memref<!tpu.dma_semaphore, #tpu.memory_space<semaphore_mem>>)
    %dma_start3A_32 = arith.constant 2 : i32
    %dma_start3A_33 = arith.constant 2 : i32
    %dma_start3A_34 = arith.constant 0 : i32
    %dma_start3A_35 = arith.constant 0 : i32
    %dma_start3A_36 = tpu.memref_slice %arg8[%dma_start3A_32, %dma_start3A_34, %dma_start3A_35] : memref<5x80x80xbf16, #tpu.memory_space<vmem>> -> memref<1x80x80xbf16, #tpu.memory_space<vmem>>
    %dma_start3A_37 = tpu.memref_squeeze %dma_start3A_36 : memref<1x80x80xbf16, #tpu.memory_space<vmem>> -> memref<80x80xbf16, #tpu.memory_space<vmem>>
    %dma_start3A_38 = arith.constant 160 : i32
    %dma_start3A_39 = tpu.memref_slice %arg6[%dma_start3A_38] : memref<10000xi32, #tpu.memory_space<vmem>> -> memref<80xi32, #tpu.memory_space<vmem>>
    %dma_start3A_40 = arith.constant 0 : i32
    %dma_start3A_41 = arith.constant 0 : i32
    %dma_start3A_42 = tpu.memref_slice %arg4[%dma_start3A_40, %dma_start3A_41] : memref<20000x80xbf16, #tpu.memory_space<hbm>> -> memref<20000x80xbf16, #tpu.memory_space<hbm>>
    %dma_start3A_43 = tpu.memref_slice %arg10[%dma_start3A_33] : memref<5x!tpu.dma_semaphore, #tpu.memory_space<semaphore_mem>> -> memref<1x!tpu.dma_semaphore, #tpu.memory_space<semaphore_mem>>
    %dma_start3A_44 = tpu.memref_squeeze %dma_start3A_43 : memref<1x!tpu.dma_semaphore, #tpu.memory_space<semaphore_mem>> -> memref<!tpu.dma_semaphore, #tpu.memory_space<semaphore_mem>>
    tpu.enqueue_indirect_dma source(%dma_start3A_42 : memref<20000x80xbf16, #tpu.memory_space<hbm>>) target(%dma_start3A_37 : memref<80x80xbf16, #tpu.memory_space<vmem>>) offsets(%dma_start3A_39 : memref<80xi32, #tpu.memory_space<vmem>>) semaphore(%dma_start3A_44 : memref<!tpu.dma_semaphore, #tpu.memory_space<semaphore_mem>>)
    %dma_start3A_45 = arith.constant 3 : i32
    %dma_start3A_46 = arith.constant 3 : i32
    %dma_start3A_47 = arith.constant 0 : i32
    %dma_start3A_48 = arith.constant 0 : i32
    %dma_start3A_49 = tpu.memref_slice %arg8[%dma_start3A_45, %dma_start3A_47, %dma_start3A_48] : memref<5x80x80xbf16, #tpu.memory_space<vmem>> -> memref<1x80x80xbf16, #tpu.memory_space<vmem>>
    %dma_start3A_50 = tpu.memref_squeeze %dma_start3A_49 : memref<1x80x80xbf16, #tpu.memory_space<vmem>> -> memref<80x80xbf16, #tpu.memory_space<vmem>>
    %dma_start3A_51 = arith.constant 240 : i32
    %dma_start3A_52 = tpu.memref_slice %arg6[%dma_start3A_51] : memref<10000xi32, #tpu.memory_space<vmem>> -> memref<80xi32, #tpu.memory_space<vmem>>
    %dma_start3A_53 = arith.constant 0 : i32
    %dma_start3A_54 = arith.constant 0 : i32
    %dma_start3A_55 = tpu.memref_slice %arg4[%dma_start3A_53, %dma_start3A_54] : memref<20000x80xbf16, #tpu.memory_space<hbm>> -> memref<20000x80xbf16, #tpu.memory_space<hbm>>
    %dma_start3A_56 = tpu.memref_slice %arg10[%dma_start3A_46] : memref<5x!tpu.dma_semaphore, #tpu.memory_space<semaphore_mem>> -> memref<1x!tpu.dma_semaphore, #tpu.memory_space<semaphore_mem>>
    %dma_start3A_57 = tpu.memref_squeeze %dma_start3A_56 : memref<1x!tpu.dma_semaphore, #tpu.memory_space<semaphore_mem>> -> memref<!tpu.dma_semaphore, #tpu.memory_space<semaphore_mem>>
    tpu.enqueue_indirect_dma source(%dma_start3A_55 : memref<20000x80xbf16, #tpu.memory_space<hbm>>) target(%dma_start3A_50 : memref<80x80xbf16, #tpu.memory_space<vmem>>) offsets(%dma_start3A_52 : memref<80xi32, #tpu.memory_space<vmem>>) semaphore(%dma_start3A_57 : memref<!tpu.dma_semaphore, #tpu.memory_space<semaphore_mem>>)
    %mul3A_58 = arith.constant 10000 : i32
    %mul3A_59 = arith.muli %add3A_1, %mul3A_58 : i32
    %mul3A_60 = arith.constant 625 : i32
    %mul3A_61 = arith.muli %arg1, %mul3A_60 : i32
    %add3A_62 = arith.addi %mul3A_59, %mul3A_61 : i32
    %mul3A_63 = arith.constant 625 : i32
    %mul3A_64 = arith.muli %arg1, %mul3A_63 : i32
    "tpu.region"() ({
      %run_scoped3A = tpu.sem_alloc : memref<!tpu.dma_semaphore, #tpu.memory_space<semaphore_mem>>
      %dma_start3A_96 = arith.constant 0 : i32
      %dma_start3A_97 = tpu.memref_slice %arg9[%mul3A_64, %dma_start3A_96] : memref<10000x80xbf16, #tpu.memory_space<vmem_shared>> -> memref<625x80xbf16, #tpu.memory_space<vmem_shared>>
      %dma_start3A_98 = arith.constant 0 : i32
      %dma_start3A_99 = tpu.memref_slice %arg4[%add3A_62, %dma_start3A_98] : memref<20000x80xbf16, #tpu.memory_space<hbm>> -> memref<625x80xbf16, #tpu.memory_space<hbm>>
      tpu.enqueue_dma source(%dma_start3A_99 : memref<625x80xbf16, #tpu.memory_space<hbm>>) target(%dma_start3A_97 : memref<625x80xbf16, #tpu.memory_space<vmem_shared>>) target_semaphore(%run_scoped3A : memref<!tpu.dma_semaphore, #tpu.memory_space<semaphore_mem>>)
      %dma_wait3A_100 = arith.constant 0 : i32
      %dma_wait3A_101 = tpu.memref_slice %arg9[%mul3A_64, %dma_wait3A_100] : memref<10000x80xbf16, #tpu.memory_space<vmem_shared>> -> memref<625x80xbf16, #tpu.memory_space<vmem_shared>>
      %dma_wait3A_102 = arith.constant 0 : i32
      %dma_wait3A_103 = tpu.memref_slice %arg4[%add3A_62, %dma_wait3A_102] : memref<20000x80xbf16, #tpu.memory_space<hbm>> -> memref<625x80xbf16, #tpu.memory_space<hbm>>
      tpu.wait_dma2 semaphore(%run_scoped3A : memref<!tpu.dma_semaphore, #tpu.memory_space<semaphore_mem>>) src(%dma_wait3A_103 : memref<625x80xbf16, #tpu.memory_space<hbm>>) dst(%dma_wait3A_101 : memref<625x80xbf16, #tpu.memory_space<vmem_shared>>)
      tpu.yield
    }) : () -> ()
    %barrier3A = arith.constant 0 : index
    tpu.barrier barrier_id(%barrier3A)
    %scan3A = arith.constant 0 : i32
    %scan3A_65 = arith.constant 0 : i32
    %scan3A_66 = arith.constant 25 : i32
    %scan3A_67 = arith.addi %scan3A_65, %scan3A_66 : i32
    %scan3A_68 = arith.constant 1 : i32
    %scan3A_69 = scf.for %scan3A_96 = %scan3A_65 to %scan3A_67 step %scan3A_68 iter_args(%scan3A_97 = %scan3A) -> (i32)  : i32 {
      %mul3A_98 = arith.constant 5 : i32
      %mul3A_99 = arith.muli %scan3A_96, %mul3A_98 : i32
      %add3A_100 = arith.constant 0 : i32
      %add3A_101 = arith.addi %mul3A_99, %add3A_100 : i32
      %dma_wait3A_102 = arith.constant 0 : i32
      %dma_wait3A_103 = arith.constant 0 : i32
      %dma_wait3A_104 = arith.constant 0 : i32
      %dma_wait3A_105 = arith.constant 0 : i32
      %dma_wait3A_106 = tpu.memref_slice %arg8[%dma_wait3A_102, %dma_wait3A_104, %dma_wait3A_105] : memref<5x80x80xbf16, #tpu.memory_space<vmem>> -> memref<1x80x80xbf16, #tpu.memory_space<vmem>>
      %dma_wait3A_107 = tpu.memref_squeeze %dma_wait3A_106 : memref<1x80x80xbf16, #tpu.memory_space<vmem>> -> memref<80x80xbf16, #tpu.memory_space<vmem>>
      %dma_wait3A_108 = arith.constant 0 : i32
      %dma_wait3A_109 = arith.constant 0 : i32
      %dma_wait3A_110 = tpu.memref_slice %arg4[%dma_wait3A_108, %dma_wait3A_109] : memref<20000x80xbf16, #tpu.memory_space<hbm>> -> memref<80x80xbf16, #tpu.memory_space<hbm>>
      %dma_wait3A_111 = tpu.memref_slice %arg10[%dma_wait3A_103] : memref<5x!tpu.dma_semaphore, #tpu.memory_space<semaphore_mem>> -> memref<1x!tpu.dma_semaphore, #tpu.memory_space<semaphore_mem>>
      %dma_wait3A_112 = tpu.memref_squeeze %dma_wait3A_111 : memref<1x!tpu.dma_semaphore, #tpu.memory_space<semaphore_mem>> -> memref<!tpu.dma_semaphore, #tpu.memory_space<semaphore_mem>>
      %dma_wait3A_113 = arith.constant 0 : i32
      %dma_wait3A_114 = arith.constant 0 : i32
      %dma_wait3A_115 = tpu.memref_slice %arg8[%dma_wait3A_102, %dma_wait3A_113, %dma_wait3A_114] : memref<5x80x80xbf16, #tpu.memory_space<vmem>> -> memref<1x80x80xbf16, #tpu.memory_space<vmem>>
      %dma_wait3A_116 = tpu.memref_squeeze %dma_wait3A_115 : memref<1x80x80xbf16, #tpu.memory_space<vmem>> -> memref<80x80xbf16, #tpu.memory_space<vmem>>
      %dma_wait3A_117 = arith.constant 0 : i32
      %dma_wait3A_118 = arith.constant 0 : i32
      %dma_wait3A_119 = tpu.memref_slice %arg4[%dma_wait3A_117, %dma_wait3A_118] : memref<20000x80xbf16, #tpu.memory_space<hbm>> -> memref<80x80xbf16, #tpu.memory_space<hbm>>
      tpu.wait_dma2 semaphore(%dma_wait3A_112 : memref<!tpu.dma_semaphore, #tpu.memory_space<semaphore_mem>>) src(%dma_wait3A_119 : memref<80x80xbf16, #tpu.memory_space<hbm>>) dst(%dma_wait3A_116 : memref<80x80xbf16, #tpu.memory_space<vmem>>)
      %dma_start3A_120 = arith.constant 0 : i32
      %dma_start3A_121 = arith.constant 0 : i32
      %dma_start3A_122 = arith.constant 0 : i32
      %dma_start3A_123 = arith.constant 0 : i32
      %dma_start3A_124 = tpu.memref_slice %arg8[%dma_start3A_120, %dma_start3A_122, %dma_start3A_123] : memref<5x80x80xbf16, #tpu.memory_space<vmem>> -> memref<1x80x80xbf16, #tpu.memory_space<vmem>>
      %dma_start3A_125 = tpu.memref_squeeze %dma_start3A_124 : memref<1x80x80xbf16, #tpu.memory_space<vmem>> -> memref<80x80xbf16, #tpu.memory_space<vmem>>
      %dma_start3A_126 = arith.constant 0 : i32
      %dma_start3A_127 = tpu.memref_slice %arg7[%add3A_101, %dma_start3A_126] : memref<125x80xi32, #tpu.memory_space<vmem>> -> memref<1x80xi32, #tpu.memory_space<vmem>>
      %dma_start3A_128 = tpu.memref_squeeze %dma_start3A_127 : memref<1x80xi32, #tpu.memory_space<vmem>> -> memref<80xi32, #tpu.memory_space<vmem>>
      %dma_start3A_129 = arith.constant 0 : i32
      %dma_start3A_130 = arith.constant 0 : i32
      %dma_start3A_131 = tpu.memref_slice %arg9[%dma_start3A_129, %dma_start3A_130] : memref<10000x80xbf16, #tpu.memory_space<vmem_shared>> -> memref<10000x80xbf16, #tpu.memory_space<vmem_shared>>
      %dma_start3A_132 = tpu.memref_slice %arg11[%dma_start3A_121] : memref<5x!tpu.dma_semaphore, #tpu.memory_space<semaphore_mem>> -> memref<1x!tpu.dma_semaphore, #tpu.memory_space<semaphore_mem>>
      %dma_start3A_133 = tpu.memref_squeeze %dma_start3A_132 : memref<1x!tpu.dma_semaphore, #tpu.memory_space<semaphore_mem>> -> memref<!tpu.dma_semaphore, #tpu.memory_space<semaphore_mem>>
      tpu.enqueue_indirect_dma source(%dma_start3A_125 : memref<80x80xbf16, #tpu.memory_space<vmem>>) target(%dma_start3A_131 : memref<10000x80xbf16, #tpu.memory_space<vmem_shared>>) offsets(%dma_start3A_128 : memref<80xi32, #tpu.memory_space<vmem>>) semaphore(%dma_start3A_133 : memref<!tpu.dma_semaphore, #tpu.memory_space<semaphore_mem>>) {add = true}
      %ge3A = arith.constant 1 : i32
      %ge3A_134 = arith.cmpi sge, %add3A_101, %ge3A : i32
      %convert_element_type3A = arith.extui %ge3A_134 : i1 to i32
      %cond3A = arith.constant 0 : i32
      %cond3A_135 = arith.cmpi ne, %convert_element_type3A, %cond3A : i32
      scf.if %cond3A_135 {
        %dma_wait3A_335 = arith.constant 4 : i32
        %dma_wait3A_336 = arith.constant 4 : i32
        %dma_wait3A_337 = arith.constant 0 : i32
        %dma_wait3A_338 = arith.constant 0 : i32
        %dma_wait3A_339 = tpu.memref_slice %arg8[%dma_wait3A_335, %dma_wait3A_337, %dma_wait3A_338] : memref<5x80x80xbf16, #tpu.memory_space<vmem>> -> memref<1x80x80xbf16, #tpu.memory_space<vmem>>
        %dma_wait3A_340 = tpu.memref_squeeze %dma_wait3A_339 : memref<1x80x80xbf16, #tpu.memory_space<vmem>> -> memref<80x80xbf16, #tpu.memory_space<vmem>>
        %dma_wait3A_341 = arith.constant 0 : i32
        %dma_wait3A_342 = arith.constant 0 : i32
        %dma_wait3A_343 = tpu.memref_slice %arg9[%dma_wait3A_341, %dma_wait3A_342] : memref<10000x80xbf16, #tpu.memory_space<vmem_shared>> -> memref<80x80xbf16, #tpu.memory_space<vmem_shared>>
        %dma_wait3A_344 = tpu.memref_slice %arg11[%dma_wait3A_336] : memref<5x!tpu.dma_semaphore, #tpu.memory_space<semaphore_mem>> -> memref<1x!tpu.dma_semaphore, #tpu.memory_space<semaphore_mem>>
        %dma_wait3A_345 = tpu.memref_squeeze %dma_wait3A_344 : memref<1x!tpu.dma_semaphore, #tpu.memory_space<semaphore_mem>> -> memref<!tpu.dma_semaphore, #tpu.memory_space<semaphore_mem>>
        %dma_wait3A_346 = arith.constant 0 : i32
        %dma_wait3A_347 = arith.constant 0 : i32
        %dma_wait3A_348 = tpu.memref_slice %arg9[%dma_wait3A_346, %dma_wait3A_347] : memref<10000x80xbf16, #tpu.memory_space<vmem_shared>> -> memref<80x80xbf16, #tpu.memory_space<vmem_shared>>
        %dma_wait3A_349 = arith.constant 0 : i32
        %dma_wait3A_350 = arith.constant 0 : i32
        %dma_wait3A_351 = tpu.memref_slice %arg8[%dma_wait3A_335, %dma_wait3A_349, %dma_wait3A_350] : memref<5x80x80xbf16, #tpu.memory_space<vmem>> -> memref<1x80x80xbf16, #tpu.memory_space<vmem>>
        %dma_wait3A_352 = tpu.memref_squeeze %dma_wait3A_351 : memref<1x80x80xbf16, #tpu.memory_space<vmem>> -> memref<80x80xbf16, #tpu.memory_space<vmem>>
        tpu.wait_dma2 semaphore(%dma_wait3A_345 : memref<!tpu.dma_semaphore, #tpu.memory_space<semaphore_mem>>) src(%dma_wait3A_352 : memref<80x80xbf16, #tpu.memory_space<vmem>>) dst(%dma_wait3A_348 : memref<80x80xbf16, #tpu.memory_space<vmem_shared>>)
      } else {
      }
      %add3A_136 = arith.constant 4 : i32
      %add3A_137 = arith.addi %add3A_101, %add3A_136 : i32
      %lt3A = arith.constant 125 : i32
      %lt3A_138 = arith.cmpi slt, %add3A_137, %lt3A : i32
      %convert_element_type3A_139 = arith.extui %lt3A_138 : i1 to i32
      %cond3A_140 = arith.constant 0 : i32
      %cond3A_141 = arith.cmpi ne, %convert_element_type3A_139, %cond3A_140 : i32
      scf.if %cond3A_141 {
        %add3A_335 = arith.constant 4 : i32
        %add3A_336 = arith.addi %add3A_101, %add3A_335 : i32
        %mul3A_337 = arith.constant 80 : i32
        %mul3A_338 = arith.muli %add3A_336, %mul3A_337 : i32
        %dma_start3A_339 = arith.constant 4 : i32
        %dma_start3A_340 = arith.constant 4 : i32
        %dma_start3A_341 = arith.constant 0 : i32
        %dma_start3A_342 = arith.constant 0 : i32
        %dma_start3A_343 = tpu.memref_slice %arg8[%dma_start3A_339, %dma_start3A_341, %dma_start3A_342] : memref<5x80x80xbf16, #tpu.memory_space<vmem>> -> memref<1x80x80xbf16, #tpu.memory_space<vmem>>
        %dma_start3A_344 = tpu.memref_squeeze %dma_start3A_343 : memref<1x80x80xbf16, #tpu.memory_space<vmem>> -> memref<80x80xbf16, #tpu.memory_space<vmem>>
        %dma_start3A_345 = tpu.memref_slice %arg6[%mul3A_338] : memref<10000xi32, #tpu.memory_space<vmem>> -> memref<80xi32, #tpu.memory_space<vmem>>
        %dma_start3A_346 = arith.constant 0 : i32
        %dma_start3A_347 = arith.constant 0 : i32
        %dma_start3A_348 = tpu.memref_slice %arg4[%dma_start3A_346, %dma_start3A_347] : memref<20000x80xbf16, #tpu.memory_space<hbm>> -> memref<20000x80xbf16, #tpu.memory_space<hbm>>
        %dma_start3A_349 = tpu.memref_slice %arg10[%dma_start3A_340] : memref<5x!tpu.dma_semaphore, #tpu.memory_space<semaphore_mem>> -> memref<1x!tpu.dma_semaphore, #tpu.memory_space<semaphore_mem>>
        %dma_start3A_350 = tpu.memref_squeeze %dma_start3A_349 : memref<1x!tpu.dma_semaphore, #tpu.memory_space<semaphore_mem>> -> memref<!tpu.dma_semaphore, #tpu.memory_space<semaphore_mem>>
        tpu.enqueue_indirect_dma source(%dma_start3A_348 : memref<20000x80xbf16, #tpu.memory_space<hbm>>) target(%dma_start3A_344 : memref<80x80xbf16, #tpu.memory_space<vmem>>) offsets(%dma_start3A_345 : memref<80xi32, #tpu.memory_space<vmem>>) semaphore(%dma_start3A_350 : memref<!tpu.dma_semaphore, #tpu.memory_space<semaphore_mem>>)
      } else {
      }
      %mul3A_142 = arith.constant 5 : i32
      %mul3A_143 = arith.muli %scan3A_96, %mul3A_142 : i32
      %add3A_144 = arith.constant 1 : i32
      %add3A_145 = arith.addi %mul3A_143, %add3A_144 : i32
      %dma_wait3A_146 = arith.constant 1 : i32
      %dma_wait3A_147 = arith.constant 1 : i32
      %dma_wait3A_148 = arith.constant 0 : i32
      %dma_wait3A_149 = arith.constant 0 : i32
      %dma_wait3A_150 = tpu.memref_slice %arg8[%dma_wait3A_146, %dma_wait3A_148, %dma_wait3A_149] : memref<5x80x80xbf16, #tpu.memory_space<vmem>> -> memref<1x80x80xbf16, #tpu.memory_space<vmem>>
      %dma_wait3A_151 = tpu.memref_squeeze %dma_wait3A_150 : memref<1x80x80xbf16, #tpu.memory_space<vmem>> -> memref<80x80xbf16, #tpu.memory_space<vmem>>
      %dma_wait3A_152 = arith.constant 0 : i32
      %dma_wait3A_153 = arith.constant 0 : i32
      %dma_wait3A_154 = tpu.memref_slice %arg4[%dma_wait3A_152, %dma_wait3A_153] : memref<20000x80xbf16, #tpu.memory_space<hbm>> -> memref<80x80xbf16, #tpu.memory_space<hbm>>
      %dma_wait3A_155 = tpu.memref_slice %arg10[%dma_wait3A_147] : memref<5x!tpu.dma_semaphore, #tpu.memory_space<semaphore_mem>> -> memref<1x!tpu.dma_semaphore, #tpu.memory_space<semaphore_mem>>
      %dma_wait3A_156 = tpu.memref_squeeze %dma_wait3A_155 : memref<1x!tpu.dma_semaphore, #tpu.memory_space<semaphore_mem>> -> memref<!tpu.dma_semaphore, #tpu.memory_space<semaphore_mem>>
      %dma_wait3A_157 = arith.constant 0 : i32
      %dma_wait3A_158 = arith.constant 0 : i32
      %dma_wait3A_159 = tpu.memref_slice %arg8[%dma_wait3A_146, %dma_wait3A_157, %dma_wait3A_158] : memref<5x80x80xbf16, #tpu.memory_space<vmem>> -> memref<1x80x80xbf16, #tpu.memory_space<vmem>>
      %dma_wait3A_160 = tpu.memref_squeeze %dma_wait3A_159 : memref<1x80x80xbf16, #tpu.memory_space<vmem>> -> memref<80x80xbf16, #tpu.memory_space<vmem>>
      %dma_wait3A_161 = arith.constant 0 : i32
      %dma_wait3A_162 = arith.constant 0 : i32
      %dma_wait3A_163 = tpu.memref_slice %arg4[%dma_wait3A_161, %dma_wait3A_162] : memref<20000x80xbf16, #tpu.memory_space<hbm>> -> memref<80x80xbf16, #tpu.memory_space<hbm>>
      tpu.wait_dma2 semaphore(%dma_wait3A_156 : memref<!tpu.dma_semaphore, #tpu.memory_space<semaphore_mem>>) src(%dma_wait3A_163 : memref<80x80xbf16, #tpu.memory_space<hbm>>) dst(%dma_wait3A_160 : memref<80x80xbf16, #tpu.memory_space<vmem>>)
      %dma_start3A_164 = arith.constant 1 : i32
      %dma_start3A_165 = arith.constant 1 : i32
      %dma_start3A_166 = arith.constant 0 : i32
      %dma_start3A_167 = arith.constant 0 : i32
      %dma_start3A_168 = tpu.memref_slice %arg8[%dma_start3A_164, %dma_start3A_166, %dma_start3A_167] : memref<5x80x80xbf16, #tpu.memory_space<vmem>> -> memref<1x80x80xbf16, #tpu.memory_space<vmem>>
      %dma_start3A_169 = tpu.memref_squeeze %dma_start3A_168 : memref<1x80x80xbf16, #tpu.memory_space<vmem>> -> memref<80x80xbf16, #tpu.memory_space<vmem>>
      %dma_start3A_170 = arith.constant 0 : i32
      %dma_start3A_171 = tpu.memref_slice %arg7[%add3A_145, %dma_start3A_170] : memref<125x80xi32, #tpu.memory_space<vmem>> -> memref<1x80xi32, #tpu.memory_space<vmem>>
      %dma_start3A_172 = tpu.memref_squeeze %dma_start3A_171 : memref<1x80xi32, #tpu.memory_space<vmem>> -> memref<80xi32, #tpu.memory_space<vmem>>
      %dma_start3A_173 = arith.constant 0 : i32
      %dma_start3A_174 = arith.constant 0 : i32
      %dma_start3A_175 = tpu.memref_slice %arg9[%dma_start3A_173, %dma_start3A_174] : memref<10000x80xbf16, #tpu.memory_space<vmem_shared>> -> memref<10000x80xbf16, #tpu.memory_space<vmem_shared>>
      %dma_start3A_176 = tpu.memref_slice %arg11[%dma_start3A_165] : memref<5x!tpu.dma_semaphore, #tpu.memory_space<semaphore_mem>> -> memref<1x!tpu.dma_semaphore, #tpu.memory_space<semaphore_mem>>
      %dma_start3A_177 = tpu.memref_squeeze %dma_start3A_176 : memref<1x!tpu.dma_semaphore, #tpu.memory_space<semaphore_mem>> -> memref<!tpu.dma_semaphore, #tpu.memory_space<semaphore_mem>>
      tpu.enqueue_indirect_dma source(%dma_start3A_169 : memref<80x80xbf16, #tpu.memory_space<vmem>>) target(%dma_start3A_175 : memref<10000x80xbf16, #tpu.memory_space<vmem_shared>>) offsets(%dma_start3A_172 : memref<80xi32, #tpu.memory_space<vmem>>) semaphore(%dma_start3A_177 : memref<!tpu.dma_semaphore, #tpu.memory_space<semaphore_mem>>) {add = true}
      %ge3A_178 = arith.constant 1 : i32
      %ge3A_179 = arith.cmpi sge, %add3A_145, %ge3A_178 : i32
      %convert_element_type3A_180 = arith.extui %ge3A_179 : i1 to i32
      %cond3A_181 = arith.constant 0 : i32
      %cond3A_182 = arith.cmpi ne, %convert_element_type3A_180, %cond3A_181 : i32
      scf.if %cond3A_182 {
        %dma_wait3A_335 = arith.constant 0 : i32
        %dma_wait3A_336 = arith.constant 0 : i32
        %dma_wait3A_337 = arith.constant 0 : i32
        %dma_wait3A_338 = arith.constant 0 : i32
        %dma_wait3A_339 = tpu.memref_slice %arg8[%dma_wait3A_335, %dma_wait3A_337, %dma_wait3A_338] : memref<5x80x80xbf16, #tpu.memory_space<vmem>> -> memref<1x80x80xbf16, #tpu.memory_space<vmem>>
        %dma_wait3A_340 = tpu.memref_squeeze %dma_wait3A_339 : memref<1x80x80xbf16, #tpu.memory_space<vmem>> -> memref<80x80xbf16, #tpu.memory_space<vmem>>
        %dma_wait3A_341 = arith.constant 0 : i32
        %dma_wait3A_342 = arith.constant 0 : i32
        %dma_wait3A_343 = tpu.memref_slice %arg9[%dma_wait3A_341, %dma_wait3A_342] : memref<10000x80xbf16, #tpu.memory_space<vmem_shared>> -> memref<80x80xbf16, #tpu.memory_space<vmem_shared>>
        %dma_wait3A_344 = tpu.memref_slice %arg11[%dma_wait3A_336] : memref<5x!tpu.dma_semaphore, #tpu.memory_space<semaphore_mem>> -> memref<1x!tpu.dma_semaphore, #tpu.memory_space<semaphore_mem>>
        %dma_wait3A_345 = tpu.memref_squeeze %dma_wait3A_344 : memref<1x!tpu.dma_semaphore, #tpu.memory_space<semaphore_mem>> -> memref<!tpu.dma_semaphore, #tpu.memory_space<semaphore_mem>>
        %dma_wait3A_346 = arith.constant 0 : i32
        %dma_wait3A_347 = arith.constant 0 : i32
        %dma_wait3A_348 = tpu.memref_slice %arg9[%dma_wait3A_346, %dma_wait3A_347] : memref<10000x80xbf16, #tpu.memory_space<vmem_shared>> -> memref<80x80xbf16, #tpu.memory_space<vmem_shared>>
        %dma_wait3A_349 = arith.constant 0 : i32
        %dma_wait3A_350 = arith.constant 0 : i32
        %dma_wait3A_351 = tpu.memref_slice %arg8[%dma_wait3A_335, %dma_wait3A_349, %dma_wait3A_350] : memref<5x80x80xbf16, #tpu.memory_space<vmem>> -> memref<1x80x80xbf16, #tpu.memory_space<vmem>>
        %dma_wait3A_352 = tpu.memref_squeeze %dma_wait3A_351 : memref<1x80x80xbf16, #tpu.memory_space<vmem>> -> memref<80x80xbf16, #tpu.memory_space<vmem>>
        tpu.wait_dma2 semaphore(%dma_wait3A_345 : memref<!tpu.dma_semaphore, #tpu.memory_space<semaphore_mem>>) src(%dma_wait3A_352 : memref<80x80xbf16, #tpu.memory_space<vmem>>) dst(%dma_wait3A_348 : memref<80x80xbf16, #tpu.memory_space<vmem_shared>>)
      } else {
      }
      %add3A_183 = arith.constant 4 : i32
      %add3A_184 = arith.addi %add3A_145, %add3A_183 : i32
      %lt3A_185 = arith.constant 125 : i32
      %lt3A_186 = arith.cmpi slt, %add3A_184, %lt3A_185 : i32
      %convert_element_type3A_187 = arith.extui %lt3A_186 : i1 to i32
      %cond3A_188 = arith.constant 0 : i32
      %cond3A_189 = arith.cmpi ne, %convert_element_type3A_187, %cond3A_188 : i32
      scf.if %cond3A_189 {
        %add3A_335 = arith.constant 4 : i32
        %add3A_336 = arith.addi %add3A_145, %add3A_335 : i32
        %mul3A_337 = arith.constant 80 : i32
        %mul3A_338 = arith.muli %add3A_336, %mul3A_337 : i32
        %dma_start3A_339 = arith.constant 0 : i32
        %dma_start3A_340 = arith.constant 0 : i32
        %dma_start3A_341 = arith.constant 0 : i32
        %dma_start3A_342 = arith.constant 0 : i32
        %dma_start3A_343 = tpu.memref_slice %arg8[%dma_start3A_339, %dma_start3A_341, %dma_start3A_342] : memref<5x80x80xbf16, #tpu.memory_space<vmem>> -> memref<1x80x80xbf16, #tpu.memory_space<vmem>>
        %dma_start3A_344 = tpu.memref_squeeze %dma_start3A_343 : memref<1x80x80xbf16, #tpu.memory_space<vmem>> -> memref<80x80xbf16, #tpu.memory_space<vmem>>
        %dma_start3A_345 = tpu.memref_slice %arg6[%mul3A_338] : memref<10000xi32, #tpu.memory_space<vmem>> -> memref<80xi32, #tpu.memory_space<vmem>>
        %dma_start3A_346 = arith.constant 0 : i32
        %dma_start3A_347 = arith.constant 0 : i32
        %dma_start3A_348 = tpu.memref_slice %arg4[%dma_start3A_346, %dma_start3A_347] : memref<20000x80xbf16, #tpu.memory_space<hbm>> -> memref<20000x80xbf16, #tpu.memory_space<hbm>>
        %dma_start3A_349 = tpu.memref_slice %arg10[%dma_start3A_340] : memref<5x!tpu.dma_semaphore, #tpu.memory_space<semaphore_mem>> -> memref<1x!tpu.dma_semaphore, #tpu.memory_space<semaphore_mem>>
        %dma_start3A_350 = tpu.memref_squeeze %dma_start3A_349 : memref<1x!tpu.dma_semaphore, #tpu.memory_space<semaphore_mem>> -> memref<!tpu.dma_semaphore, #tpu.memory_space<semaphore_mem>>
        tpu.enqueue_indirect_dma source(%dma_start3A_348 : memref<20000x80xbf16, #tpu.memory_space<hbm>>) target(%dma_start3A_344 : memref<80x80xbf16, #tpu.memory_space<vmem>>) offsets(%dma_start3A_345 : memref<80xi32, #tpu.memory_space<vmem>>) semaphore(%dma_start3A_350 : memref<!tpu.dma_semaphore, #tpu.memory_space<semaphore_mem>>)
      } else {
      }
      %mul3A_190 = arith.constant 5 : i32
      %mul3A_191 = arith.muli %scan3A_96, %mul3A_190 : i32
      %add3A_192 = arith.constant 2 : i32
      %add3A_193 = arith.addi %mul3A_191, %add3A_192 : i32
      %dma_wait3A_194 = arith.constant 2 : i32
      %dma_wait3A_195 = arith.constant 2 : i32
      %dma_wait3A_196 = arith.constant 0 : i32
      %dma_wait3A_197 = arith.constant 0 : i32
      %dma_wait3A_198 = tpu.memref_slice %arg8[%dma_wait3A_194, %dma_wait3A_196, %dma_wait3A_197] : memref<5x80x80xbf16, #tpu.memory_space<vmem>> -> memref<1x80x80xbf16, #tpu.memory_space<vmem>>
      %dma_wait3A_199 = tpu.memref_squeeze %dma_wait3A_198 : memref<1x80x80xbf16, #tpu.memory_space<vmem>> -> memref<80x80xbf16, #tpu.memory_space<vmem>>
      %dma_wait3A_200 = arith.constant 0 : i32
      %dma_wait3A_201 = arith.constant 0 : i32
      %dma_wait3A_202 = tpu.memref_slice %arg4[%dma_wait3A_200, %dma_wait3A_201] : memref<20000x80xbf16, #tpu.memory_space<hbm>> -> memref<80x80xbf16, #tpu.memory_space<hbm>>
      %dma_wait3A_203 = tpu.memref_slice %arg10[%dma_wait3A_195] : memref<5x!tpu.dma_semaphore, #tpu.memory_space<semaphore_mem>> -> memref<1x!tpu.dma_semaphore, #tpu.memory_space<semaphore_mem>>
      %dma_wait3A_204 = tpu.memref_squeeze %dma_wait3A_203 : memref<1x!tpu.dma_semaphore, #tpu.memory_space<semaphore_mem>> -> memref<!tpu.dma_semaphore, #tpu.memory_space<semaphore_mem>>
      %dma_wait3A_205 = arith.constant 0 : i32
      %dma_wait3A_206 = arith.constant 0 : i32
      %dma_wait3A_207 = tpu.memref_slice %arg8[%dma_wait3A_194, %dma_wait3A_205, %dma_wait3A_206] : memref<5x80x80xbf16, #tpu.memory_space<vmem>> -> memref<1x80x80xbf16, #tpu.memory_space<vmem>>
      %dma_wait3A_208 = tpu.memref_squeeze %dma_wait3A_207 : memref<1x80x80xbf16, #tpu.memory_space<vmem>> -> memref<80x80xbf16, #tpu.memory_space<vmem>>
      %dma_wait3A_209 = arith.constant 0 : i32
      %dma_wait3A_210 = arith.constant 0 : i32
      %dma_wait3A_211 = tpu.memref_slice %arg4[%dma_wait3A_209, %dma_wait3A_210] : memref<20000x80xbf16, #tpu.memory_space<hbm>> -> memref<80x80xbf16, #tpu.memory_space<hbm>>
      tpu.wait_dma2 semaphore(%dma_wait3A_204 : memref<!tpu.dma_semaphore, #tpu.memory_space<semaphore_mem>>) src(%dma_wait3A_211 : memref<80x80xbf16, #tpu.memory_space<hbm>>) dst(%dma_wait3A_208 : memref<80x80xbf16, #tpu.memory_space<vmem>>)
      %dma_start3A_212 = arith.constant 2 : i32
      %dma_start3A_213 = arith.constant 2 : i32
      %dma_start3A_214 = arith.constant 0 : i32
      %dma_start3A_215 = arith.constant 0 : i32
      %dma_start3A_216 = tpu.memref_slice %arg8[%dma_start3A_212, %dma_start3A_214, %dma_start3A_215] : memref<5x80x80xbf16, #tpu.memory_space<vmem>> -> memref<1x80x80xbf16, #tpu.memory_space<vmem>>
      %dma_start3A_217 = tpu.memref_squeeze %dma_start3A_216 : memref<1x80x80xbf16, #tpu.memory_space<vmem>> -> memref<80x80xbf16, #tpu.memory_space<vmem>>
      %dma_start3A_218 = arith.constant 0 : i32
      %dma_start3A_219 = tpu.memref_slice %arg7[%add3A_193, %dma_start3A_218] : memref<125x80xi32, #tpu.memory_space<vmem>> -> memref<1x80xi32, #tpu.memory_space<vmem>>
      %dma_start3A_220 = tpu.memref_squeeze %dma_start3A_219 : memref<1x80xi32, #tpu.memory_space<vmem>> -> memref<80xi32, #tpu.memory_space<vmem>>
      %dma_start3A_221 = arith.constant 0 : i32
      %dma_start3A_222 = arith.constant 0 : i32
      %dma_start3A_223 = tpu.memref_slice %arg9[%dma_start3A_221, %dma_start3A_222] : memref<10000x80xbf16, #tpu.memory_space<vmem_shared>> -> memref<10000x80xbf16, #tpu.memory_space<vmem_shared>>
      %dma_start3A_224 = tpu.memref_slice %arg11[%dma_start3A_213] : memref<5x!tpu.dma_semaphore, #tpu.memory_space<semaphore_mem>> -> memref<1x!tpu.dma_semaphore, #tpu.memory_space<semaphore_mem>>
      %dma_start3A_225 = tpu.memref_squeeze %dma_start3A_224 : memref<1x!tpu.dma_semaphore, #tpu.memory_space<semaphore_mem>> -> memref<!tpu.dma_semaphore, #tpu.memory_space<semaphore_mem>>
      tpu.enqueue_indirect_dma source(%dma_start3A_217 : memref<80x80xbf16, #tpu.memory_space<vmem>>) target(%dma_start3A_223 : memref<10000x80xbf16, #tpu.memory_space<vmem_shared>>) offsets(%dma_start3A_220 : memref<80xi32, #tpu.memory_space<vmem>>) semaphore(%dma_start3A_225 : memref<!tpu.dma_semaphore, #tpu.memory_space<semaphore_mem>>) {add = true}
      %ge3A_226 = arith.constant 1 : i32
      %ge3A_227 = arith.cmpi sge, %add3A_193, %ge3A_226 : i32
      %convert_element_type3A_228 = arith.extui %ge3A_227 : i1 to i32
      %cond3A_229 = arith.constant 0 : i32
      %cond3A_230 = arith.cmpi ne, %convert_element_type3A_228, %cond3A_229 : i32
      scf.if %cond3A_230 {
        %dma_wait3A_335 = arith.constant 1 : i32
        %dma_wait3A_336 = arith.constant 1 : i32
        %dma_wait3A_337 = arith.constant 0 : i32
        %dma_wait3A_338 = arith.constant 0 : i32
        %dma_wait3A_339 = tpu.memref_slice %arg8[%dma_wait3A_335, %dma_wait3A_337, %dma_wait3A_338] : memref<5x80x80xbf16, #tpu.memory_space<vmem>> -> memref<1x80x80xbf16, #tpu.memory_space<vmem>>
        %dma_wait3A_340 = tpu.memref_squeeze %dma_wait3A_339 : memref<1x80x80xbf16, #tpu.memory_space<vmem>> -> memref<80x80xbf16, #tpu.memory_space<vmem>>
        %dma_wait3A_341 = arith.constant 0 : i32
        %dma_wait3A_342 = arith.constant 0 : i32
        %dma_wait3A_343 = tpu.memref_slice %arg9[%dma_wait3A_341, %dma_wait3A_342] : memref<10000x80xbf16, #tpu.memory_space<vmem_shared>> -> memref<80x80xbf16, #tpu.memory_space<vmem_shared>>
        %dma_wait3A_344 = tpu.memref_slice %arg11[%dma_wait3A_336] : memref<5x!tpu.dma_semaphore, #tpu.memory_space<semaphore_mem>> -> memref<1x!tpu.dma_semaphore, #tpu.memory_space<semaphore_mem>>
        %dma_wait3A_345 = tpu.memref_squeeze %dma_wait3A_344 : memref<1x!tpu.dma_semaphore, #tpu.memory_space<semaphore_mem>> -> memref<!tpu.dma_semaphore, #tpu.memory_space<semaphore_mem>>
        %dma_wait3A_346 = arith.constant 0 : i32
        %dma_wait3A_347 = arith.constant 0 : i32
        %dma_wait3A_348 = tpu.memref_slice %arg9[%dma_wait3A_346, %dma_wait3A_347] : memref<10000x80xbf16, #tpu.memory_space<vmem_shared>> -> memref<80x80xbf16, #tpu.memory_space<vmem_shared>>
        %dma_wait3A_349 = arith.constant 0 : i32
        %dma_wait3A_350 = arith.constant 0 : i32
        %dma_wait3A_351 = tpu.memref_slice %arg8[%dma_wait3A_335, %dma_wait3A_349, %dma_wait3A_350] : memref<5x80x80xbf16, #tpu.memory_space<vmem>> -> memref<1x80x80xbf16, #tpu.memory_space<vmem>>
        %dma_wait3A_352 = tpu.memref_squeeze %dma_wait3A_351 : memref<1x80x80xbf16, #tpu.memory_space<vmem>> -> memref<80x80xbf16, #tpu.memory_space<vmem>>
        tpu.wait_dma2 semaphore(%dma_wait3A_345 : memref<!tpu.dma_semaphore, #tpu.memory_space<semaphore_mem>>) src(%dma_wait3A_352 : memref<80x80xbf16, #tpu.memory_space<vmem>>) dst(%dma_wait3A_348 : memref<80x80xbf16, #tpu.memory_space<vmem_shared>>)
      } else {
      }
      %add3A_231 = arith.constant 4 : i32
      %add3A_232 = arith.addi %add3A_193, %add3A_231 : i32
      %lt3A_233 = arith.constant 125 : i32
      %lt3A_234 = arith.cmpi slt, %add3A_232, %lt3A_233 : i32
      %convert_element_type3A_235 = arith.extui %lt3A_234 : i1 to i32
      %cond3A_236 = arith.constant 0 : i32
      %cond3A_237 = arith.cmpi ne, %convert_element_type3A_235, %cond3A_236 : i32
      scf.if %cond3A_237 {
        %add3A_335 = arith.constant 4 : i32
        %add3A_336 = arith.addi %add3A_193, %add3A_335 : i32
        %mul3A_337 = arith.constant 80 : i32
        %mul3A_338 = arith.muli %add3A_336, %mul3A_337 : i32
        %dma_start3A_339 = arith.constant 1 : i32
        %dma_start3A_340 = arith.constant 1 : i32
        %dma_start3A_341 = arith.constant 0 : i32
        %dma_start3A_342 = arith.constant 0 : i32
        %dma_start3A_343 = tpu.memref_slice %arg8[%dma_start3A_339, %dma_start3A_341, %dma_start3A_342] : memref<5x80x80xbf16, #tpu.memory_space<vmem>> -> memref<1x80x80xbf16, #tpu.memory_space<vmem>>
        %dma_start3A_344 = tpu.memref_squeeze %dma_start3A_343 : memref<1x80x80xbf16, #tpu.memory_space<vmem>> -> memref<80x80xbf16, #tpu.memory_space<vmem>>
        %dma_start3A_345 = tpu.memref_slice %arg6[%mul3A_338] : memref<10000xi32, #tpu.memory_space<vmem>> -> memref<80xi32, #tpu.memory_space<vmem>>
        %dma_start3A_346 = arith.constant 0 : i32
        %dma_start3A_347 = arith.constant 0 : i32
        %dma_start3A_348 = tpu.memref_slice %arg4[%dma_start3A_346, %dma_start3A_347] : memref<20000x80xbf16, #tpu.memory_space<hbm>> -> memref<20000x80xbf16, #tpu.memory_space<hbm>>
        %dma_start3A_349 = tpu.memref_slice %arg10[%dma_start3A_340] : memref<5x!tpu.dma_semaphore, #tpu.memory_space<semaphore_mem>> -> memref<1x!tpu.dma_semaphore, #tpu.memory_space<semaphore_mem>>
        %dma_start3A_350 = tpu.memref_squeeze %dma_start3A_349 : memref<1x!tpu.dma_semaphore, #tpu.memory_space<semaphore_mem>> -> memref<!tpu.dma_semaphore, #tpu.memory_space<semaphore_mem>>
        tpu.enqueue_indirect_dma source(%dma_start3A_348 : memref<20000x80xbf16, #tpu.memory_space<hbm>>) target(%dma_start3A_344 : memref<80x80xbf16, #tpu.memory_space<vmem>>) offsets(%dma_start3A_345 : memref<80xi32, #tpu.memory_space<vmem>>) semaphore(%dma_start3A_350 : memref<!tpu.dma_semaphore, #tpu.memory_space<semaphore_mem>>)
      } else {
      }
      %mul3A_238 = arith.constant 5 : i32
      %mul3A_239 = arith.muli %scan3A_96, %mul3A_238 : i32
      %add3A_240 = arith.constant 3 : i32
      %add3A_241 = arith.addi %mul3A_239, %add3A_240 : i32
      %dma_wait3A_242 = arith.constant 3 : i32
      %dma_wait3A_243 = arith.constant 3 : i32
      %dma_wait3A_244 = arith.constant 0 : i32
      %dma_wait3A_245 = arith.constant 0 : i32
      %dma_wait3A_246 = tpu.memref_slice %arg8[%dma_wait3A_242, %dma_wait3A_244, %dma_wait3A_245] : memref<5x80x80xbf16, #tpu.memory_space<vmem>> -> memref<1x80x80xbf16, #tpu.memory_space<vmem>>
      %dma_wait3A_247 = tpu.memref_squeeze %dma_wait3A_246 : memref<1x80x80xbf16, #tpu.memory_space<vmem>> -> memref<80x80xbf16, #tpu.memory_space<vmem>>
      %dma_wait3A_248 = arith.constant 0 : i32
      %dma_wait3A_249 = arith.constant 0 : i32
      %dma_wait3A_250 = tpu.memref_slice %arg4[%dma_wait3A_248, %dma_wait3A_249] : memref<20000x80xbf16, #tpu.memory_space<hbm>> -> memref<80x80xbf16, #tpu.memory_space<hbm>>
      %dma_wait3A_251 = tpu.memref_slice %arg10[%dma_wait3A_243] : memref<5x!tpu.dma_semaphore, #tpu.memory_space<semaphore_mem>> -> memref<1x!tpu.dma_semaphore, #tpu.memory_space<semaphore_mem>>
      %dma_wait3A_252 = tpu.memref_squeeze %dma_wait3A_251 : memref<1x!tpu.dma_semaphore, #tpu.memory_space<semaphore_mem>> -> memref<!tpu.dma_semaphore, #tpu.memory_space<semaphore_mem>>
      %dma_wait3A_253 = arith.constant 0 : i32
      %dma_wait3A_254 = arith.constant 0 : i32
      %dma_wait3A_255 = tpu.memref_slice %arg8[%dma_wait3A_242, %dma_wait3A_253, %dma_wait3A_254] : memref<5x80x80xbf16, #tpu.memory_space<vmem>> -> memref<1x80x80xbf16, #tpu.memory_space<vmem>>
      %dma_wait3A_256 = tpu.memref_squeeze %dma_wait3A_255 : memref<1x80x80xbf16, #tpu.memory_space<vmem>> -> memref<80x80xbf16, #tpu.memory_space<vmem>>
      %dma_wait3A_257 = arith.constant 0 : i32
      %dma_wait3A_258 = arith.constant 0 : i32
      %dma_wait3A_259 = tpu.memref_slice %arg4[%dma_wait3A_257, %dma_wait3A_258] : memref<20000x80xbf16, #tpu.memory_space<hbm>> -> memref<80x80xbf16, #tpu.memory_space<hbm>>
      tpu.wait_dma2 semaphore(%dma_wait3A_252 : memref<!tpu.dma_semaphore, #tpu.memory_space<semaphore_mem>>) src(%dma_wait3A_259 : memref<80x80xbf16, #tpu.memory_space<hbm>>) dst(%dma_wait3A_256 : memref<80x80xbf16, #tpu.memory_space<vmem>>)
      %dma_start3A_260 = arith.constant 3 : i32
      %dma_start3A_261 = arith.constant 3 : i32
      %dma_start3A_262 = arith.constant 0 : i32
      %dma_start3A_263 = arith.constant 0 : i32
      %dma_start3A_264 = tpu.memref_slice %arg8[%dma_start3A_260, %dma_start3A_262, %dma_start3A_263] : memref<5x80x80xbf16, #tpu.memory_space<vmem>> -> memref<1x80x80xbf16, #tpu.memory_space<vmem>>
      %dma_start3A_265 = tpu.memref_squeeze %dma_start3A_264 : memref<1x80x80xbf16, #tpu.memory_space<vmem>> -> memref<80x80xbf16, #tpu.memory_space<vmem>>
      %dma_start3A_266 = arith.constant 0 : i32
      %dma_start3A_267 = tpu.memref_slice %arg7[%add3A_241, %dma_start3A_266] : memref<125x80xi32, #tpu.memory_space<vmem>> -> memref<1x80xi32, #tpu.memory_space<vmem>>
      %dma_start3A_268 = tpu.memref_squeeze %dma_start3A_267 : memref<1x80xi32, #tpu.memory_space<vmem>> -> memref<80xi32, #tpu.memory_space<vmem>>
      %dma_start3A_269 = arith.constant 0 : i32
      %dma_start3A_270 = arith.constant 0 : i32
      %dma_start3A_271 = tpu.memref_slice %arg9[%dma_start3A_269, %dma_start3A_270] : memref<10000x80xbf16, #tpu.memory_space<vmem_shared>> -> memref<10000x80xbf16, #tpu.memory_space<vmem_shared>>
      %dma_start3A_272 = tpu.memref_slice %arg11[%dma_start3A_261] : memref<5x!tpu.dma_semaphore, #tpu.memory_space<semaphore_mem>> -> memref<1x!tpu.dma_semaphore, #tpu.memory_space<semaphore_mem>>
      %dma_start3A_273 = tpu.memref_squeeze %dma_start3A_272 : memref<1x!tpu.dma_semaphore, #tpu.memory_space<semaphore_mem>> -> memref<!tpu.dma_semaphore, #tpu.memory_space<semaphore_mem>>
      tpu.enqueue_indirect_dma source(%dma_start3A_265 : memref<80x80xbf16, #tpu.memory_space<vmem>>) target(%dma_start3A_271 : memref<10000x80xbf16, #tpu.memory_space<vmem_shared>>) offsets(%dma_start3A_268 : memref<80xi32, #tpu.memory_space<vmem>>) semaphore(%dma_start3A_273 : memref<!tpu.dma_semaphore, #tpu.memory_space<semaphore_mem>>) {add = true}
      %ge3A_274 = arith.constant 1 : i32
      %ge3A_275 = arith.cmpi sge, %add3A_241, %ge3A_274 : i32
      %convert_element_type3A_276 = arith.extui %ge3A_275 : i1 to i32
      %cond3A_277 = arith.constant 0 : i32
      %cond3A_278 = arith.cmpi ne, %convert_element_type3A_276, %cond3A_277 : i32
      scf.if %cond3A_278 {
        %dma_wait3A_335 = arith.constant 2 : i32
        %dma_wait3A_336 = arith.constant 2 : i32
        %dma_wait3A_337 = arith.constant 0 : i32
        %dma_wait3A_338 = arith.constant 0 : i32
        %dma_wait3A_339 = tpu.memref_slice %arg8[%dma_wait3A_335, %dma_wait3A_337, %dma_wait3A_338] : memref<5x80x80xbf16, #tpu.memory_space<vmem>> -> memref<1x80x80xbf16, #tpu.memory_space<vmem>>
        %dma_wait3A_340 = tpu.memref_squeeze %dma_wait3A_339 : memref<1x80x80xbf16, #tpu.memory_space<vmem>> -> memref<80x80xbf16, #tpu.memory_space<vmem>>
        %dma_wait3A_341 = arith.constant 0 : i32
        %dma_wait3A_342 = arith.constant 0 : i32
        %dma_wait3A_343 = tpu.memref_slice %arg9[%dma_wait3A_341, %dma_wait3A_342] : memref<10000x80xbf16, #tpu.memory_space<vmem_shared>> -> memref<80x80xbf16, #tpu.memory_space<vmem_shared>>
        %dma_wait3A_344 = tpu.memref_slice %arg11[%dma_wait3A_336] : memref<5x!tpu.dma_semaphore, #tpu.memory_space<semaphore_mem>> -> memref<1x!tpu.dma_semaphore, #tpu.memory_space<semaphore_mem>>
        %dma_wait3A_345 = tpu.memref_squeeze %dma_wait3A_344 : memref<1x!tpu.dma_semaphore, #tpu.memory_space<semaphore_mem>> -> memref<!tpu.dma_semaphore, #tpu.memory_space<semaphore_mem>>
        %dma_wait3A_346 = arith.constant 0 : i32
        %dma_wait3A_347 = arith.constant 0 : i32
        %dma_wait3A_348 = tpu.memref_slice %arg9[%dma_wait3A_346, %dma_wait3A_347] : memref<10000x80xbf16, #tpu.memory_space<vmem_shared>> -> memref<80x80xbf16, #tpu.memory_space<vmem_shared>>
        %dma_wait3A_349 = arith.constant 0 : i32
        %dma_wait3A_350 = arith.constant 0 : i32
        %dma_wait3A_351 = tpu.memref_slice %arg8[%dma_wait3A_335, %dma_wait3A_349, %dma_wait3A_350] : memref<5x80x80xbf16, #tpu.memory_space<vmem>> -> memref<1x80x80xbf16, #tpu.memory_space<vmem>>
        %dma_wait3A_352 = tpu.memref_squeeze %dma_wait3A_351 : memref<1x80x80xbf16, #tpu.memory_space<vmem>> -> memref<80x80xbf16, #tpu.memory_space<vmem>>
        tpu.wait_dma2 semaphore(%dma_wait3A_345 : memref<!tpu.dma_semaphore, #tpu.memory_space<semaphore_mem>>) src(%dma_wait3A_352 : memref<80x80xbf16, #tpu.memory_space<vmem>>) dst(%dma_wait3A_348 : memref<80x80xbf16, #tpu.memory_space<vmem_shared>>)
      } else {
      }
      %add3A_279 = arith.constant 4 : i32
      %add3A_280 = arith.addi %add3A_241, %add3A_279 : i32
      %lt3A_281 = arith.constant 125 : i32
      %lt3A_282 = arith.cmpi slt, %add3A_280, %lt3A_281 : i32
      %convert_element_type3A_283 = arith.extui %lt3A_282 : i1 to i32
      %cond3A_284 = arith.constant 0 : i32
      %cond3A_285 = arith.cmpi ne, %convert_element_type3A_283, %cond3A_284 : i32
      scf.if %cond3A_285 {
        %add3A_335 = arith.constant 4 : i32
        %add3A_336 = arith.addi %add3A_241, %add3A_335 : i32
        %mul3A_337 = arith.constant 80 : i32
        %mul3A_338 = arith.muli %add3A_336, %mul3A_337 : i32
        %dma_start3A_339 = arith.constant 2 : i32
        %dma_start3A_340 = arith.constant 2 : i32
        %dma_start3A_341 = arith.constant 0 : i32
        %dma_start3A_342 = arith.constant 0 : i32
        %dma_start3A_343 = tpu.memref_slice %arg8[%dma_start3A_339, %dma_start3A_341, %dma_start3A_342] : memref<5x80x80xbf16, #tpu.memory_space<vmem>> -> memref<1x80x80xbf16, #tpu.memory_space<vmem>>
        %dma_start3A_344 = tpu.memref_squeeze %dma_start3A_343 : memref<1x80x80xbf16, #tpu.memory_space<vmem>> -> memref<80x80xbf16, #tpu.memory_space<vmem>>
        %dma_start3A_345 = tpu.memref_slice %arg6[%mul3A_338] : memref<10000xi32, #tpu.memory_space<vmem>> -> memref<80xi32, #tpu.memory_space<vmem>>
        %dma_start3A_346 = arith.constant 0 : i32
        %dma_start3A_347 = arith.constant 0 : i32
        %dma_start3A_348 = tpu.memref_slice %arg4[%dma_start3A_346, %dma_start3A_347] : memref<20000x80xbf16, #tpu.memory_space<hbm>> -> memref<20000x80xbf16, #tpu.memory_space<hbm>>
        %dma_start3A_349 = tpu.memref_slice %arg10[%dma_start3A_340] : memref<5x!tpu.dma_semaphore, #tpu.memory_space<semaphore_mem>> -> memref<1x!tpu.dma_semaphore, #tpu.memory_space<semaphore_mem>>
        %dma_start3A_350 = tpu.memref_squeeze %dma_start3A_349 : memref<1x!tpu.dma_semaphore, #tpu.memory_space<semaphore_mem>> -> memref<!tpu.dma_semaphore, #tpu.memory_space<semaphore_mem>>
        tpu.enqueue_indirect_dma source(%dma_start3A_348 : memref<20000x80xbf16, #tpu.memory_space<hbm>>) target(%dma_start3A_344 : memref<80x80xbf16, #tpu.memory_space<vmem>>) offsets(%dma_start3A_345 : memref<80xi32, #tpu.memory_space<vmem>>) semaphore(%dma_start3A_350 : memref<!tpu.dma_semaphore, #tpu.memory_space<semaphore_mem>>)
      } else {
      }
      %mul3A_286 = arith.constant 5 : i32
      %mul3A_287 = arith.muli %scan3A_96, %mul3A_286 : i32
      %add3A_288 = arith.constant 4 : i32
      %add3A_289 = arith.addi %mul3A_287, %add3A_288 : i32
      %dma_wait3A_290 = arith.constant 4 : i32
      %dma_wait3A_291 = arith.constant 4 : i32
      %dma_wait3A_292 = arith.constant 0 : i32
      %dma_wait3A_293 = arith.constant 0 : i32
      %dma_wait3A_294 = tpu.memref_slice %arg8[%dma_wait3A_290, %dma_wait3A_292, %dma_wait3A_293] : memref<5x80x80xbf16, #tpu.memory_space<vmem>> -> memref<1x80x80xbf16, #tpu.memory_space<vmem>>
      %dma_wait3A_295 = tpu.memref_squeeze %dma_wait3A_294 : memref<1x80x80xbf16, #tpu.memory_space<vmem>> -> memref<80x80xbf16, #tpu.memory_space<vmem>>
      %dma_wait3A_296 = arith.constant 0 : i32
      %dma_wait3A_297 = arith.constant 0 : i32
      %dma_wait3A_298 = tpu.memref_slice %arg4[%dma_wait3A_296, %dma_wait3A_297] : memref<20000x80xbf16, #tpu.memory_space<hbm>> -> memref<80x80xbf16, #tpu.memory_space<hbm>>
      %dma_wait3A_299 = tpu.memref_slice %arg10[%dma_wait3A_291] : memref<5x!tpu.dma_semaphore, #tpu.memory_space<semaphore_mem>> -> memref<1x!tpu.dma_semaphore, #tpu.memory_space<semaphore_mem>>
      %dma_wait3A_300 = tpu.memref_squeeze %dma_wait3A_299 : memref<1x!tpu.dma_semaphore, #tpu.memory_space<semaphore_mem>> -> memref<!tpu.dma_semaphore, #tpu.memory_space<semaphore_mem>>
      %dma_wait3A_301 = arith.constant 0 : i32
      %dma_wait3A_302 = arith.constant 0 : i32
      %dma_wait3A_303 = tpu.memref_slice %arg8[%dma_wait3A_290, %dma_wait3A_301, %dma_wait3A_302] : memref<5x80x80xbf16, #tpu.memory_space<vmem>> -> memref<1x80x80xbf16, #tpu.memory_space<vmem>>
      %dma_wait3A_304 = tpu.memref_squeeze %dma_wait3A_303 : memref<1x80x80xbf16, #tpu.memory_space<vmem>> -> memref<80x80xbf16, #tpu.memory_space<vmem>>
      %dma_wait3A_305 = arith.constant 0 : i32
      %dma_wait3A_306 = arith.constant 0 : i32
      %dma_wait3A_307 = tpu.memref_slice %arg4[%dma_wait3A_305, %dma_wait3A_306] : memref<20000x80xbf16, #tpu.memory_space<hbm>> -> memref<80x80xbf16, #tpu.memory_space<hbm>>
      tpu.wait_dma2 semaphore(%dma_wait3A_300 : memref<!tpu.dma_semaphore, #tpu.memory_space<semaphore_mem>>) src(%dma_wait3A_307 : memref<80x80xbf16, #tpu.memory_space<hbm>>) dst(%dma_wait3A_304 : memref<80x80xbf16, #tpu.memory_space<vmem>>)
      %dma_start3A_308 = arith.constant 4 : i32
      %dma_start3A_309 = arith.constant 4 : i32
      %dma_start3A_310 = arith.constant 0 : i32
      %dma_start3A_311 = arith.constant 0 : i32
      %dma_start3A_312 = tpu.memref_slice %arg8[%dma_start3A_308, %dma_start3A_310, %dma_start3A_311] : memref<5x80x80xbf16, #tpu.memory_space<vmem>> -> memref<1x80x80xbf16, #tpu.memory_space<vmem>>
      %dma_start3A_313 = tpu.memref_squeeze %dma_start3A_312 : memref<1x80x80xbf16, #tpu.memory_space<vmem>> -> memref<80x80xbf16, #tpu.memory_space<vmem>>
      %dma_start3A_314 = arith.constant 0 : i32
      %dma_start3A_315 = tpu.memref_slice %arg7[%add3A_289, %dma_start3A_314] : memref<125x80xi32, #tpu.memory_space<vmem>> -> memref<1x80xi32, #tpu.memory_space<vmem>>
      %dma_start3A_316 = tpu.memref_squeeze %dma_start3A_315 : memref<1x80xi32, #tpu.memory_space<vmem>> -> memref<80xi32, #tpu.memory_space<vmem>>
      %dma_start3A_317 = arith.constant 0 : i32
      %dma_start3A_318 = arith.constant 0 : i32
      %dma_start3A_319 = tpu.memref_slice %arg9[%dma_start3A_317, %dma_start3A_318] : memref<10000x80xbf16, #tpu.memory_space<vmem_shared>> -> memref<10000x80xbf16, #tpu.memory_space<vmem_shared>>
      %dma_start3A_320 = tpu.memref_slice %arg11[%dma_start3A_309] : memref<5x!tpu.dma_semaphore, #tpu.memory_space<semaphore_mem>> -> memref<1x!tpu.dma_semaphore, #tpu.memory_space<semaphore_mem>>
      %dma_start3A_321 = tpu.memref_squeeze %dma_start3A_320 : memref<1x!tpu.dma_semaphore, #tpu.memory_space<semaphore_mem>> -> memref<!tpu.dma_semaphore, #tpu.memory_space<semaphore_mem>>
      tpu.enqueue_indirect_dma source(%dma_start3A_313 : memref<80x80xbf16, #tpu.memory_space<vmem>>) target(%dma_start3A_319 : memref<10000x80xbf16, #tpu.memory_space<vmem_shared>>) offsets(%dma_start3A_316 : memref<80xi32, #tpu.memory_space<vmem>>) semaphore(%dma_start3A_321 : memref<!tpu.dma_semaphore, #tpu.memory_space<semaphore_mem>>) {add = true}
      %ge3A_322 = arith.constant 1 : i32
      %ge3A_323 = arith.cmpi sge, %add3A_289, %ge3A_322 : i32
      %convert_element_type3A_324 = arith.extui %ge3A_323 : i1 to i32
      %cond3A_325 = arith.constant 0 : i32
      %cond3A_326 = arith.cmpi ne, %convert_element_type3A_324, %cond3A_325 : i32
      scf.if %cond3A_326 {
        %dma_wait3A_335 = arith.constant 3 : i32
        %dma_wait3A_336 = arith.constant 3 : i32
        %dma_wait3A_337 = arith.constant 0 : i32
        %dma_wait3A_338 = arith.constant 0 : i32
        %dma_wait3A_339 = tpu.memref_slice %arg8[%dma_wait3A_335, %dma_wait3A_337, %dma_wait3A_338] : memref<5x80x80xbf16, #tpu.memory_space<vmem>> -> memref<1x80x80xbf16, #tpu.memory_space<vmem>>
        %dma_wait3A_340 = tpu.memref_squeeze %dma_wait3A_339 : memref<1x80x80xbf16, #tpu.memory_space<vmem>> -> memref<80x80xbf16, #tpu.memory_space<vmem>>
        %dma_wait3A_341 = arith.constant 0 : i32
        %dma_wait3A_342 = arith.constant 0 : i32
        %dma_wait3A_343 = tpu.memref_slice %arg9[%dma_wait3A_341, %dma_wait3A_342] : memref<10000x80xbf16, #tpu.memory_space<vmem_shared>> -> memref<80x80xbf16, #tpu.memory_space<vmem_shared>>
        %dma_wait3A_344 = tpu.memref_slice %arg11[%dma_wait3A_336] : memref<5x!tpu.dma_semaphore, #tpu.memory_space<semaphore_mem>> -> memref<1x!tpu.dma_semaphore, #tpu.memory_space<semaphore_mem>>
        %dma_wait3A_345 = tpu.memref_squeeze %dma_wait3A_344 : memref<1x!tpu.dma_semaphore, #tpu.memory_space<semaphore_mem>> -> memref<!tpu.dma_semaphore, #tpu.memory_space<semaphore_mem>>
        %dma_wait3A_346 = arith.constant 0 : i32
        %dma_wait3A_347 = arith.constant 0 : i32
        %dma_wait3A_348 = tpu.memref_slice %arg9[%dma_wait3A_346, %dma_wait3A_347] : memref<10000x80xbf16, #tpu.memory_space<vmem_shared>> -> memref<80x80xbf16, #tpu.memory_space<vmem_shared>>
        %dma_wait3A_349 = arith.constant 0 : i32
        %dma_wait3A_350 = arith.constant 0 : i32
        %dma_wait3A_351 = tpu.memref_slice %arg8[%dma_wait3A_335, %dma_wait3A_349, %dma_wait3A_350] : memref<5x80x80xbf16, #tpu.memory_space<vmem>> -> memref<1x80x80xbf16, #tpu.memory_space<vmem>>
        %dma_wait3A_352 = tpu.memref_squeeze %dma_wait3A_351 : memref<1x80x80xbf16, #tpu.memory_space<vmem>> -> memref<80x80xbf16, #tpu.memory_space<vmem>>
        tpu.wait_dma2 semaphore(%dma_wait3A_345 : memref<!tpu.dma_semaphore, #tpu.memory_space<semaphore_mem>>) src(%dma_wait3A_352 : memref<80x80xbf16, #tpu.memory_space<vmem>>) dst(%dma_wait3A_348 : memref<80x80xbf16, #tpu.memory_space<vmem_shared>>)
      } else {
      }
      %add3A_327 = arith.constant 4 : i32
      %add3A_328 = arith.addi %add3A_289, %add3A_327 : i32
      %lt3A_329 = arith.constant 125 : i32
      %lt3A_330 = arith.cmpi slt, %add3A_328, %lt3A_329 : i32
      %convert_element_type3A_331 = arith.extui %lt3A_330 : i1 to i32
      %cond3A_332 = arith.constant 0 : i32
      %cond3A_333 = arith.cmpi ne, %convert_element_type3A_331, %cond3A_332 : i32
      scf.if %cond3A_333 {
        %add3A_335 = arith.constant 4 : i32
        %add3A_336 = arith.addi %add3A_289, %add3A_335 : i32
        %mul3A_337 = arith.constant 80 : i32
        %mul3A_338 = arith.muli %add3A_336, %mul3A_337 : i32
        %dma_start3A_339 = arith.constant 3 : i32
        %dma_start3A_340 = arith.constant 3 : i32
        %dma_start3A_341 = arith.constant 0 : i32
        %dma_start3A_342 = arith.constant 0 : i32
        %dma_start3A_343 = tpu.memref_slice %arg8[%dma_start3A_339, %dma_start3A_341, %dma_start3A_342] : memref<5x80x80xbf16, #tpu.memory_space<vmem>> -> memref<1x80x80xbf16, #tpu.memory_space<vmem>>
        %dma_start3A_344 = tpu.memref_squeeze %dma_start3A_343 : memref<1x80x80xbf16, #tpu.memory_space<vmem>> -> memref<80x80xbf16, #tpu.memory_space<vmem>>
        %dma_start3A_345 = tpu.memref_slice %arg6[%mul3A_338] : memref<10000xi32, #tpu.memory_space<vmem>> -> memref<80xi32, #tpu.memory_space<vmem>>
        %dma_start3A_346 = arith.constant 0 : i32
        %dma_start3A_347 = arith.constant 0 : i32
        %dma_start3A_348 = tpu.memref_slice %arg4[%dma_start3A_346, %dma_start3A_347] : memref<20000x80xbf16, #tpu.memory_space<hbm>> -> memref<20000x80xbf16, #tpu.memory_space<hbm>>
        %dma_start3A_349 = tpu.memref_slice %arg10[%dma_start3A_340] : memref<5x!tpu.dma_semaphore, #tpu.memory_space<semaphore_mem>> -> memref<1x!tpu.dma_semaphore, #tpu.memory_space<semaphore_mem>>
        %dma_start3A_350 = tpu.memref_squeeze %dma_start3A_349 : memref<1x!tpu.dma_semaphore, #tpu.memory_space<semaphore_mem>> -> memref<!tpu.dma_semaphore, #tpu.memory_space<semaphore_mem>>
        tpu.enqueue_indirect_dma source(%dma_start3A_348 : memref<20000x80xbf16, #tpu.memory_space<hbm>>) target(%dma_start3A_344 : memref<80x80xbf16, #tpu.memory_space<vmem>>) offsets(%dma_start3A_345 : memref<80xi32, #tpu.memory_space<vmem>>) semaphore(%dma_start3A_350 : memref<!tpu.dma_semaphore, #tpu.memory_space<semaphore_mem>>)
      } else {
      }
      %scan3A_334 = arith.constant 0 : i32
      scf.yield %scan3A_334 : i32
    }
    %scan3A_70 = arith.constant 25 : i32
    %dma_wait3A = arith.constant 4 : i32
    %dma_wait3A_71 = arith.constant 4 : i32
    %dma_wait3A_72 = arith.constant 0 : i32
    %dma_wait3A_73 = arith.constant 0 : i32
    %dma_wait3A_74 = tpu.memref_slice %arg8[%dma_wait3A, %dma_wait3A_72, %dma_wait3A_73] : memref<5x80x80xbf16, #tpu.memory_space<vmem>> -> memref<1x80x80xbf16, #tpu.memory_space<vmem>>
    %dma_wait3A_75 = tpu.memref_squeeze %dma_wait3A_74 : memref<1x80x80xbf16, #tpu.memory_space<vmem>> -> memref<80x80xbf16, #tpu.memory_space<vmem>>
    %dma_wait3A_76 = arith.constant 0 : i32
    %dma_wait3A_77 = arith.constant 0 : i32
    %dma_wait3A_78 = tpu.memref_slice %arg9[%dma_wait3A_76, %dma_wait3A_77] : memref<10000x80xbf16, #tpu.memory_space<vmem_shared>> -> memref<80x80xbf16, #tpu.memory_space<vmem_shared>>
    %dma_wait3A_79 = tpu.memref_slice %arg11[%dma_wait3A_71] : memref<5x!tpu.dma_semaphore, #tpu.memory_space<semaphore_mem>> -> memref<1x!tpu.dma_semaphore, #tpu.memory_space<semaphore_mem>>
    %dma_wait3A_80 = tpu.memref_squeeze %dma_wait3A_79 : memref<1x!tpu.dma_semaphore, #tpu.memory_space<semaphore_mem>> -> memref<!tpu.dma_semaphore, #tpu.memory_space<semaphore_mem>>
    %dma_wait3A_81 = arith.constant 0 : i32
    %dma_wait3A_82 = arith.constant 0 : i32
    %dma_wait3A_83 = tpu.memref_slice %arg9[%dma_wait3A_81, %dma_wait3A_82] : memref<10000x80xbf16, #tpu.memory_space<vmem_shared>> -> memref<80x80xbf16, #tpu.memory_space<vmem_shared>>
    %dma_wait3A_84 = arith.constant 0 : i32
    %dma_wait3A_85 = arith.constant 0 : i32
    %dma_wait3A_86 = tpu.memref_slice %arg8[%dma_wait3A, %dma_wait3A_84, %dma_wait3A_85] : memref<5x80x80xbf16, #tpu.memory_space<vmem>> -> memref<1x80x80xbf16, #tpu.memory_space<vmem>>
    %dma_wait3A_87 = tpu.memref_squeeze %dma_wait3A_86 : memref<1x80x80xbf16, #tpu.memory_space<vmem>> -> memref<80x80xbf16, #tpu.memory_space<vmem>>
    tpu.wait_dma2 semaphore(%dma_wait3A_80 : memref<!tpu.dma_semaphore, #tpu.memory_space<semaphore_mem>>) src(%dma_wait3A_87 : memref<80x80xbf16, #tpu.memory_space<vmem>>) dst(%dma_wait3A_83 : memref<80x80xbf16, #tpu.memory_space<vmem_shared>>)
    %barrier3A_88 = arith.constant 0 : index
    tpu.barrier barrier_id(%barrier3A_88)
    %mul3A_89 = arith.constant 625 : i32
    %mul3A_90 = arith.muli %arg1, %mul3A_89 : i32
    %mul3A_91 = arith.constant 10000 : i32
    %mul3A_92 = arith.muli %add3A_1, %mul3A_91 : i32
    %mul3A_93 = arith.constant 625 : i32
    %mul3A_94 = arith.muli %arg1, %mul3A_93 : i32
    %add3A_95 = arith.addi %mul3A_92, %mul3A_94 : i32
    "tpu.region"() ({
      %run_scoped3A = tpu.sem_alloc : memref<!tpu.dma_semaphore, #tpu.memory_space<semaphore_mem>>
      %dma_start3A_96 = arith.constant 0 : i32
      %dma_start3A_97 = tpu.memref_slice %arg5[%add3A_95, %dma_start3A_96] : memref<20000x80xbf16, #tpu.memory_space<hbm>> -> memref<625x80xbf16, #tpu.memory_space<hbm>>
      %dma_start3A_98 = arith.constant 0 : i32
      %dma_start3A_99 = tpu.memref_slice %arg9[%mul3A_90, %dma_start3A_98] : memref<10000x80xbf16, #tpu.memory_space<vmem_shared>> -> memref<625x80xbf16, #tpu.memory_space<vmem_shared>>
      tpu.enqueue_dma source(%dma_start3A_99 : memref<625x80xbf16, #tpu.memory_space<vmem_shared>>) target(%dma_start3A_97 : memref<625x80xbf16, #tpu.memory_space<hbm>>) target_semaphore(%run_scoped3A : memref<!tpu.dma_semaphore, #tpu.memory_space<semaphore_mem>>)
      %dma_wait3A_100 = arith.constant 0 : i32
      %dma_wait3A_101 = tpu.memref_slice %arg5[%add3A_95, %dma_wait3A_100] : memref<20000x80xbf16, #tpu.memory_space<hbm>> -> memref<625x80xbf16, #tpu.memory_space<hbm>>
      %dma_wait3A_102 = arith.constant 0 : i32
      %dma_wait3A_103 = tpu.memref_slice %arg9[%mul3A_90, %dma_wait3A_102] : memref<10000x80xbf16, #tpu.memory_space<vmem_shared>> -> memref<625x80xbf16, #tpu.memory_space<vmem_shared>>
      tpu.wait_dma2 semaphore(%run_scoped3A : memref<!tpu.dma_semaphore, #tpu.memory_space<semaphore_mem>>) src(%dma_wait3A_103 : memref<625x80xbf16, #tpu.memory_space<vmem_shared>>) dst(%dma_wait3A_101 : memref<625x80xbf16, #tpu.memory_space<hbm>>)
      tpu.yield
    }) : () -> ()
    return
  }
}

#map = affine_map<(d0, d1) -> (0)>
#map1 = affine_map<(d0, d1) -> (0, 0, 0)>
#map2 = affine_map<(d0, d1) -> (0, 0)>
module attributes {stable_mosaic.version = 14 : i64} {
  func.func @_agg(%arg0: i32, %arg1: i32, %arg2: memref<1280000xi32, #tpu.memory_space<hbm>>, %arg3: memref<16x125x80xi32, #tpu.memory_space<hbm>>, %arg4: memref<80000x128xbf16, #tpu.memory_space<hbm>>, %arg5: memref<80000x128xbf16, #tpu.memory_space<hbm>>, %arg6: memref<10000xi32, #tpu.memory_space<vmem>>, %arg7: memref<125x80xi32, #tpu.memory_space<vmem>>, %arg8: memref<5x80x128xbf16, #tpu.memory_space<vmem>>, %arg9: memref<10000x128xbf16, #tpu.memory_space<vmem_shared>>, %arg10: memref<5x!tpu.dma_semaphore, #tpu.memory_space<semaphore_mem>>, %arg11: memref<5x!tpu.dma_semaphore, #tpu.memory_space<semaphore_mem>>) attributes {dimension_semantics = [#tpu.dimension_semantics<core_parallel>, #tpu.dimension_semantics<subcore_parallel>], iteration_bounds = array<i64: 2, 16>, scalar_prefetch = 0 : i64, scratch_operands = 6 : i64, tpu.core_type = #tpu.core_type<sc_vector_subcore>, window_params = [{transform_indices = #map}, {transform_indices = #map1}, {transform_indices = #map2}, {transform_indices = #map2}]} {
    %mul3A = arith.constant 4 : i32
    %mul3A_0 = arith.muli %arg0, %mul3A : i32
    %add3A = arith.constant 0 : i32
    %add3A_1 = arith.addi %mul3A_0, %add3A : i32
    %mul3A_2 = arith.constant 160000 : i32
    %mul3A_3 = arith.muli %add3A_1, %mul3A_2 : i32
    %mul3A_4 = arith.constant 10000 : i32
    %mul3A_5 = arith.muli %arg1, %mul3A_4 : i32
    %add3A_6 = arith.addi %mul3A_3, %mul3A_5 : i32
    "tpu.region"() ({
      %run_scoped3A = tpu.sem_alloc : memref<!tpu.dma_semaphore, #tpu.memory_space<semaphore_mem>>
      %dma_start3A_402 = tpu.memref_slice %arg2[%add3A_6] : memref<1280000xi32, #tpu.memory_space<hbm>> -> memref<10000xi32, #tpu.memory_space<hbm>>
      %dma_start3A_403 = tpu.memref_slice %arg2[%add3A_6] : memref<1280000xi32, #tpu.memory_space<hbm>> -> memref<10000xi32, #tpu.memory_space<hbm>>
      tpu.enqueue_dma source(%dma_start3A_403 : memref<10000xi32, #tpu.memory_space<hbm>>) target(%arg6 : memref<10000xi32, #tpu.memory_space<vmem>>) target_semaphore(%run_scoped3A : memref<!tpu.dma_semaphore, #tpu.memory_space<semaphore_mem>>)
      %dma_wait3A_404 = tpu.memref_slice %arg2[%add3A_6] : memref<1280000xi32, #tpu.memory_space<hbm>> -> memref<10000xi32, #tpu.memory_space<hbm>>
      %dma_wait3A_405 = tpu.memref_slice %arg2[%add3A_6] : memref<1280000xi32, #tpu.memory_space<hbm>> -> memref<10000xi32, #tpu.memory_space<hbm>>
      tpu.wait_dma2 semaphore(%run_scoped3A : memref<!tpu.dma_semaphore, #tpu.memory_space<semaphore_mem>>) src(%dma_wait3A_405 : memref<10000xi32, #tpu.memory_space<hbm>>) dst(%arg6 : memref<10000xi32, #tpu.memory_space<vmem>>)
      tpu.yield
    }) : () -> ()
    "tpu.region"() ({
      %run_scoped3A = tpu.sem_alloc : memref<!tpu.dma_semaphore, #tpu.memory_space<semaphore_mem>>
      %dma_start3A_402 = arith.constant 0 : i32
      %dma_start3A_403 = arith.constant 0 : i32
      %dma_start3A_404 = tpu.memref_slice %arg3[%arg1, %dma_start3A_402, %dma_start3A_403] : memref<16x125x80xi32, #tpu.memory_space<hbm>> -> memref<1x125x80xi32, #tpu.memory_space<hbm>>
      %dma_start3A_405 = tpu.memref_squeeze %dma_start3A_404 : memref<1x125x80xi32, #tpu.memory_space<hbm>> -> memref<125x80xi32, #tpu.memory_space<hbm>>
      %dma_start3A_406 = arith.constant 0 : i32
      %dma_start3A_407 = arith.constant 0 : i32
      %dma_start3A_408 = tpu.memref_slice %arg3[%arg1, %dma_start3A_406, %dma_start3A_407] : memref<16x125x80xi32, #tpu.memory_space<hbm>> -> memref<1x125x80xi32, #tpu.memory_space<hbm>>
      %dma_start3A_409 = tpu.memref_squeeze %dma_start3A_408 : memref<1x125x80xi32, #tpu.memory_space<hbm>> -> memref<125x80xi32, #tpu.memory_space<hbm>>
      tpu.enqueue_dma source(%dma_start3A_409 : memref<125x80xi32, #tpu.memory_space<hbm>>) target(%arg7 : memref<125x80xi32, #tpu.memory_space<vmem>>) target_semaphore(%run_scoped3A : memref<!tpu.dma_semaphore, #tpu.memory_space<semaphore_mem>>)
      %dma_wait3A_410 = arith.constant 0 : i32
      %dma_wait3A_411 = arith.constant 0 : i32
      %dma_wait3A_412 = tpu.memref_slice %arg3[%arg1, %dma_wait3A_410, %dma_wait3A_411] : memref<16x125x80xi32, #tpu.memory_space<hbm>> -> memref<1x125x80xi32, #tpu.memory_space<hbm>>
      %dma_wait3A_413 = tpu.memref_squeeze %dma_wait3A_412 : memref<1x125x80xi32, #tpu.memory_space<hbm>> -> memref<125x80xi32, #tpu.memory_space<hbm>>
      %dma_wait3A_414 = arith.constant 0 : i32
      %dma_wait3A_415 = arith.constant 0 : i32
      %dma_wait3A_416 = tpu.memref_slice %arg3[%arg1, %dma_wait3A_414, %dma_wait3A_415] : memref<16x125x80xi32, #tpu.memory_space<hbm>> -> memref<1x125x80xi32, #tpu.memory_space<hbm>>
      %dma_wait3A_417 = tpu.memref_squeeze %dma_wait3A_416 : memref<1x125x80xi32, #tpu.memory_space<hbm>> -> memref<125x80xi32, #tpu.memory_space<hbm>>
      tpu.wait_dma2 semaphore(%run_scoped3A : memref<!tpu.dma_semaphore, #tpu.memory_space<semaphore_mem>>) src(%dma_wait3A_417 : memref<125x80xi32, #tpu.memory_space<hbm>>) dst(%arg7 : memref<125x80xi32, #tpu.memory_space<vmem>>)
      tpu.yield
    }) : () -> ()
    %dma_start3A = arith.constant 0 : i32
    %dma_start3A_7 = arith.constant 0 : i32
    %dma_start3A_8 = arith.constant 0 : i32
    %dma_start3A_9 = arith.constant 0 : i32
    %dma_start3A_10 = tpu.memref_slice %arg8[%dma_start3A, %dma_start3A_8, %dma_start3A_9] : memref<5x80x128xbf16, #tpu.memory_space<vmem>> -> memref<1x80x128xbf16, #tpu.memory_space<vmem>>
    %dma_start3A_11 = tpu.memref_squeeze %dma_start3A_10 : memref<1x80x128xbf16, #tpu.memory_space<vmem>> -> memref<80x128xbf16, #tpu.memory_space<vmem>>
    %dma_start3A_12 = arith.constant 0 : i32
    %dma_start3A_13 = tpu.memref_slice %arg6[%dma_start3A_12] : memref<10000xi32, #tpu.memory_space<vmem>> -> memref<80xi32, #tpu.memory_space<vmem>>
    %dma_start3A_14 = arith.constant 0 : i32
    %dma_start3A_15 = arith.constant 0 : i32
    %dma_start3A_16 = tpu.memref_slice %arg4[%dma_start3A_14, %dma_start3A_15] : memref<80000x128xbf16, #tpu.memory_space<hbm>> -> memref<80000x128xbf16, #tpu.memory_space<hbm>>
    %dma_start3A_17 = tpu.memref_slice %arg10[%dma_start3A_7] : memref<5x!tpu.dma_semaphore, #tpu.memory_space<semaphore_mem>> -> memref<1x!tpu.dma_semaphore, #tpu.memory_space<semaphore_mem>>
    %dma_start3A_18 = tpu.memref_squeeze %dma_start3A_17 : memref<1x!tpu.dma_semaphore, #tpu.memory_space<semaphore_mem>> -> memref<!tpu.dma_semaphore, #tpu.memory_space<semaphore_mem>>
    tpu.enqueue_indirect_dma source(%dma_start3A_16 : memref<80000x128xbf16, #tpu.memory_space<hbm>>) target(%dma_start3A_11 : memref<80x128xbf16, #tpu.memory_space<vmem>>) offsets(%dma_start3A_13 : memref<80xi32, #tpu.memory_space<vmem>>) semaphore(%dma_start3A_18 : memref<!tpu.dma_semaphore, #tpu.memory_space<semaphore_mem>>)
    %dma_start3A_19 = arith.constant 1 : i32
    %dma_start3A_20 = arith.constant 1 : i32
    %dma_start3A_21 = arith.constant 0 : i32
    %dma_start3A_22 = arith.constant 0 : i32
    %dma_start3A_23 = tpu.memref_slice %arg8[%dma_start3A_19, %dma_start3A_21, %dma_start3A_22] : memref<5x80x128xbf16, #tpu.memory_space<vmem>> -> memref<1x80x128xbf16, #tpu.memory_space<vmem>>
    %dma_start3A_24 = tpu.memref_squeeze %dma_start3A_23 : memref<1x80x128xbf16, #tpu.memory_space<vmem>> -> memref<80x128xbf16, #tpu.memory_space<vmem>>
    %dma_start3A_25 = arith.constant 80 : i32
    %dma_start3A_26 = tpu.memref_slice %arg6[%dma_start3A_25] : memref<10000xi32, #tpu.memory_space<vmem>> -> memref<80xi32, #tpu.memory_space<vmem>>
    %dma_start3A_27 = arith.constant 0 : i32
    %dma_start3A_28 = arith.constant 0 : i32
    %dma_start3A_29 = tpu.memref_slice %arg4[%dma_start3A_27, %dma_start3A_28] : memref<80000x128xbf16, #tpu.memory_space<hbm>> -> memref<80000x128xbf16, #tpu.memory_space<hbm>>
    %dma_start3A_30 = tpu.memref_slice %arg10[%dma_start3A_20] : memref<5x!tpu.dma_semaphore, #tpu.memory_space<semaphore_mem>> -> memref<1x!tpu.dma_semaphore, #tpu.memory_space<semaphore_mem>>
    %dma_start3A_31 = tpu.memref_squeeze %dma_start3A_30 : memref<1x!tpu.dma_semaphore, #tpu.memory_space<semaphore_mem>> -> memref<!tpu.dma_semaphore, #tpu.memory_space<semaphore_mem>>
    tpu.enqueue_indirect_dma source(%dma_start3A_29 : memref<80000x128xbf16, #tpu.memory_space<hbm>>) target(%dma_start3A_24 : memref<80x128xbf16, #tpu.memory_space<vmem>>) offsets(%dma_start3A_26 : memref<80xi32, #tpu.memory_space<vmem>>) semaphore(%dma_start3A_31 : memref<!tpu.dma_semaphore, #tpu.memory_space<semaphore_mem>>)
    %dma_start3A_32 = arith.constant 2 : i32
    %dma_start3A_33 = arith.constant 2 : i32
    %dma_start3A_34 = arith.constant 0 : i32
    %dma_start3A_35 = arith.constant 0 : i32
    %dma_start3A_36 = tpu.memref_slice %arg8[%dma_start3A_32, %dma_start3A_34, %dma_start3A_35] : memref<5x80x128xbf16, #tpu.memory_space<vmem>> -> memref<1x80x128xbf16, #tpu.memory_space<vmem>>
    %dma_start3A_37 = tpu.memref_squeeze %dma_start3A_36 : memref<1x80x128xbf16, #tpu.memory_space<vmem>> -> memref<80x128xbf16, #tpu.memory_space<vmem>>
    %dma_start3A_38 = arith.constant 160 : i32
    %dma_start3A_39 = tpu.memref_slice %arg6[%dma_start3A_38] : memref<10000xi32, #tpu.memory_space<vmem>> -> memref<80xi32, #tpu.memory_space<vmem>>
    %dma_start3A_40 = arith.constant 0 : i32
    %dma_start3A_41 = arith.constant 0 : i32
    %dma_start3A_42 = tpu.memref_slice %arg4[%dma_start3A_40, %dma_start3A_41] : memref<80000x128xbf16, #tpu.memory_space<hbm>> -> memref<80000x128xbf16, #tpu.memory_space<hbm>>
    %dma_start3A_43 = tpu.memref_slice %arg10[%dma_start3A_33] : memref<5x!tpu.dma_semaphore, #tpu.memory_space<semaphore_mem>> -> memref<1x!tpu.dma_semaphore, #tpu.memory_space<semaphore_mem>>
    %dma_start3A_44 = tpu.memref_squeeze %dma_start3A_43 : memref<1x!tpu.dma_semaphore, #tpu.memory_space<semaphore_mem>> -> memref<!tpu.dma_semaphore, #tpu.memory_space<semaphore_mem>>
    tpu.enqueue_indirect_dma source(%dma_start3A_42 : memref<80000x128xbf16, #tpu.memory_space<hbm>>) target(%dma_start3A_37 : memref<80x128xbf16, #tpu.memory_space<vmem>>) offsets(%dma_start3A_39 : memref<80xi32, #tpu.memory_space<vmem>>) semaphore(%dma_start3A_44 : memref<!tpu.dma_semaphore, #tpu.memory_space<semaphore_mem>>)
    %dma_start3A_45 = arith.constant 3 : i32
    %dma_start3A_46 = arith.constant 3 : i32
    %dma_start3A_47 = arith.constant 0 : i32
    %dma_start3A_48 = arith.constant 0 : i32
    %dma_start3A_49 = tpu.memref_slice %arg8[%dma_start3A_45, %dma_start3A_47, %dma_start3A_48] : memref<5x80x128xbf16, #tpu.memory_space<vmem>> -> memref<1x80x128xbf16, #tpu.memory_space<vmem>>
    %dma_start3A_50 = tpu.memref_squeeze %dma_start3A_49 : memref<1x80x128xbf16, #tpu.memory_space<vmem>> -> memref<80x128xbf16, #tpu.memory_space<vmem>>
    %dma_start3A_51 = arith.constant 240 : i32
    %dma_start3A_52 = tpu.memref_slice %arg6[%dma_start3A_51] : memref<10000xi32, #tpu.memory_space<vmem>> -> memref<80xi32, #tpu.memory_space<vmem>>
    %dma_start3A_53 = arith.constant 0 : i32
    %dma_start3A_54 = arith.constant 0 : i32
    %dma_start3A_55 = tpu.memref_slice %arg4[%dma_start3A_53, %dma_start3A_54] : memref<80000x128xbf16, #tpu.memory_space<hbm>> -> memref<80000x128xbf16, #tpu.memory_space<hbm>>
    %dma_start3A_56 = tpu.memref_slice %arg10[%dma_start3A_46] : memref<5x!tpu.dma_semaphore, #tpu.memory_space<semaphore_mem>> -> memref<1x!tpu.dma_semaphore, #tpu.memory_space<semaphore_mem>>
    %dma_start3A_57 = tpu.memref_squeeze %dma_start3A_56 : memref<1x!tpu.dma_semaphore, #tpu.memory_space<semaphore_mem>> -> memref<!tpu.dma_semaphore, #tpu.memory_space<semaphore_mem>>
    tpu.enqueue_indirect_dma source(%dma_start3A_55 : memref<80000x128xbf16, #tpu.memory_space<hbm>>) target(%dma_start3A_50 : memref<80x128xbf16, #tpu.memory_space<vmem>>) offsets(%dma_start3A_52 : memref<80xi32, #tpu.memory_space<vmem>>) semaphore(%dma_start3A_57 : memref<!tpu.dma_semaphore, #tpu.memory_space<semaphore_mem>>)
    %mul3A_58 = arith.constant 10000 : i32
    %mul3A_59 = arith.muli %add3A_1, %mul3A_58 : i32
    %mul3A_60 = arith.constant 625 : i32
    %mul3A_61 = arith.muli %arg1, %mul3A_60 : i32
    %add3A_62 = arith.addi %mul3A_59, %mul3A_61 : i32
    %mul3A_63 = arith.constant 625 : i32
    %mul3A_64 = arith.muli %arg1, %mul3A_63 : i32
    "tpu.region"() ({
      %run_scoped3A = tpu.sem_alloc : memref<!tpu.dma_semaphore, #tpu.memory_space<semaphore_mem>>
      %dma_start3A_402 = arith.constant 0 : i32
      %dma_start3A_403 = tpu.memref_slice %arg9[%mul3A_64, %dma_start3A_402] : memref<10000x128xbf16, #tpu.memory_space<vmem_shared>> -> memref<625x128xbf16, #tpu.memory_space<vmem_shared>>
      %dma_start3A_404 = arith.constant 0 : i32
      %dma_start3A_405 = tpu.memref_slice %arg4[%add3A_62, %dma_start3A_404] : memref<80000x128xbf16, #tpu.memory_space<hbm>> -> memref<625x128xbf16, #tpu.memory_space<hbm>>
      tpu.enqueue_dma source(%dma_start3A_405 : memref<625x128xbf16, #tpu.memory_space<hbm>>) target(%dma_start3A_403 : memref<625x128xbf16, #tpu.memory_space<vmem_shared>>) target_semaphore(%run_scoped3A : memref<!tpu.dma_semaphore, #tpu.memory_space<semaphore_mem>>)
      %dma_wait3A_406 = arith.constant 0 : i32
      %dma_wait3A_407 = tpu.memref_slice %arg9[%mul3A_64, %dma_wait3A_406] : memref<10000x128xbf16, #tpu.memory_space<vmem_shared>> -> memref<625x128xbf16, #tpu.memory_space<vmem_shared>>
      %dma_wait3A_408 = arith.constant 0 : i32
      %dma_wait3A_409 = tpu.memref_slice %arg4[%add3A_62, %dma_wait3A_408] : memref<80000x128xbf16, #tpu.memory_space<hbm>> -> memref<625x128xbf16, #tpu.memory_space<hbm>>
      tpu.wait_dma2 semaphore(%run_scoped3A : memref<!tpu.dma_semaphore, #tpu.memory_space<semaphore_mem>>) src(%dma_wait3A_409 : memref<625x128xbf16, #tpu.memory_space<hbm>>) dst(%dma_wait3A_407 : memref<625x128xbf16, #tpu.memory_space<vmem_shared>>)
      tpu.yield
    }) : () -> ()
    %barrier3A = arith.constant 0 : index
    tpu.barrier barrier_id(%barrier3A)
    %scan3A = arith.constant 0 : i32
    %scan3A_65 = arith.constant 0 : i32
    %scan3A_66 = arith.constant 25 : i32
    %scan3A_67 = arith.addi %scan3A_65, %scan3A_66 : i32
    %scan3A_68 = arith.constant 1 : i32
    %scan3A_69 = scf.for %scan3A_402 = %scan3A_65 to %scan3A_67 step %scan3A_68 iter_args(%scan3A_403 = %scan3A) -> (i32)  : i32 {
      %mul3A_404 = arith.constant 5 : i32
      %mul3A_405 = arith.muli %scan3A_402, %mul3A_404 : i32
      %add3A_406 = arith.constant 0 : i32
      %add3A_407 = arith.addi %mul3A_405, %add3A_406 : i32
      %dma_wait3A_408 = arith.constant 0 : i32
      %dma_wait3A_409 = arith.constant 0 : i32
      %dma_wait3A_410 = arith.constant 0 : i32
      %dma_wait3A_411 = arith.constant 0 : i32
      %dma_wait3A_412 = tpu.memref_slice %arg8[%dma_wait3A_408, %dma_wait3A_410, %dma_wait3A_411] : memref<5x80x128xbf16, #tpu.memory_space<vmem>> -> memref<1x80x128xbf16, #tpu.memory_space<vmem>>
      %dma_wait3A_413 = tpu.memref_squeeze %dma_wait3A_412 : memref<1x80x128xbf16, #tpu.memory_space<vmem>> -> memref<80x128xbf16, #tpu.memory_space<vmem>>
      %dma_wait3A_414 = arith.constant 0 : i32
      %dma_wait3A_415 = arith.constant 0 : i32
      %dma_wait3A_416 = tpu.memref_slice %arg4[%dma_wait3A_414, %dma_wait3A_415] : memref<80000x128xbf16, #tpu.memory_space<hbm>> -> memref<80x128xbf16, #tpu.memory_space<hbm>>
      %dma_wait3A_417 = tpu.memref_slice %arg10[%dma_wait3A_409] : memref<5x!tpu.dma_semaphore, #tpu.memory_space<semaphore_mem>> -> memref<1x!tpu.dma_semaphore, #tpu.memory_space<semaphore_mem>>
      %dma_wait3A_418 = tpu.memref_squeeze %dma_wait3A_417 : memref<1x!tpu.dma_semaphore, #tpu.memory_space<semaphore_mem>> -> memref<!tpu.dma_semaphore, #tpu.memory_space<semaphore_mem>>
      %dma_wait3A_419 = arith.constant 0 : i32
      %dma_wait3A_420 = arith.constant 0 : i32
      %dma_wait3A_421 = tpu.memref_slice %arg8[%dma_wait3A_408, %dma_wait3A_419, %dma_wait3A_420] : memref<5x80x128xbf16, #tpu.memory_space<vmem>> -> memref<1x80x128xbf16, #tpu.memory_space<vmem>>
      %dma_wait3A_422 = tpu.memref_squeeze %dma_wait3A_421 : memref<1x80x128xbf16, #tpu.memory_space<vmem>> -> memref<80x128xbf16, #tpu.memory_space<vmem>>
      %dma_wait3A_423 = arith.constant 0 : i32
      %dma_wait3A_424 = arith.constant 0 : i32
      %dma_wait3A_425 = tpu.memref_slice %arg4[%dma_wait3A_423, %dma_wait3A_424] : memref<80000x128xbf16, #tpu.memory_space<hbm>> -> memref<80x128xbf16, #tpu.memory_space<hbm>>
      tpu.wait_dma2 semaphore(%dma_wait3A_418 : memref<!tpu.dma_semaphore, #tpu.memory_space<semaphore_mem>>) src(%dma_wait3A_425 : memref<80x128xbf16, #tpu.memory_space<hbm>>) dst(%dma_wait3A_422 : memref<80x128xbf16, #tpu.memory_space<vmem>>)
      %dma_start3A_426 = arith.constant 0 : i32
      %dma_start3A_427 = arith.constant 0 : i32
      %dma_start3A_428 = arith.constant 0 : i32
      %dma_start3A_429 = arith.constant 0 : i32
      %dma_start3A_430 = tpu.memref_slice %arg8[%dma_start3A_426, %dma_start3A_428, %dma_start3A_429] : memref<5x80x128xbf16, #tpu.memory_space<vmem>> -> memref<1x80x128xbf16, #tpu.memory_space<vmem>>
      %dma_start3A_431 = tpu.memref_squeeze %dma_start3A_430 : memref<1x80x128xbf16, #tpu.memory_space<vmem>> -> memref<80x128xbf16, #tpu.memory_space<vmem>>
      %dma_start3A_432 = arith.constant 0 : i32
      %dma_start3A_433 = tpu.memref_slice %arg7[%add3A_407, %dma_start3A_432] : memref<125x80xi32, #tpu.memory_space<vmem>> -> memref<1x80xi32, #tpu.memory_space<vmem>>
      %dma_start3A_434 = tpu.memref_squeeze %dma_start3A_433 : memref<1x80xi32, #tpu.memory_space<vmem>> -> memref<80xi32, #tpu.memory_space<vmem>>
      %dma_start3A_435 = arith.constant 0 : i32
      %dma_start3A_436 = arith.constant 0 : i32
      %dma_start3A_437 = tpu.memref_slice %arg9[%dma_start3A_435, %dma_start3A_436] : memref<10000x128xbf16, #tpu.memory_space<vmem_shared>> -> memref<10000x128xbf16, #tpu.memory_space<vmem_shared>>
      %dma_start3A_438 = tpu.memref_slice %arg11[%dma_start3A_427] : memref<5x!tpu.dma_semaphore, #tpu.memory_space<semaphore_mem>> -> memref<1x!tpu.dma_semaphore, #tpu.memory_space<semaphore_mem>>
      %dma_start3A_439 = tpu.memref_squeeze %dma_start3A_438 : memref<1x!tpu.dma_semaphore, #tpu.memory_space<semaphore_mem>> -> memref<!tpu.dma_semaphore, #tpu.memory_space<semaphore_mem>>
      tpu.enqueue_indirect_dma source(%dma_start3A_431 : memref<80x128xbf16, #tpu.memory_space<vmem>>) target(%dma_start3A_437 : memref<10000x128xbf16, #tpu.memory_space<vmem_shared>>) offsets(%dma_start3A_434 : memref<80xi32, #tpu.memory_space<vmem>>) semaphore(%dma_start3A_439 : memref<!tpu.dma_semaphore, #tpu.memory_space<semaphore_mem>>) {add = true}
      %ge3A = arith.constant 1 : i32
      %ge3A_440 = arith.cmpi sge, %add3A_407, %ge3A : i32
      %convert_element_type3A = arith.extui %ge3A_440 : i1 to i32
      %cond3A = arith.constant 0 : i32
      %cond3A_441 = arith.cmpi ne, %convert_element_type3A, %cond3A : i32
      scf.if %cond3A_441 {
        %dma_wait3A_641 = arith.constant 4 : i32
        %dma_wait3A_642 = arith.constant 4 : i32
        %dma_wait3A_643 = arith.constant 0 : i32
        %dma_wait3A_644 = arith.constant 0 : i32
        %dma_wait3A_645 = tpu.memref_slice %arg8[%dma_wait3A_641, %dma_wait3A_643, %dma_wait3A_644] : memref<5x80x128xbf16, #tpu.memory_space<vmem>> -> memref<1x80x128xbf16, #tpu.memory_space<vmem>>
        %dma_wait3A_646 = tpu.memref_squeeze %dma_wait3A_645 : memref<1x80x128xbf16, #tpu.memory_space<vmem>> -> memref<80x128xbf16, #tpu.memory_space<vmem>>
        %dma_wait3A_647 = arith.constant 0 : i32
        %dma_wait3A_648 = arith.constant 0 : i32
        %dma_wait3A_649 = tpu.memref_slice %arg9[%dma_wait3A_647, %dma_wait3A_648] : memref<10000x128xbf16, #tpu.memory_space<vmem_shared>> -> memref<80x128xbf16, #tpu.memory_space<vmem_shared>>
        %dma_wait3A_650 = tpu.memref_slice %arg11[%dma_wait3A_642] : memref<5x!tpu.dma_semaphore, #tpu.memory_space<semaphore_mem>> -> memref<1x!tpu.dma_semaphore, #tpu.memory_space<semaphore_mem>>
        %dma_wait3A_651 = tpu.memref_squeeze %dma_wait3A_650 : memref<1x!tpu.dma_semaphore, #tpu.memory_space<semaphore_mem>> -> memref<!tpu.dma_semaphore, #tpu.memory_space<semaphore_mem>>
        %dma_wait3A_652 = arith.constant 0 : i32
        %dma_wait3A_653 = arith.constant 0 : i32
        %dma_wait3A_654 = tpu.memref_slice %arg9[%dma_wait3A_652, %dma_wait3A_653] : memref<10000x128xbf16, #tpu.memory_space<vmem_shared>> -> memref<80x128xbf16, #tpu.memory_space<vmem_shared>>
        %dma_wait3A_655 = arith.constant 0 : i32
        %dma_wait3A_656 = arith.constant 0 : i32
        %dma_wait3A_657 = tpu.memref_slice %arg8[%dma_wait3A_641, %dma_wait3A_655, %dma_wait3A_656] : memref<5x80x128xbf16, #tpu.memory_space<vmem>> -> memref<1x80x128xbf16, #tpu.memory_space<vmem>>
        %dma_wait3A_658 = tpu.memref_squeeze %dma_wait3A_657 : memref<1x80x128xbf16, #tpu.memory_space<vmem>> -> memref<80x128xbf16, #tpu.memory_space<vmem>>
        tpu.wait_dma2 semaphore(%dma_wait3A_651 : memref<!tpu.dma_semaphore, #tpu.memory_space<semaphore_mem>>) src(%dma_wait3A_658 : memref<80x128xbf16, #tpu.memory_space<vmem>>) dst(%dma_wait3A_654 : memref<80x128xbf16, #tpu.memory_space<vmem_shared>>)
      } else {
      }
      %add3A_442 = arith.constant 4 : i32
      %add3A_443 = arith.addi %add3A_407, %add3A_442 : i32
      %lt3A = arith.constant 125 : i32
      %lt3A_444 = arith.cmpi slt, %add3A_443, %lt3A : i32
      %convert_element_type3A_445 = arith.extui %lt3A_444 : i1 to i32
      %cond3A_446 = arith.constant 0 : i32
      %cond3A_447 = arith.cmpi ne, %convert_element_type3A_445, %cond3A_446 : i32
      scf.if %cond3A_447 {
        %add3A_641 = arith.constant 4 : i32
        %add3A_642 = arith.addi %add3A_407, %add3A_641 : i32
        %mul3A_643 = arith.constant 80 : i32
        %mul3A_644 = arith.muli %add3A_642, %mul3A_643 : i32
        %dma_start3A_645 = arith.constant 4 : i32
        %dma_start3A_646 = arith.constant 4 : i32
        %dma_start3A_647 = arith.constant 0 : i32
        %dma_start3A_648 = arith.constant 0 : i32
        %dma_start3A_649 = tpu.memref_slice %arg8[%dma_start3A_645, %dma_start3A_647, %dma_start3A_648] : memref<5x80x128xbf16, #tpu.memory_space<vmem>> -> memref<1x80x128xbf16, #tpu.memory_space<vmem>>
        %dma_start3A_650 = tpu.memref_squeeze %dma_start3A_649 : memref<1x80x128xbf16, #tpu.memory_space<vmem>> -> memref<80x128xbf16, #tpu.memory_space<vmem>>
        %dma_start3A_651 = tpu.memref_slice %arg6[%mul3A_644] : memref<10000xi32, #tpu.memory_space<vmem>> -> memref<80xi32, #tpu.memory_space<vmem>>
        %dma_start3A_652 = arith.constant 0 : i32
        %dma_start3A_653 = arith.constant 0 : i32
        %dma_start3A_654 = tpu.memref_slice %arg4[%dma_start3A_652, %dma_start3A_653] : memref<80000x128xbf16, #tpu.memory_space<hbm>> -> memref<80000x128xbf16, #tpu.memory_space<hbm>>
        %dma_start3A_655 = tpu.memref_slice %arg10[%dma_start3A_646] : memref<5x!tpu.dma_semaphore, #tpu.memory_space<semaphore_mem>> -> memref<1x!tpu.dma_semaphore, #tpu.memory_space<semaphore_mem>>
        %dma_start3A_656 = tpu.memref_squeeze %dma_start3A_655 : memref<1x!tpu.dma_semaphore, #tpu.memory_space<semaphore_mem>> -> memref<!tpu.dma_semaphore, #tpu.memory_space<semaphore_mem>>
        tpu.enqueue_indirect_dma source(%dma_start3A_654 : memref<80000x128xbf16, #tpu.memory_space<hbm>>) target(%dma_start3A_650 : memref<80x128xbf16, #tpu.memory_space<vmem>>) offsets(%dma_start3A_651 : memref<80xi32, #tpu.memory_space<vmem>>) semaphore(%dma_start3A_656 : memref<!tpu.dma_semaphore, #tpu.memory_space<semaphore_mem>>)
      } else {
      }
      %mul3A_448 = arith.constant 5 : i32
      %mul3A_449 = arith.muli %scan3A_402, %mul3A_448 : i32
      %add3A_450 = arith.constant 1 : i32
      %add3A_451 = arith.addi %mul3A_449, %add3A_450 : i32
      %dma_wait3A_452 = arith.constant 1 : i32
      %dma_wait3A_453 = arith.constant 1 : i32
      %dma_wait3A_454 = arith.constant 0 : i32
      %dma_wait3A_455 = arith.constant 0 : i32
      %dma_wait3A_456 = tpu.memref_slice %arg8[%dma_wait3A_452, %dma_wait3A_454, %dma_wait3A_455] : memref<5x80x128xbf16, #tpu.memory_space<vmem>> -> memref<1x80x128xbf16, #tpu.memory_space<vmem>>
      %dma_wait3A_457 = tpu.memref_squeeze %dma_wait3A_456 : memref<1x80x128xbf16, #tpu.memory_space<vmem>> -> memref<80x128xbf16, #tpu.memory_space<vmem>>
      %dma_wait3A_458 = arith.constant 0 : i32
      %dma_wait3A_459 = arith.constant 0 : i32
      %dma_wait3A_460 = tpu.memref_slice %arg4[%dma_wait3A_458, %dma_wait3A_459] : memref<80000x128xbf16, #tpu.memory_space<hbm>> -> memref<80x128xbf16, #tpu.memory_space<hbm>>
      %dma_wait3A_461 = tpu.memref_slice %arg10[%dma_wait3A_453] : memref<5x!tpu.dma_semaphore, #tpu.memory_space<semaphore_mem>> -> memref<1x!tpu.dma_semaphore, #tpu.memory_space<semaphore_mem>>
      %dma_wait3A_462 = tpu.memref_squeeze %dma_wait3A_461 : memref<1x!tpu.dma_semaphore, #tpu.memory_space<semaphore_mem>> -> memref<!tpu.dma_semaphore, #tpu.memory_space<semaphore_mem>>
      %dma_wait3A_463 = arith.constant 0 : i32
      %dma_wait3A_464 = arith.constant 0 : i32
      %dma_wait3A_465 = tpu.memref_slice %arg8[%dma_wait3A_452, %dma_wait3A_463, %dma_wait3A_464] : memref<5x80x128xbf16, #tpu.memory_space<vmem>> -> memref<1x80x128xbf16, #tpu.memory_space<vmem>>
      %dma_wait3A_466 = tpu.memref_squeeze %dma_wait3A_465 : memref<1x80x128xbf16, #tpu.memory_space<vmem>> -> memref<80x128xbf16, #tpu.memory_space<vmem>>
      %dma_wait3A_467 = arith.constant 0 : i32
      %dma_wait3A_468 = arith.constant 0 : i32
      %dma_wait3A_469 = tpu.memref_slice %arg4[%dma_wait3A_467, %dma_wait3A_468] : memref<80000x128xbf16, #tpu.memory_space<hbm>> -> memref<80x128xbf16, #tpu.memory_space<hbm>>
      tpu.wait_dma2 semaphore(%dma_wait3A_462 : memref<!tpu.dma_semaphore, #tpu.memory_space<semaphore_mem>>) src(%dma_wait3A_469 : memref<80x128xbf16, #tpu.memory_space<hbm>>) dst(%dma_wait3A_466 : memref<80x128xbf16, #tpu.memory_space<vmem>>)
      %dma_start3A_470 = arith.constant 1 : i32
      %dma_start3A_471 = arith.constant 1 : i32
      %dma_start3A_472 = arith.constant 0 : i32
      %dma_start3A_473 = arith.constant 0 : i32
      %dma_start3A_474 = tpu.memref_slice %arg8[%dma_start3A_470, %dma_start3A_472, %dma_start3A_473] : memref<5x80x128xbf16, #tpu.memory_space<vmem>> -> memref<1x80x128xbf16, #tpu.memory_space<vmem>>
      %dma_start3A_475 = tpu.memref_squeeze %dma_start3A_474 : memref<1x80x128xbf16, #tpu.memory_space<vmem>> -> memref<80x128xbf16, #tpu.memory_space<vmem>>
      %dma_start3A_476 = arith.constant 0 : i32
      %dma_start3A_477 = tpu.memref_slice %arg7[%add3A_451, %dma_start3A_476] : memref<125x80xi32, #tpu.memory_space<vmem>> -> memref<1x80xi32, #tpu.memory_space<vmem>>
      %dma_start3A_478 = tpu.memref_squeeze %dma_start3A_477 : memref<1x80xi32, #tpu.memory_space<vmem>> -> memref<80xi32, #tpu.memory_space<vmem>>
      %dma_start3A_479 = arith.constant 0 : i32
      %dma_start3A_480 = arith.constant 0 : i32
      %dma_start3A_481 = tpu.memref_slice %arg9[%dma_start3A_479, %dma_start3A_480] : memref<10000x128xbf16, #tpu.memory_space<vmem_shared>> -> memref<10000x128xbf16, #tpu.memory_space<vmem_shared>>
      %dma_start3A_482 = tpu.memref_slice %arg11[%dma_start3A_471] : memref<5x!tpu.dma_semaphore, #tpu.memory_space<semaphore_mem>> -> memref<1x!tpu.dma_semaphore, #tpu.memory_space<semaphore_mem>>
      %dma_start3A_483 = tpu.memref_squeeze %dma_start3A_482 : memref<1x!tpu.dma_semaphore, #tpu.memory_space<semaphore_mem>> -> memref<!tpu.dma_semaphore, #tpu.memory_space<semaphore_mem>>
      tpu.enqueue_indirect_dma source(%dma_start3A_475 : memref<80x128xbf16, #tpu.memory_space<vmem>>) target(%dma_start3A_481 : memref<10000x128xbf16, #tpu.memory_space<vmem_shared>>) offsets(%dma_start3A_478 : memref<80xi32, #tpu.memory_space<vmem>>) semaphore(%dma_start3A_483 : memref<!tpu.dma_semaphore, #tpu.memory_space<semaphore_mem>>) {add = true}
      %ge3A_484 = arith.constant 1 : i32
      %ge3A_485 = arith.cmpi sge, %add3A_451, %ge3A_484 : i32
      %convert_element_type3A_486 = arith.extui %ge3A_485 : i1 to i32
      %cond3A_487 = arith.constant 0 : i32
      %cond3A_488 = arith.cmpi ne, %convert_element_type3A_486, %cond3A_487 : i32
      scf.if %cond3A_488 {
        %dma_wait3A_641 = arith.constant 0 : i32
        %dma_wait3A_642 = arith.constant 0 : i32
        %dma_wait3A_643 = arith.constant 0 : i32
        %dma_wait3A_644 = arith.constant 0 : i32
        %dma_wait3A_645 = tpu.memref_slice %arg8[%dma_wait3A_641, %dma_wait3A_643, %dma_wait3A_644] : memref<5x80x128xbf16, #tpu.memory_space<vmem>> -> memref<1x80x128xbf16, #tpu.memory_space<vmem>>
        %dma_wait3A_646 = tpu.memref_squeeze %dma_wait3A_645 : memref<1x80x128xbf16, #tpu.memory_space<vmem>> -> memref<80x128xbf16, #tpu.memory_space<vmem>>
        %dma_wait3A_647 = arith.constant 0 : i32
        %dma_wait3A_648 = arith.constant 0 : i32
        %dma_wait3A_649 = tpu.memref_slice %arg9[%dma_wait3A_647, %dma_wait3A_648] : memref<10000x128xbf16, #tpu.memory_space<vmem_shared>> -> memref<80x128xbf16, #tpu.memory_space<vmem_shared>>
        %dma_wait3A_650 = tpu.memref_slice %arg11[%dma_wait3A_642] : memref<5x!tpu.dma_semaphore, #tpu.memory_space<semaphore_mem>> -> memref<1x!tpu.dma_semaphore, #tpu.memory_space<semaphore_mem>>
        %dma_wait3A_651 = tpu.memref_squeeze %dma_wait3A_650 : memref<1x!tpu.dma_semaphore, #tpu.memory_space<semaphore_mem>> -> memref<!tpu.dma_semaphore, #tpu.memory_space<semaphore_mem>>
        %dma_wait3A_652 = arith.constant 0 : i32
        %dma_wait3A_653 = arith.constant 0 : i32
        %dma_wait3A_654 = tpu.memref_slice %arg9[%dma_wait3A_652, %dma_wait3A_653] : memref<10000x128xbf16, #tpu.memory_space<vmem_shared>> -> memref<80x128xbf16, #tpu.memory_space<vmem_shared>>
        %dma_wait3A_655 = arith.constant 0 : i32
        %dma_wait3A_656 = arith.constant 0 : i32
        %dma_wait3A_657 = tpu.memref_slice %arg8[%dma_wait3A_641, %dma_wait3A_655, %dma_wait3A_656] : memref<5x80x128xbf16, #tpu.memory_space<vmem>> -> memref<1x80x128xbf16, #tpu.memory_space<vmem>>
        %dma_wait3A_658 = tpu.memref_squeeze %dma_wait3A_657 : memref<1x80x128xbf16, #tpu.memory_space<vmem>> -> memref<80x128xbf16, #tpu.memory_space<vmem>>
        tpu.wait_dma2 semaphore(%dma_wait3A_651 : memref<!tpu.dma_semaphore, #tpu.memory_space<semaphore_mem>>) src(%dma_wait3A_658 : memref<80x128xbf16, #tpu.memory_space<vmem>>) dst(%dma_wait3A_654 : memref<80x128xbf16, #tpu.memory_space<vmem_shared>>)
      } else {
      }
      %add3A_489 = arith.constant 4 : i32
      %add3A_490 = arith.addi %add3A_451, %add3A_489 : i32
      %lt3A_491 = arith.constant 125 : i32
      %lt3A_492 = arith.cmpi slt, %add3A_490, %lt3A_491 : i32
      %convert_element_type3A_493 = arith.extui %lt3A_492 : i1 to i32
      %cond3A_494 = arith.constant 0 : i32
      %cond3A_495 = arith.cmpi ne, %convert_element_type3A_493, %cond3A_494 : i32
      scf.if %cond3A_495 {
        %add3A_641 = arith.constant 4 : i32
        %add3A_642 = arith.addi %add3A_451, %add3A_641 : i32
        %mul3A_643 = arith.constant 80 : i32
        %mul3A_644 = arith.muli %add3A_642, %mul3A_643 : i32
        %dma_start3A_645 = arith.constant 0 : i32
        %dma_start3A_646 = arith.constant 0 : i32
        %dma_start3A_647 = arith.constant 0 : i32
        %dma_start3A_648 = arith.constant 0 : i32
        %dma_start3A_649 = tpu.memref_slice %arg8[%dma_start3A_645, %dma_start3A_647, %dma_start3A_648] : memref<5x80x128xbf16, #tpu.memory_space<vmem>> -> memref<1x80x128xbf16, #tpu.memory_space<vmem>>
        %dma_start3A_650 = tpu.memref_squeeze %dma_start3A_649 : memref<1x80x128xbf16, #tpu.memory_space<vmem>> -> memref<80x128xbf16, #tpu.memory_space<vmem>>
        %dma_start3A_651 = tpu.memref_slice %arg6[%mul3A_644] : memref<10000xi32, #tpu.memory_space<vmem>> -> memref<80xi32, #tpu.memory_space<vmem>>
        %dma_start3A_652 = arith.constant 0 : i32
        %dma_start3A_653 = arith.constant 0 : i32
        %dma_start3A_654 = tpu.memref_slice %arg4[%dma_start3A_652, %dma_start3A_653] : memref<80000x128xbf16, #tpu.memory_space<hbm>> -> memref<80000x128xbf16, #tpu.memory_space<hbm>>
        %dma_start3A_655 = tpu.memref_slice %arg10[%dma_start3A_646] : memref<5x!tpu.dma_semaphore, #tpu.memory_space<semaphore_mem>> -> memref<1x!tpu.dma_semaphore, #tpu.memory_space<semaphore_mem>>
        %dma_start3A_656 = tpu.memref_squeeze %dma_start3A_655 : memref<1x!tpu.dma_semaphore, #tpu.memory_space<semaphore_mem>> -> memref<!tpu.dma_semaphore, #tpu.memory_space<semaphore_mem>>
        tpu.enqueue_indirect_dma source(%dma_start3A_654 : memref<80000x128xbf16, #tpu.memory_space<hbm>>) target(%dma_start3A_650 : memref<80x128xbf16, #tpu.memory_space<vmem>>) offsets(%dma_start3A_651 : memref<80xi32, #tpu.memory_space<vmem>>) semaphore(%dma_start3A_656 : memref<!tpu.dma_semaphore, #tpu.memory_space<semaphore_mem>>)
      } else {
      }
      %mul3A_496 = arith.constant 5 : i32
      %mul3A_497 = arith.muli %scan3A_402, %mul3A_496 : i32
      %add3A_498 = arith.constant 2 : i32
      %add3A_499 = arith.addi %mul3A_497, %add3A_498 : i32
      %dma_wait3A_500 = arith.constant 2 : i32
      %dma_wait3A_501 = arith.constant 2 : i32
      %dma_wait3A_502 = arith.constant 0 : i32
      %dma_wait3A_503 = arith.constant 0 : i32
      %dma_wait3A_504 = tpu.memref_slice %arg8[%dma_wait3A_500, %dma_wait3A_502, %dma_wait3A_503] : memref<5x80x128xbf16, #tpu.memory_space<vmem>> -> memref<1x80x128xbf16, #tpu.memory_space<vmem>>
      %dma_wait3A_505 = tpu.memref_squeeze %dma_wait3A_504 : memref<1x80x128xbf16, #tpu.memory_space<vmem>> -> memref<80x128xbf16, #tpu.memory_space<vmem>>
      %dma_wait3A_506 = arith.constant 0 : i32
      %dma_wait3A_507 = arith.constant 0 : i32
      %dma_wait3A_508 = tpu.memref_slice %arg4[%dma_wait3A_506, %dma_wait3A_507] : memref<80000x128xbf16, #tpu.memory_space<hbm>> -> memref<80x128xbf16, #tpu.memory_space<hbm>>
      %dma_wait3A_509 = tpu.memref_slice %arg10[%dma_wait3A_501] : memref<5x!tpu.dma_semaphore, #tpu.memory_space<semaphore_mem>> -> memref<1x!tpu.dma_semaphore, #tpu.memory_space<semaphore_mem>>
      %dma_wait3A_510 = tpu.memref_squeeze %dma_wait3A_509 : memref<1x!tpu.dma_semaphore, #tpu.memory_space<semaphore_mem>> -> memref<!tpu.dma_semaphore, #tpu.memory_space<semaphore_mem>>
      %dma_wait3A_511 = arith.constant 0 : i32
      %dma_wait3A_512 = arith.constant 0 : i32
      %dma_wait3A_513 = tpu.memref_slice %arg8[%dma_wait3A_500, %dma_wait3A_511, %dma_wait3A_512] : memref<5x80x128xbf16, #tpu.memory_space<vmem>> -> memref<1x80x128xbf16, #tpu.memory_space<vmem>>
      %dma_wait3A_514 = tpu.memref_squeeze %dma_wait3A_513 : memref<1x80x128xbf16, #tpu.memory_space<vmem>> -> memref<80x128xbf16, #tpu.memory_space<vmem>>
      %dma_wait3A_515 = arith.constant 0 : i32
      %dma_wait3A_516 = arith.constant 0 : i32
      %dma_wait3A_517 = tpu.memref_slice %arg4[%dma_wait3A_515, %dma_wait3A_516] : memref<80000x128xbf16, #tpu.memory_space<hbm>> -> memref<80x128xbf16, #tpu.memory_space<hbm>>
      tpu.wait_dma2 semaphore(%dma_wait3A_510 : memref<!tpu.dma_semaphore, #tpu.memory_space<semaphore_mem>>) src(%dma_wait3A_517 : memref<80x128xbf16, #tpu.memory_space<hbm>>) dst(%dma_wait3A_514 : memref<80x128xbf16, #tpu.memory_space<vmem>>)
      %dma_start3A_518 = arith.constant 2 : i32
      %dma_start3A_519 = arith.constant 2 : i32
      %dma_start3A_520 = arith.constant 0 : i32
      %dma_start3A_521 = arith.constant 0 : i32
      %dma_start3A_522 = tpu.memref_slice %arg8[%dma_start3A_518, %dma_start3A_520, %dma_start3A_521] : memref<5x80x128xbf16, #tpu.memory_space<vmem>> -> memref<1x80x128xbf16, #tpu.memory_space<vmem>>
      %dma_start3A_523 = tpu.memref_squeeze %dma_start3A_522 : memref<1x80x128xbf16, #tpu.memory_space<vmem>> -> memref<80x128xbf16, #tpu.memory_space<vmem>>
      %dma_start3A_524 = arith.constant 0 : i32
      %dma_start3A_525 = tpu.memref_slice %arg7[%add3A_499, %dma_start3A_524] : memref<125x80xi32, #tpu.memory_space<vmem>> -> memref<1x80xi32, #tpu.memory_space<vmem>>
      %dma_start3A_526 = tpu.memref_squeeze %dma_start3A_525 : memref<1x80xi32, #tpu.memory_space<vmem>> -> memref<80xi32, #tpu.memory_space<vmem>>
      %dma_start3A_527 = arith.constant 0 : i32
      %dma_start3A_528 = arith.constant 0 : i32
      %dma_start3A_529 = tpu.memref_slice %arg9[%dma_start3A_527, %dma_start3A_528] : memref<10000x128xbf16, #tpu.memory_space<vmem_shared>> -> memref<10000x128xbf16, #tpu.memory_space<vmem_shared>>
      %dma_start3A_530 = tpu.memref_slice %arg11[%dma_start3A_519] : memref<5x!tpu.dma_semaphore, #tpu.memory_space<semaphore_mem>> -> memref<1x!tpu.dma_semaphore, #tpu.memory_space<semaphore_mem>>
      %dma_start3A_531 = tpu.memref_squeeze %dma_start3A_530 : memref<1x!tpu.dma_semaphore, #tpu.memory_space<semaphore_mem>> -> memref<!tpu.dma_semaphore, #tpu.memory_space<semaphore_mem>>
      tpu.enqueue_indirect_dma source(%dma_start3A_523 : memref<80x128xbf16, #tpu.memory_space<vmem>>) target(%dma_start3A_529 : memref<10000x128xbf16, #tpu.memory_space<vmem_shared>>) offsets(%dma_start3A_526 : memref<80xi32, #tpu.memory_space<vmem>>) semaphore(%dma_start3A_531 : memref<!tpu.dma_semaphore, #tpu.memory_space<semaphore_mem>>) {add = true}
      %ge3A_532 = arith.constant 1 : i32
      %ge3A_533 = arith.cmpi sge, %add3A_499, %ge3A_532 : i32
      %convert_element_type3A_534 = arith.extui %ge3A_533 : i1 to i32
      %cond3A_535 = arith.constant 0 : i32
      %cond3A_536 = arith.cmpi ne, %convert_element_type3A_534, %cond3A_535 : i32
      scf.if %cond3A_536 {
        %dma_wait3A_641 = arith.constant 1 : i32
        %dma_wait3A_642 = arith.constant 1 : i32
        %dma_wait3A_643 = arith.constant 0 : i32
        %dma_wait3A_644 = arith.constant 0 : i32
        %dma_wait3A_645 = tpu.memref_slice %arg8[%dma_wait3A_641, %dma_wait3A_643, %dma_wait3A_644] : memref<5x80x128xbf16, #tpu.memory_space<vmem>> -> memref<1x80x128xbf16, #tpu.memory_space<vmem>>
        %dma_wait3A_646 = tpu.memref_squeeze %dma_wait3A_645 : memref<1x80x128xbf16, #tpu.memory_space<vmem>> -> memref<80x128xbf16, #tpu.memory_space<vmem>>
        %dma_wait3A_647 = arith.constant 0 : i32
        %dma_wait3A_648 = arith.constant 0 : i32
        %dma_wait3A_649 = tpu.memref_slice %arg9[%dma_wait3A_647, %dma_wait3A_648] : memref<10000x128xbf16, #tpu.memory_space<vmem_shared>> -> memref<80x128xbf16, #tpu.memory_space<vmem_shared>>
        %dma_wait3A_650 = tpu.memref_slice %arg11[%dma_wait3A_642] : memref<5x!tpu.dma_semaphore, #tpu.memory_space<semaphore_mem>> -> memref<1x!tpu.dma_semaphore, #tpu.memory_space<semaphore_mem>>
        %dma_wait3A_651 = tpu.memref_squeeze %dma_wait3A_650 : memref<1x!tpu.dma_semaphore, #tpu.memory_space<semaphore_mem>> -> memref<!tpu.dma_semaphore, #tpu.memory_space<semaphore_mem>>
        %dma_wait3A_652 = arith.constant 0 : i32
        %dma_wait3A_653 = arith.constant 0 : i32
        %dma_wait3A_654 = tpu.memref_slice %arg9[%dma_wait3A_652, %dma_wait3A_653] : memref<10000x128xbf16, #tpu.memory_space<vmem_shared>> -> memref<80x128xbf16, #tpu.memory_space<vmem_shared>>
        %dma_wait3A_655 = arith.constant 0 : i32
        %dma_wait3A_656 = arith.constant 0 : i32
        %dma_wait3A_657 = tpu.memref_slice %arg8[%dma_wait3A_641, %dma_wait3A_655, %dma_wait3A_656] : memref<5x80x128xbf16, #tpu.memory_space<vmem>> -> memref<1x80x128xbf16, #tpu.memory_space<vmem>>
        %dma_wait3A_658 = tpu.memref_squeeze %dma_wait3A_657 : memref<1x80x128xbf16, #tpu.memory_space<vmem>> -> memref<80x128xbf16, #tpu.memory_space<vmem>>
        tpu.wait_dma2 semaphore(%dma_wait3A_651 : memref<!tpu.dma_semaphore, #tpu.memory_space<semaphore_mem>>) src(%dma_wait3A_658 : memref<80x128xbf16, #tpu.memory_space<vmem>>) dst(%dma_wait3A_654 : memref<80x128xbf16, #tpu.memory_space<vmem_shared>>)
      } else {
      }
      %add3A_537 = arith.constant 4 : i32
      %add3A_538 = arith.addi %add3A_499, %add3A_537 : i32
      %lt3A_539 = arith.constant 125 : i32
      %lt3A_540 = arith.cmpi slt, %add3A_538, %lt3A_539 : i32
      %convert_element_type3A_541 = arith.extui %lt3A_540 : i1 to i32
      %cond3A_542 = arith.constant 0 : i32
      %cond3A_543 = arith.cmpi ne, %convert_element_type3A_541, %cond3A_542 : i32
      scf.if %cond3A_543 {
        %add3A_641 = arith.constant 4 : i32
        %add3A_642 = arith.addi %add3A_499, %add3A_641 : i32
        %mul3A_643 = arith.constant 80 : i32
        %mul3A_644 = arith.muli %add3A_642, %mul3A_643 : i32
        %dma_start3A_645 = arith.constant 1 : i32
        %dma_start3A_646 = arith.constant 1 : i32
        %dma_start3A_647 = arith.constant 0 : i32
        %dma_start3A_648 = arith.constant 0 : i32
        %dma_start3A_649 = tpu.memref_slice %arg8[%dma_start3A_645, %dma_start3A_647, %dma_start3A_648] : memref<5x80x128xbf16, #tpu.memory_space<vmem>> -> memref<1x80x128xbf16, #tpu.memory_space<vmem>>
        %dma_start3A_650 = tpu.memref_squeeze %dma_start3A_649 : memref<1x80x128xbf16, #tpu.memory_space<vmem>> -> memref<80x128xbf16, #tpu.memory_space<vmem>>
        %dma_start3A_651 = tpu.memref_slice %arg6[%mul3A_644] : memref<10000xi32, #tpu.memory_space<vmem>> -> memref<80xi32, #tpu.memory_space<vmem>>
        %dma_start3A_652 = arith.constant 0 : i32
        %dma_start3A_653 = arith.constant 0 : i32
        %dma_start3A_654 = tpu.memref_slice %arg4[%dma_start3A_652, %dma_start3A_653] : memref<80000x128xbf16, #tpu.memory_space<hbm>> -> memref<80000x128xbf16, #tpu.memory_space<hbm>>
        %dma_start3A_655 = tpu.memref_slice %arg10[%dma_start3A_646] : memref<5x!tpu.dma_semaphore, #tpu.memory_space<semaphore_mem>> -> memref<1x!tpu.dma_semaphore, #tpu.memory_space<semaphore_mem>>
        %dma_start3A_656 = tpu.memref_squeeze %dma_start3A_655 : memref<1x!tpu.dma_semaphore, #tpu.memory_space<semaphore_mem>> -> memref<!tpu.dma_semaphore, #tpu.memory_space<semaphore_mem>>
        tpu.enqueue_indirect_dma source(%dma_start3A_654 : memref<80000x128xbf16, #tpu.memory_space<hbm>>) target(%dma_start3A_650 : memref<80x128xbf16, #tpu.memory_space<vmem>>) offsets(%dma_start3A_651 : memref<80xi32, #tpu.memory_space<vmem>>) semaphore(%dma_start3A_656 : memref<!tpu.dma_semaphore, #tpu.memory_space<semaphore_mem>>)
      } else {
      }
      %mul3A_544 = arith.constant 5 : i32
      %mul3A_545 = arith.muli %scan3A_402, %mul3A_544 : i32
      %add3A_546 = arith.constant 3 : i32
      %add3A_547 = arith.addi %mul3A_545, %add3A_546 : i32
      %dma_wait3A_548 = arith.constant 3 : i32
      %dma_wait3A_549 = arith.constant 3 : i32
      %dma_wait3A_550 = arith.constant 0 : i32
      %dma_wait3A_551 = arith.constant 0 : i32
      %dma_wait3A_552 = tpu.memref_slice %arg8[%dma_wait3A_548, %dma_wait3A_550, %dma_wait3A_551] : memref<5x80x128xbf16, #tpu.memory_space<vmem>> -> memref<1x80x128xbf16, #tpu.memory_space<vmem>>
      %dma_wait3A_553 = tpu.memref_squeeze %dma_wait3A_552 : memref<1x80x128xbf16, #tpu.memory_space<vmem>> -> memref<80x128xbf16, #tpu.memory_space<vmem>>
      %dma_wait3A_554 = arith.constant 0 : i32
      %dma_wait3A_555 = arith.constant 0 : i32
      %dma_wait3A_556 = tpu.memref_slice %arg4[%dma_wait3A_554, %dma_wait3A_555] : memref<80000x128xbf16, #tpu.memory_space<hbm>> -> memref<80x128xbf16, #tpu.memory_space<hbm>>
      %dma_wait3A_557 = tpu.memref_slice %arg10[%dma_wait3A_549] : memref<5x!tpu.dma_semaphore, #tpu.memory_space<semaphore_mem>> -> memref<1x!tpu.dma_semaphore, #tpu.memory_space<semaphore_mem>>
      %dma_wait3A_558 = tpu.memref_squeeze %dma_wait3A_557 : memref<1x!tpu.dma_semaphore, #tpu.memory_space<semaphore_mem>> -> memref<!tpu.dma_semaphore, #tpu.memory_space<semaphore_mem>>
      %dma_wait3A_559 = arith.constant 0 : i32
      %dma_wait3A_560 = arith.constant 0 : i32
      %dma_wait3A_561 = tpu.memref_slice %arg8[%dma_wait3A_548, %dma_wait3A_559, %dma_wait3A_560] : memref<5x80x128xbf16, #tpu.memory_space<vmem>> -> memref<1x80x128xbf16, #tpu.memory_space<vmem>>
      %dma_wait3A_562 = tpu.memref_squeeze %dma_wait3A_561 : memref<1x80x128xbf16, #tpu.memory_space<vmem>> -> memref<80x128xbf16, #tpu.memory_space<vmem>>
      %dma_wait3A_563 = arith.constant 0 : i32
      %dma_wait3A_564 = arith.constant 0 : i32
      %dma_wait3A_565 = tpu.memref_slice %arg4[%dma_wait3A_563, %dma_wait3A_564] : memref<80000x128xbf16, #tpu.memory_space<hbm>> -> memref<80x128xbf16, #tpu.memory_space<hbm>>
      tpu.wait_dma2 semaphore(%dma_wait3A_558 : memref<!tpu.dma_semaphore, #tpu.memory_space<semaphore_mem>>) src(%dma_wait3A_565 : memref<80x128xbf16, #tpu.memory_space<hbm>>) dst(%dma_wait3A_562 : memref<80x128xbf16, #tpu.memory_space<vmem>>)
      %dma_start3A_566 = arith.constant 3 : i32
      %dma_start3A_567 = arith.constant 3 : i32
      %dma_start3A_568 = arith.constant 0 : i32
      %dma_start3A_569 = arith.constant 0 : i32
      %dma_start3A_570 = tpu.memref_slice %arg8[%dma_start3A_566, %dma_start3A_568, %dma_start3A_569] : memref<5x80x128xbf16, #tpu.memory_space<vmem>> -> memref<1x80x128xbf16, #tpu.memory_space<vmem>>
      %dma_start3A_571 = tpu.memref_squeeze %dma_start3A_570 : memref<1x80x128xbf16, #tpu.memory_space<vmem>> -> memref<80x128xbf16, #tpu.memory_space<vmem>>
      %dma_start3A_572 = arith.constant 0 : i32
      %dma_start3A_573 = tpu.memref_slice %arg7[%add3A_547, %dma_start3A_572] : memref<125x80xi32, #tpu.memory_space<vmem>> -> memref<1x80xi32, #tpu.memory_space<vmem>>
      %dma_start3A_574 = tpu.memref_squeeze %dma_start3A_573 : memref<1x80xi32, #tpu.memory_space<vmem>> -> memref<80xi32, #tpu.memory_space<vmem>>
      %dma_start3A_575 = arith.constant 0 : i32
      %dma_start3A_576 = arith.constant 0 : i32
      %dma_start3A_577 = tpu.memref_slice %arg9[%dma_start3A_575, %dma_start3A_576] : memref<10000x128xbf16, #tpu.memory_space<vmem_shared>> -> memref<10000x128xbf16, #tpu.memory_space<vmem_shared>>
      %dma_start3A_578 = tpu.memref_slice %arg11[%dma_start3A_567] : memref<5x!tpu.dma_semaphore, #tpu.memory_space<semaphore_mem>> -> memref<1x!tpu.dma_semaphore, #tpu.memory_space<semaphore_mem>>
      %dma_start3A_579 = tpu.memref_squeeze %dma_start3A_578 : memref<1x!tpu.dma_semaphore, #tpu.memory_space<semaphore_mem>> -> memref<!tpu.dma_semaphore, #tpu.memory_space<semaphore_mem>>
      tpu.enqueue_indirect_dma source(%dma_start3A_571 : memref<80x128xbf16, #tpu.memory_space<vmem>>) target(%dma_start3A_577 : memref<10000x128xbf16, #tpu.memory_space<vmem_shared>>) offsets(%dma_start3A_574 : memref<80xi32, #tpu.memory_space<vmem>>) semaphore(%dma_start3A_579 : memref<!tpu.dma_semaphore, #tpu.memory_space<semaphore_mem>>) {add = true}
      %ge3A_580 = arith.constant 1 : i32
      %ge3A_581 = arith.cmpi sge, %add3A_547, %ge3A_580 : i32
      %convert_element_type3A_582 = arith.extui %ge3A_581 : i1 to i32
      %cond3A_583 = arith.constant 0 : i32
      %cond3A_584 = arith.cmpi ne, %convert_element_type3A_582, %cond3A_583 : i32
      scf.if %cond3A_584 {
        %dma_wait3A_641 = arith.constant 2 : i32
        %dma_wait3A_642 = arith.constant 2 : i32
        %dma_wait3A_643 = arith.constant 0 : i32
        %dma_wait3A_644 = arith.constant 0 : i32
        %dma_wait3A_645 = tpu.memref_slice %arg8[%dma_wait3A_641, %dma_wait3A_643, %dma_wait3A_644] : memref<5x80x128xbf16, #tpu.memory_space<vmem>> -> memref<1x80x128xbf16, #tpu.memory_space<vmem>>
        %dma_wait3A_646 = tpu.memref_squeeze %dma_wait3A_645 : memref<1x80x128xbf16, #tpu.memory_space<vmem>> -> memref<80x128xbf16, #tpu.memory_space<vmem>>
        %dma_wait3A_647 = arith.constant 0 : i32
        %dma_wait3A_648 = arith.constant 0 : i32
        %dma_wait3A_649 = tpu.memref_slice %arg9[%dma_wait3A_647, %dma_wait3A_648] : memref<10000x128xbf16, #tpu.memory_space<vmem_shared>> -> memref<80x128xbf16, #tpu.memory_space<vmem_shared>>
        %dma_wait3A_650 = tpu.memref_slice %arg11[%dma_wait3A_642] : memref<5x!tpu.dma_semaphore, #tpu.memory_space<semaphore_mem>> -> memref<1x!tpu.dma_semaphore, #tpu.memory_space<semaphore_mem>>
        %dma_wait3A_651 = tpu.memref_squeeze %dma_wait3A_650 : memref<1x!tpu.dma_semaphore, #tpu.memory_space<semaphore_mem>> -> memref<!tpu.dma_semaphore, #tpu.memory_space<semaphore_mem>>
        %dma_wait3A_652 = arith.constant 0 : i32
        %dma_wait3A_653 = arith.constant 0 : i32
        %dma_wait3A_654 = tpu.memref_slice %arg9[%dma_wait3A_652, %dma_wait3A_653] : memref<10000x128xbf16, #tpu.memory_space<vmem_shared>> -> memref<80x128xbf16, #tpu.memory_space<vmem_shared>>
        %dma_wait3A_655 = arith.constant 0 : i32
        %dma_wait3A_656 = arith.constant 0 : i32
        %dma_wait3A_657 = tpu.memref_slice %arg8[%dma_wait3A_641, %dma_wait3A_655, %dma_wait3A_656] : memref<5x80x128xbf16, #tpu.memory_space<vmem>> -> memref<1x80x128xbf16, #tpu.memory_space<vmem>>
        %dma_wait3A_658 = tpu.memref_squeeze %dma_wait3A_657 : memref<1x80x128xbf16, #tpu.memory_space<vmem>> -> memref<80x128xbf16, #tpu.memory_space<vmem>>
        tpu.wait_dma2 semaphore(%dma_wait3A_651 : memref<!tpu.dma_semaphore, #tpu.memory_space<semaphore_mem>>) src(%dma_wait3A_658 : memref<80x128xbf16, #tpu.memory_space<vmem>>) dst(%dma_wait3A_654 : memref<80x128xbf16, #tpu.memory_space<vmem_shared>>)
      } else {
      }
      %add3A_585 = arith.constant 4 : i32
      %add3A_586 = arith.addi %add3A_547, %add3A_585 : i32
      %lt3A_587 = arith.constant 125 : i32
      %lt3A_588 = arith.cmpi slt, %add3A_586, %lt3A_587 : i32
      %convert_element_type3A_589 = arith.extui %lt3A_588 : i1 to i32
      %cond3A_590 = arith.constant 0 : i32
      %cond3A_591 = arith.cmpi ne, %convert_element_type3A_589, %cond3A_590 : i32
      scf.if %cond3A_591 {
        %add3A_641 = arith.constant 4 : i32
        %add3A_642 = arith.addi %add3A_547, %add3A_641 : i32
        %mul3A_643 = arith.constant 80 : i32
        %mul3A_644 = arith.muli %add3A_642, %mul3A_643 : i32
        %dma_start3A_645 = arith.constant 2 : i32
        %dma_start3A_646 = arith.constant 2 : i32
        %dma_start3A_647 = arith.constant 0 : i32
        %dma_start3A_648 = arith.constant 0 : i32
        %dma_start3A_649 = tpu.memref_slice %arg8[%dma_start3A_645, %dma_start3A_647, %dma_start3A_648] : memref<5x80x128xbf16, #tpu.memory_space<vmem>> -> memref<1x80x128xbf16, #tpu.memory_space<vmem>>
        %dma_start3A_650 = tpu.memref_squeeze %dma_start3A_649 : memref<1x80x128xbf16, #tpu.memory_space<vmem>> -> memref<80x128xbf16, #tpu.memory_space<vmem>>
        %dma_start3A_651 = tpu.memref_slice %arg6[%mul3A_644] : memref<10000xi32, #tpu.memory_space<vmem>> -> memref<80xi32, #tpu.memory_space<vmem>>
        %dma_start3A_652 = arith.constant 0 : i32
        %dma_start3A_653 = arith.constant 0 : i32
        %dma_start3A_654 = tpu.memref_slice %arg4[%dma_start3A_652, %dma_start3A_653] : memref<80000x128xbf16, #tpu.memory_space<hbm>> -> memref<80000x128xbf16, #tpu.memory_space<hbm>>
        %dma_start3A_655 = tpu.memref_slice %arg10[%dma_start3A_646] : memref<5x!tpu.dma_semaphore, #tpu.memory_space<semaphore_mem>> -> memref<1x!tpu.dma_semaphore, #tpu.memory_space<semaphore_mem>>
        %dma_start3A_656 = tpu.memref_squeeze %dma_start3A_655 : memref<1x!tpu.dma_semaphore, #tpu.memory_space<semaphore_mem>> -> memref<!tpu.dma_semaphore, #tpu.memory_space<semaphore_mem>>
        tpu.enqueue_indirect_dma source(%dma_start3A_654 : memref<80000x128xbf16, #tpu.memory_space<hbm>>) target(%dma_start3A_650 : memref<80x128xbf16, #tpu.memory_space<vmem>>) offsets(%dma_start3A_651 : memref<80xi32, #tpu.memory_space<vmem>>) semaphore(%dma_start3A_656 : memref<!tpu.dma_semaphore, #tpu.memory_space<semaphore_mem>>)
      } else {
      }
      %mul3A_592 = arith.constant 5 : i32
      %mul3A_593 = arith.muli %scan3A_402, %mul3A_592 : i32
      %add3A_594 = arith.constant 4 : i32
      %add3A_595 = arith.addi %mul3A_593, %add3A_594 : i32
      %dma_wait3A_596 = arith.constant 4 : i32
      %dma_wait3A_597 = arith.constant 4 : i32
      %dma_wait3A_598 = arith.constant 0 : i32
      %dma_wait3A_599 = arith.constant 0 : i32
      %dma_wait3A_600 = tpu.memref_slice %arg8[%dma_wait3A_596, %dma_wait3A_598, %dma_wait3A_599] : memref<5x80x128xbf16, #tpu.memory_space<vmem>> -> memref<1x80x128xbf16, #tpu.memory_space<vmem>>
      %dma_wait3A_601 = tpu.memref_squeeze %dma_wait3A_600 : memref<1x80x128xbf16, #tpu.memory_space<vmem>> -> memref<80x128xbf16, #tpu.memory_space<vmem>>
      %dma_wait3A_602 = arith.constant 0 : i32
      %dma_wait3A_603 = arith.constant 0 : i32
      %dma_wait3A_604 = tpu.memref_slice %arg4[%dma_wait3A_602, %dma_wait3A_603] : memref<80000x128xbf16, #tpu.memory_space<hbm>> -> memref<80x128xbf16, #tpu.memory_space<hbm>>
      %dma_wait3A_605 = tpu.memref_slice %arg10[%dma_wait3A_597] : memref<5x!tpu.dma_semaphore, #tpu.memory_space<semaphore_mem>> -> memref<1x!tpu.dma_semaphore, #tpu.memory_space<semaphore_mem>>
      %dma_wait3A_606 = tpu.memref_squeeze %dma_wait3A_605 : memref<1x!tpu.dma_semaphore, #tpu.memory_space<semaphore_mem>> -> memref<!tpu.dma_semaphore, #tpu.memory_space<semaphore_mem>>
      %dma_wait3A_607 = arith.constant 0 : i32
      %dma_wait3A_608 = arith.constant 0 : i32
      %dma_wait3A_609 = tpu.memref_slice %arg8[%dma_wait3A_596, %dma_wait3A_607, %dma_wait3A_608] : memref<5x80x128xbf16, #tpu.memory_space<vmem>> -> memref<1x80x128xbf16, #tpu.memory_space<vmem>>
      %dma_wait3A_610 = tpu.memref_squeeze %dma_wait3A_609 : memref<1x80x128xbf16, #tpu.memory_space<vmem>> -> memref<80x128xbf16, #tpu.memory_space<vmem>>
      %dma_wait3A_611 = arith.constant 0 : i32
      %dma_wait3A_612 = arith.constant 0 : i32
      %dma_wait3A_613 = tpu.memref_slice %arg4[%dma_wait3A_611, %dma_wait3A_612] : memref<80000x128xbf16, #tpu.memory_space<hbm>> -> memref<80x128xbf16, #tpu.memory_space<hbm>>
      tpu.wait_dma2 semaphore(%dma_wait3A_606 : memref<!tpu.dma_semaphore, #tpu.memory_space<semaphore_mem>>) src(%dma_wait3A_613 : memref<80x128xbf16, #tpu.memory_space<hbm>>) dst(%dma_wait3A_610 : memref<80x128xbf16, #tpu.memory_space<vmem>>)
      %dma_start3A_614 = arith.constant 4 : i32
      %dma_start3A_615 = arith.constant 4 : i32
      %dma_start3A_616 = arith.constant 0 : i32
      %dma_start3A_617 = arith.constant 0 : i32
      %dma_start3A_618 = tpu.memref_slice %arg8[%dma_start3A_614, %dma_start3A_616, %dma_start3A_617] : memref<5x80x128xbf16, #tpu.memory_space<vmem>> -> memref<1x80x128xbf16, #tpu.memory_space<vmem>>
      %dma_start3A_619 = tpu.memref_squeeze %dma_start3A_618 : memref<1x80x128xbf16, #tpu.memory_space<vmem>> -> memref<80x128xbf16, #tpu.memory_space<vmem>>
      %dma_start3A_620 = arith.constant 0 : i32
      %dma_start3A_621 = tpu.memref_slice %arg7[%add3A_595, %dma_start3A_620] : memref<125x80xi32, #tpu.memory_space<vmem>> -> memref<1x80xi32, #tpu.memory_space<vmem>>
      %dma_start3A_622 = tpu.memref_squeeze %dma_start3A_621 : memref<1x80xi32, #tpu.memory_space<vmem>> -> memref<80xi32, #tpu.memory_space<vmem>>
      %dma_start3A_623 = arith.constant 0 : i32
      %dma_start3A_624 = arith.constant 0 : i32
      %dma_start3A_625 = tpu.memref_slice %arg9[%dma_start3A_623, %dma_start3A_624] : memref<10000x128xbf16, #tpu.memory_space<vmem_shared>> -> memref<10000x128xbf16, #tpu.memory_space<vmem_shared>>
      %dma_start3A_626 = tpu.memref_slice %arg11[%dma_start3A_615] : memref<5x!tpu.dma_semaphore, #tpu.memory_space<semaphore_mem>> -> memref<1x!tpu.dma_semaphore, #tpu.memory_space<semaphore_mem>>
      %dma_start3A_627 = tpu.memref_squeeze %dma_start3A_626 : memref<1x!tpu.dma_semaphore, #tpu.memory_space<semaphore_mem>> -> memref<!tpu.dma_semaphore, #tpu.memory_space<semaphore_mem>>
      tpu.enqueue_indirect_dma source(%dma_start3A_619 : memref<80x128xbf16, #tpu.memory_space<vmem>>) target(%dma_start3A_625 : memref<10000x128xbf16, #tpu.memory_space<vmem_shared>>) offsets(%dma_start3A_622 : memref<80xi32, #tpu.memory_space<vmem>>) semaphore(%dma_start3A_627 : memref<!tpu.dma_semaphore, #tpu.memory_space<semaphore_mem>>) {add = true}
      %ge3A_628 = arith.constant 1 : i32
      %ge3A_629 = arith.cmpi sge, %add3A_595, %ge3A_628 : i32
      %convert_element_type3A_630 = arith.extui %ge3A_629 : i1 to i32
      %cond3A_631 = arith.constant 0 : i32
      %cond3A_632 = arith.cmpi ne, %convert_element_type3A_630, %cond3A_631 : i32
      scf.if %cond3A_632 {
        %dma_wait3A_641 = arith.constant 3 : i32
        %dma_wait3A_642 = arith.constant 3 : i32
        %dma_wait3A_643 = arith.constant 0 : i32
        %dma_wait3A_644 = arith.constant 0 : i32
        %dma_wait3A_645 = tpu.memref_slice %arg8[%dma_wait3A_641, %dma_wait3A_643, %dma_wait3A_644] : memref<5x80x128xbf16, #tpu.memory_space<vmem>> -> memref<1x80x128xbf16, #tpu.memory_space<vmem>>
        %dma_wait3A_646 = tpu.memref_squeeze %dma_wait3A_645 : memref<1x80x128xbf16, #tpu.memory_space<vmem>> -> memref<80x128xbf16, #tpu.memory_space<vmem>>
        %dma_wait3A_647 = arith.constant 0 : i32
        %dma_wait3A_648 = arith.constant 0 : i32
        %dma_wait3A_649 = tpu.memref_slice %arg9[%dma_wait3A_647, %dma_wait3A_648] : memref<10000x128xbf16, #tpu.memory_space<vmem_shared>> -> memref<80x128xbf16, #tpu.memory_space<vmem_shared>>
        %dma_wait3A_650 = tpu.memref_slice %arg11[%dma_wait3A_642] : memref<5x!tpu.dma_semaphore, #tpu.memory_space<semaphore_mem>> -> memref<1x!tpu.dma_semaphore, #tpu.memory_space<semaphore_mem>>
        %dma_wait3A_651 = tpu.memref_squeeze %dma_wait3A_650 : memref<1x!tpu.dma_semaphore, #tpu.memory_space<semaphore_mem>> -> memref<!tpu.dma_semaphore, #tpu.memory_space<semaphore_mem>>
        %dma_wait3A_652 = arith.constant 0 : i32
        %dma_wait3A_653 = arith.constant 0 : i32
        %dma_wait3A_654 = tpu.memref_slice %arg9[%dma_wait3A_652, %dma_wait3A_653] : memref<10000x128xbf16, #tpu.memory_space<vmem_shared>> -> memref<80x128xbf16, #tpu.memory_space<vmem_shared>>
        %dma_wait3A_655 = arith.constant 0 : i32
        %dma_wait3A_656 = arith.constant 0 : i32
        %dma_wait3A_657 = tpu.memref_slice %arg8[%dma_wait3A_641, %dma_wait3A_655, %dma_wait3A_656] : memref<5x80x128xbf16, #tpu.memory_space<vmem>> -> memref<1x80x128xbf16, #tpu.memory_space<vmem>>
        %dma_wait3A_658 = tpu.memref_squeeze %dma_wait3A_657 : memref<1x80x128xbf16, #tpu.memory_space<vmem>> -> memref<80x128xbf16, #tpu.memory_space<vmem>>
        tpu.wait_dma2 semaphore(%dma_wait3A_651 : memref<!tpu.dma_semaphore, #tpu.memory_space<semaphore_mem>>) src(%dma_wait3A_658 : memref<80x128xbf16, #tpu.memory_space<vmem>>) dst(%dma_wait3A_654 : memref<80x128xbf16, #tpu.memory_space<vmem_shared>>)
      } else {
      }
      %add3A_633 = arith.constant 4 : i32
      %add3A_634 = arith.addi %add3A_595, %add3A_633 : i32
      %lt3A_635 = arith.constant 125 : i32
      %lt3A_636 = arith.cmpi slt, %add3A_634, %lt3A_635 : i32
      %convert_element_type3A_637 = arith.extui %lt3A_636 : i1 to i32
      %cond3A_638 = arith.constant 0 : i32
      %cond3A_639 = arith.cmpi ne, %convert_element_type3A_637, %cond3A_638 : i32
      scf.if %cond3A_639 {
        %add3A_641 = arith.constant 4 : i32
        %add3A_642 = arith.addi %add3A_595, %add3A_641 : i32
        %mul3A_643 = arith.constant 80 : i32
        %mul3A_644 = arith.muli %add3A_642, %mul3A_643 : i32
        %dma_start3A_645 = arith.constant 3 : i32
        %dma_start3A_646 = arith.constant 3 : i32
        %dma_start3A_647 = arith.constant 0 : i32
        %dma_start3A_648 = arith.constant 0 : i32
        %dma_start3A_649 = tpu.memref_slice %arg8[%dma_start3A_645, %dma_start3A_647, %dma_start3A_648] : memref<5x80x128xbf16, #tpu.memory_space<vmem>> -> memref<1x80x128xbf16, #tpu.memory_space<vmem>>
        %dma_start3A_650 = tpu.memref_squeeze %dma_start3A_649 : memref<1x80x128xbf16, #tpu.memory_space<vmem>> -> memref<80x128xbf16, #tpu.memory_space<vmem>>
        %dma_start3A_651 = tpu.memref_slice %arg6[%mul3A_644] : memref<10000xi32, #tpu.memory_space<vmem>> -> memref<80xi32, #tpu.memory_space<vmem>>
        %dma_start3A_652 = arith.constant 0 : i32
        %dma_start3A_653 = arith.constant 0 : i32
        %dma_start3A_654 = tpu.memref_slice %arg4[%dma_start3A_652, %dma_start3A_653] : memref<80000x128xbf16, #tpu.memory_space<hbm>> -> memref<80000x128xbf16, #tpu.memory_space<hbm>>
        %dma_start3A_655 = tpu.memref_slice %arg10[%dma_start3A_646] : memref<5x!tpu.dma_semaphore, #tpu.memory_space<semaphore_mem>> -> memref<1x!tpu.dma_semaphore, #tpu.memory_space<semaphore_mem>>
        %dma_start3A_656 = tpu.memref_squeeze %dma_start3A_655 : memref<1x!tpu.dma_semaphore, #tpu.memory_space<semaphore_mem>> -> memref<!tpu.dma_semaphore, #tpu.memory_space<semaphore_mem>>
        tpu.enqueue_indirect_dma source(%dma_start3A_654 : memref<80000x128xbf16, #tpu.memory_space<hbm>>) target(%dma_start3A_650 : memref<80x128xbf16, #tpu.memory_space<vmem>>) offsets(%dma_start3A_651 : memref<80xi32, #tpu.memory_space<vmem>>) semaphore(%dma_start3A_656 : memref<!tpu.dma_semaphore, #tpu.memory_space<semaphore_mem>>)
      } else {
      }
      %scan3A_640 = arith.constant 0 : i32
      scf.yield %scan3A_640 : i32
    }
    %scan3A_70 = arith.constant 25 : i32
    %dma_wait3A = arith.constant 4 : i32
    %dma_wait3A_71 = arith.constant 4 : i32
    %dma_wait3A_72 = arith.constant 0 : i32
    %dma_wait3A_73 = arith.constant 0 : i32
    %dma_wait3A_74 = tpu.memref_slice %arg8[%dma_wait3A, %dma_wait3A_72, %dma_wait3A_73] : memref<5x80x128xbf16, #tpu.memory_space<vmem>> -> memref<1x80x128xbf16, #tpu.memory_space<vmem>>
    %dma_wait3A_75 = tpu.memref_squeeze %dma_wait3A_74 : memref<1x80x128xbf16, #tpu.memory_space<vmem>> -> memref<80x128xbf16, #tpu.memory_space<vmem>>
    %dma_wait3A_76 = arith.constant 0 : i32
    %dma_wait3A_77 = arith.constant 0 : i32
    %dma_wait3A_78 = tpu.memref_slice %arg9[%dma_wait3A_76, %dma_wait3A_77] : memref<10000x128xbf16, #tpu.memory_space<vmem_shared>> -> memref<80x128xbf16, #tpu.memory_space<vmem_shared>>
    %dma_wait3A_79 = tpu.memref_slice %arg11[%dma_wait3A_71] : memref<5x!tpu.dma_semaphore, #tpu.memory_space<semaphore_mem>> -> memref<1x!tpu.dma_semaphore, #tpu.memory_space<semaphore_mem>>
    %dma_wait3A_80 = tpu.memref_squeeze %dma_wait3A_79 : memref<1x!tpu.dma_semaphore, #tpu.memory_space<semaphore_mem>> -> memref<!tpu.dma_semaphore, #tpu.memory_space<semaphore_mem>>
    %dma_wait3A_81 = arith.constant 0 : i32
    %dma_wait3A_82 = arith.constant 0 : i32
    %dma_wait3A_83 = tpu.memref_slice %arg9[%dma_wait3A_81, %dma_wait3A_82] : memref<10000x128xbf16, #tpu.memory_space<vmem_shared>> -> memref<80x128xbf16, #tpu.memory_space<vmem_shared>>
    %dma_wait3A_84 = arith.constant 0 : i32
    %dma_wait3A_85 = arith.constant 0 : i32
    %dma_wait3A_86 = tpu.memref_slice %arg8[%dma_wait3A, %dma_wait3A_84, %dma_wait3A_85] : memref<5x80x128xbf16, #tpu.memory_space<vmem>> -> memref<1x80x128xbf16, #tpu.memory_space<vmem>>
    %dma_wait3A_87 = tpu.memref_squeeze %dma_wait3A_86 : memref<1x80x128xbf16, #tpu.memory_space<vmem>> -> memref<80x128xbf16, #tpu.memory_space<vmem>>
    tpu.wait_dma2 semaphore(%dma_wait3A_80 : memref<!tpu.dma_semaphore, #tpu.memory_space<semaphore_mem>>) src(%dma_wait3A_87 : memref<80x128xbf16, #tpu.memory_space<vmem>>) dst(%dma_wait3A_83 : memref<80x128xbf16, #tpu.memory_space<vmem_shared>>)
    %barrier3A_88 = arith.constant 0 : index
    tpu.barrier barrier_id(%barrier3A_88)
    %mul3A_89 = arith.constant 625 : i32
    %mul3A_90 = arith.muli %arg1, %mul3A_89 : i32
    %mul3A_91 = arith.constant 10000 : i32
    %mul3A_92 = arith.muli %add3A_1, %mul3A_91 : i32
    %mul3A_93 = arith.constant 625 : i32
    %mul3A_94 = arith.muli %arg1, %mul3A_93 : i32
    %add3A_95 = arith.addi %mul3A_92, %mul3A_94 : i32
    "tpu.region"() ({
      %run_scoped3A = tpu.sem_alloc : memref<!tpu.dma_semaphore, #tpu.memory_space<semaphore_mem>>
      %dma_start3A_402 = arith.constant 0 : i32
      %dma_start3A_403 = tpu.memref_slice %arg5[%add3A_95, %dma_start3A_402] : memref<80000x128xbf16, #tpu.memory_space<hbm>> -> memref<625x128xbf16, #tpu.memory_space<hbm>>
      %dma_start3A_404 = arith.constant 0 : i32
      %dma_start3A_405 = tpu.memref_slice %arg9[%mul3A_90, %dma_start3A_404] : memref<10000x128xbf16, #tpu.memory_space<vmem_shared>> -> memref<625x128xbf16, #tpu.memory_space<vmem_shared>>
      tpu.enqueue_dma source(%dma_start3A_405 : memref<625x128xbf16, #tpu.memory_space<vmem_shared>>) target(%dma_start3A_403 : memref<625x128xbf16, #tpu.memory_space<hbm>>) target_semaphore(%run_scoped3A : memref<!tpu.dma_semaphore, #tpu.memory_space<semaphore_mem>>)
      %dma_wait3A_406 = arith.constant 0 : i32
      %dma_wait3A_407 = tpu.memref_slice %arg5[%add3A_95, %dma_wait3A_406] : memref<80000x128xbf16, #tpu.memory_space<hbm>> -> memref<625x128xbf16, #tpu.memory_space<hbm>>
      %dma_wait3A_408 = arith.constant 0 : i32
      %dma_wait3A_409 = tpu.memref_slice %arg9[%mul3A_90, %dma_wait3A_408] : memref<10000x128xbf16, #tpu.memory_space<vmem_shared>> -> memref<625x128xbf16, #tpu.memory_space<vmem_shared>>
      tpu.wait_dma2 semaphore(%run_scoped3A : memref<!tpu.dma_semaphore, #tpu.memory_space<semaphore_mem>>) src(%dma_wait3A_409 : memref<625x128xbf16, #tpu.memory_space<vmem_shared>>) dst(%dma_wait3A_407 : memref<625x128xbf16, #tpu.memory_space<hbm>>)
      tpu.yield
    }) : () -> ()
    %mul3A_96 = arith.constant 4 : i32
    %mul3A_97 = arith.muli %arg0, %mul3A_96 : i32
    %add3A_98 = arith.constant 1 : i32
    %add3A_99 = arith.addi %mul3A_97, %add3A_98 : i32
    %mul3A_100 = arith.constant 160000 : i32
    %mul3A_101 = arith.muli %add3A_99, %mul3A_100 : i32
    %mul3A_102 = arith.constant 10000 : i32
    %mul3A_103 = arith.muli %arg1, %mul3A_102 : i32
    %add3A_104 = arith.addi %mul3A_101, %mul3A_103 : i32
    "tpu.region"() ({
      %run_scoped3A = tpu.sem_alloc : memref<!tpu.dma_semaphore, #tpu.memory_space<semaphore_mem>>
      %dma_start3A_402 = tpu.memref_slice %arg2[%add3A_104] : memref<1280000xi32, #tpu.memory_space<hbm>> -> memref<10000xi32, #tpu.memory_space<hbm>>
      %dma_start3A_403 = tpu.memref_slice %arg2[%add3A_104] : memref<1280000xi32, #tpu.memory_space<hbm>> -> memref<10000xi32, #tpu.memory_space<hbm>>
      tpu.enqueue_dma source(%dma_start3A_403 : memref<10000xi32, #tpu.memory_space<hbm>>) target(%arg6 : memref<10000xi32, #tpu.memory_space<vmem>>) target_semaphore(%run_scoped3A : memref<!tpu.dma_semaphore, #tpu.memory_space<semaphore_mem>>)
      %dma_wait3A_404 = tpu.memref_slice %arg2[%add3A_104] : memref<1280000xi32, #tpu.memory_space<hbm>> -> memref<10000xi32, #tpu.memory_space<hbm>>
      %dma_wait3A_405 = tpu.memref_slice %arg2[%add3A_104] : memref<1280000xi32, #tpu.memory_space<hbm>> -> memref<10000xi32, #tpu.memory_space<hbm>>
      tpu.wait_dma2 semaphore(%run_scoped3A : memref<!tpu.dma_semaphore, #tpu.memory_space<semaphore_mem>>) src(%dma_wait3A_405 : memref<10000xi32, #tpu.memory_space<hbm>>) dst(%arg6 : memref<10000xi32, #tpu.memory_space<vmem>>)
      tpu.yield
    }) : () -> ()
    "tpu.region"() ({
      %run_scoped3A = tpu.sem_alloc : memref<!tpu.dma_semaphore, #tpu.memory_space<semaphore_mem>>
      %dma_start3A_402 = arith.constant 0 : i32
      %dma_start3A_403 = arith.constant 0 : i32
      %dma_start3A_404 = tpu.memref_slice %arg3[%arg1, %dma_start3A_402, %dma_start3A_403] : memref<16x125x80xi32, #tpu.memory_space<hbm>> -> memref<1x125x80xi32, #tpu.memory_space<hbm>>
      %dma_start3A_405 = tpu.memref_squeeze %dma_start3A_404 : memref<1x125x80xi32, #tpu.memory_space<hbm>> -> memref<125x80xi32, #tpu.memory_space<hbm>>
      %dma_start3A_406 = arith.constant 0 : i32
      %dma_start3A_407 = arith.constant 0 : i32
      %dma_start3A_408 = tpu.memref_slice %arg3[%arg1, %dma_start3A_406, %dma_start3A_407] : memref<16x125x80xi32, #tpu.memory_space<hbm>> -> memref<1x125x80xi32, #tpu.memory_space<hbm>>
      %dma_start3A_409 = tpu.memref_squeeze %dma_start3A_408 : memref<1x125x80xi32, #tpu.memory_space<hbm>> -> memref<125x80xi32, #tpu.memory_space<hbm>>
      tpu.enqueue_dma source(%dma_start3A_409 : memref<125x80xi32, #tpu.memory_space<hbm>>) target(%arg7 : memref<125x80xi32, #tpu.memory_space<vmem>>) target_semaphore(%run_scoped3A : memref<!tpu.dma_semaphore, #tpu.memory_space<semaphore_mem>>)
      %dma_wait3A_410 = arith.constant 0 : i32
      %dma_wait3A_411 = arith.constant 0 : i32
      %dma_wait3A_412 = tpu.memref_slice %arg3[%arg1, %dma_wait3A_410, %dma_wait3A_411] : memref<16x125x80xi32, #tpu.memory_space<hbm>> -> memref<1x125x80xi32, #tpu.memory_space<hbm>>
      %dma_wait3A_413 = tpu.memref_squeeze %dma_wait3A_412 : memref<1x125x80xi32, #tpu.memory_space<hbm>> -> memref<125x80xi32, #tpu.memory_space<hbm>>
      %dma_wait3A_414 = arith.constant 0 : i32
      %dma_wait3A_415 = arith.constant 0 : i32
      %dma_wait3A_416 = tpu.memref_slice %arg3[%arg1, %dma_wait3A_414, %dma_wait3A_415] : memref<16x125x80xi32, #tpu.memory_space<hbm>> -> memref<1x125x80xi32, #tpu.memory_space<hbm>>
      %dma_wait3A_417 = tpu.memref_squeeze %dma_wait3A_416 : memref<1x125x80xi32, #tpu.memory_space<hbm>> -> memref<125x80xi32, #tpu.memory_space<hbm>>
      tpu.wait_dma2 semaphore(%run_scoped3A : memref<!tpu.dma_semaphore, #tpu.memory_space<semaphore_mem>>) src(%dma_wait3A_417 : memref<125x80xi32, #tpu.memory_space<hbm>>) dst(%arg7 : memref<125x80xi32, #tpu.memory_space<vmem>>)
      tpu.yield
    }) : () -> ()
    %dma_start3A_105 = arith.constant 0 : i32
    %dma_start3A_106 = arith.constant 0 : i32
    %dma_start3A_107 = arith.constant 0 : i32
    %dma_start3A_108 = arith.constant 0 : i32
    %dma_start3A_109 = tpu.memref_slice %arg8[%dma_start3A_105, %dma_start3A_107, %dma_start3A_108] : memref<5x80x128xbf16, #tpu.memory_space<vmem>> -> memref<1x80x128xbf16, #tpu.memory_space<vmem>>
    %dma_start3A_110 = tpu.memref_squeeze %dma_start3A_109 : memref<1x80x128xbf16, #tpu.memory_space<vmem>> -> memref<80x128xbf16, #tpu.memory_space<vmem>>
    %dma_start3A_111 = arith.constant 0 : i32
    %dma_start3A_112 = tpu.memref_slice %arg6[%dma_start3A_111] : memref<10000xi32, #tpu.memory_space<vmem>> -> memref<80xi32, #tpu.memory_space<vmem>>
    %dma_start3A_113 = arith.constant 0 : i32
    %dma_start3A_114 = arith.constant 0 : i32
    %dma_start3A_115 = tpu.memref_slice %arg4[%dma_start3A_113, %dma_start3A_114] : memref<80000x128xbf16, #tpu.memory_space<hbm>> -> memref<80000x128xbf16, #tpu.memory_space<hbm>>
    %dma_start3A_116 = tpu.memref_slice %arg10[%dma_start3A_106] : memref<5x!tpu.dma_semaphore, #tpu.memory_space<semaphore_mem>> -> memref<1x!tpu.dma_semaphore, #tpu.memory_space<semaphore_mem>>
    %dma_start3A_117 = tpu.memref_squeeze %dma_start3A_116 : memref<1x!tpu.dma_semaphore, #tpu.memory_space<semaphore_mem>> -> memref<!tpu.dma_semaphore, #tpu.memory_space<semaphore_mem>>
    tpu.enqueue_indirect_dma source(%dma_start3A_115 : memref<80000x128xbf16, #tpu.memory_space<hbm>>) target(%dma_start3A_110 : memref<80x128xbf16, #tpu.memory_space<vmem>>) offsets(%dma_start3A_112 : memref<80xi32, #tpu.memory_space<vmem>>) semaphore(%dma_start3A_117 : memref<!tpu.dma_semaphore, #tpu.memory_space<semaphore_mem>>)
    %dma_start3A_118 = arith.constant 1 : i32
    %dma_start3A_119 = arith.constant 1 : i32
    %dma_start3A_120 = arith.constant 0 : i32
    %dma_start3A_121 = arith.constant 0 : i32
    %dma_start3A_122 = tpu.memref_slice %arg8[%dma_start3A_118, %dma_start3A_120, %dma_start3A_121] : memref<5x80x128xbf16, #tpu.memory_space<vmem>> -> memref<1x80x128xbf16, #tpu.memory_space<vmem>>
    %dma_start3A_123 = tpu.memref_squeeze %dma_start3A_122 : memref<1x80x128xbf16, #tpu.memory_space<vmem>> -> memref<80x128xbf16, #tpu.memory_space<vmem>>
    %dma_start3A_124 = arith.constant 80 : i32
    %dma_start3A_125 = tpu.memref_slice %arg6[%dma_start3A_124] : memref<10000xi32, #tpu.memory_space<vmem>> -> memref<80xi32, #tpu.memory_space<vmem>>
    %dma_start3A_126 = arith.constant 0 : i32
    %dma_start3A_127 = arith.constant 0 : i32
    %dma_start3A_128 = tpu.memref_slice %arg4[%dma_start3A_126, %dma_start3A_127] : memref<80000x128xbf16, #tpu.memory_space<hbm>> -> memref<80000x128xbf16, #tpu.memory_space<hbm>>
    %dma_start3A_129 = tpu.memref_slice %arg10[%dma_start3A_119] : memref<5x!tpu.dma_semaphore, #tpu.memory_space<semaphore_mem>> -> memref<1x!tpu.dma_semaphore, #tpu.memory_space<semaphore_mem>>
    %dma_start3A_130 = tpu.memref_squeeze %dma_start3A_129 : memref<1x!tpu.dma_semaphore, #tpu.memory_space<semaphore_mem>> -> memref<!tpu.dma_semaphore, #tpu.memory_space<semaphore_mem>>
    tpu.enqueue_indirect_dma source(%dma_start3A_128 : memref<80000x128xbf16, #tpu.memory_space<hbm>>) target(%dma_start3A_123 : memref<80x128xbf16, #tpu.memory_space<vmem>>) offsets(%dma_start3A_125 : memref<80xi32, #tpu.memory_space<vmem>>) semaphore(%dma_start3A_130 : memref<!tpu.dma_semaphore, #tpu.memory_space<semaphore_mem>>)
    %dma_start3A_131 = arith.constant 2 : i32
    %dma_start3A_132 = arith.constant 2 : i32
    %dma_start3A_133 = arith.constant 0 : i32
    %dma_start3A_134 = arith.constant 0 : i32
    %dma_start3A_135 = tpu.memref_slice %arg8[%dma_start3A_131, %dma_start3A_133, %dma_start3A_134] : memref<5x80x128xbf16, #tpu.memory_space<vmem>> -> memref<1x80x128xbf16, #tpu.memory_space<vmem>>
    %dma_start3A_136 = tpu.memref_squeeze %dma_start3A_135 : memref<1x80x128xbf16, #tpu.memory_space<vmem>> -> memref<80x128xbf16, #tpu.memory_space<vmem>>
    %dma_start3A_137 = arith.constant 160 : i32
    %dma_start3A_138 = tpu.memref_slice %arg6[%dma_start3A_137] : memref<10000xi32, #tpu.memory_space<vmem>> -> memref<80xi32, #tpu.memory_space<vmem>>
    %dma_start3A_139 = arith.constant 0 : i32
    %dma_start3A_140 = arith.constant 0 : i32
    %dma_start3A_141 = tpu.memref_slice %arg4[%dma_start3A_139, %dma_start3A_140] : memref<80000x128xbf16, #tpu.memory_space<hbm>> -> memref<80000x128xbf16, #tpu.memory_space<hbm>>
    %dma_start3A_142 = tpu.memref_slice %arg10[%dma_start3A_132] : memref<5x!tpu.dma_semaphore, #tpu.memory_space<semaphore_mem>> -> memref<1x!tpu.dma_semaphore, #tpu.memory_space<semaphore_mem>>
    %dma_start3A_143 = tpu.memref_squeeze %dma_start3A_142 : memref<1x!tpu.dma_semaphore, #tpu.memory_space<semaphore_mem>> -> memref<!tpu.dma_semaphore, #tpu.memory_space<semaphore_mem>>
    tpu.enqueue_indirect_dma source(%dma_start3A_141 : memref<80000x128xbf16, #tpu.memory_space<hbm>>) target(%dma_start3A_136 : memref<80x128xbf16, #tpu.memory_space<vmem>>) offsets(%dma_start3A_138 : memref<80xi32, #tpu.memory_space<vmem>>) semaphore(%dma_start3A_143 : memref<!tpu.dma_semaphore, #tpu.memory_space<semaphore_mem>>)
    %dma_start3A_144 = arith.constant 3 : i32
    %dma_start3A_145 = arith.constant 3 : i32
    %dma_start3A_146 = arith.constant 0 : i32
    %dma_start3A_147 = arith.constant 0 : i32
    %dma_start3A_148 = tpu.memref_slice %arg8[%dma_start3A_144, %dma_start3A_146, %dma_start3A_147] : memref<5x80x128xbf16, #tpu.memory_space<vmem>> -> memref<1x80x128xbf16, #tpu.memory_space<vmem>>
    %dma_start3A_149 = tpu.memref_squeeze %dma_start3A_148 : memref<1x80x128xbf16, #tpu.memory_space<vmem>> -> memref<80x128xbf16, #tpu.memory_space<vmem>>
    %dma_start3A_150 = arith.constant 240 : i32
    %dma_start3A_151 = tpu.memref_slice %arg6[%dma_start3A_150] : memref<10000xi32, #tpu.memory_space<vmem>> -> memref<80xi32, #tpu.memory_space<vmem>>
    %dma_start3A_152 = arith.constant 0 : i32
    %dma_start3A_153 = arith.constant 0 : i32
    %dma_start3A_154 = tpu.memref_slice %arg4[%dma_start3A_152, %dma_start3A_153] : memref<80000x128xbf16, #tpu.memory_space<hbm>> -> memref<80000x128xbf16, #tpu.memory_space<hbm>>
    %dma_start3A_155 = tpu.memref_slice %arg10[%dma_start3A_145] : memref<5x!tpu.dma_semaphore, #tpu.memory_space<semaphore_mem>> -> memref<1x!tpu.dma_semaphore, #tpu.memory_space<semaphore_mem>>
    %dma_start3A_156 = tpu.memref_squeeze %dma_start3A_155 : memref<1x!tpu.dma_semaphore, #tpu.memory_space<semaphore_mem>> -> memref<!tpu.dma_semaphore, #tpu.memory_space<semaphore_mem>>
    tpu.enqueue_indirect_dma source(%dma_start3A_154 : memref<80000x128xbf16, #tpu.memory_space<hbm>>) target(%dma_start3A_149 : memref<80x128xbf16, #tpu.memory_space<vmem>>) offsets(%dma_start3A_151 : memref<80xi32, #tpu.memory_space<vmem>>) semaphore(%dma_start3A_156 : memref<!tpu.dma_semaphore, #tpu.memory_space<semaphore_mem>>)
    %mul3A_157 = arith.constant 10000 : i32
    %mul3A_158 = arith.muli %add3A_99, %mul3A_157 : i32
    %mul3A_159 = arith.constant 625 : i32
    %mul3A_160 = arith.muli %arg1, %mul3A_159 : i32
    %add3A_161 = arith.addi %mul3A_158, %mul3A_160 : i32
    %mul3A_162 = arith.constant 625 : i32
    %mul3A_163 = arith.muli %arg1, %mul3A_162 : i32
    "tpu.region"() ({
      %run_scoped3A = tpu.sem_alloc : memref<!tpu.dma_semaphore, #tpu.memory_space<semaphore_mem>>
      %dma_start3A_402 = arith.constant 0 : i32
      %dma_start3A_403 = tpu.memref_slice %arg9[%mul3A_163, %dma_start3A_402] : memref<10000x128xbf16, #tpu.memory_space<vmem_shared>> -> memref<625x128xbf16, #tpu.memory_space<vmem_shared>>
      %dma_start3A_404 = arith.constant 0 : i32
      %dma_start3A_405 = tpu.memref_slice %arg4[%add3A_161, %dma_start3A_404] : memref<80000x128xbf16, #tpu.memory_space<hbm>> -> memref<625x128xbf16, #tpu.memory_space<hbm>>
      tpu.enqueue_dma source(%dma_start3A_405 : memref<625x128xbf16, #tpu.memory_space<hbm>>) target(%dma_start3A_403 : memref<625x128xbf16, #tpu.memory_space<vmem_shared>>) target_semaphore(%run_scoped3A : memref<!tpu.dma_semaphore, #tpu.memory_space<semaphore_mem>>)
      %dma_wait3A_406 = arith.constant 0 : i32
      %dma_wait3A_407 = tpu.memref_slice %arg9[%mul3A_163, %dma_wait3A_406] : memref<10000x128xbf16, #tpu.memory_space<vmem_shared>> -> memref<625x128xbf16, #tpu.memory_space<vmem_shared>>
      %dma_wait3A_408 = arith.constant 0 : i32
      %dma_wait3A_409 = tpu.memref_slice %arg4[%add3A_161, %dma_wait3A_408] : memref<80000x128xbf16, #tpu.memory_space<hbm>> -> memref<625x128xbf16, #tpu.memory_space<hbm>>
      tpu.wait_dma2 semaphore(%run_scoped3A : memref<!tpu.dma_semaphore, #tpu.memory_space<semaphore_mem>>) src(%dma_wait3A_409 : memref<625x128xbf16, #tpu.memory_space<hbm>>) dst(%dma_wait3A_407 : memref<625x128xbf16, #tpu.memory_space<vmem_shared>>)
      tpu.yield
    }) : () -> ()
    %barrier3A_164 = arith.constant 0 : index
    tpu.barrier barrier_id(%barrier3A_164)
    %scan3A_165 = arith.constant 0 : i32
    %scan3A_166 = arith.constant 0 : i32
    %scan3A_167 = arith.constant 25 : i32
    %scan3A_168 = arith.addi %scan3A_166, %scan3A_167 : i32
    %scan3A_169 = arith.constant 1 : i32
    %scan3A_170 = scf.for %scan3A_402 = %scan3A_166 to %scan3A_168 step %scan3A_169 iter_args(%scan3A_403 = %scan3A_165) -> (i32)  : i32 {
      %mul3A_404 = arith.constant 5 : i32
      %mul3A_405 = arith.muli %scan3A_402, %mul3A_404 : i32
      %add3A_406 = arith.constant 0 : i32
      %add3A_407 = arith.addi %mul3A_405, %add3A_406 : i32
      %dma_wait3A_408 = arith.constant 0 : i32
      %dma_wait3A_409 = arith.constant 0 : i32
      %dma_wait3A_410 = arith.constant 0 : i32
      %dma_wait3A_411 = arith.constant 0 : i32
      %dma_wait3A_412 = tpu.memref_slice %arg8[%dma_wait3A_408, %dma_wait3A_410, %dma_wait3A_411] : memref<5x80x128xbf16, #tpu.memory_space<vmem>> -> memref<1x80x128xbf16, #tpu.memory_space<vmem>>
      %dma_wait3A_413 = tpu.memref_squeeze %dma_wait3A_412 : memref<1x80x128xbf16, #tpu.memory_space<vmem>> -> memref<80x128xbf16, #tpu.memory_space<vmem>>
      %dma_wait3A_414 = arith.constant 0 : i32
      %dma_wait3A_415 = arith.constant 0 : i32
      %dma_wait3A_416 = tpu.memref_slice %arg4[%dma_wait3A_414, %dma_wait3A_415] : memref<80000x128xbf16, #tpu.memory_space<hbm>> -> memref<80x128xbf16, #tpu.memory_space<hbm>>
      %dma_wait3A_417 = tpu.memref_slice %arg10[%dma_wait3A_409] : memref<5x!tpu.dma_semaphore, #tpu.memory_space<semaphore_mem>> -> memref<1x!tpu.dma_semaphore, #tpu.memory_space<semaphore_mem>>
      %dma_wait3A_418 = tpu.memref_squeeze %dma_wait3A_417 : memref<1x!tpu.dma_semaphore, #tpu.memory_space<semaphore_mem>> -> memref<!tpu.dma_semaphore, #tpu.memory_space<semaphore_mem>>
      %dma_wait3A_419 = arith.constant 0 : i32
      %dma_wait3A_420 = arith.constant 0 : i32
      %dma_wait3A_421 = tpu.memref_slice %arg8[%dma_wait3A_408, %dma_wait3A_419, %dma_wait3A_420] : memref<5x80x128xbf16, #tpu.memory_space<vmem>> -> memref<1x80x128xbf16, #tpu.memory_space<vmem>>
      %dma_wait3A_422 = tpu.memref_squeeze %dma_wait3A_421 : memref<1x80x128xbf16, #tpu.memory_space<vmem>> -> memref<80x128xbf16, #tpu.memory_space<vmem>>
      %dma_wait3A_423 = arith.constant 0 : i32
      %dma_wait3A_424 = arith.constant 0 : i32
      %dma_wait3A_425 = tpu.memref_slice %arg4[%dma_wait3A_423, %dma_wait3A_424] : memref<80000x128xbf16, #tpu.memory_space<hbm>> -> memref<80x128xbf16, #tpu.memory_space<hbm>>
      tpu.wait_dma2 semaphore(%dma_wait3A_418 : memref<!tpu.dma_semaphore, #tpu.memory_space<semaphore_mem>>) src(%dma_wait3A_425 : memref<80x128xbf16, #tpu.memory_space<hbm>>) dst(%dma_wait3A_422 : memref<80x128xbf16, #tpu.memory_space<vmem>>)
      %dma_start3A_426 = arith.constant 0 : i32
      %dma_start3A_427 = arith.constant 0 : i32
      %dma_start3A_428 = arith.constant 0 : i32
      %dma_start3A_429 = arith.constant 0 : i32
      %dma_start3A_430 = tpu.memref_slice %arg8[%dma_start3A_426, %dma_start3A_428, %dma_start3A_429] : memref<5x80x128xbf16, #tpu.memory_space<vmem>> -> memref<1x80x128xbf16, #tpu.memory_space<vmem>>
      %dma_start3A_431 = tpu.memref_squeeze %dma_start3A_430 : memref<1x80x128xbf16, #tpu.memory_space<vmem>> -> memref<80x128xbf16, #tpu.memory_space<vmem>>
      %dma_start3A_432 = arith.constant 0 : i32
      %dma_start3A_433 = tpu.memref_slice %arg7[%add3A_407, %dma_start3A_432] : memref<125x80xi32, #tpu.memory_space<vmem>> -> memref<1x80xi32, #tpu.memory_space<vmem>>
      %dma_start3A_434 = tpu.memref_squeeze %dma_start3A_433 : memref<1x80xi32, #tpu.memory_space<vmem>> -> memref<80xi32, #tpu.memory_space<vmem>>
      %dma_start3A_435 = arith.constant 0 : i32
      %dma_start3A_436 = arith.constant 0 : i32
      %dma_start3A_437 = tpu.memref_slice %arg9[%dma_start3A_435, %dma_start3A_436] : memref<10000x128xbf16, #tpu.memory_space<vmem_shared>> -> memref<10000x128xbf16, #tpu.memory_space<vmem_shared>>
      %dma_start3A_438 = tpu.memref_slice %arg11[%dma_start3A_427] : memref<5x!tpu.dma_semaphore, #tpu.memory_space<semaphore_mem>> -> memref<1x!tpu.dma_semaphore, #tpu.memory_space<semaphore_mem>>
      %dma_start3A_439 = tpu.memref_squeeze %dma_start3A_438 : memref<1x!tpu.dma_semaphore, #tpu.memory_space<semaphore_mem>> -> memref<!tpu.dma_semaphore, #tpu.memory_space<semaphore_mem>>
      tpu.enqueue_indirect_dma source(%dma_start3A_431 : memref<80x128xbf16, #tpu.memory_space<vmem>>) target(%dma_start3A_437 : memref<10000x128xbf16, #tpu.memory_space<vmem_shared>>) offsets(%dma_start3A_434 : memref<80xi32, #tpu.memory_space<vmem>>) semaphore(%dma_start3A_439 : memref<!tpu.dma_semaphore, #tpu.memory_space<semaphore_mem>>) {add = true}
      %ge3A = arith.constant 1 : i32
      %ge3A_440 = arith.cmpi sge, %add3A_407, %ge3A : i32
      %convert_element_type3A = arith.extui %ge3A_440 : i1 to i32
      %cond3A = arith.constant 0 : i32
      %cond3A_441 = arith.cmpi ne, %convert_element_type3A, %cond3A : i32
      scf.if %cond3A_441 {
        %dma_wait3A_641 = arith.constant 4 : i32
        %dma_wait3A_642 = arith.constant 4 : i32
        %dma_wait3A_643 = arith.constant 0 : i32
        %dma_wait3A_644 = arith.constant 0 : i32
        %dma_wait3A_645 = tpu.memref_slice %arg8[%dma_wait3A_641, %dma_wait3A_643, %dma_wait3A_644] : memref<5x80x128xbf16, #tpu.memory_space<vmem>> -> memref<1x80x128xbf16, #tpu.memory_space<vmem>>
        %dma_wait3A_646 = tpu.memref_squeeze %dma_wait3A_645 : memref<1x80x128xbf16, #tpu.memory_space<vmem>> -> memref<80x128xbf16, #tpu.memory_space<vmem>>
        %dma_wait3A_647 = arith.constant 0 : i32
        %dma_wait3A_648 = arith.constant 0 : i32
        %dma_wait3A_649 = tpu.memref_slice %arg9[%dma_wait3A_647, %dma_wait3A_648] : memref<10000x128xbf16, #tpu.memory_space<vmem_shared>> -> memref<80x128xbf16, #tpu.memory_space<vmem_shared>>
        %dma_wait3A_650 = tpu.memref_slice %arg11[%dma_wait3A_642] : memref<5x!tpu.dma_semaphore, #tpu.memory_space<semaphore_mem>> -> memref<1x!tpu.dma_semaphore, #tpu.memory_space<semaphore_mem>>
        %dma_wait3A_651 = tpu.memref_squeeze %dma_wait3A_650 : memref<1x!tpu.dma_semaphore, #tpu.memory_space<semaphore_mem>> -> memref<!tpu.dma_semaphore, #tpu.memory_space<semaphore_mem>>
        %dma_wait3A_652 = arith.constant 0 : i32
        %dma_wait3A_653 = arith.constant 0 : i32
        %dma_wait3A_654 = tpu.memref_slice %arg9[%dma_wait3A_652, %dma_wait3A_653] : memref<10000x128xbf16, #tpu.memory_space<vmem_shared>> -> memref<80x128xbf16, #tpu.memory_space<vmem_shared>>
        %dma_wait3A_655 = arith.constant 0 : i32
        %dma_wait3A_656 = arith.constant 0 : i32
        %dma_wait3A_657 = tpu.memref_slice %arg8[%dma_wait3A_641, %dma_wait3A_655, %dma_wait3A_656] : memref<5x80x128xbf16, #tpu.memory_space<vmem>> -> memref<1x80x128xbf16, #tpu.memory_space<vmem>>
        %dma_wait3A_658 = tpu.memref_squeeze %dma_wait3A_657 : memref<1x80x128xbf16, #tpu.memory_space<vmem>> -> memref<80x128xbf16, #tpu.memory_space<vmem>>
        tpu.wait_dma2 semaphore(%dma_wait3A_651 : memref<!tpu.dma_semaphore, #tpu.memory_space<semaphore_mem>>) src(%dma_wait3A_658 : memref<80x128xbf16, #tpu.memory_space<vmem>>) dst(%dma_wait3A_654 : memref<80x128xbf16, #tpu.memory_space<vmem_shared>>)
      } else {
      }
      %add3A_442 = arith.constant 4 : i32
      %add3A_443 = arith.addi %add3A_407, %add3A_442 : i32
      %lt3A = arith.constant 125 : i32
      %lt3A_444 = arith.cmpi slt, %add3A_443, %lt3A : i32
      %convert_element_type3A_445 = arith.extui %lt3A_444 : i1 to i32
      %cond3A_446 = arith.constant 0 : i32
      %cond3A_447 = arith.cmpi ne, %convert_element_type3A_445, %cond3A_446 : i32
      scf.if %cond3A_447 {
        %add3A_641 = arith.constant 4 : i32
        %add3A_642 = arith.addi %add3A_407, %add3A_641 : i32
        %mul3A_643 = arith.constant 80 : i32
        %mul3A_644 = arith.muli %add3A_642, %mul3A_643 : i32
        %dma_start3A_645 = arith.constant 4 : i32
        %dma_start3A_646 = arith.constant 4 : i32
        %dma_start3A_647 = arith.constant 0 : i32
        %dma_start3A_648 = arith.constant 0 : i32
        %dma_start3A_649 = tpu.memref_slice %arg8[%dma_start3A_645, %dma_start3A_647, %dma_start3A_648] : memref<5x80x128xbf16, #tpu.memory_space<vmem>> -> memref<1x80x128xbf16, #tpu.memory_space<vmem>>
        %dma_start3A_650 = tpu.memref_squeeze %dma_start3A_649 : memref<1x80x128xbf16, #tpu.memory_space<vmem>> -> memref<80x128xbf16, #tpu.memory_space<vmem>>
        %dma_start3A_651 = tpu.memref_slice %arg6[%mul3A_644] : memref<10000xi32, #tpu.memory_space<vmem>> -> memref<80xi32, #tpu.memory_space<vmem>>
        %dma_start3A_652 = arith.constant 0 : i32
        %dma_start3A_653 = arith.constant 0 : i32
        %dma_start3A_654 = tpu.memref_slice %arg4[%dma_start3A_652, %dma_start3A_653] : memref<80000x128xbf16, #tpu.memory_space<hbm>> -> memref<80000x128xbf16, #tpu.memory_space<hbm>>
        %dma_start3A_655 = tpu.memref_slice %arg10[%dma_start3A_646] : memref<5x!tpu.dma_semaphore, #tpu.memory_space<semaphore_mem>> -> memref<1x!tpu.dma_semaphore, #tpu.memory_space<semaphore_mem>>
        %dma_start3A_656 = tpu.memref_squeeze %dma_start3A_655 : memref<1x!tpu.dma_semaphore, #tpu.memory_space<semaphore_mem>> -> memref<!tpu.dma_semaphore, #tpu.memory_space<semaphore_mem>>
        tpu.enqueue_indirect_dma source(%dma_start3A_654 : memref<80000x128xbf16, #tpu.memory_space<hbm>>) target(%dma_start3A_650 : memref<80x128xbf16, #tpu.memory_space<vmem>>) offsets(%dma_start3A_651 : memref<80xi32, #tpu.memory_space<vmem>>) semaphore(%dma_start3A_656 : memref<!tpu.dma_semaphore, #tpu.memory_space<semaphore_mem>>)
      } else {
      }
      %mul3A_448 = arith.constant 5 : i32
      %mul3A_449 = arith.muli %scan3A_402, %mul3A_448 : i32
      %add3A_450 = arith.constant 1 : i32
      %add3A_451 = arith.addi %mul3A_449, %add3A_450 : i32
      %dma_wait3A_452 = arith.constant 1 : i32
      %dma_wait3A_453 = arith.constant 1 : i32
      %dma_wait3A_454 = arith.constant 0 : i32
      %dma_wait3A_455 = arith.constant 0 : i32
      %dma_wait3A_456 = tpu.memref_slice %arg8[%dma_wait3A_452, %dma_wait3A_454, %dma_wait3A_455] : memref<5x80x128xbf16, #tpu.memory_space<vmem>> -> memref<1x80x128xbf16, #tpu.memory_space<vmem>>
      %dma_wait3A_457 = tpu.memref_squeeze %dma_wait3A_456 : memref<1x80x128xbf16, #tpu.memory_space<vmem>> -> memref<80x128xbf16, #tpu.memory_space<vmem>>
      %dma_wait3A_458 = arith.constant 0 : i32
      %dma_wait3A_459 = arith.constant 0 : i32
      %dma_wait3A_460 = tpu.memref_slice %arg4[%dma_wait3A_458, %dma_wait3A_459] : memref<80000x128xbf16, #tpu.memory_space<hbm>> -> memref<80x128xbf16, #tpu.memory_space<hbm>>
      %dma_wait3A_461 = tpu.memref_slice %arg10[%dma_wait3A_453] : memref<5x!tpu.dma_semaphore, #tpu.memory_space<semaphore_mem>> -> memref<1x!tpu.dma_semaphore, #tpu.memory_space<semaphore_mem>>
      %dma_wait3A_462 = tpu.memref_squeeze %dma_wait3A_461 : memref<1x!tpu.dma_semaphore, #tpu.memory_space<semaphore_mem>> -> memref<!tpu.dma_semaphore, #tpu.memory_space<semaphore_mem>>
      %dma_wait3A_463 = arith.constant 0 : i32
      %dma_wait3A_464 = arith.constant 0 : i32
      %dma_wait3A_465 = tpu.memref_slice %arg8[%dma_wait3A_452, %dma_wait3A_463, %dma_wait3A_464] : memref<5x80x128xbf16, #tpu.memory_space<vmem>> -> memref<1x80x128xbf16, #tpu.memory_space<vmem>>
      %dma_wait3A_466 = tpu.memref_squeeze %dma_wait3A_465 : memref<1x80x128xbf16, #tpu.memory_space<vmem>> -> memref<80x128xbf16, #tpu.memory_space<vmem>>
      %dma_wait3A_467 = arith.constant 0 : i32
      %dma_wait3A_468 = arith.constant 0 : i32
      %dma_wait3A_469 = tpu.memref_slice %arg4[%dma_wait3A_467, %dma_wait3A_468] : memref<80000x128xbf16, #tpu.memory_space<hbm>> -> memref<80x128xbf16, #tpu.memory_space<hbm>>
      tpu.wait_dma2 semaphore(%dma_wait3A_462 : memref<!tpu.dma_semaphore, #tpu.memory_space<semaphore_mem>>) src(%dma_wait3A_469 : memref<80x128xbf16, #tpu.memory_space<hbm>>) dst(%dma_wait3A_466 : memref<80x128xbf16, #tpu.memory_space<vmem>>)
      %dma_start3A_470 = arith.constant 1 : i32
      %dma_start3A_471 = arith.constant 1 : i32
      %dma_start3A_472 = arith.constant 0 : i32
      %dma_start3A_473 = arith.constant 0 : i32
      %dma_start3A_474 = tpu.memref_slice %arg8[%dma_start3A_470, %dma_start3A_472, %dma_start3A_473] : memref<5x80x128xbf16, #tpu.memory_space<vmem>> -> memref<1x80x128xbf16, #tpu.memory_space<vmem>>
      %dma_start3A_475 = tpu.memref_squeeze %dma_start3A_474 : memref<1x80x128xbf16, #tpu.memory_space<vmem>> -> memref<80x128xbf16, #tpu.memory_space<vmem>>
      %dma_start3A_476 = arith.constant 0 : i32
      %dma_start3A_477 = tpu.memref_slice %arg7[%add3A_451, %dma_start3A_476] : memref<125x80xi32, #tpu.memory_space<vmem>> -> memref<1x80xi32, #tpu.memory_space<vmem>>
      %dma_start3A_478 = tpu.memref_squeeze %dma_start3A_477 : memref<1x80xi32, #tpu.memory_space<vmem>> -> memref<80xi32, #tpu.memory_space<vmem>>
      %dma_start3A_479 = arith.constant 0 : i32
      %dma_start3A_480 = arith.constant 0 : i32
      %dma_start3A_481 = tpu.memref_slice %arg9[%dma_start3A_479, %dma_start3A_480] : memref<10000x128xbf16, #tpu.memory_space<vmem_shared>> -> memref<10000x128xbf16, #tpu.memory_space<vmem_shared>>
      %dma_start3A_482 = tpu.memref_slice %arg11[%dma_start3A_471] : memref<5x!tpu.dma_semaphore, #tpu.memory_space<semaphore_mem>> -> memref<1x!tpu.dma_semaphore, #tpu.memory_space<semaphore_mem>>
      %dma_start3A_483 = tpu.memref_squeeze %dma_start3A_482 : memref<1x!tpu.dma_semaphore, #tpu.memory_space<semaphore_mem>> -> memref<!tpu.dma_semaphore, #tpu.memory_space<semaphore_mem>>
      tpu.enqueue_indirect_dma source(%dma_start3A_475 : memref<80x128xbf16, #tpu.memory_space<vmem>>) target(%dma_start3A_481 : memref<10000x128xbf16, #tpu.memory_space<vmem_shared>>) offsets(%dma_start3A_478 : memref<80xi32, #tpu.memory_space<vmem>>) semaphore(%dma_start3A_483 : memref<!tpu.dma_semaphore, #tpu.memory_space<semaphore_mem>>) {add = true}
      %ge3A_484 = arith.constant 1 : i32
      %ge3A_485 = arith.cmpi sge, %add3A_451, %ge3A_484 : i32
      %convert_element_type3A_486 = arith.extui %ge3A_485 : i1 to i32
      %cond3A_487 = arith.constant 0 : i32
      %cond3A_488 = arith.cmpi ne, %convert_element_type3A_486, %cond3A_487 : i32
      scf.if %cond3A_488 {
        %dma_wait3A_641 = arith.constant 0 : i32
        %dma_wait3A_642 = arith.constant 0 : i32
        %dma_wait3A_643 = arith.constant 0 : i32
        %dma_wait3A_644 = arith.constant 0 : i32
        %dma_wait3A_645 = tpu.memref_slice %arg8[%dma_wait3A_641, %dma_wait3A_643, %dma_wait3A_644] : memref<5x80x128xbf16, #tpu.memory_space<vmem>> -> memref<1x80x128xbf16, #tpu.memory_space<vmem>>
        %dma_wait3A_646 = tpu.memref_squeeze %dma_wait3A_645 : memref<1x80x128xbf16, #tpu.memory_space<vmem>> -> memref<80x128xbf16, #tpu.memory_space<vmem>>
        %dma_wait3A_647 = arith.constant 0 : i32
        %dma_wait3A_648 = arith.constant 0 : i32
        %dma_wait3A_649 = tpu.memref_slice %arg9[%dma_wait3A_647, %dma_wait3A_648] : memref<10000x128xbf16, #tpu.memory_space<vmem_shared>> -> memref<80x128xbf16, #tpu.memory_space<vmem_shared>>
        %dma_wait3A_650 = tpu.memref_slice %arg11[%dma_wait3A_642] : memref<5x!tpu.dma_semaphore, #tpu.memory_space<semaphore_mem>> -> memref<1x!tpu.dma_semaphore, #tpu.memory_space<semaphore_mem>>
        %dma_wait3A_651 = tpu.memref_squeeze %dma_wait3A_650 : memref<1x!tpu.dma_semaphore, #tpu.memory_space<semaphore_mem>> -> memref<!tpu.dma_semaphore, #tpu.memory_space<semaphore_mem>>
        %dma_wait3A_652 = arith.constant 0 : i32
        %dma_wait3A_653 = arith.constant 0 : i32
        %dma_wait3A_654 = tpu.memref_slice %arg9[%dma_wait3A_652, %dma_wait3A_653] : memref<10000x128xbf16, #tpu.memory_space<vmem_shared>> -> memref<80x128xbf16, #tpu.memory_space<vmem_shared>>
        %dma_wait3A_655 = arith.constant 0 : i32
        %dma_wait3A_656 = arith.constant 0 : i32
        %dma_wait3A_657 = tpu.memref_slice %arg8[%dma_wait3A_641, %dma_wait3A_655, %dma_wait3A_656] : memref<5x80x128xbf16, #tpu.memory_space<vmem>> -> memref<1x80x128xbf16, #tpu.memory_space<vmem>>
        %dma_wait3A_658 = tpu.memref_squeeze %dma_wait3A_657 : memref<1x80x128xbf16, #tpu.memory_space<vmem>> -> memref<80x128xbf16, #tpu.memory_space<vmem>>
        tpu.wait_dma2 semaphore(%dma_wait3A_651 : memref<!tpu.dma_semaphore, #tpu.memory_space<semaphore_mem>>) src(%dma_wait3A_658 : memref<80x128xbf16, #tpu.memory_space<vmem>>) dst(%dma_wait3A_654 : memref<80x128xbf16, #tpu.memory_space<vmem_shared>>)
      } else {
      }
      %add3A_489 = arith.constant 4 : i32
      %add3A_490 = arith.addi %add3A_451, %add3A_489 : i32
      %lt3A_491 = arith.constant 125 : i32
      %lt3A_492 = arith.cmpi slt, %add3A_490, %lt3A_491 : i32
      %convert_element_type3A_493 = arith.extui %lt3A_492 : i1 to i32
      %cond3A_494 = arith.constant 0 : i32
      %cond3A_495 = arith.cmpi ne, %convert_element_type3A_493, %cond3A_494 : i32
      scf.if %cond3A_495 {
        %add3A_641 = arith.constant 4 : i32
        %add3A_642 = arith.addi %add3A_451, %add3A_641 : i32
        %mul3A_643 = arith.constant 80 : i32
        %mul3A_644 = arith.muli %add3A_642, %mul3A_643 : i32
        %dma_start3A_645 = arith.constant 0 : i32
        %dma_start3A_646 = arith.constant 0 : i32
        %dma_start3A_647 = arith.constant 0 : i32
        %dma_start3A_648 = arith.constant 0 : i32
        %dma_start3A_649 = tpu.memref_slice %arg8[%dma_start3A_645, %dma_start3A_647, %dma_start3A_648] : memref<5x80x128xbf16, #tpu.memory_space<vmem>> -> memref<1x80x128xbf16, #tpu.memory_space<vmem>>
        %dma_start3A_650 = tpu.memref_squeeze %dma_start3A_649 : memref<1x80x128xbf16, #tpu.memory_space<vmem>> -> memref<80x128xbf16, #tpu.memory_space<vmem>>
        %dma_start3A_651 = tpu.memref_slice %arg6[%mul3A_644] : memref<10000xi32, #tpu.memory_space<vmem>> -> memref<80xi32, #tpu.memory_space<vmem>>
        %dma_start3A_652 = arith.constant 0 : i32
        %dma_start3A_653 = arith.constant 0 : i32
        %dma_start3A_654 = tpu.memref_slice %arg4[%dma_start3A_652, %dma_start3A_653] : memref<80000x128xbf16, #tpu.memory_space<hbm>> -> memref<80000x128xbf16, #tpu.memory_space<hbm>>
        %dma_start3A_655 = tpu.memref_slice %arg10[%dma_start3A_646] : memref<5x!tpu.dma_semaphore, #tpu.memory_space<semaphore_mem>> -> memref<1x!tpu.dma_semaphore, #tpu.memory_space<semaphore_mem>>
        %dma_start3A_656 = tpu.memref_squeeze %dma_start3A_655 : memref<1x!tpu.dma_semaphore, #tpu.memory_space<semaphore_mem>> -> memref<!tpu.dma_semaphore, #tpu.memory_space<semaphore_mem>>
        tpu.enqueue_indirect_dma source(%dma_start3A_654 : memref<80000x128xbf16, #tpu.memory_space<hbm>>) target(%dma_start3A_650 : memref<80x128xbf16, #tpu.memory_space<vmem>>) offsets(%dma_start3A_651 : memref<80xi32, #tpu.memory_space<vmem>>) semaphore(%dma_start3A_656 : memref<!tpu.dma_semaphore, #tpu.memory_space<semaphore_mem>>)
      } else {
      }
      %mul3A_496 = arith.constant 5 : i32
      %mul3A_497 = arith.muli %scan3A_402, %mul3A_496 : i32
      %add3A_498 = arith.constant 2 : i32
      %add3A_499 = arith.addi %mul3A_497, %add3A_498 : i32
      %dma_wait3A_500 = arith.constant 2 : i32
      %dma_wait3A_501 = arith.constant 2 : i32
      %dma_wait3A_502 = arith.constant 0 : i32
      %dma_wait3A_503 = arith.constant 0 : i32
      %dma_wait3A_504 = tpu.memref_slice %arg8[%dma_wait3A_500, %dma_wait3A_502, %dma_wait3A_503] : memref<5x80x128xbf16, #tpu.memory_space<vmem>> -> memref<1x80x128xbf16, #tpu.memory_space<vmem>>
      %dma_wait3A_505 = tpu.memref_squeeze %dma_wait3A_504 : memref<1x80x128xbf16, #tpu.memory_space<vmem>> -> memref<80x128xbf16, #tpu.memory_space<vmem>>
      %dma_wait3A_506 = arith.constant 0 : i32
      %dma_wait3A_507 = arith.constant 0 : i32
      %dma_wait3A_508 = tpu.memref_slice %arg4[%dma_wait3A_506, %dma_wait3A_507] : memref<80000x128xbf16, #tpu.memory_space<hbm>> -> memref<80x128xbf16, #tpu.memory_space<hbm>>
      %dma_wait3A_509 = tpu.memref_slice %arg10[%dma_wait3A_501] : memref<5x!tpu.dma_semaphore, #tpu.memory_space<semaphore_mem>> -> memref<1x!tpu.dma_semaphore, #tpu.memory_space<semaphore_mem>>
      %dma_wait3A_510 = tpu.memref_squeeze %dma_wait3A_509 : memref<1x!tpu.dma_semaphore, #tpu.memory_space<semaphore_mem>> -> memref<!tpu.dma_semaphore, #tpu.memory_space<semaphore_mem>>
      %dma_wait3A_511 = arith.constant 0 : i32
      %dma_wait3A_512 = arith.constant 0 : i32
      %dma_wait3A_513 = tpu.memref_slice %arg8[%dma_wait3A_500, %dma_wait3A_511, %dma_wait3A_512] : memref<5x80x128xbf16, #tpu.memory_space<vmem>> -> memref<1x80x128xbf16, #tpu.memory_space<vmem>>
      %dma_wait3A_514 = tpu.memref_squeeze %dma_wait3A_513 : memref<1x80x128xbf16, #tpu.memory_space<vmem>> -> memref<80x128xbf16, #tpu.memory_space<vmem>>
      %dma_wait3A_515 = arith.constant 0 : i32
      %dma_wait3A_516 = arith.constant 0 : i32
      %dma_wait3A_517 = tpu.memref_slice %arg4[%dma_wait3A_515, %dma_wait3A_516] : memref<80000x128xbf16, #tpu.memory_space<hbm>> -> memref<80x128xbf16, #tpu.memory_space<hbm>>
      tpu.wait_dma2 semaphore(%dma_wait3A_510 : memref<!tpu.dma_semaphore, #tpu.memory_space<semaphore_mem>>) src(%dma_wait3A_517 : memref<80x128xbf16, #tpu.memory_space<hbm>>) dst(%dma_wait3A_514 : memref<80x128xbf16, #tpu.memory_space<vmem>>)
      %dma_start3A_518 = arith.constant 2 : i32
      %dma_start3A_519 = arith.constant 2 : i32
      %dma_start3A_520 = arith.constant 0 : i32
      %dma_start3A_521 = arith.constant 0 : i32
      %dma_start3A_522 = tpu.memref_slice %arg8[%dma_start3A_518, %dma_start3A_520, %dma_start3A_521] : memref<5x80x128xbf16, #tpu.memory_space<vmem>> -> memref<1x80x128xbf16, #tpu.memory_space<vmem>>
      %dma_start3A_523 = tpu.memref_squeeze %dma_start3A_522 : memref<1x80x128xbf16, #tpu.memory_space<vmem>> -> memref<80x128xbf16, #tpu.memory_space<vmem>>
      %dma_start3A_524 = arith.constant 0 : i32
      %dma_start3A_525 = tpu.memref_slice %arg7[%add3A_499, %dma_start3A_524] : memref<125x80xi32, #tpu.memory_space<vmem>> -> memref<1x80xi32, #tpu.memory_space<vmem>>
      %dma_start3A_526 = tpu.memref_squeeze %dma_start3A_525 : memref<1x80xi32, #tpu.memory_space<vmem>> -> memref<80xi32, #tpu.memory_space<vmem>>
      %dma_start3A_527 = arith.constant 0 : i32
      %dma_start3A_528 = arith.constant 0 : i32
      %dma_start3A_529 = tpu.memref_slice %arg9[%dma_start3A_527, %dma_start3A_528] : memref<10000x128xbf16, #tpu.memory_space<vmem_shared>> -> memref<10000x128xbf16, #tpu.memory_space<vmem_shared>>
      %dma_start3A_530 = tpu.memref_slice %arg11[%dma_start3A_519] : memref<5x!tpu.dma_semaphore, #tpu.memory_space<semaphore_mem>> -> memref<1x!tpu.dma_semaphore, #tpu.memory_space<semaphore_mem>>
      %dma_start3A_531 = tpu.memref_squeeze %dma_start3A_530 : memref<1x!tpu.dma_semaphore, #tpu.memory_space<semaphore_mem>> -> memref<!tpu.dma_semaphore, #tpu.memory_space<semaphore_mem>>
      tpu.enqueue_indirect_dma source(%dma_start3A_523 : memref<80x128xbf16, #tpu.memory_space<vmem>>) target(%dma_start3A_529 : memref<10000x128xbf16, #tpu.memory_space<vmem_shared>>) offsets(%dma_start3A_526 : memref<80xi32, #tpu.memory_space<vmem>>) semaphore(%dma_start3A_531 : memref<!tpu.dma_semaphore, #tpu.memory_space<semaphore_mem>>) {add = true}
      %ge3A_532 = arith.constant 1 : i32
      %ge3A_533 = arith.cmpi sge, %add3A_499, %ge3A_532 : i32
      %convert_element_type3A_534 = arith.extui %ge3A_533 : i1 to i32
      %cond3A_535 = arith.constant 0 : i32
      %cond3A_536 = arith.cmpi ne, %convert_element_type3A_534, %cond3A_535 : i32
      scf.if %cond3A_536 {
        %dma_wait3A_641 = arith.constant 1 : i32
        %dma_wait3A_642 = arith.constant 1 : i32
        %dma_wait3A_643 = arith.constant 0 : i32
        %dma_wait3A_644 = arith.constant 0 : i32
        %dma_wait3A_645 = tpu.memref_slice %arg8[%dma_wait3A_641, %dma_wait3A_643, %dma_wait3A_644] : memref<5x80x128xbf16, #tpu.memory_space<vmem>> -> memref<1x80x128xbf16, #tpu.memory_space<vmem>>
        %dma_wait3A_646 = tpu.memref_squeeze %dma_wait3A_645 : memref<1x80x128xbf16, #tpu.memory_space<vmem>> -> memref<80x128xbf16, #tpu.memory_space<vmem>>
        %dma_wait3A_647 = arith.constant 0 : i32
        %dma_wait3A_648 = arith.constant 0 : i32
        %dma_wait3A_649 = tpu.memref_slice %arg9[%dma_wait3A_647, %dma_wait3A_648] : memref<10000x128xbf16, #tpu.memory_space<vmem_shared>> -> memref<80x128xbf16, #tpu.memory_space<vmem_shared>>
        %dma_wait3A_650 = tpu.memref_slice %arg11[%dma_wait3A_642] : memref<5x!tpu.dma_semaphore, #tpu.memory_space<semaphore_mem>> -> memref<1x!tpu.dma_semaphore, #tpu.memory_space<semaphore_mem>>
        %dma_wait3A_651 = tpu.memref_squeeze %dma_wait3A_650 : memref<1x!tpu.dma_semaphore, #tpu.memory_space<semaphore_mem>> -> memref<!tpu.dma_semaphore, #tpu.memory_space<semaphore_mem>>
        %dma_wait3A_652 = arith.constant 0 : i32
        %dma_wait3A_653 = arith.constant 0 : i32
        %dma_wait3A_654 = tpu.memref_slice %arg9[%dma_wait3A_652, %dma_wait3A_653] : memref<10000x128xbf16, #tpu.memory_space<vmem_shared>> -> memref<80x128xbf16, #tpu.memory_space<vmem_shared>>
        %dma_wait3A_655 = arith.constant 0 : i32
        %dma_wait3A_656 = arith.constant 0 : i32
        %dma_wait3A_657 = tpu.memref_slice %arg8[%dma_wait3A_641, %dma_wait3A_655, %dma_wait3A_656] : memref<5x80x128xbf16, #tpu.memory_space<vmem>> -> memref<1x80x128xbf16, #tpu.memory_space<vmem>>
        %dma_wait3A_658 = tpu.memref_squeeze %dma_wait3A_657 : memref<1x80x128xbf16, #tpu.memory_space<vmem>> -> memref<80x128xbf16, #tpu.memory_space<vmem>>
        tpu.wait_dma2 semaphore(%dma_wait3A_651 : memref<!tpu.dma_semaphore, #tpu.memory_space<semaphore_mem>>) src(%dma_wait3A_658 : memref<80x128xbf16, #tpu.memory_space<vmem>>) dst(%dma_wait3A_654 : memref<80x128xbf16, #tpu.memory_space<vmem_shared>>)
      } else {
      }
      %add3A_537 = arith.constant 4 : i32
      %add3A_538 = arith.addi %add3A_499, %add3A_537 : i32
      %lt3A_539 = arith.constant 125 : i32
      %lt3A_540 = arith.cmpi slt, %add3A_538, %lt3A_539 : i32
      %convert_element_type3A_541 = arith.extui %lt3A_540 : i1 to i32
      %cond3A_542 = arith.constant 0 : i32
      %cond3A_543 = arith.cmpi ne, %convert_element_type3A_541, %cond3A_542 : i32
      scf.if %cond3A_543 {
        %add3A_641 = arith.constant 4 : i32
        %add3A_642 = arith.addi %add3A_499, %add3A_641 : i32
        %mul3A_643 = arith.constant 80 : i32
        %mul3A_644 = arith.muli %add3A_642, %mul3A_643 : i32
        %dma_start3A_645 = arith.constant 1 : i32
        %dma_start3A_646 = arith.constant 1 : i32
        %dma_start3A_647 = arith.constant 0 : i32
        %dma_start3A_648 = arith.constant 0 : i32
        %dma_start3A_649 = tpu.memref_slice %arg8[%dma_start3A_645, %dma_start3A_647, %dma_start3A_648] : memref<5x80x128xbf16, #tpu.memory_space<vmem>> -> memref<1x80x128xbf16, #tpu.memory_space<vmem>>
        %dma_start3A_650 = tpu.memref_squeeze %dma_start3A_649 : memref<1x80x128xbf16, #tpu.memory_space<vmem>> -> memref<80x128xbf16, #tpu.memory_space<vmem>>
        %dma_start3A_651 = tpu.memref_slice %arg6[%mul3A_644] : memref<10000xi32, #tpu.memory_space<vmem>> -> memref<80xi32, #tpu.memory_space<vmem>>
        %dma_start3A_652 = arith.constant 0 : i32
        %dma_start3A_653 = arith.constant 0 : i32
        %dma_start3A_654 = tpu.memref_slice %arg4[%dma_start3A_652, %dma_start3A_653] : memref<80000x128xbf16, #tpu.memory_space<hbm>> -> memref<80000x128xbf16, #tpu.memory_space<hbm>>
        %dma_start3A_655 = tpu.memref_slice %arg10[%dma_start3A_646] : memref<5x!tpu.dma_semaphore, #tpu.memory_space<semaphore_mem>> -> memref<1x!tpu.dma_semaphore, #tpu.memory_space<semaphore_mem>>
        %dma_start3A_656 = tpu.memref_squeeze %dma_start3A_655 : memref<1x!tpu.dma_semaphore, #tpu.memory_space<semaphore_mem>> -> memref<!tpu.dma_semaphore, #tpu.memory_space<semaphore_mem>>
        tpu.enqueue_indirect_dma source(%dma_start3A_654 : memref<80000x128xbf16, #tpu.memory_space<hbm>>) target(%dma_start3A_650 : memref<80x128xbf16, #tpu.memory_space<vmem>>) offsets(%dma_start3A_651 : memref<80xi32, #tpu.memory_space<vmem>>) semaphore(%dma_start3A_656 : memref<!tpu.dma_semaphore, #tpu.memory_space<semaphore_mem>>)
      } else {
      }
      %mul3A_544 = arith.constant 5 : i32
      %mul3A_545 = arith.muli %scan3A_402, %mul3A_544 : i32
      %add3A_546 = arith.constant 3 : i32
      %add3A_547 = arith.addi %mul3A_545, %add3A_546 : i32
      %dma_wait3A_548 = arith.constant 3 : i32
      %dma_wait3A_549 = arith.constant 3 : i32
      %dma_wait3A_550 = arith.constant 0 : i32
      %dma_wait3A_551 = arith.constant 0 : i32
      %dma_wait3A_552 = tpu.memref_slice %arg8[%dma_wait3A_548, %dma_wait3A_550, %dma_wait3A_551] : memref<5x80x128xbf16, #tpu.memory_space<vmem>> -> memref<1x80x128xbf16, #tpu.memory_space<vmem>>
      %dma_wait3A_553 = tpu.memref_squeeze %dma_wait3A_552 : memref<1x80x128xbf16, #tpu.memory_space<vmem>> -> memref<80x128xbf16, #tpu.memory_space<vmem>>
      %dma_wait3A_554 = arith.constant 0 : i32
      %dma_wait3A_555 = arith.constant 0 : i32
      %dma_wait3A_556 = tpu.memref_slice %arg4[%dma_wait3A_554, %dma_wait3A_555] : memref<80000x128xbf16, #tpu.memory_space<hbm>> -> memref<80x128xbf16, #tpu.memory_space<hbm>>
      %dma_wait3A_557 = tpu.memref_slice %arg10[%dma_wait3A_549] : memref<5x!tpu.dma_semaphore, #tpu.memory_space<semaphore_mem>> -> memref<1x!tpu.dma_semaphore, #tpu.memory_space<semaphore_mem>>
      %dma_wait3A_558 = tpu.memref_squeeze %dma_wait3A_557 : memref<1x!tpu.dma_semaphore, #tpu.memory_space<semaphore_mem>> -> memref<!tpu.dma_semaphore, #tpu.memory_space<semaphore_mem>>
      %dma_wait3A_559 = arith.constant 0 : i32
      %dma_wait3A_560 = arith.constant 0 : i32
      %dma_wait3A_561 = tpu.memref_slice %arg8[%dma_wait3A_548, %dma_wait3A_559, %dma_wait3A_560] : memref<5x80x128xbf16, #tpu.memory_space<vmem>> -> memref<1x80x128xbf16, #tpu.memory_space<vmem>>
      %dma_wait3A_562 = tpu.memref_squeeze %dma_wait3A_561 : memref<1x80x128xbf16, #tpu.memory_space<vmem>> -> memref<80x128xbf16, #tpu.memory_space<vmem>>
      %dma_wait3A_563 = arith.constant 0 : i32
      %dma_wait3A_564 = arith.constant 0 : i32
      %dma_wait3A_565 = tpu.memref_slice %arg4[%dma_wait3A_563, %dma_wait3A_564] : memref<80000x128xbf16, #tpu.memory_space<hbm>> -> memref<80x128xbf16, #tpu.memory_space<hbm>>
      tpu.wait_dma2 semaphore(%dma_wait3A_558 : memref<!tpu.dma_semaphore, #tpu.memory_space<semaphore_mem>>) src(%dma_wait3A_565 : memref<80x128xbf16, #tpu.memory_space<hbm>>) dst(%dma_wait3A_562 : memref<80x128xbf16, #tpu.memory_space<vmem>>)
      %dma_start3A_566 = arith.constant 3 : i32
      %dma_start3A_567 = arith.constant 3 : i32
      %dma_start3A_568 = arith.constant 0 : i32
      %dma_start3A_569 = arith.constant 0 : i32
      %dma_start3A_570 = tpu.memref_slice %arg8[%dma_start3A_566, %dma_start3A_568, %dma_start3A_569] : memref<5x80x128xbf16, #tpu.memory_space<vmem>> -> memref<1x80x128xbf16, #tpu.memory_space<vmem>>
      %dma_start3A_571 = tpu.memref_squeeze %dma_start3A_570 : memref<1x80x128xbf16, #tpu.memory_space<vmem>> -> memref<80x128xbf16, #tpu.memory_space<vmem>>
      %dma_start3A_572 = arith.constant 0 : i32
      %dma_start3A_573 = tpu.memref_slice %arg7[%add3A_547, %dma_start3A_572] : memref<125x80xi32, #tpu.memory_space<vmem>> -> memref<1x80xi32, #tpu.memory_space<vmem>>
      %dma_start3A_574 = tpu.memref_squeeze %dma_start3A_573 : memref<1x80xi32, #tpu.memory_space<vmem>> -> memref<80xi32, #tpu.memory_space<vmem>>
      %dma_start3A_575 = arith.constant 0 : i32
      %dma_start3A_576 = arith.constant 0 : i32
      %dma_start3A_577 = tpu.memref_slice %arg9[%dma_start3A_575, %dma_start3A_576] : memref<10000x128xbf16, #tpu.memory_space<vmem_shared>> -> memref<10000x128xbf16, #tpu.memory_space<vmem_shared>>
      %dma_start3A_578 = tpu.memref_slice %arg11[%dma_start3A_567] : memref<5x!tpu.dma_semaphore, #tpu.memory_space<semaphore_mem>> -> memref<1x!tpu.dma_semaphore, #tpu.memory_space<semaphore_mem>>
      %dma_start3A_579 = tpu.memref_squeeze %dma_start3A_578 : memref<1x!tpu.dma_semaphore, #tpu.memory_space<semaphore_mem>> -> memref<!tpu.dma_semaphore, #tpu.memory_space<semaphore_mem>>
      tpu.enqueue_indirect_dma source(%dma_start3A_571 : memref<80x128xbf16, #tpu.memory_space<vmem>>) target(%dma_start3A_577 : memref<10000x128xbf16, #tpu.memory_space<vmem_shared>>) offsets(%dma_start3A_574 : memref<80xi32, #tpu.memory_space<vmem>>) semaphore(%dma_start3A_579 : memref<!tpu.dma_semaphore, #tpu.memory_space<semaphore_mem>>) {add = true}
      %ge3A_580 = arith.constant 1 : i32
      %ge3A_581 = arith.cmpi sge, %add3A_547, %ge3A_580 : i32
      %convert_element_type3A_582 = arith.extui %ge3A_581 : i1 to i32
      %cond3A_583 = arith.constant 0 : i32
      %cond3A_584 = arith.cmpi ne, %convert_element_type3A_582, %cond3A_583 : i32
      scf.if %cond3A_584 {
        %dma_wait3A_641 = arith.constant 2 : i32
        %dma_wait3A_642 = arith.constant 2 : i32
        %dma_wait3A_643 = arith.constant 0 : i32
        %dma_wait3A_644 = arith.constant 0 : i32
        %dma_wait3A_645 = tpu.memref_slice %arg8[%dma_wait3A_641, %dma_wait3A_643, %dma_wait3A_644] : memref<5x80x128xbf16, #tpu.memory_space<vmem>> -> memref<1x80x128xbf16, #tpu.memory_space<vmem>>
        %dma_wait3A_646 = tpu.memref_squeeze %dma_wait3A_645 : memref<1x80x128xbf16, #tpu.memory_space<vmem>> -> memref<80x128xbf16, #tpu.memory_space<vmem>>
        %dma_wait3A_647 = arith.constant 0 : i32
        %dma_wait3A_648 = arith.constant 0 : i32
        %dma_wait3A_649 = tpu.memref_slice %arg9[%dma_wait3A_647, %dma_wait3A_648] : memref<10000x128xbf16, #tpu.memory_space<vmem_shared>> -> memref<80x128xbf16, #tpu.memory_space<vmem_shared>>
        %dma_wait3A_650 = tpu.memref_slice %arg11[%dma_wait3A_642] : memref<5x!tpu.dma_semaphore, #tpu.memory_space<semaphore_mem>> -> memref<1x!tpu.dma_semaphore, #tpu.memory_space<semaphore_mem>>
        %dma_wait3A_651 = tpu.memref_squeeze %dma_wait3A_650 : memref<1x!tpu.dma_semaphore, #tpu.memory_space<semaphore_mem>> -> memref<!tpu.dma_semaphore, #tpu.memory_space<semaphore_mem>>
        %dma_wait3A_652 = arith.constant 0 : i32
        %dma_wait3A_653 = arith.constant 0 : i32
        %dma_wait3A_654 = tpu.memref_slice %arg9[%dma_wait3A_652, %dma_wait3A_653] : memref<10000x128xbf16, #tpu.memory_space<vmem_shared>> -> memref<80x128xbf16, #tpu.memory_space<vmem_shared>>
        %dma_wait3A_655 = arith.constant 0 : i32
        %dma_wait3A_656 = arith.constant 0 : i32
        %dma_wait3A_657 = tpu.memref_slice %arg8[%dma_wait3A_641, %dma_wait3A_655, %dma_wait3A_656] : memref<5x80x128xbf16, #tpu.memory_space<vmem>> -> memref<1x80x128xbf16, #tpu.memory_space<vmem>>
        %dma_wait3A_658 = tpu.memref_squeeze %dma_wait3A_657 : memref<1x80x128xbf16, #tpu.memory_space<vmem>> -> memref<80x128xbf16, #tpu.memory_space<vmem>>
        tpu.wait_dma2 semaphore(%dma_wait3A_651 : memref<!tpu.dma_semaphore, #tpu.memory_space<semaphore_mem>>) src(%dma_wait3A_658 : memref<80x128xbf16, #tpu.memory_space<vmem>>) dst(%dma_wait3A_654 : memref<80x128xbf16, #tpu.memory_space<vmem_shared>>)
      } else {
      }
      %add3A_585 = arith.constant 4 : i32
      %add3A_586 = arith.addi %add3A_547, %add3A_585 : i32
      %lt3A_587 = arith.constant 125 : i32
      %lt3A_588 = arith.cmpi slt, %add3A_586, %lt3A_587 : i32
      %convert_element_type3A_589 = arith.extui %lt3A_588 : i1 to i32
      %cond3A_590 = arith.constant 0 : i32
      %cond3A_591 = arith.cmpi ne, %convert_element_type3A_589, %cond3A_590 : i32
      scf.if %cond3A_591 {
        %add3A_641 = arith.constant 4 : i32
        %add3A_642 = arith.addi %add3A_547, %add3A_641 : i32
        %mul3A_643 = arith.constant 80 : i32
        %mul3A_644 = arith.muli %add3A_642, %mul3A_643 : i32
        %dma_start3A_645 = arith.constant 2 : i32
        %dma_start3A_646 = arith.constant 2 : i32
        %dma_start3A_647 = arith.constant 0 : i32
        %dma_start3A_648 = arith.constant 0 : i32
        %dma_start3A_649 = tpu.memref_slice %arg8[%dma_start3A_645, %dma_start3A_647, %dma_start3A_648] : memref<5x80x128xbf16, #tpu.memory_space<vmem>> -> memref<1x80x128xbf16, #tpu.memory_space<vmem>>
        %dma_start3A_650 = tpu.memref_squeeze %dma_start3A_649 : memref<1x80x128xbf16, #tpu.memory_space<vmem>> -> memref<80x128xbf16, #tpu.memory_space<vmem>>
        %dma_start3A_651 = tpu.memref_slice %arg6[%mul3A_644] : memref<10000xi32, #tpu.memory_space<vmem>> -> memref<80xi32, #tpu.memory_space<vmem>>
        %dma_start3A_652 = arith.constant 0 : i32
        %dma_start3A_653 = arith.constant 0 : i32
        %dma_start3A_654 = tpu.memref_slice %arg4[%dma_start3A_652, %dma_start3A_653] : memref<80000x128xbf16, #tpu.memory_space<hbm>> -> memref<80000x128xbf16, #tpu.memory_space<hbm>>
        %dma_start3A_655 = tpu.memref_slice %arg10[%dma_start3A_646] : memref<5x!tpu.dma_semaphore, #tpu.memory_space<semaphore_mem>> -> memref<1x!tpu.dma_semaphore, #tpu.memory_space<semaphore_mem>>
        %dma_start3A_656 = tpu.memref_squeeze %dma_start3A_655 : memref<1x!tpu.dma_semaphore, #tpu.memory_space<semaphore_mem>> -> memref<!tpu.dma_semaphore, #tpu.memory_space<semaphore_mem>>
        tpu.enqueue_indirect_dma source(%dma_start3A_654 : memref<80000x128xbf16, #tpu.memory_space<hbm>>) target(%dma_start3A_650 : memref<80x128xbf16, #tpu.memory_space<vmem>>) offsets(%dma_start3A_651 : memref<80xi32, #tpu.memory_space<vmem>>) semaphore(%dma_start3A_656 : memref<!tpu.dma_semaphore, #tpu.memory_space<semaphore_mem>>)
      } else {
      }
      %mul3A_592 = arith.constant 5 : i32
      %mul3A_593 = arith.muli %scan3A_402, %mul3A_592 : i32
      %add3A_594 = arith.constant 4 : i32
      %add3A_595 = arith.addi %mul3A_593, %add3A_594 : i32
      %dma_wait3A_596 = arith.constant 4 : i32
      %dma_wait3A_597 = arith.constant 4 : i32
      %dma_wait3A_598 = arith.constant 0 : i32
      %dma_wait3A_599 = arith.constant 0 : i32
      %dma_wait3A_600 = tpu.memref_slice %arg8[%dma_wait3A_596, %dma_wait3A_598, %dma_wait3A_599] : memref<5x80x128xbf16, #tpu.memory_space<vmem>> -> memref<1x80x128xbf16, #tpu.memory_space<vmem>>
      %dma_wait3A_601 = tpu.memref_squeeze %dma_wait3A_600 : memref<1x80x128xbf16, #tpu.memory_space<vmem>> -> memref<80x128xbf16, #tpu.memory_space<vmem>>
      %dma_wait3A_602 = arith.constant 0 : i32
      %dma_wait3A_603 = arith.constant 0 : i32
      %dma_wait3A_604 = tpu.memref_slice %arg4[%dma_wait3A_602, %dma_wait3A_603] : memref<80000x128xbf16, #tpu.memory_space<hbm>> -> memref<80x128xbf16, #tpu.memory_space<hbm>>
      %dma_wait3A_605 = tpu.memref_slice %arg10[%dma_wait3A_597] : memref<5x!tpu.dma_semaphore, #tpu.memory_space<semaphore_mem>> -> memref<1x!tpu.dma_semaphore, #tpu.memory_space<semaphore_mem>>
      %dma_wait3A_606 = tpu.memref_squeeze %dma_wait3A_605 : memref<1x!tpu.dma_semaphore, #tpu.memory_space<semaphore_mem>> -> memref<!tpu.dma_semaphore, #tpu.memory_space<semaphore_mem>>
      %dma_wait3A_607 = arith.constant 0 : i32
      %dma_wait3A_608 = arith.constant 0 : i32
      %dma_wait3A_609 = tpu.memref_slice %arg8[%dma_wait3A_596, %dma_wait3A_607, %dma_wait3A_608] : memref<5x80x128xbf16, #tpu.memory_space<vmem>> -> memref<1x80x128xbf16, #tpu.memory_space<vmem>>
      %dma_wait3A_610 = tpu.memref_squeeze %dma_wait3A_609 : memref<1x80x128xbf16, #tpu.memory_space<vmem>> -> memref<80x128xbf16, #tpu.memory_space<vmem>>
      %dma_wait3A_611 = arith.constant 0 : i32
      %dma_wait3A_612 = arith.constant 0 : i32
      %dma_wait3A_613 = tpu.memref_slice %arg4[%dma_wait3A_611, %dma_wait3A_612] : memref<80000x128xbf16, #tpu.memory_space<hbm>> -> memref<80x128xbf16, #tpu.memory_space<hbm>>
      tpu.wait_dma2 semaphore(%dma_wait3A_606 : memref<!tpu.dma_semaphore, #tpu.memory_space<semaphore_mem>>) src(%dma_wait3A_613 : memref<80x128xbf16, #tpu.memory_space<hbm>>) dst(%dma_wait3A_610 : memref<80x128xbf16, #tpu.memory_space<vmem>>)
      %dma_start3A_614 = arith.constant 4 : i32
      %dma_start3A_615 = arith.constant 4 : i32
      %dma_start3A_616 = arith.constant 0 : i32
      %dma_start3A_617 = arith.constant 0 : i32
      %dma_start3A_618 = tpu.memref_slice %arg8[%dma_start3A_614, %dma_start3A_616, %dma_start3A_617] : memref<5x80x128xbf16, #tpu.memory_space<vmem>> -> memref<1x80x128xbf16, #tpu.memory_space<vmem>>
      %dma_start3A_619 = tpu.memref_squeeze %dma_start3A_618 : memref<1x80x128xbf16, #tpu.memory_space<vmem>> -> memref<80x128xbf16, #tpu.memory_space<vmem>>
      %dma_start3A_620 = arith.constant 0 : i32
      %dma_start3A_621 = tpu.memref_slice %arg7[%add3A_595, %dma_start3A_620] : memref<125x80xi32, #tpu.memory_space<vmem>> -> memref<1x80xi32, #tpu.memory_space<vmem>>
      %dma_start3A_622 = tpu.memref_squeeze %dma_start3A_621 : memref<1x80xi32, #tpu.memory_space<vmem>> -> memref<80xi32, #tpu.memory_space<vmem>>
      %dma_start3A_623 = arith.constant 0 : i32
      %dma_start3A_624 = arith.constant 0 : i32
      %dma_start3A_625 = tpu.memref_slice %arg9[%dma_start3A_623, %dma_start3A_624] : memref<10000x128xbf16, #tpu.memory_space<vmem_shared>> -> memref<10000x128xbf16, #tpu.memory_space<vmem_shared>>
      %dma_start3A_626 = tpu.memref_slice %arg11[%dma_start3A_615] : memref<5x!tpu.dma_semaphore, #tpu.memory_space<semaphore_mem>> -> memref<1x!tpu.dma_semaphore, #tpu.memory_space<semaphore_mem>>
      %dma_start3A_627 = tpu.memref_squeeze %dma_start3A_626 : memref<1x!tpu.dma_semaphore, #tpu.memory_space<semaphore_mem>> -> memref<!tpu.dma_semaphore, #tpu.memory_space<semaphore_mem>>
      tpu.enqueue_indirect_dma source(%dma_start3A_619 : memref<80x128xbf16, #tpu.memory_space<vmem>>) target(%dma_start3A_625 : memref<10000x128xbf16, #tpu.memory_space<vmem_shared>>) offsets(%dma_start3A_622 : memref<80xi32, #tpu.memory_space<vmem>>) semaphore(%dma_start3A_627 : memref<!tpu.dma_semaphore, #tpu.memory_space<semaphore_mem>>) {add = true}
      %ge3A_628 = arith.constant 1 : i32
      %ge3A_629 = arith.cmpi sge, %add3A_595, %ge3A_628 : i32
      %convert_element_type3A_630 = arith.extui %ge3A_629 : i1 to i32
      %cond3A_631 = arith.constant 0 : i32
      %cond3A_632 = arith.cmpi ne, %convert_element_type3A_630, %cond3A_631 : i32
      scf.if %cond3A_632 {
        %dma_wait3A_641 = arith.constant 3 : i32
        %dma_wait3A_642 = arith.constant 3 : i32
        %dma_wait3A_643 = arith.constant 0 : i32
        %dma_wait3A_644 = arith.constant 0 : i32
        %dma_wait3A_645 = tpu.memref_slice %arg8[%dma_wait3A_641, %dma_wait3A_643, %dma_wait3A_644] : memref<5x80x128xbf16, #tpu.memory_space<vmem>> -> memref<1x80x128xbf16, #tpu.memory_space<vmem>>
        %dma_wait3A_646 = tpu.memref_squeeze %dma_wait3A_645 : memref<1x80x128xbf16, #tpu.memory_space<vmem>> -> memref<80x128xbf16, #tpu.memory_space<vmem>>
        %dma_wait3A_647 = arith.constant 0 : i32
        %dma_wait3A_648 = arith.constant 0 : i32
        %dma_wait3A_649 = tpu.memref_slice %arg9[%dma_wait3A_647, %dma_wait3A_648] : memref<10000x128xbf16, #tpu.memory_space<vmem_shared>> -> memref<80x128xbf16, #tpu.memory_space<vmem_shared>>
        %dma_wait3A_650 = tpu.memref_slice %arg11[%dma_wait3A_642] : memref<5x!tpu.dma_semaphore, #tpu.memory_space<semaphore_mem>> -> memref<1x!tpu.dma_semaphore, #tpu.memory_space<semaphore_mem>>
        %dma_wait3A_651 = tpu.memref_squeeze %dma_wait3A_650 : memref<1x!tpu.dma_semaphore, #tpu.memory_space<semaphore_mem>> -> memref<!tpu.dma_semaphore, #tpu.memory_space<semaphore_mem>>
        %dma_wait3A_652 = arith.constant 0 : i32
        %dma_wait3A_653 = arith.constant 0 : i32
        %dma_wait3A_654 = tpu.memref_slice %arg9[%dma_wait3A_652, %dma_wait3A_653] : memref<10000x128xbf16, #tpu.memory_space<vmem_shared>> -> memref<80x128xbf16, #tpu.memory_space<vmem_shared>>
        %dma_wait3A_655 = arith.constant 0 : i32
        %dma_wait3A_656 = arith.constant 0 : i32
        %dma_wait3A_657 = tpu.memref_slice %arg8[%dma_wait3A_641, %dma_wait3A_655, %dma_wait3A_656] : memref<5x80x128xbf16, #tpu.memory_space<vmem>> -> memref<1x80x128xbf16, #tpu.memory_space<vmem>>
        %dma_wait3A_658 = tpu.memref_squeeze %dma_wait3A_657 : memref<1x80x128xbf16, #tpu.memory_space<vmem>> -> memref<80x128xbf16, #tpu.memory_space<vmem>>
        tpu.wait_dma2 semaphore(%dma_wait3A_651 : memref<!tpu.dma_semaphore, #tpu.memory_space<semaphore_mem>>) src(%dma_wait3A_658 : memref<80x128xbf16, #tpu.memory_space<vmem>>) dst(%dma_wait3A_654 : memref<80x128xbf16, #tpu.memory_space<vmem_shared>>)
      } else {
      }
      %add3A_633 = arith.constant 4 : i32
      %add3A_634 = arith.addi %add3A_595, %add3A_633 : i32
      %lt3A_635 = arith.constant 125 : i32
      %lt3A_636 = arith.cmpi slt, %add3A_634, %lt3A_635 : i32
      %convert_element_type3A_637 = arith.extui %lt3A_636 : i1 to i32
      %cond3A_638 = arith.constant 0 : i32
      %cond3A_639 = arith.cmpi ne, %convert_element_type3A_637, %cond3A_638 : i32
      scf.if %cond3A_639 {
        %add3A_641 = arith.constant 4 : i32
        %add3A_642 = arith.addi %add3A_595, %add3A_641 : i32
        %mul3A_643 = arith.constant 80 : i32
        %mul3A_644 = arith.muli %add3A_642, %mul3A_643 : i32
        %dma_start3A_645 = arith.constant 3 : i32
        %dma_start3A_646 = arith.constant 3 : i32
        %dma_start3A_647 = arith.constant 0 : i32
        %dma_start3A_648 = arith.constant 0 : i32
        %dma_start3A_649 = tpu.memref_slice %arg8[%dma_start3A_645, %dma_start3A_647, %dma_start3A_648] : memref<5x80x128xbf16, #tpu.memory_space<vmem>> -> memref<1x80x128xbf16, #tpu.memory_space<vmem>>
        %dma_start3A_650 = tpu.memref_squeeze %dma_start3A_649 : memref<1x80x128xbf16, #tpu.memory_space<vmem>> -> memref<80x128xbf16, #tpu.memory_space<vmem>>
        %dma_start3A_651 = tpu.memref_slice %arg6[%mul3A_644] : memref<10000xi32, #tpu.memory_space<vmem>> -> memref<80xi32, #tpu.memory_space<vmem>>
        %dma_start3A_652 = arith.constant 0 : i32
        %dma_start3A_653 = arith.constant 0 : i32
        %dma_start3A_654 = tpu.memref_slice %arg4[%dma_start3A_652, %dma_start3A_653] : memref<80000x128xbf16, #tpu.memory_space<hbm>> -> memref<80000x128xbf16, #tpu.memory_space<hbm>>
        %dma_start3A_655 = tpu.memref_slice %arg10[%dma_start3A_646] : memref<5x!tpu.dma_semaphore, #tpu.memory_space<semaphore_mem>> -> memref<1x!tpu.dma_semaphore, #tpu.memory_space<semaphore_mem>>
        %dma_start3A_656 = tpu.memref_squeeze %dma_start3A_655 : memref<1x!tpu.dma_semaphore, #tpu.memory_space<semaphore_mem>> -> memref<!tpu.dma_semaphore, #tpu.memory_space<semaphore_mem>>
        tpu.enqueue_indirect_dma source(%dma_start3A_654 : memref<80000x128xbf16, #tpu.memory_space<hbm>>) target(%dma_start3A_650 : memref<80x128xbf16, #tpu.memory_space<vmem>>) offsets(%dma_start3A_651 : memref<80xi32, #tpu.memory_space<vmem>>) semaphore(%dma_start3A_656 : memref<!tpu.dma_semaphore, #tpu.memory_space<semaphore_mem>>)
      } else {
      }
      %scan3A_640 = arith.constant 0 : i32
      scf.yield %scan3A_640 : i32
    }
    %scan3A_171 = arith.constant 25 : i32
    %dma_wait3A_172 = arith.constant 4 : i32
    %dma_wait3A_173 = arith.constant 4 : i32
    %dma_wait3A_174 = arith.constant 0 : i32
    %dma_wait3A_175 = arith.constant 0 : i32
    %dma_wait3A_176 = tpu.memref_slice %arg8[%dma_wait3A_172, %dma_wait3A_174, %dma_wait3A_175] : memref<5x80x128xbf16, #tpu.memory_space<vmem>> -> memref<1x80x128xbf16, #tpu.memory_space<vmem>>
    %dma_wait3A_177 = tpu.memref_squeeze %dma_wait3A_176 : memref<1x80x128xbf16, #tpu.memory_space<vmem>> -> memref<80x128xbf16, #tpu.memory_space<vmem>>
    %dma_wait3A_178 = arith.constant 0 : i32
    %dma_wait3A_179 = arith.constant 0 : i32
    %dma_wait3A_180 = tpu.memref_slice %arg9[%dma_wait3A_178, %dma_wait3A_179] : memref<10000x128xbf16, #tpu.memory_space<vmem_shared>> -> memref<80x128xbf16, #tpu.memory_space<vmem_shared>>
    %dma_wait3A_181 = tpu.memref_slice %arg11[%dma_wait3A_173] : memref<5x!tpu.dma_semaphore, #tpu.memory_space<semaphore_mem>> -> memref<1x!tpu.dma_semaphore, #tpu.memory_space<semaphore_mem>>
    %dma_wait3A_182 = tpu.memref_squeeze %dma_wait3A_181 : memref<1x!tpu.dma_semaphore, #tpu.memory_space<semaphore_mem>> -> memref<!tpu.dma_semaphore, #tpu.memory_space<semaphore_mem>>
    %dma_wait3A_183 = arith.constant 0 : i32
    %dma_wait3A_184 = arith.constant 0 : i32
    %dma_wait3A_185 = tpu.memref_slice %arg9[%dma_wait3A_183, %dma_wait3A_184] : memref<10000x128xbf16, #tpu.memory_space<vmem_shared>> -> memref<80x128xbf16, #tpu.memory_space<vmem_shared>>
    %dma_wait3A_186 = arith.constant 0 : i32
    %dma_wait3A_187 = arith.constant 0 : i32
    %dma_wait3A_188 = tpu.memref_slice %arg8[%dma_wait3A_172, %dma_wait3A_186, %dma_wait3A_187] : memref<5x80x128xbf16, #tpu.memory_space<vmem>> -> memref<1x80x128xbf16, #tpu.memory_space<vmem>>
    %dma_wait3A_189 = tpu.memref_squeeze %dma_wait3A_188 : memref<1x80x128xbf16, #tpu.memory_space<vmem>> -> memref<80x128xbf16, #tpu.memory_space<vmem>>
    tpu.wait_dma2 semaphore(%dma_wait3A_182 : memref<!tpu.dma_semaphore, #tpu.memory_space<semaphore_mem>>) src(%dma_wait3A_189 : memref<80x128xbf16, #tpu.memory_space<vmem>>) dst(%dma_wait3A_185 : memref<80x128xbf16, #tpu.memory_space<vmem_shared>>)
    %barrier3A_190 = arith.constant 0 : index
    tpu.barrier barrier_id(%barrier3A_190)
    %mul3A_191 = arith.constant 625 : i32
    %mul3A_192 = arith.muli %arg1, %mul3A_191 : i32
    %mul3A_193 = arith.constant 10000 : i32
    %mul3A_194 = arith.muli %add3A_99, %mul3A_193 : i32
    %mul3A_195 = arith.constant 625 : i32
    %mul3A_196 = arith.muli %arg1, %mul3A_195 : i32
    %add3A_197 = arith.addi %mul3A_194, %mul3A_196 : i32
    "tpu.region"() ({
      %run_scoped3A = tpu.sem_alloc : memref<!tpu.dma_semaphore, #tpu.memory_space<semaphore_mem>>
      %dma_start3A_402 = arith.constant 0 : i32
      %dma_start3A_403 = tpu.memref_slice %arg5[%add3A_197, %dma_start3A_402] : memref<80000x128xbf16, #tpu.memory_space<hbm>> -> memref<625x128xbf16, #tpu.memory_space<hbm>>
      %dma_start3A_404 = arith.constant 0 : i32
      %dma_start3A_405 = tpu.memref_slice %arg9[%mul3A_192, %dma_start3A_404] : memref<10000x128xbf16, #tpu.memory_space<vmem_shared>> -> memref<625x128xbf16, #tpu.memory_space<vmem_shared>>
      tpu.enqueue_dma source(%dma_start3A_405 : memref<625x128xbf16, #tpu.memory_space<vmem_shared>>) target(%dma_start3A_403 : memref<625x128xbf16, #tpu.memory_space<hbm>>) target_semaphore(%run_scoped3A : memref<!tpu.dma_semaphore, #tpu.memory_space<semaphore_mem>>)
      %dma_wait3A_406 = arith.constant 0 : i32
      %dma_wait3A_407 = tpu.memref_slice %arg5[%add3A_197, %dma_wait3A_406] : memref<80000x128xbf16, #tpu.memory_space<hbm>> -> memref<625x128xbf16, #tpu.memory_space<hbm>>
      %dma_wait3A_408 = arith.constant 0 : i32
      %dma_wait3A_409 = tpu.memref_slice %arg9[%mul3A_192, %dma_wait3A_408] : memref<10000x128xbf16, #tpu.memory_space<vmem_shared>> -> memref<625x128xbf16, #tpu.memory_space<vmem_shared>>
      tpu.wait_dma2 semaphore(%run_scoped3A : memref<!tpu.dma_semaphore, #tpu.memory_space<semaphore_mem>>) src(%dma_wait3A_409 : memref<625x128xbf16, #tpu.memory_space<vmem_shared>>) dst(%dma_wait3A_407 : memref<625x128xbf16, #tpu.memory_space<hbm>>)
      tpu.yield
    }) : () -> ()
    %mul3A_198 = arith.constant 4 : i32
    %mul3A_199 = arith.muli %arg0, %mul3A_198 : i32
    %add3A_200 = arith.constant 2 : i32
    %add3A_201 = arith.addi %mul3A_199, %add3A_200 : i32
    %mul3A_202 = arith.constant 160000 : i32
    %mul3A_203 = arith.muli %add3A_201, %mul3A_202 : i32
    %mul3A_204 = arith.constant 10000 : i32
    %mul3A_205 = arith.muli %arg1, %mul3A_204 : i32
    %add3A_206 = arith.addi %mul3A_203, %mul3A_205 : i32
    "tpu.region"() ({
      %run_scoped3A = tpu.sem_alloc : memref<!tpu.dma_semaphore, #tpu.memory_space<semaphore_mem>>
      %dma_start3A_402 = tpu.memref_slice %arg2[%add3A_206] : memref<1280000xi32, #tpu.memory_space<hbm>> -> memref<10000xi32, #tpu.memory_space<hbm>>
      %dma_start3A_403 = tpu.memref_slice %arg2[%add3A_206] : memref<1280000xi32, #tpu.memory_space<hbm>> -> memref<10000xi32, #tpu.memory_space<hbm>>
      tpu.enqueue_dma source(%dma_start3A_403 : memref<10000xi32, #tpu.memory_space<hbm>>) target(%arg6 : memref<10000xi32, #tpu.memory_space<vmem>>) target_semaphore(%run_scoped3A : memref<!tpu.dma_semaphore, #tpu.memory_space<semaphore_mem>>)
      %dma_wait3A_404 = tpu.memref_slice %arg2[%add3A_206] : memref<1280000xi32, #tpu.memory_space<hbm>> -> memref<10000xi32, #tpu.memory_space<hbm>>
      %dma_wait3A_405 = tpu.memref_slice %arg2[%add3A_206] : memref<1280000xi32, #tpu.memory_space<hbm>> -> memref<10000xi32, #tpu.memory_space<hbm>>
      tpu.wait_dma2 semaphore(%run_scoped3A : memref<!tpu.dma_semaphore, #tpu.memory_space<semaphore_mem>>) src(%dma_wait3A_405 : memref<10000xi32, #tpu.memory_space<hbm>>) dst(%arg6 : memref<10000xi32, #tpu.memory_space<vmem>>)
      tpu.yield
    }) : () -> ()
    "tpu.region"() ({
      %run_scoped3A = tpu.sem_alloc : memref<!tpu.dma_semaphore, #tpu.memory_space<semaphore_mem>>
      %dma_start3A_402 = arith.constant 0 : i32
      %dma_start3A_403 = arith.constant 0 : i32
      %dma_start3A_404 = tpu.memref_slice %arg3[%arg1, %dma_start3A_402, %dma_start3A_403] : memref<16x125x80xi32, #tpu.memory_space<hbm>> -> memref<1x125x80xi32, #tpu.memory_space<hbm>>
      %dma_start3A_405 = tpu.memref_squeeze %dma_start3A_404 : memref<1x125x80xi32, #tpu.memory_space<hbm>> -> memref<125x80xi32, #tpu.memory_space<hbm>>
      %dma_start3A_406 = arith.constant 0 : i32
      %dma_start3A_407 = arith.constant 0 : i32
      %dma_start3A_408 = tpu.memref_slice %arg3[%arg1, %dma_start3A_406, %dma_start3A_407] : memref<16x125x80xi32, #tpu.memory_space<hbm>> -> memref<1x125x80xi32, #tpu.memory_space<hbm>>
      %dma_start3A_409 = tpu.memref_squeeze %dma_start3A_408 : memref<1x125x80xi32, #tpu.memory_space<hbm>> -> memref<125x80xi32, #tpu.memory_space<hbm>>
      tpu.enqueue_dma source(%dma_start3A_409 : memref<125x80xi32, #tpu.memory_space<hbm>>) target(%arg7 : memref<125x80xi32, #tpu.memory_space<vmem>>) target_semaphore(%run_scoped3A : memref<!tpu.dma_semaphore, #tpu.memory_space<semaphore_mem>>)
      %dma_wait3A_410 = arith.constant 0 : i32
      %dma_wait3A_411 = arith.constant 0 : i32
      %dma_wait3A_412 = tpu.memref_slice %arg3[%arg1, %dma_wait3A_410, %dma_wait3A_411] : memref<16x125x80xi32, #tpu.memory_space<hbm>> -> memref<1x125x80xi32, #tpu.memory_space<hbm>>
      %dma_wait3A_413 = tpu.memref_squeeze %dma_wait3A_412 : memref<1x125x80xi32, #tpu.memory_space<hbm>> -> memref<125x80xi32, #tpu.memory_space<hbm>>
      %dma_wait3A_414 = arith.constant 0 : i32
      %dma_wait3A_415 = arith.constant 0 : i32
      %dma_wait3A_416 = tpu.memref_slice %arg3[%arg1, %dma_wait3A_414, %dma_wait3A_415] : memref<16x125x80xi32, #tpu.memory_space<hbm>> -> memref<1x125x80xi32, #tpu.memory_space<hbm>>
      %dma_wait3A_417 = tpu.memref_squeeze %dma_wait3A_416 : memref<1x125x80xi32, #tpu.memory_space<hbm>> -> memref<125x80xi32, #tpu.memory_space<hbm>>
      tpu.wait_dma2 semaphore(%run_scoped3A : memref<!tpu.dma_semaphore, #tpu.memory_space<semaphore_mem>>) src(%dma_wait3A_417 : memref<125x80xi32, #tpu.memory_space<hbm>>) dst(%arg7 : memref<125x80xi32, #tpu.memory_space<vmem>>)
      tpu.yield
    }) : () -> ()
    %dma_start3A_207 = arith.constant 0 : i32
    %dma_start3A_208 = arith.constant 0 : i32
    %dma_start3A_209 = arith.constant 0 : i32
    %dma_start3A_210 = arith.constant 0 : i32
    %dma_start3A_211 = tpu.memref_slice %arg8[%dma_start3A_207, %dma_start3A_209, %dma_start3A_210] : memref<5x80x128xbf16, #tpu.memory_space<vmem>> -> memref<1x80x128xbf16, #tpu.memory_space<vmem>>
    %dma_start3A_212 = tpu.memref_squeeze %dma_start3A_211 : memref<1x80x128xbf16, #tpu.memory_space<vmem>> -> memref<80x128xbf16, #tpu.memory_space<vmem>>
    %dma_start3A_213 = arith.constant 0 : i32
    %dma_start3A_214 = tpu.memref_slice %arg6[%dma_start3A_213] : memref<10000xi32, #tpu.memory_space<vmem>> -> memref<80xi32, #tpu.memory_space<vmem>>
    %dma_start3A_215 = arith.constant 0 : i32
    %dma_start3A_216 = arith.constant 0 : i32
    %dma_start3A_217 = tpu.memref_slice %arg4[%dma_start3A_215, %dma_start3A_216] : memref<80000x128xbf16, #tpu.memory_space<hbm>> -> memref<80000x128xbf16, #tpu.memory_space<hbm>>
    %dma_start3A_218 = tpu.memref_slice %arg10[%dma_start3A_208] : memref<5x!tpu.dma_semaphore, #tpu.memory_space<semaphore_mem>> -> memref<1x!tpu.dma_semaphore, #tpu.memory_space<semaphore_mem>>
    %dma_start3A_219 = tpu.memref_squeeze %dma_start3A_218 : memref<1x!tpu.dma_semaphore, #tpu.memory_space<semaphore_mem>> -> memref<!tpu.dma_semaphore, #tpu.memory_space<semaphore_mem>>
    tpu.enqueue_indirect_dma source(%dma_start3A_217 : memref<80000x128xbf16, #tpu.memory_space<hbm>>) target(%dma_start3A_212 : memref<80x128xbf16, #tpu.memory_space<vmem>>) offsets(%dma_start3A_214 : memref<80xi32, #tpu.memory_space<vmem>>) semaphore(%dma_start3A_219 : memref<!tpu.dma_semaphore, #tpu.memory_space<semaphore_mem>>)
    %dma_start3A_220 = arith.constant 1 : i32
    %dma_start3A_221 = arith.constant 1 : i32
    %dma_start3A_222 = arith.constant 0 : i32
    %dma_start3A_223 = arith.constant 0 : i32
    %dma_start3A_224 = tpu.memref_slice %arg8[%dma_start3A_220, %dma_start3A_222, %dma_start3A_223] : memref<5x80x128xbf16, #tpu.memory_space<vmem>> -> memref<1x80x128xbf16, #tpu.memory_space<vmem>>
    %dma_start3A_225 = tpu.memref_squeeze %dma_start3A_224 : memref<1x80x128xbf16, #tpu.memory_space<vmem>> -> memref<80x128xbf16, #tpu.memory_space<vmem>>
    %dma_start3A_226 = arith.constant 80 : i32
    %dma_start3A_227 = tpu.memref_slice %arg6[%dma_start3A_226] : memref<10000xi32, #tpu.memory_space<vmem>> -> memref<80xi32, #tpu.memory_space<vmem>>
    %dma_start3A_228 = arith.constant 0 : i32
    %dma_start3A_229 = arith.constant 0 : i32
    %dma_start3A_230 = tpu.memref_slice %arg4[%dma_start3A_228, %dma_start3A_229] : memref<80000x128xbf16, #tpu.memory_space<hbm>> -> memref<80000x128xbf16, #tpu.memory_space<hbm>>
    %dma_start3A_231 = tpu.memref_slice %arg10[%dma_start3A_221] : memref<5x!tpu.dma_semaphore, #tpu.memory_space<semaphore_mem>> -> memref<1x!tpu.dma_semaphore, #tpu.memory_space<semaphore_mem>>
    %dma_start3A_232 = tpu.memref_squeeze %dma_start3A_231 : memref<1x!tpu.dma_semaphore, #tpu.memory_space<semaphore_mem>> -> memref<!tpu.dma_semaphore, #tpu.memory_space<semaphore_mem>>
    tpu.enqueue_indirect_dma source(%dma_start3A_230 : memref<80000x128xbf16, #tpu.memory_space<hbm>>) target(%dma_start3A_225 : memref<80x128xbf16, #tpu.memory_space<vmem>>) offsets(%dma_start3A_227 : memref<80xi32, #tpu.memory_space<vmem>>) semaphore(%dma_start3A_232 : memref<!tpu.dma_semaphore, #tpu.memory_space<semaphore_mem>>)
    %dma_start3A_233 = arith.constant 2 : i32
    %dma_start3A_234 = arith.constant 2 : i32
    %dma_start3A_235 = arith.constant 0 : i32
    %dma_start3A_236 = arith.constant 0 : i32
    %dma_start3A_237 = tpu.memref_slice %arg8[%dma_start3A_233, %dma_start3A_235, %dma_start3A_236] : memref<5x80x128xbf16, #tpu.memory_space<vmem>> -> memref<1x80x128xbf16, #tpu.memory_space<vmem>>
    %dma_start3A_238 = tpu.memref_squeeze %dma_start3A_237 : memref<1x80x128xbf16, #tpu.memory_space<vmem>> -> memref<80x128xbf16, #tpu.memory_space<vmem>>
    %dma_start3A_239 = arith.constant 160 : i32
    %dma_start3A_240 = tpu.memref_slice %arg6[%dma_start3A_239] : memref<10000xi32, #tpu.memory_space<vmem>> -> memref<80xi32, #tpu.memory_space<vmem>>
    %dma_start3A_241 = arith.constant 0 : i32
    %dma_start3A_242 = arith.constant 0 : i32
    %dma_start3A_243 = tpu.memref_slice %arg4[%dma_start3A_241, %dma_start3A_242] : memref<80000x128xbf16, #tpu.memory_space<hbm>> -> memref<80000x128xbf16, #tpu.memory_space<hbm>>
    %dma_start3A_244 = tpu.memref_slice %arg10[%dma_start3A_234] : memref<5x!tpu.dma_semaphore, #tpu.memory_space<semaphore_mem>> -> memref<1x!tpu.dma_semaphore, #tpu.memory_space<semaphore_mem>>
    %dma_start3A_245 = tpu.memref_squeeze %dma_start3A_244 : memref<1x!tpu.dma_semaphore, #tpu.memory_space<semaphore_mem>> -> memref<!tpu.dma_semaphore, #tpu.memory_space<semaphore_mem>>
    tpu.enqueue_indirect_dma source(%dma_start3A_243 : memref<80000x128xbf16, #tpu.memory_space<hbm>>) target(%dma_start3A_238 : memref<80x128xbf16, #tpu.memory_space<vmem>>) offsets(%dma_start3A_240 : memref<80xi32, #tpu.memory_space<vmem>>) semaphore(%dma_start3A_245 : memref<!tpu.dma_semaphore, #tpu.memory_space<semaphore_mem>>)
    %dma_start3A_246 = arith.constant 3 : i32
    %dma_start3A_247 = arith.constant 3 : i32
    %dma_start3A_248 = arith.constant 0 : i32
    %dma_start3A_249 = arith.constant 0 : i32
    %dma_start3A_250 = tpu.memref_slice %arg8[%dma_start3A_246, %dma_start3A_248, %dma_start3A_249] : memref<5x80x128xbf16, #tpu.memory_space<vmem>> -> memref<1x80x128xbf16, #tpu.memory_space<vmem>>
    %dma_start3A_251 = tpu.memref_squeeze %dma_start3A_250 : memref<1x80x128xbf16, #tpu.memory_space<vmem>> -> memref<80x128xbf16, #tpu.memory_space<vmem>>
    %dma_start3A_252 = arith.constant 240 : i32
    %dma_start3A_253 = tpu.memref_slice %arg6[%dma_start3A_252] : memref<10000xi32, #tpu.memory_space<vmem>> -> memref<80xi32, #tpu.memory_space<vmem>>
    %dma_start3A_254 = arith.constant 0 : i32
    %dma_start3A_255 = arith.constant 0 : i32
    %dma_start3A_256 = tpu.memref_slice %arg4[%dma_start3A_254, %dma_start3A_255] : memref<80000x128xbf16, #tpu.memory_space<hbm>> -> memref<80000x128xbf16, #tpu.memory_space<hbm>>
    %dma_start3A_257 = tpu.memref_slice %arg10[%dma_start3A_247] : memref<5x!tpu.dma_semaphore, #tpu.memory_space<semaphore_mem>> -> memref<1x!tpu.dma_semaphore, #tpu.memory_space<semaphore_mem>>
    %dma_start3A_258 = tpu.memref_squeeze %dma_start3A_257 : memref<1x!tpu.dma_semaphore, #tpu.memory_space<semaphore_mem>> -> memref<!tpu.dma_semaphore, #tpu.memory_space<semaphore_mem>>
    tpu.enqueue_indirect_dma source(%dma_start3A_256 : memref<80000x128xbf16, #tpu.memory_space<hbm>>) target(%dma_start3A_251 : memref<80x128xbf16, #tpu.memory_space<vmem>>) offsets(%dma_start3A_253 : memref<80xi32, #tpu.memory_space<vmem>>) semaphore(%dma_start3A_258 : memref<!tpu.dma_semaphore, #tpu.memory_space<semaphore_mem>>)
    %mul3A_259 = arith.constant 10000 : i32
    %mul3A_260 = arith.muli %add3A_201, %mul3A_259 : i32
    %mul3A_261 = arith.constant 625 : i32
    %mul3A_262 = arith.muli %arg1, %mul3A_261 : i32
    %add3A_263 = arith.addi %mul3A_260, %mul3A_262 : i32
    %mul3A_264 = arith.constant 625 : i32
    %mul3A_265 = arith.muli %arg1, %mul3A_264 : i32
    "tpu.region"() ({
      %run_scoped3A = tpu.sem_alloc : memref<!tpu.dma_semaphore, #tpu.memory_space<semaphore_mem>>
      %dma_start3A_402 = arith.constant 0 : i32
      %dma_start3A_403 = tpu.memref_slice %arg9[%mul3A_265, %dma_start3A_402] : memref<10000x128xbf16, #tpu.memory_space<vmem_shared>> -> memref<625x128xbf16, #tpu.memory_space<vmem_shared>>
      %dma_start3A_404 = arith.constant 0 : i32
      %dma_start3A_405 = tpu.memref_slice %arg4[%add3A_263, %dma_start3A_404] : memref<80000x128xbf16, #tpu.memory_space<hbm>> -> memref<625x128xbf16, #tpu.memory_space<hbm>>
      tpu.enqueue_dma source(%dma_start3A_405 : memref<625x128xbf16, #tpu.memory_space<hbm>>) target(%dma_start3A_403 : memref<625x128xbf16, #tpu.memory_space<vmem_shared>>) target_semaphore(%run_scoped3A : memref<!tpu.dma_semaphore, #tpu.memory_space<semaphore_mem>>)
      %dma_wait3A_406 = arith.constant 0 : i32
      %dma_wait3A_407 = tpu.memref_slice %arg9[%mul3A_265, %dma_wait3A_406] : memref<10000x128xbf16, #tpu.memory_space<vmem_shared>> -> memref<625x128xbf16, #tpu.memory_space<vmem_shared>>
      %dma_wait3A_408 = arith.constant 0 : i32
      %dma_wait3A_409 = tpu.memref_slice %arg4[%add3A_263, %dma_wait3A_408] : memref<80000x128xbf16, #tpu.memory_space<hbm>> -> memref<625x128xbf16, #tpu.memory_space<hbm>>
      tpu.wait_dma2 semaphore(%run_scoped3A : memref<!tpu.dma_semaphore, #tpu.memory_space<semaphore_mem>>) src(%dma_wait3A_409 : memref<625x128xbf16, #tpu.memory_space<hbm>>) dst(%dma_wait3A_407 : memref<625x128xbf16, #tpu.memory_space<vmem_shared>>)
      tpu.yield
    }) : () -> ()
    %barrier3A_266 = arith.constant 0 : index
    tpu.barrier barrier_id(%barrier3A_266)
    %scan3A_267 = arith.constant 0 : i32
    %scan3A_268 = arith.constant 0 : i32
    %scan3A_269 = arith.constant 25 : i32
    %scan3A_270 = arith.addi %scan3A_268, %scan3A_269 : i32
    %scan3A_271 = arith.constant 1 : i32
    %scan3A_272 = scf.for %scan3A_402 = %scan3A_268 to %scan3A_270 step %scan3A_271 iter_args(%scan3A_403 = %scan3A_267) -> (i32)  : i32 {
      %mul3A_404 = arith.constant 5 : i32
      %mul3A_405 = arith.muli %scan3A_402, %mul3A_404 : i32
      %add3A_406 = arith.constant 0 : i32
      %add3A_407 = arith.addi %mul3A_405, %add3A_406 : i32
      %dma_wait3A_408 = arith.constant 0 : i32
      %dma_wait3A_409 = arith.constant 0 : i32
      %dma_wait3A_410 = arith.constant 0 : i32
      %dma_wait3A_411 = arith.constant 0 : i32
      %dma_wait3A_412 = tpu.memref_slice %arg8[%dma_wait3A_408, %dma_wait3A_410, %dma_wait3A_411] : memref<5x80x128xbf16, #tpu.memory_space<vmem>> -> memref<1x80x128xbf16, #tpu.memory_space<vmem>>
      %dma_wait3A_413 = tpu.memref_squeeze %dma_wait3A_412 : memref<1x80x128xbf16, #tpu.memory_space<vmem>> -> memref<80x128xbf16, #tpu.memory_space<vmem>>
      %dma_wait3A_414 = arith.constant 0 : i32
      %dma_wait3A_415 = arith.constant 0 : i32
      %dma_wait3A_416 = tpu.memref_slice %arg4[%dma_wait3A_414, %dma_wait3A_415] : memref<80000x128xbf16, #tpu.memory_space<hbm>> -> memref<80x128xbf16, #tpu.memory_space<hbm>>
      %dma_wait3A_417 = tpu.memref_slice %arg10[%dma_wait3A_409] : memref<5x!tpu.dma_semaphore, #tpu.memory_space<semaphore_mem>> -> memref<1x!tpu.dma_semaphore, #tpu.memory_space<semaphore_mem>>
      %dma_wait3A_418 = tpu.memref_squeeze %dma_wait3A_417 : memref<1x!tpu.dma_semaphore, #tpu.memory_space<semaphore_mem>> -> memref<!tpu.dma_semaphore, #tpu.memory_space<semaphore_mem>>
      %dma_wait3A_419 = arith.constant 0 : i32
      %dma_wait3A_420 = arith.constant 0 : i32
      %dma_wait3A_421 = tpu.memref_slice %arg8[%dma_wait3A_408, %dma_wait3A_419, %dma_wait3A_420] : memref<5x80x128xbf16, #tpu.memory_space<vmem>> -> memref<1x80x128xbf16, #tpu.memory_space<vmem>>
      %dma_wait3A_422 = tpu.memref_squeeze %dma_wait3A_421 : memref<1x80x128xbf16, #tpu.memory_space<vmem>> -> memref<80x128xbf16, #tpu.memory_space<vmem>>
      %dma_wait3A_423 = arith.constant 0 : i32
      %dma_wait3A_424 = arith.constant 0 : i32
      %dma_wait3A_425 = tpu.memref_slice %arg4[%dma_wait3A_423, %dma_wait3A_424] : memref<80000x128xbf16, #tpu.memory_space<hbm>> -> memref<80x128xbf16, #tpu.memory_space<hbm>>
      tpu.wait_dma2 semaphore(%dma_wait3A_418 : memref<!tpu.dma_semaphore, #tpu.memory_space<semaphore_mem>>) src(%dma_wait3A_425 : memref<80x128xbf16, #tpu.memory_space<hbm>>) dst(%dma_wait3A_422 : memref<80x128xbf16, #tpu.memory_space<vmem>>)
      %dma_start3A_426 = arith.constant 0 : i32
      %dma_start3A_427 = arith.constant 0 : i32
      %dma_start3A_428 = arith.constant 0 : i32
      %dma_start3A_429 = arith.constant 0 : i32
      %dma_start3A_430 = tpu.memref_slice %arg8[%dma_start3A_426, %dma_start3A_428, %dma_start3A_429] : memref<5x80x128xbf16, #tpu.memory_space<vmem>> -> memref<1x80x128xbf16, #tpu.memory_space<vmem>>
      %dma_start3A_431 = tpu.memref_squeeze %dma_start3A_430 : memref<1x80x128xbf16, #tpu.memory_space<vmem>> -> memref<80x128xbf16, #tpu.memory_space<vmem>>
      %dma_start3A_432 = arith.constant 0 : i32
      %dma_start3A_433 = tpu.memref_slice %arg7[%add3A_407, %dma_start3A_432] : memref<125x80xi32, #tpu.memory_space<vmem>> -> memref<1x80xi32, #tpu.memory_space<vmem>>
      %dma_start3A_434 = tpu.memref_squeeze %dma_start3A_433 : memref<1x80xi32, #tpu.memory_space<vmem>> -> memref<80xi32, #tpu.memory_space<vmem>>
      %dma_start3A_435 = arith.constant 0 : i32
      %dma_start3A_436 = arith.constant 0 : i32
      %dma_start3A_437 = tpu.memref_slice %arg9[%dma_start3A_435, %dma_start3A_436] : memref<10000x128xbf16, #tpu.memory_space<vmem_shared>> -> memref<10000x128xbf16, #tpu.memory_space<vmem_shared>>
      %dma_start3A_438 = tpu.memref_slice %arg11[%dma_start3A_427] : memref<5x!tpu.dma_semaphore, #tpu.memory_space<semaphore_mem>> -> memref<1x!tpu.dma_semaphore, #tpu.memory_space<semaphore_mem>>
      %dma_start3A_439 = tpu.memref_squeeze %dma_start3A_438 : memref<1x!tpu.dma_semaphore, #tpu.memory_space<semaphore_mem>> -> memref<!tpu.dma_semaphore, #tpu.memory_space<semaphore_mem>>
      tpu.enqueue_indirect_dma source(%dma_start3A_431 : memref<80x128xbf16, #tpu.memory_space<vmem>>) target(%dma_start3A_437 : memref<10000x128xbf16, #tpu.memory_space<vmem_shared>>) offsets(%dma_start3A_434 : memref<80xi32, #tpu.memory_space<vmem>>) semaphore(%dma_start3A_439 : memref<!tpu.dma_semaphore, #tpu.memory_space<semaphore_mem>>) {add = true}
      %ge3A = arith.constant 1 : i32
      %ge3A_440 = arith.cmpi sge, %add3A_407, %ge3A : i32
      %convert_element_type3A = arith.extui %ge3A_440 : i1 to i32
      %cond3A = arith.constant 0 : i32
      %cond3A_441 = arith.cmpi ne, %convert_element_type3A, %cond3A : i32
      scf.if %cond3A_441 {
        %dma_wait3A_641 = arith.constant 4 : i32
        %dma_wait3A_642 = arith.constant 4 : i32
        %dma_wait3A_643 = arith.constant 0 : i32
        %dma_wait3A_644 = arith.constant 0 : i32
        %dma_wait3A_645 = tpu.memref_slice %arg8[%dma_wait3A_641, %dma_wait3A_643, %dma_wait3A_644] : memref<5x80x128xbf16, #tpu.memory_space<vmem>> -> memref<1x80x128xbf16, #tpu.memory_space<vmem>>
        %dma_wait3A_646 = tpu.memref_squeeze %dma_wait3A_645 : memref<1x80x128xbf16, #tpu.memory_space<vmem>> -> memref<80x128xbf16, #tpu.memory_space<vmem>>
        %dma_wait3A_647 = arith.constant 0 : i32
        %dma_wait3A_648 = arith.constant 0 : i32
        %dma_wait3A_649 = tpu.memref_slice %arg9[%dma_wait3A_647, %dma_wait3A_648] : memref<10000x128xbf16, #tpu.memory_space<vmem_shared>> -> memref<80x128xbf16, #tpu.memory_space<vmem_shared>>
        %dma_wait3A_650 = tpu.memref_slice %arg11[%dma_wait3A_642] : memref<5x!tpu.dma_semaphore, #tpu.memory_space<semaphore_mem>> -> memref<1x!tpu.dma_semaphore, #tpu.memory_space<semaphore_mem>>
        %dma_wait3A_651 = tpu.memref_squeeze %dma_wait3A_650 : memref<1x!tpu.dma_semaphore, #tpu.memory_space<semaphore_mem>> -> memref<!tpu.dma_semaphore, #tpu.memory_space<semaphore_mem>>
        %dma_wait3A_652 = arith.constant 0 : i32
        %dma_wait3A_653 = arith.constant 0 : i32
        %dma_wait3A_654 = tpu.memref_slice %arg9[%dma_wait3A_652, %dma_wait3A_653] : memref<10000x128xbf16, #tpu.memory_space<vmem_shared>> -> memref<80x128xbf16, #tpu.memory_space<vmem_shared>>
        %dma_wait3A_655 = arith.constant 0 : i32
        %dma_wait3A_656 = arith.constant 0 : i32
        %dma_wait3A_657 = tpu.memref_slice %arg8[%dma_wait3A_641, %dma_wait3A_655, %dma_wait3A_656] : memref<5x80x128xbf16, #tpu.memory_space<vmem>> -> memref<1x80x128xbf16, #tpu.memory_space<vmem>>
        %dma_wait3A_658 = tpu.memref_squeeze %dma_wait3A_657 : memref<1x80x128xbf16, #tpu.memory_space<vmem>> -> memref<80x128xbf16, #tpu.memory_space<vmem>>
        tpu.wait_dma2 semaphore(%dma_wait3A_651 : memref<!tpu.dma_semaphore, #tpu.memory_space<semaphore_mem>>) src(%dma_wait3A_658 : memref<80x128xbf16, #tpu.memory_space<vmem>>) dst(%dma_wait3A_654 : memref<80x128xbf16, #tpu.memory_space<vmem_shared>>)
      } else {
      }
      %add3A_442 = arith.constant 4 : i32
      %add3A_443 = arith.addi %add3A_407, %add3A_442 : i32
      %lt3A = arith.constant 125 : i32
      %lt3A_444 = arith.cmpi slt, %add3A_443, %lt3A : i32
      %convert_element_type3A_445 = arith.extui %lt3A_444 : i1 to i32
      %cond3A_446 = arith.constant 0 : i32
      %cond3A_447 = arith.cmpi ne, %convert_element_type3A_445, %cond3A_446 : i32
      scf.if %cond3A_447 {
        %add3A_641 = arith.constant 4 : i32
        %add3A_642 = arith.addi %add3A_407, %add3A_641 : i32
        %mul3A_643 = arith.constant 80 : i32
        %mul3A_644 = arith.muli %add3A_642, %mul3A_643 : i32
        %dma_start3A_645 = arith.constant 4 : i32
        %dma_start3A_646 = arith.constant 4 : i32
        %dma_start3A_647 = arith.constant 0 : i32
        %dma_start3A_648 = arith.constant 0 : i32
        %dma_start3A_649 = tpu.memref_slice %arg8[%dma_start3A_645, %dma_start3A_647, %dma_start3A_648] : memref<5x80x128xbf16, #tpu.memory_space<vmem>> -> memref<1x80x128xbf16, #tpu.memory_space<vmem>>
        %dma_start3A_650 = tpu.memref_squeeze %dma_start3A_649 : memref<1x80x128xbf16, #tpu.memory_space<vmem>> -> memref<80x128xbf16, #tpu.memory_space<vmem>>
        %dma_start3A_651 = tpu.memref_slice %arg6[%mul3A_644] : memref<10000xi32, #tpu.memory_space<vmem>> -> memref<80xi32, #tpu.memory_space<vmem>>
        %dma_start3A_652 = arith.constant 0 : i32
        %dma_start3A_653 = arith.constant 0 : i32
        %dma_start3A_654 = tpu.memref_slice %arg4[%dma_start3A_652, %dma_start3A_653] : memref<80000x128xbf16, #tpu.memory_space<hbm>> -> memref<80000x128xbf16, #tpu.memory_space<hbm>>
        %dma_start3A_655 = tpu.memref_slice %arg10[%dma_start3A_646] : memref<5x!tpu.dma_semaphore, #tpu.memory_space<semaphore_mem>> -> memref<1x!tpu.dma_semaphore, #tpu.memory_space<semaphore_mem>>
        %dma_start3A_656 = tpu.memref_squeeze %dma_start3A_655 : memref<1x!tpu.dma_semaphore, #tpu.memory_space<semaphore_mem>> -> memref<!tpu.dma_semaphore, #tpu.memory_space<semaphore_mem>>
        tpu.enqueue_indirect_dma source(%dma_start3A_654 : memref<80000x128xbf16, #tpu.memory_space<hbm>>) target(%dma_start3A_650 : memref<80x128xbf16, #tpu.memory_space<vmem>>) offsets(%dma_start3A_651 : memref<80xi32, #tpu.memory_space<vmem>>) semaphore(%dma_start3A_656 : memref<!tpu.dma_semaphore, #tpu.memory_space<semaphore_mem>>)
      } else {
      }
      %mul3A_448 = arith.constant 5 : i32
      %mul3A_449 = arith.muli %scan3A_402, %mul3A_448 : i32
      %add3A_450 = arith.constant 1 : i32
      %add3A_451 = arith.addi %mul3A_449, %add3A_450 : i32
      %dma_wait3A_452 = arith.constant 1 : i32
      %dma_wait3A_453 = arith.constant 1 : i32
      %dma_wait3A_454 = arith.constant 0 : i32
      %dma_wait3A_455 = arith.constant 0 : i32
      %dma_wait3A_456 = tpu.memref_slice %arg8[%dma_wait3A_452, %dma_wait3A_454, %dma_wait3A_455] : memref<5x80x128xbf16, #tpu.memory_space<vmem>> -> memref<1x80x128xbf16, #tpu.memory_space<vmem>>
      %dma_wait3A_457 = tpu.memref_squeeze %dma_wait3A_456 : memref<1x80x128xbf16, #tpu.memory_space<vmem>> -> memref<80x128xbf16, #tpu.memory_space<vmem>>
      %dma_wait3A_458 = arith.constant 0 : i32
      %dma_wait3A_459 = arith.constant 0 : i32
      %dma_wait3A_460 = tpu.memref_slice %arg4[%dma_wait3A_458, %dma_wait3A_459] : memref<80000x128xbf16, #tpu.memory_space<hbm>> -> memref<80x128xbf16, #tpu.memory_space<hbm>>
      %dma_wait3A_461 = tpu.memref_slice %arg10[%dma_wait3A_453] : memref<5x!tpu.dma_semaphore, #tpu.memory_space<semaphore_mem>> -> memref<1x!tpu.dma_semaphore, #tpu.memory_space<semaphore_mem>>
      %dma_wait3A_462 = tpu.memref_squeeze %dma_wait3A_461 : memref<1x!tpu.dma_semaphore, #tpu.memory_space<semaphore_mem>> -> memref<!tpu.dma_semaphore, #tpu.memory_space<semaphore_mem>>
      %dma_wait3A_463 = arith.constant 0 : i32
      %dma_wait3A_464 = arith.constant 0 : i32
      %dma_wait3A_465 = tpu.memref_slice %arg8[%dma_wait3A_452, %dma_wait3A_463, %dma_wait3A_464] : memref<5x80x128xbf16, #tpu.memory_space<vmem>> -> memref<1x80x128xbf16, #tpu.memory_space<vmem>>
      %dma_wait3A_466 = tpu.memref_squeeze %dma_wait3A_465 : memref<1x80x128xbf16, #tpu.memory_space<vmem>> -> memref<80x128xbf16, #tpu.memory_space<vmem>>
      %dma_wait3A_467 = arith.constant 0 : i32
      %dma_wait3A_468 = arith.constant 0 : i32
      %dma_wait3A_469 = tpu.memref_slice %arg4[%dma_wait3A_467, %dma_wait3A_468] : memref<80000x128xbf16, #tpu.memory_space<hbm>> -> memref<80x128xbf16, #tpu.memory_space<hbm>>
      tpu.wait_dma2 semaphore(%dma_wait3A_462 : memref<!tpu.dma_semaphore, #tpu.memory_space<semaphore_mem>>) src(%dma_wait3A_469 : memref<80x128xbf16, #tpu.memory_space<hbm>>) dst(%dma_wait3A_466 : memref<80x128xbf16, #tpu.memory_space<vmem>>)
      %dma_start3A_470 = arith.constant 1 : i32
      %dma_start3A_471 = arith.constant 1 : i32
      %dma_start3A_472 = arith.constant 0 : i32
      %dma_start3A_473 = arith.constant 0 : i32
      %dma_start3A_474 = tpu.memref_slice %arg8[%dma_start3A_470, %dma_start3A_472, %dma_start3A_473] : memref<5x80x128xbf16, #tpu.memory_space<vmem>> -> memref<1x80x128xbf16, #tpu.memory_space<vmem>>
      %dma_start3A_475 = tpu.memref_squeeze %dma_start3A_474 : memref<1x80x128xbf16, #tpu.memory_space<vmem>> -> memref<80x128xbf16, #tpu.memory_space<vmem>>
      %dma_start3A_476 = arith.constant 0 : i32
      %dma_start3A_477 = tpu.memref_slice %arg7[%add3A_451, %dma_start3A_476] : memref<125x80xi32, #tpu.memory_space<vmem>> -> memref<1x80xi32, #tpu.memory_space<vmem>>
      %dma_start3A_478 = tpu.memref_squeeze %dma_start3A_477 : memref<1x80xi32, #tpu.memory_space<vmem>> -> memref<80xi32, #tpu.memory_space<vmem>>
      %dma_start3A_479 = arith.constant 0 : i32
      %dma_start3A_480 = arith.constant 0 : i32
      %dma_start3A_481 = tpu.memref_slice %arg9[%dma_start3A_479, %dma_start3A_480] : memref<10000x128xbf16, #tpu.memory_space<vmem_shared>> -> memref<10000x128xbf16, #tpu.memory_space<vmem_shared>>
      %dma_start3A_482 = tpu.memref_slice %arg11[%dma_start3A_471] : memref<5x!tpu.dma_semaphore, #tpu.memory_space<semaphore_mem>> -> memref<1x!tpu.dma_semaphore, #tpu.memory_space<semaphore_mem>>
      %dma_start3A_483 = tpu.memref_squeeze %dma_start3A_482 : memref<1x!tpu.dma_semaphore, #tpu.memory_space<semaphore_mem>> -> memref<!tpu.dma_semaphore, #tpu.memory_space<semaphore_mem>>
      tpu.enqueue_indirect_dma source(%dma_start3A_475 : memref<80x128xbf16, #tpu.memory_space<vmem>>) target(%dma_start3A_481 : memref<10000x128xbf16, #tpu.memory_space<vmem_shared>>) offsets(%dma_start3A_478 : memref<80xi32, #tpu.memory_space<vmem>>) semaphore(%dma_start3A_483 : memref<!tpu.dma_semaphore, #tpu.memory_space<semaphore_mem>>) {add = true}
      %ge3A_484 = arith.constant 1 : i32
      %ge3A_485 = arith.cmpi sge, %add3A_451, %ge3A_484 : i32
      %convert_element_type3A_486 = arith.extui %ge3A_485 : i1 to i32
      %cond3A_487 = arith.constant 0 : i32
      %cond3A_488 = arith.cmpi ne, %convert_element_type3A_486, %cond3A_487 : i32
      scf.if %cond3A_488 {
        %dma_wait3A_641 = arith.constant 0 : i32
        %dma_wait3A_642 = arith.constant 0 : i32
        %dma_wait3A_643 = arith.constant 0 : i32
        %dma_wait3A_644 = arith.constant 0 : i32
        %dma_wait3A_645 = tpu.memref_slice %arg8[%dma_wait3A_641, %dma_wait3A_643, %dma_wait3A_644] : memref<5x80x128xbf16, #tpu.memory_space<vmem>> -> memref<1x80x128xbf16, #tpu.memory_space<vmem>>
        %dma_wait3A_646 = tpu.memref_squeeze %dma_wait3A_645 : memref<1x80x128xbf16, #tpu.memory_space<vmem>> -> memref<80x128xbf16, #tpu.memory_space<vmem>>
        %dma_wait3A_647 = arith.constant 0 : i32
        %dma_wait3A_648 = arith.constant 0 : i32
        %dma_wait3A_649 = tpu.memref_slice %arg9[%dma_wait3A_647, %dma_wait3A_648] : memref<10000x128xbf16, #tpu.memory_space<vmem_shared>> -> memref<80x128xbf16, #tpu.memory_space<vmem_shared>>
        %dma_wait3A_650 = tpu.memref_slice %arg11[%dma_wait3A_642] : memref<5x!tpu.dma_semaphore, #tpu.memory_space<semaphore_mem>> -> memref<1x!tpu.dma_semaphore, #tpu.memory_space<semaphore_mem>>
        %dma_wait3A_651 = tpu.memref_squeeze %dma_wait3A_650 : memref<1x!tpu.dma_semaphore, #tpu.memory_space<semaphore_mem>> -> memref<!tpu.dma_semaphore, #tpu.memory_space<semaphore_mem>>
        %dma_wait3A_652 = arith.constant 0 : i32
        %dma_wait3A_653 = arith.constant 0 : i32
        %dma_wait3A_654 = tpu.memref_slice %arg9[%dma_wait3A_652, %dma_wait3A_653] : memref<10000x128xbf16, #tpu.memory_space<vmem_shared>> -> memref<80x128xbf16, #tpu.memory_space<vmem_shared>>
        %dma_wait3A_655 = arith.constant 0 : i32
        %dma_wait3A_656 = arith.constant 0 : i32
        %dma_wait3A_657 = tpu.memref_slice %arg8[%dma_wait3A_641, %dma_wait3A_655, %dma_wait3A_656] : memref<5x80x128xbf16, #tpu.memory_space<vmem>> -> memref<1x80x128xbf16, #tpu.memory_space<vmem>>
        %dma_wait3A_658 = tpu.memref_squeeze %dma_wait3A_657 : memref<1x80x128xbf16, #tpu.memory_space<vmem>> -> memref<80x128xbf16, #tpu.memory_space<vmem>>
        tpu.wait_dma2 semaphore(%dma_wait3A_651 : memref<!tpu.dma_semaphore, #tpu.memory_space<semaphore_mem>>) src(%dma_wait3A_658 : memref<80x128xbf16, #tpu.memory_space<vmem>>) dst(%dma_wait3A_654 : memref<80x128xbf16, #tpu.memory_space<vmem_shared>>)
      } else {
      }
      %add3A_489 = arith.constant 4 : i32
      %add3A_490 = arith.addi %add3A_451, %add3A_489 : i32
      %lt3A_491 = arith.constant 125 : i32
      %lt3A_492 = arith.cmpi slt, %add3A_490, %lt3A_491 : i32
      %convert_element_type3A_493 = arith.extui %lt3A_492 : i1 to i32
      %cond3A_494 = arith.constant 0 : i32
      %cond3A_495 = arith.cmpi ne, %convert_element_type3A_493, %cond3A_494 : i32
      scf.if %cond3A_495 {
        %add3A_641 = arith.constant 4 : i32
        %add3A_642 = arith.addi %add3A_451, %add3A_641 : i32
        %mul3A_643 = arith.constant 80 : i32
        %mul3A_644 = arith.muli %add3A_642, %mul3A_643 : i32
        %dma_start3A_645 = arith.constant 0 : i32
        %dma_start3A_646 = arith.constant 0 : i32
        %dma_start3A_647 = arith.constant 0 : i32
        %dma_start3A_648 = arith.constant 0 : i32
        %dma_start3A_649 = tpu.memref_slice %arg8[%dma_start3A_645, %dma_start3A_647, %dma_start3A_648] : memref<5x80x128xbf16, #tpu.memory_space<vmem>> -> memref<1x80x128xbf16, #tpu.memory_space<vmem>>
        %dma_start3A_650 = tpu.memref_squeeze %dma_start3A_649 : memref<1x80x128xbf16, #tpu.memory_space<vmem>> -> memref<80x128xbf16, #tpu.memory_space<vmem>>
        %dma_start3A_651 = tpu.memref_slice %arg6[%mul3A_644] : memref<10000xi32, #tpu.memory_space<vmem>> -> memref<80xi32, #tpu.memory_space<vmem>>
        %dma_start3A_652 = arith.constant 0 : i32
        %dma_start3A_653 = arith.constant 0 : i32
        %dma_start3A_654 = tpu.memref_slice %arg4[%dma_start3A_652, %dma_start3A_653] : memref<80000x128xbf16, #tpu.memory_space<hbm>> -> memref<80000x128xbf16, #tpu.memory_space<hbm>>
        %dma_start3A_655 = tpu.memref_slice %arg10[%dma_start3A_646] : memref<5x!tpu.dma_semaphore, #tpu.memory_space<semaphore_mem>> -> memref<1x!tpu.dma_semaphore, #tpu.memory_space<semaphore_mem>>
        %dma_start3A_656 = tpu.memref_squeeze %dma_start3A_655 : memref<1x!tpu.dma_semaphore, #tpu.memory_space<semaphore_mem>> -> memref<!tpu.dma_semaphore, #tpu.memory_space<semaphore_mem>>
        tpu.enqueue_indirect_dma source(%dma_start3A_654 : memref<80000x128xbf16, #tpu.memory_space<hbm>>) target(%dma_start3A_650 : memref<80x128xbf16, #tpu.memory_space<vmem>>) offsets(%dma_start3A_651 : memref<80xi32, #tpu.memory_space<vmem>>) semaphore(%dma_start3A_656 : memref<!tpu.dma_semaphore, #tpu.memory_space<semaphore_mem>>)
      } else {
      }
      %mul3A_496 = arith.constant 5 : i32
      %mul3A_497 = arith.muli %scan3A_402, %mul3A_496 : i32
      %add3A_498 = arith.constant 2 : i32
      %add3A_499 = arith.addi %mul3A_497, %add3A_498 : i32
      %dma_wait3A_500 = arith.constant 2 : i32
      %dma_wait3A_501 = arith.constant 2 : i32
      %dma_wait3A_502 = arith.constant 0 : i32
      %dma_wait3A_503 = arith.constant 0 : i32
      %dma_wait3A_504 = tpu.memref_slice %arg8[%dma_wait3A_500, %dma_wait3A_502, %dma_wait3A_503] : memref<5x80x128xbf16, #tpu.memory_space<vmem>> -> memref<1x80x128xbf16, #tpu.memory_space<vmem>>
      %dma_wait3A_505 = tpu.memref_squeeze %dma_wait3A_504 : memref<1x80x128xbf16, #tpu.memory_space<vmem>> -> memref<80x128xbf16, #tpu.memory_space<vmem>>
      %dma_wait3A_506 = arith.constant 0 : i32
      %dma_wait3A_507 = arith.constant 0 : i32
      %dma_wait3A_508 = tpu.memref_slice %arg4[%dma_wait3A_506, %dma_wait3A_507] : memref<80000x128xbf16, #tpu.memory_space<hbm>> -> memref<80x128xbf16, #tpu.memory_space<hbm>>
      %dma_wait3A_509 = tpu.memref_slice %arg10[%dma_wait3A_501] : memref<5x!tpu.dma_semaphore, #tpu.memory_space<semaphore_mem>> -> memref<1x!tpu.dma_semaphore, #tpu.memory_space<semaphore_mem>>
      %dma_wait3A_510 = tpu.memref_squeeze %dma_wait3A_509 : memref<1x!tpu.dma_semaphore, #tpu.memory_space<semaphore_mem>> -> memref<!tpu.dma_semaphore, #tpu.memory_space<semaphore_mem>>
      %dma_wait3A_511 = arith.constant 0 : i32
      %dma_wait3A_512 = arith.constant 0 : i32
      %dma_wait3A_513 = tpu.memref_slice %arg8[%dma_wait3A_500, %dma_wait3A_511, %dma_wait3A_512] : memref<5x80x128xbf16, #tpu.memory_space<vmem>> -> memref<1x80x128xbf16, #tpu.memory_space<vmem>>
      %dma_wait3A_514 = tpu.memref_squeeze %dma_wait3A_513 : memref<1x80x128xbf16, #tpu.memory_space<vmem>> -> memref<80x128xbf16, #tpu.memory_space<vmem>>
      %dma_wait3A_515 = arith.constant 0 : i32
      %dma_wait3A_516 = arith.constant 0 : i32
      %dma_wait3A_517 = tpu.memref_slice %arg4[%dma_wait3A_515, %dma_wait3A_516] : memref<80000x128xbf16, #tpu.memory_space<hbm>> -> memref<80x128xbf16, #tpu.memory_space<hbm>>
      tpu.wait_dma2 semaphore(%dma_wait3A_510 : memref<!tpu.dma_semaphore, #tpu.memory_space<semaphore_mem>>) src(%dma_wait3A_517 : memref<80x128xbf16, #tpu.memory_space<hbm>>) dst(%dma_wait3A_514 : memref<80x128xbf16, #tpu.memory_space<vmem>>)
      %dma_start3A_518 = arith.constant 2 : i32
      %dma_start3A_519 = arith.constant 2 : i32
      %dma_start3A_520 = arith.constant 0 : i32
      %dma_start3A_521 = arith.constant 0 : i32
      %dma_start3A_522 = tpu.memref_slice %arg8[%dma_start3A_518, %dma_start3A_520, %dma_start3A_521] : memref<5x80x128xbf16, #tpu.memory_space<vmem>> -> memref<1x80x128xbf16, #tpu.memory_space<vmem>>
      %dma_start3A_523 = tpu.memref_squeeze %dma_start3A_522 : memref<1x80x128xbf16, #tpu.memory_space<vmem>> -> memref<80x128xbf16, #tpu.memory_space<vmem>>
      %dma_start3A_524 = arith.constant 0 : i32
      %dma_start3A_525 = tpu.memref_slice %arg7[%add3A_499, %dma_start3A_524] : memref<125x80xi32, #tpu.memory_space<vmem>> -> memref<1x80xi32, #tpu.memory_space<vmem>>
      %dma_start3A_526 = tpu.memref_squeeze %dma_start3A_525 : memref<1x80xi32, #tpu.memory_space<vmem>> -> memref<80xi32, #tpu.memory_space<vmem>>
      %dma_start3A_527 = arith.constant 0 : i32
      %dma_start3A_528 = arith.constant 0 : i32
      %dma_start3A_529 = tpu.memref_slice %arg9[%dma_start3A_527, %dma_start3A_528] : memref<10000x128xbf16, #tpu.memory_space<vmem_shared>> -> memref<10000x128xbf16, #tpu.memory_space<vmem_shared>>
      %dma_start3A_530 = tpu.memref_slice %arg11[%dma_start3A_519] : memref<5x!tpu.dma_semaphore, #tpu.memory_space<semaphore_mem>> -> memref<1x!tpu.dma_semaphore, #tpu.memory_space<semaphore_mem>>
      %dma_start3A_531 = tpu.memref_squeeze %dma_start3A_530 : memref<1x!tpu.dma_semaphore, #tpu.memory_space<semaphore_mem>> -> memref<!tpu.dma_semaphore, #tpu.memory_space<semaphore_mem>>
      tpu.enqueue_indirect_dma source(%dma_start3A_523 : memref<80x128xbf16, #tpu.memory_space<vmem>>) target(%dma_start3A_529 : memref<10000x128xbf16, #tpu.memory_space<vmem_shared>>) offsets(%dma_start3A_526 : memref<80xi32, #tpu.memory_space<vmem>>) semaphore(%dma_start3A_531 : memref<!tpu.dma_semaphore, #tpu.memory_space<semaphore_mem>>) {add = true}
      %ge3A_532 = arith.constant 1 : i32
      %ge3A_533 = arith.cmpi sge, %add3A_499, %ge3A_532 : i32
      %convert_element_type3A_534 = arith.extui %ge3A_533 : i1 to i32
      %cond3A_535 = arith.constant 0 : i32
      %cond3A_536 = arith.cmpi ne, %convert_element_type3A_534, %cond3A_535 : i32
      scf.if %cond3A_536 {
        %dma_wait3A_641 = arith.constant 1 : i32
        %dma_wait3A_642 = arith.constant 1 : i32
        %dma_wait3A_643 = arith.constant 0 : i32
        %dma_wait3A_644 = arith.constant 0 : i32
        %dma_wait3A_645 = tpu.memref_slice %arg8[%dma_wait3A_641, %dma_wait3A_643, %dma_wait3A_644] : memref<5x80x128xbf16, #tpu.memory_space<vmem>> -> memref<1x80x128xbf16, #tpu.memory_space<vmem>>
        %dma_wait3A_646 = tpu.memref_squeeze %dma_wait3A_645 : memref<1x80x128xbf16, #tpu.memory_space<vmem>> -> memref<80x128xbf16, #tpu.memory_space<vmem>>
        %dma_wait3A_647 = arith.constant 0 : i32
        %dma_wait3A_648 = arith.constant 0 : i32
        %dma_wait3A_649 = tpu.memref_slice %arg9[%dma_wait3A_647, %dma_wait3A_648] : memref<10000x128xbf16, #tpu.memory_space<vmem_shared>> -> memref<80x128xbf16, #tpu.memory_space<vmem_shared>>
        %dma_wait3A_650 = tpu.memref_slice %arg11[%dma_wait3A_642] : memref<5x!tpu.dma_semaphore, #tpu.memory_space<semaphore_mem>> -> memref<1x!tpu.dma_semaphore, #tpu.memory_space<semaphore_mem>>
        %dma_wait3A_651 = tpu.memref_squeeze %dma_wait3A_650 : memref<1x!tpu.dma_semaphore, #tpu.memory_space<semaphore_mem>> -> memref<!tpu.dma_semaphore, #tpu.memory_space<semaphore_mem>>
        %dma_wait3A_652 = arith.constant 0 : i32
        %dma_wait3A_653 = arith.constant 0 : i32
        %dma_wait3A_654 = tpu.memref_slice %arg9[%dma_wait3A_652, %dma_wait3A_653] : memref<10000x128xbf16, #tpu.memory_space<vmem_shared>> -> memref<80x128xbf16, #tpu.memory_space<vmem_shared>>
        %dma_wait3A_655 = arith.constant 0 : i32
        %dma_wait3A_656 = arith.constant 0 : i32
        %dma_wait3A_657 = tpu.memref_slice %arg8[%dma_wait3A_641, %dma_wait3A_655, %dma_wait3A_656] : memref<5x80x128xbf16, #tpu.memory_space<vmem>> -> memref<1x80x128xbf16, #tpu.memory_space<vmem>>
        %dma_wait3A_658 = tpu.memref_squeeze %dma_wait3A_657 : memref<1x80x128xbf16, #tpu.memory_space<vmem>> -> memref<80x128xbf16, #tpu.memory_space<vmem>>
        tpu.wait_dma2 semaphore(%dma_wait3A_651 : memref<!tpu.dma_semaphore, #tpu.memory_space<semaphore_mem>>) src(%dma_wait3A_658 : memref<80x128xbf16, #tpu.memory_space<vmem>>) dst(%dma_wait3A_654 : memref<80x128xbf16, #tpu.memory_space<vmem_shared>>)
      } else {
      }
      %add3A_537 = arith.constant 4 : i32
      %add3A_538 = arith.addi %add3A_499, %add3A_537 : i32
      %lt3A_539 = arith.constant 125 : i32
      %lt3A_540 = arith.cmpi slt, %add3A_538, %lt3A_539 : i32
      %convert_element_type3A_541 = arith.extui %lt3A_540 : i1 to i32
      %cond3A_542 = arith.constant 0 : i32
      %cond3A_543 = arith.cmpi ne, %convert_element_type3A_541, %cond3A_542 : i32
      scf.if %cond3A_543 {
        %add3A_641 = arith.constant 4 : i32
        %add3A_642 = arith.addi %add3A_499, %add3A_641 : i32
        %mul3A_643 = arith.constant 80 : i32
        %mul3A_644 = arith.muli %add3A_642, %mul3A_643 : i32
        %dma_start3A_645 = arith.constant 1 : i32
        %dma_start3A_646 = arith.constant 1 : i32
        %dma_start3A_647 = arith.constant 0 : i32
        %dma_start3A_648 = arith.constant 0 : i32
        %dma_start3A_649 = tpu.memref_slice %arg8[%dma_start3A_645, %dma_start3A_647, %dma_start3A_648] : memref<5x80x128xbf16, #tpu.memory_space<vmem>> -> memref<1x80x128xbf16, #tpu.memory_space<vmem>>
        %dma_start3A_650 = tpu.memref_squeeze %dma_start3A_649 : memref<1x80x128xbf16, #tpu.memory_space<vmem>> -> memref<80x128xbf16, #tpu.memory_space<vmem>>
        %dma_start3A_651 = tpu.memref_slice %arg6[%mul3A_644] : memref<10000xi32, #tpu.memory_space<vmem>> -> memref<80xi32, #tpu.memory_space<vmem>>
        %dma_start3A_652 = arith.constant 0 : i32
        %dma_start3A_653 = arith.constant 0 : i32
        %dma_start3A_654 = tpu.memref_slice %arg4[%dma_start3A_652, %dma_start3A_653] : memref<80000x128xbf16, #tpu.memory_space<hbm>> -> memref<80000x128xbf16, #tpu.memory_space<hbm>>
        %dma_start3A_655 = tpu.memref_slice %arg10[%dma_start3A_646] : memref<5x!tpu.dma_semaphore, #tpu.memory_space<semaphore_mem>> -> memref<1x!tpu.dma_semaphore, #tpu.memory_space<semaphore_mem>>
        %dma_start3A_656 = tpu.memref_squeeze %dma_start3A_655 : memref<1x!tpu.dma_semaphore, #tpu.memory_space<semaphore_mem>> -> memref<!tpu.dma_semaphore, #tpu.memory_space<semaphore_mem>>
        tpu.enqueue_indirect_dma source(%dma_start3A_654 : memref<80000x128xbf16, #tpu.memory_space<hbm>>) target(%dma_start3A_650 : memref<80x128xbf16, #tpu.memory_space<vmem>>) offsets(%dma_start3A_651 : memref<80xi32, #tpu.memory_space<vmem>>) semaphore(%dma_start3A_656 : memref<!tpu.dma_semaphore, #tpu.memory_space<semaphore_mem>>)
      } else {
      }
      %mul3A_544 = arith.constant 5 : i32
      %mul3A_545 = arith.muli %scan3A_402, %mul3A_544 : i32
      %add3A_546 = arith.constant 3 : i32
      %add3A_547 = arith.addi %mul3A_545, %add3A_546 : i32
      %dma_wait3A_548 = arith.constant 3 : i32
      %dma_wait3A_549 = arith.constant 3 : i32
      %dma_wait3A_550 = arith.constant 0 : i32
      %dma_wait3A_551 = arith.constant 0 : i32
      %dma_wait3A_552 = tpu.memref_slice %arg8[%dma_wait3A_548, %dma_wait3A_550, %dma_wait3A_551] : memref<5x80x128xbf16, #tpu.memory_space<vmem>> -> memref<1x80x128xbf16, #tpu.memory_space<vmem>>
      %dma_wait3A_553 = tpu.memref_squeeze %dma_wait3A_552 : memref<1x80x128xbf16, #tpu.memory_space<vmem>> -> memref<80x128xbf16, #tpu.memory_space<vmem>>
      %dma_wait3A_554 = arith.constant 0 : i32
      %dma_wait3A_555 = arith.constant 0 : i32
      %dma_wait3A_556 = tpu.memref_slice %arg4[%dma_wait3A_554, %dma_wait3A_555] : memref<80000x128xbf16, #tpu.memory_space<hbm>> -> memref<80x128xbf16, #tpu.memory_space<hbm>>
      %dma_wait3A_557 = tpu.memref_slice %arg10[%dma_wait3A_549] : memref<5x!tpu.dma_semaphore, #tpu.memory_space<semaphore_mem>> -> memref<1x!tpu.dma_semaphore, #tpu.memory_space<semaphore_mem>>
      %dma_wait3A_558 = tpu.memref_squeeze %dma_wait3A_557 : memref<1x!tpu.dma_semaphore, #tpu.memory_space<semaphore_mem>> -> memref<!tpu.dma_semaphore, #tpu.memory_space<semaphore_mem>>
      %dma_wait3A_559 = arith.constant 0 : i32
      %dma_wait3A_560 = arith.constant 0 : i32
      %dma_wait3A_561 = tpu.memref_slice %arg8[%dma_wait3A_548, %dma_wait3A_559, %dma_wait3A_560] : memref<5x80x128xbf16, #tpu.memory_space<vmem>> -> memref<1x80x128xbf16, #tpu.memory_space<vmem>>
      %dma_wait3A_562 = tpu.memref_squeeze %dma_wait3A_561 : memref<1x80x128xbf16, #tpu.memory_space<vmem>> -> memref<80x128xbf16, #tpu.memory_space<vmem>>
      %dma_wait3A_563 = arith.constant 0 : i32
      %dma_wait3A_564 = arith.constant 0 : i32
      %dma_wait3A_565 = tpu.memref_slice %arg4[%dma_wait3A_563, %dma_wait3A_564] : memref<80000x128xbf16, #tpu.memory_space<hbm>> -> memref<80x128xbf16, #tpu.memory_space<hbm>>
      tpu.wait_dma2 semaphore(%dma_wait3A_558 : memref<!tpu.dma_semaphore, #tpu.memory_space<semaphore_mem>>) src(%dma_wait3A_565 : memref<80x128xbf16, #tpu.memory_space<hbm>>) dst(%dma_wait3A_562 : memref<80x128xbf16, #tpu.memory_space<vmem>>)
      %dma_start3A_566 = arith.constant 3 : i32
      %dma_start3A_567 = arith.constant 3 : i32
      %dma_start3A_568 = arith.constant 0 : i32
      %dma_start3A_569 = arith.constant 0 : i32
      %dma_start3A_570 = tpu.memref_slice %arg8[%dma_start3A_566, %dma_start3A_568, %dma_start3A_569] : memref<5x80x128xbf16, #tpu.memory_space<vmem>> -> memref<1x80x128xbf16, #tpu.memory_space<vmem>>
      %dma_start3A_571 = tpu.memref_squeeze %dma_start3A_570 : memref<1x80x128xbf16, #tpu.memory_space<vmem>> -> memref<80x128xbf16, #tpu.memory_space<vmem>>
      %dma_start3A_572 = arith.constant 0 : i32
      %dma_start3A_573 = tpu.memref_slice %arg7[%add3A_547, %dma_start3A_572] : memref<125x80xi32, #tpu.memory_space<vmem>> -> memref<1x80xi32, #tpu.memory_space<vmem>>
      %dma_start3A_574 = tpu.memref_squeeze %dma_start3A_573 : memref<1x80xi32, #tpu.memory_space<vmem>> -> memref<80xi32, #tpu.memory_space<vmem>>
      %dma_start3A_575 = arith.constant 0 : i32
      %dma_start3A_576 = arith.constant 0 : i32
      %dma_start3A_577 = tpu.memref_slice %arg9[%dma_start3A_575, %dma_start3A_576] : memref<10000x128xbf16, #tpu.memory_space<vmem_shared>> -> memref<10000x128xbf16, #tpu.memory_space<vmem_shared>>
      %dma_start3A_578 = tpu.memref_slice %arg11[%dma_start3A_567] : memref<5x!tpu.dma_semaphore, #tpu.memory_space<semaphore_mem>> -> memref<1x!tpu.dma_semaphore, #tpu.memory_space<semaphore_mem>>
      %dma_start3A_579 = tpu.memref_squeeze %dma_start3A_578 : memref<1x!tpu.dma_semaphore, #tpu.memory_space<semaphore_mem>> -> memref<!tpu.dma_semaphore, #tpu.memory_space<semaphore_mem>>
      tpu.enqueue_indirect_dma source(%dma_start3A_571 : memref<80x128xbf16, #tpu.memory_space<vmem>>) target(%dma_start3A_577 : memref<10000x128xbf16, #tpu.memory_space<vmem_shared>>) offsets(%dma_start3A_574 : memref<80xi32, #tpu.memory_space<vmem>>) semaphore(%dma_start3A_579 : memref<!tpu.dma_semaphore, #tpu.memory_space<semaphore_mem>>) {add = true}
      %ge3A_580 = arith.constant 1 : i32
      %ge3A_581 = arith.cmpi sge, %add3A_547, %ge3A_580 : i32
      %convert_element_type3A_582 = arith.extui %ge3A_581 : i1 to i32
      %cond3A_583 = arith.constant 0 : i32
      %cond3A_584 = arith.cmpi ne, %convert_element_type3A_582, %cond3A_583 : i32
      scf.if %cond3A_584 {
        %dma_wait3A_641 = arith.constant 2 : i32
        %dma_wait3A_642 = arith.constant 2 : i32
        %dma_wait3A_643 = arith.constant 0 : i32
        %dma_wait3A_644 = arith.constant 0 : i32
        %dma_wait3A_645 = tpu.memref_slice %arg8[%dma_wait3A_641, %dma_wait3A_643, %dma_wait3A_644] : memref<5x80x128xbf16, #tpu.memory_space<vmem>> -> memref<1x80x128xbf16, #tpu.memory_space<vmem>>
        %dma_wait3A_646 = tpu.memref_squeeze %dma_wait3A_645 : memref<1x80x128xbf16, #tpu.memory_space<vmem>> -> memref<80x128xbf16, #tpu.memory_space<vmem>>
        %dma_wait3A_647 = arith.constant 0 : i32
        %dma_wait3A_648 = arith.constant 0 : i32
        %dma_wait3A_649 = tpu.memref_slice %arg9[%dma_wait3A_647, %dma_wait3A_648] : memref<10000x128xbf16, #tpu.memory_space<vmem_shared>> -> memref<80x128xbf16, #tpu.memory_space<vmem_shared>>
        %dma_wait3A_650 = tpu.memref_slice %arg11[%dma_wait3A_642] : memref<5x!tpu.dma_semaphore, #tpu.memory_space<semaphore_mem>> -> memref<1x!tpu.dma_semaphore, #tpu.memory_space<semaphore_mem>>
        %dma_wait3A_651 = tpu.memref_squeeze %dma_wait3A_650 : memref<1x!tpu.dma_semaphore, #tpu.memory_space<semaphore_mem>> -> memref<!tpu.dma_semaphore, #tpu.memory_space<semaphore_mem>>
        %dma_wait3A_652 = arith.constant 0 : i32
        %dma_wait3A_653 = arith.constant 0 : i32
        %dma_wait3A_654 = tpu.memref_slice %arg9[%dma_wait3A_652, %dma_wait3A_653] : memref<10000x128xbf16, #tpu.memory_space<vmem_shared>> -> memref<80x128xbf16, #tpu.memory_space<vmem_shared>>
        %dma_wait3A_655 = arith.constant 0 : i32
        %dma_wait3A_656 = arith.constant 0 : i32
        %dma_wait3A_657 = tpu.memref_slice %arg8[%dma_wait3A_641, %dma_wait3A_655, %dma_wait3A_656] : memref<5x80x128xbf16, #tpu.memory_space<vmem>> -> memref<1x80x128xbf16, #tpu.memory_space<vmem>>
        %dma_wait3A_658 = tpu.memref_squeeze %dma_wait3A_657 : memref<1x80x128xbf16, #tpu.memory_space<vmem>> -> memref<80x128xbf16, #tpu.memory_space<vmem>>
        tpu.wait_dma2 semaphore(%dma_wait3A_651 : memref<!tpu.dma_semaphore, #tpu.memory_space<semaphore_mem>>) src(%dma_wait3A_658 : memref<80x128xbf16, #tpu.memory_space<vmem>>) dst(%dma_wait3A_654 : memref<80x128xbf16, #tpu.memory_space<vmem_shared>>)
      } else {
      }
      %add3A_585 = arith.constant 4 : i32
      %add3A_586 = arith.addi %add3A_547, %add3A_585 : i32
      %lt3A_587 = arith.constant 125 : i32
      %lt3A_588 = arith.cmpi slt, %add3A_586, %lt3A_587 : i32
      %convert_element_type3A_589 = arith.extui %lt3A_588 : i1 to i32
      %cond3A_590 = arith.constant 0 : i32
      %cond3A_591 = arith.cmpi ne, %convert_element_type3A_589, %cond3A_590 : i32
      scf.if %cond3A_591 {
        %add3A_641 = arith.constant 4 : i32
        %add3A_642 = arith.addi %add3A_547, %add3A_641 : i32
        %mul3A_643 = arith.constant 80 : i32
        %mul3A_644 = arith.muli %add3A_642, %mul3A_643 : i32
        %dma_start3A_645 = arith.constant 2 : i32
        %dma_start3A_646 = arith.constant 2 : i32
        %dma_start3A_647 = arith.constant 0 : i32
        %dma_start3A_648 = arith.constant 0 : i32
        %dma_start3A_649 = tpu.memref_slice %arg8[%dma_start3A_645, %dma_start3A_647, %dma_start3A_648] : memref<5x80x128xbf16, #tpu.memory_space<vmem>> -> memref<1x80x128xbf16, #tpu.memory_space<vmem>>
        %dma_start3A_650 = tpu.memref_squeeze %dma_start3A_649 : memref<1x80x128xbf16, #tpu.memory_space<vmem>> -> memref<80x128xbf16, #tpu.memory_space<vmem>>
        %dma_start3A_651 = tpu.memref_slice %arg6[%mul3A_644] : memref<10000xi32, #tpu.memory_space<vmem>> -> memref<80xi32, #tpu.memory_space<vmem>>
        %dma_start3A_652 = arith.constant 0 : i32
        %dma_start3A_653 = arith.constant 0 : i32
        %dma_start3A_654 = tpu.memref_slice %arg4[%dma_start3A_652, %dma_start3A_653] : memref<80000x128xbf16, #tpu.memory_space<hbm>> -> memref<80000x128xbf16, #tpu.memory_space<hbm>>
        %dma_start3A_655 = tpu.memref_slice %arg10[%dma_start3A_646] : memref<5x!tpu.dma_semaphore, #tpu.memory_space<semaphore_mem>> -> memref<1x!tpu.dma_semaphore, #tpu.memory_space<semaphore_mem>>
        %dma_start3A_656 = tpu.memref_squeeze %dma_start3A_655 : memref<1x!tpu.dma_semaphore, #tpu.memory_space<semaphore_mem>> -> memref<!tpu.dma_semaphore, #tpu.memory_space<semaphore_mem>>
        tpu.enqueue_indirect_dma source(%dma_start3A_654 : memref<80000x128xbf16, #tpu.memory_space<hbm>>) target(%dma_start3A_650 : memref<80x128xbf16, #tpu.memory_space<vmem>>) offsets(%dma_start3A_651 : memref<80xi32, #tpu.memory_space<vmem>>) semaphore(%dma_start3A_656 : memref<!tpu.dma_semaphore, #tpu.memory_space<semaphore_mem>>)
      } else {
      }
      %mul3A_592 = arith.constant 5 : i32
      %mul3A_593 = arith.muli %scan3A_402, %mul3A_592 : i32
      %add3A_594 = arith.constant 4 : i32
      %add3A_595 = arith.addi %mul3A_593, %add3A_594 : i32
      %dma_wait3A_596 = arith.constant 4 : i32
      %dma_wait3A_597 = arith.constant 4 : i32
      %dma_wait3A_598 = arith.constant 0 : i32
      %dma_wait3A_599 = arith.constant 0 : i32
      %dma_wait3A_600 = tpu.memref_slice %arg8[%dma_wait3A_596, %dma_wait3A_598, %dma_wait3A_599] : memref<5x80x128xbf16, #tpu.memory_space<vmem>> -> memref<1x80x128xbf16, #tpu.memory_space<vmem>>
      %dma_wait3A_601 = tpu.memref_squeeze %dma_wait3A_600 : memref<1x80x128xbf16, #tpu.memory_space<vmem>> -> memref<80x128xbf16, #tpu.memory_space<vmem>>
      %dma_wait3A_602 = arith.constant 0 : i32
      %dma_wait3A_603 = arith.constant 0 : i32
      %dma_wait3A_604 = tpu.memref_slice %arg4[%dma_wait3A_602, %dma_wait3A_603] : memref<80000x128xbf16, #tpu.memory_space<hbm>> -> memref<80x128xbf16, #tpu.memory_space<hbm>>
      %dma_wait3A_605 = tpu.memref_slice %arg10[%dma_wait3A_597] : memref<5x!tpu.dma_semaphore, #tpu.memory_space<semaphore_mem>> -> memref<1x!tpu.dma_semaphore, #tpu.memory_space<semaphore_mem>>
      %dma_wait3A_606 = tpu.memref_squeeze %dma_wait3A_605 : memref<1x!tpu.dma_semaphore, #tpu.memory_space<semaphore_mem>> -> memref<!tpu.dma_semaphore, #tpu.memory_space<semaphore_mem>>
      %dma_wait3A_607 = arith.constant 0 : i32
      %dma_wait3A_608 = arith.constant 0 : i32
      %dma_wait3A_609 = tpu.memref_slice %arg8[%dma_wait3A_596, %dma_wait3A_607, %dma_wait3A_608] : memref<5x80x128xbf16, #tpu.memory_space<vmem>> -> memref<1x80x128xbf16, #tpu.memory_space<vmem>>
      %dma_wait3A_610 = tpu.memref_squeeze %dma_wait3A_609 : memref<1x80x128xbf16, #tpu.memory_space<vmem>> -> memref<80x128xbf16, #tpu.memory_space<vmem>>
      %dma_wait3A_611 = arith.constant 0 : i32
      %dma_wait3A_612 = arith.constant 0 : i32
      %dma_wait3A_613 = tpu.memref_slice %arg4[%dma_wait3A_611, %dma_wait3A_612] : memref<80000x128xbf16, #tpu.memory_space<hbm>> -> memref<80x128xbf16, #tpu.memory_space<hbm>>
      tpu.wait_dma2 semaphore(%dma_wait3A_606 : memref<!tpu.dma_semaphore, #tpu.memory_space<semaphore_mem>>) src(%dma_wait3A_613 : memref<80x128xbf16, #tpu.memory_space<hbm>>) dst(%dma_wait3A_610 : memref<80x128xbf16, #tpu.memory_space<vmem>>)
      %dma_start3A_614 = arith.constant 4 : i32
      %dma_start3A_615 = arith.constant 4 : i32
      %dma_start3A_616 = arith.constant 0 : i32
      %dma_start3A_617 = arith.constant 0 : i32
      %dma_start3A_618 = tpu.memref_slice %arg8[%dma_start3A_614, %dma_start3A_616, %dma_start3A_617] : memref<5x80x128xbf16, #tpu.memory_space<vmem>> -> memref<1x80x128xbf16, #tpu.memory_space<vmem>>
      %dma_start3A_619 = tpu.memref_squeeze %dma_start3A_618 : memref<1x80x128xbf16, #tpu.memory_space<vmem>> -> memref<80x128xbf16, #tpu.memory_space<vmem>>
      %dma_start3A_620 = arith.constant 0 : i32
      %dma_start3A_621 = tpu.memref_slice %arg7[%add3A_595, %dma_start3A_620] : memref<125x80xi32, #tpu.memory_space<vmem>> -> memref<1x80xi32, #tpu.memory_space<vmem>>
      %dma_start3A_622 = tpu.memref_squeeze %dma_start3A_621 : memref<1x80xi32, #tpu.memory_space<vmem>> -> memref<80xi32, #tpu.memory_space<vmem>>
      %dma_start3A_623 = arith.constant 0 : i32
      %dma_start3A_624 = arith.constant 0 : i32
      %dma_start3A_625 = tpu.memref_slice %arg9[%dma_start3A_623, %dma_start3A_624] : memref<10000x128xbf16, #tpu.memory_space<vmem_shared>> -> memref<10000x128xbf16, #tpu.memory_space<vmem_shared>>
      %dma_start3A_626 = tpu.memref_slice %arg11[%dma_start3A_615] : memref<5x!tpu.dma_semaphore, #tpu.memory_space<semaphore_mem>> -> memref<1x!tpu.dma_semaphore, #tpu.memory_space<semaphore_mem>>
      %dma_start3A_627 = tpu.memref_squeeze %dma_start3A_626 : memref<1x!tpu.dma_semaphore, #tpu.memory_space<semaphore_mem>> -> memref<!tpu.dma_semaphore, #tpu.memory_space<semaphore_mem>>
      tpu.enqueue_indirect_dma source(%dma_start3A_619 : memref<80x128xbf16, #tpu.memory_space<vmem>>) target(%dma_start3A_625 : memref<10000x128xbf16, #tpu.memory_space<vmem_shared>>) offsets(%dma_start3A_622 : memref<80xi32, #tpu.memory_space<vmem>>) semaphore(%dma_start3A_627 : memref<!tpu.dma_semaphore, #tpu.memory_space<semaphore_mem>>) {add = true}
      %ge3A_628 = arith.constant 1 : i32
      %ge3A_629 = arith.cmpi sge, %add3A_595, %ge3A_628 : i32
      %convert_element_type3A_630 = arith.extui %ge3A_629 : i1 to i32
      %cond3A_631 = arith.constant 0 : i32
      %cond3A_632 = arith.cmpi ne, %convert_element_type3A_630, %cond3A_631 : i32
      scf.if %cond3A_632 {
        %dma_wait3A_641 = arith.constant 3 : i32
        %dma_wait3A_642 = arith.constant 3 : i32
        %dma_wait3A_643 = arith.constant 0 : i32
        %dma_wait3A_644 = arith.constant 0 : i32
        %dma_wait3A_645 = tpu.memref_slice %arg8[%dma_wait3A_641, %dma_wait3A_643, %dma_wait3A_644] : memref<5x80x128xbf16, #tpu.memory_space<vmem>> -> memref<1x80x128xbf16, #tpu.memory_space<vmem>>
        %dma_wait3A_646 = tpu.memref_squeeze %dma_wait3A_645 : memref<1x80x128xbf16, #tpu.memory_space<vmem>> -> memref<80x128xbf16, #tpu.memory_space<vmem>>
        %dma_wait3A_647 = arith.constant 0 : i32
        %dma_wait3A_648 = arith.constant 0 : i32
        %dma_wait3A_649 = tpu.memref_slice %arg9[%dma_wait3A_647, %dma_wait3A_648] : memref<10000x128xbf16, #tpu.memory_space<vmem_shared>> -> memref<80x128xbf16, #tpu.memory_space<vmem_shared>>
        %dma_wait3A_650 = tpu.memref_slice %arg11[%dma_wait3A_642] : memref<5x!tpu.dma_semaphore, #tpu.memory_space<semaphore_mem>> -> memref<1x!tpu.dma_semaphore, #tpu.memory_space<semaphore_mem>>
        %dma_wait3A_651 = tpu.memref_squeeze %dma_wait3A_650 : memref<1x!tpu.dma_semaphore, #tpu.memory_space<semaphore_mem>> -> memref<!tpu.dma_semaphore, #tpu.memory_space<semaphore_mem>>
        %dma_wait3A_652 = arith.constant 0 : i32
        %dma_wait3A_653 = arith.constant 0 : i32
        %dma_wait3A_654 = tpu.memref_slice %arg9[%dma_wait3A_652, %dma_wait3A_653] : memref<10000x128xbf16, #tpu.memory_space<vmem_shared>> -> memref<80x128xbf16, #tpu.memory_space<vmem_shared>>
        %dma_wait3A_655 = arith.constant 0 : i32
        %dma_wait3A_656 = arith.constant 0 : i32
        %dma_wait3A_657 = tpu.memref_slice %arg8[%dma_wait3A_641, %dma_wait3A_655, %dma_wait3A_656] : memref<5x80x128xbf16, #tpu.memory_space<vmem>> -> memref<1x80x128xbf16, #tpu.memory_space<vmem>>
        %dma_wait3A_658 = tpu.memref_squeeze %dma_wait3A_657 : memref<1x80x128xbf16, #tpu.memory_space<vmem>> -> memref<80x128xbf16, #tpu.memory_space<vmem>>
        tpu.wait_dma2 semaphore(%dma_wait3A_651 : memref<!tpu.dma_semaphore, #tpu.memory_space<semaphore_mem>>) src(%dma_wait3A_658 : memref<80x128xbf16, #tpu.memory_space<vmem>>) dst(%dma_wait3A_654 : memref<80x128xbf16, #tpu.memory_space<vmem_shared>>)
      } else {
      }
      %add3A_633 = arith.constant 4 : i32
      %add3A_634 = arith.addi %add3A_595, %add3A_633 : i32
      %lt3A_635 = arith.constant 125 : i32
      %lt3A_636 = arith.cmpi slt, %add3A_634, %lt3A_635 : i32
      %convert_element_type3A_637 = arith.extui %lt3A_636 : i1 to i32
      %cond3A_638 = arith.constant 0 : i32
      %cond3A_639 = arith.cmpi ne, %convert_element_type3A_637, %cond3A_638 : i32
      scf.if %cond3A_639 {
        %add3A_641 = arith.constant 4 : i32
        %add3A_642 = arith.addi %add3A_595, %add3A_641 : i32
        %mul3A_643 = arith.constant 80 : i32
        %mul3A_644 = arith.muli %add3A_642, %mul3A_643 : i32
        %dma_start3A_645 = arith.constant 3 : i32
        %dma_start3A_646 = arith.constant 3 : i32
        %dma_start3A_647 = arith.constant 0 : i32
        %dma_start3A_648 = arith.constant 0 : i32
        %dma_start3A_649 = tpu.memref_slice %arg8[%dma_start3A_645, %dma_start3A_647, %dma_start3A_648] : memref<5x80x128xbf16, #tpu.memory_space<vmem>> -> memref<1x80x128xbf16, #tpu.memory_space<vmem>>
        %dma_start3A_650 = tpu.memref_squeeze %dma_start3A_649 : memref<1x80x128xbf16, #tpu.memory_space<vmem>> -> memref<80x128xbf16, #tpu.memory_space<vmem>>
        %dma_start3A_651 = tpu.memref_slice %arg6[%mul3A_644] : memref<10000xi32, #tpu.memory_space<vmem>> -> memref<80xi32, #tpu.memory_space<vmem>>
        %dma_start3A_652 = arith.constant 0 : i32
        %dma_start3A_653 = arith.constant 0 : i32
        %dma_start3A_654 = tpu.memref_slice %arg4[%dma_start3A_652, %dma_start3A_653] : memref<80000x128xbf16, #tpu.memory_space<hbm>> -> memref<80000x128xbf16, #tpu.memory_space<hbm>>
        %dma_start3A_655 = tpu.memref_slice %arg10[%dma_start3A_646] : memref<5x!tpu.dma_semaphore, #tpu.memory_space<semaphore_mem>> -> memref<1x!tpu.dma_semaphore, #tpu.memory_space<semaphore_mem>>
        %dma_start3A_656 = tpu.memref_squeeze %dma_start3A_655 : memref<1x!tpu.dma_semaphore, #tpu.memory_space<semaphore_mem>> -> memref<!tpu.dma_semaphore, #tpu.memory_space<semaphore_mem>>
        tpu.enqueue_indirect_dma source(%dma_start3A_654 : memref<80000x128xbf16, #tpu.memory_space<hbm>>) target(%dma_start3A_650 : memref<80x128xbf16, #tpu.memory_space<vmem>>) offsets(%dma_start3A_651 : memref<80xi32, #tpu.memory_space<vmem>>) semaphore(%dma_start3A_656 : memref<!tpu.dma_semaphore, #tpu.memory_space<semaphore_mem>>)
      } else {
      }
      %scan3A_640 = arith.constant 0 : i32
      scf.yield %scan3A_640 : i32
    }
    %scan3A_273 = arith.constant 25 : i32
    %dma_wait3A_274 = arith.constant 4 : i32
    %dma_wait3A_275 = arith.constant 4 : i32
    %dma_wait3A_276 = arith.constant 0 : i32
    %dma_wait3A_277 = arith.constant 0 : i32
    %dma_wait3A_278 = tpu.memref_slice %arg8[%dma_wait3A_274, %dma_wait3A_276, %dma_wait3A_277] : memref<5x80x128xbf16, #tpu.memory_space<vmem>> -> memref<1x80x128xbf16, #tpu.memory_space<vmem>>
    %dma_wait3A_279 = tpu.memref_squeeze %dma_wait3A_278 : memref<1x80x128xbf16, #tpu.memory_space<vmem>> -> memref<80x128xbf16, #tpu.memory_space<vmem>>
    %dma_wait3A_280 = arith.constant 0 : i32
    %dma_wait3A_281 = arith.constant 0 : i32
    %dma_wait3A_282 = tpu.memref_slice %arg9[%dma_wait3A_280, %dma_wait3A_281] : memref<10000x128xbf16, #tpu.memory_space<vmem_shared>> -> memref<80x128xbf16, #tpu.memory_space<vmem_shared>>
    %dma_wait3A_283 = tpu.memref_slice %arg11[%dma_wait3A_275] : memref<5x!tpu.dma_semaphore, #tpu.memory_space<semaphore_mem>> -> memref<1x!tpu.dma_semaphore, #tpu.memory_space<semaphore_mem>>
    %dma_wait3A_284 = tpu.memref_squeeze %dma_wait3A_283 : memref<1x!tpu.dma_semaphore, #tpu.memory_space<semaphore_mem>> -> memref<!tpu.dma_semaphore, #tpu.memory_space<semaphore_mem>>
    %dma_wait3A_285 = arith.constant 0 : i32
    %dma_wait3A_286 = arith.constant 0 : i32
    %dma_wait3A_287 = tpu.memref_slice %arg9[%dma_wait3A_285, %dma_wait3A_286] : memref<10000x128xbf16, #tpu.memory_space<vmem_shared>> -> memref<80x128xbf16, #tpu.memory_space<vmem_shared>>
    %dma_wait3A_288 = arith.constant 0 : i32
    %dma_wait3A_289 = arith.constant 0 : i32
    %dma_wait3A_290 = tpu.memref_slice %arg8[%dma_wait3A_274, %dma_wait3A_288, %dma_wait3A_289] : memref<5x80x128xbf16, #tpu.memory_space<vmem>> -> memref<1x80x128xbf16, #tpu.memory_space<vmem>>
    %dma_wait3A_291 = tpu.memref_squeeze %dma_wait3A_290 : memref<1x80x128xbf16, #tpu.memory_space<vmem>> -> memref<80x128xbf16, #tpu.memory_space<vmem>>
    tpu.wait_dma2 semaphore(%dma_wait3A_284 : memref<!tpu.dma_semaphore, #tpu.memory_space<semaphore_mem>>) src(%dma_wait3A_291 : memref<80x128xbf16, #tpu.memory_space<vmem>>) dst(%dma_wait3A_287 : memref<80x128xbf16, #tpu.memory_space<vmem_shared>>)
    %barrier3A_292 = arith.constant 0 : index
    tpu.barrier barrier_id(%barrier3A_292)
    %mul3A_293 = arith.constant 625 : i32
    %mul3A_294 = arith.muli %arg1, %mul3A_293 : i32
    %mul3A_295 = arith.constant 10000 : i32
    %mul3A_296 = arith.muli %add3A_201, %mul3A_295 : i32
    %mul3A_297 = arith.constant 625 : i32
    %mul3A_298 = arith.muli %arg1, %mul3A_297 : i32
    %add3A_299 = arith.addi %mul3A_296, %mul3A_298 : i32
    "tpu.region"() ({
      %run_scoped3A = tpu.sem_alloc : memref<!tpu.dma_semaphore, #tpu.memory_space<semaphore_mem>>
      %dma_start3A_402 = arith.constant 0 : i32
      %dma_start3A_403 = tpu.memref_slice %arg5[%add3A_299, %dma_start3A_402] : memref<80000x128xbf16, #tpu.memory_space<hbm>> -> memref<625x128xbf16, #tpu.memory_space<hbm>>
      %dma_start3A_404 = arith.constant 0 : i32
      %dma_start3A_405 = tpu.memref_slice %arg9[%mul3A_294, %dma_start3A_404] : memref<10000x128xbf16, #tpu.memory_space<vmem_shared>> -> memref<625x128xbf16, #tpu.memory_space<vmem_shared>>
      tpu.enqueue_dma source(%dma_start3A_405 : memref<625x128xbf16, #tpu.memory_space<vmem_shared>>) target(%dma_start3A_403 : memref<625x128xbf16, #tpu.memory_space<hbm>>) target_semaphore(%run_scoped3A : memref<!tpu.dma_semaphore, #tpu.memory_space<semaphore_mem>>)
      %dma_wait3A_406 = arith.constant 0 : i32
      %dma_wait3A_407 = tpu.memref_slice %arg5[%add3A_299, %dma_wait3A_406] : memref<80000x128xbf16, #tpu.memory_space<hbm>> -> memref<625x128xbf16, #tpu.memory_space<hbm>>
      %dma_wait3A_408 = arith.constant 0 : i32
      %dma_wait3A_409 = tpu.memref_slice %arg9[%mul3A_294, %dma_wait3A_408] : memref<10000x128xbf16, #tpu.memory_space<vmem_shared>> -> memref<625x128xbf16, #tpu.memory_space<vmem_shared>>
      tpu.wait_dma2 semaphore(%run_scoped3A : memref<!tpu.dma_semaphore, #tpu.memory_space<semaphore_mem>>) src(%dma_wait3A_409 : memref<625x128xbf16, #tpu.memory_space<vmem_shared>>) dst(%dma_wait3A_407 : memref<625x128xbf16, #tpu.memory_space<hbm>>)
      tpu.yield
    }) : () -> ()
    %mul3A_300 = arith.constant 4 : i32
    %mul3A_301 = arith.muli %arg0, %mul3A_300 : i32
    %add3A_302 = arith.constant 3 : i32
    %add3A_303 = arith.addi %mul3A_301, %add3A_302 : i32
    %mul3A_304 = arith.constant 160000 : i32
    %mul3A_305 = arith.muli %add3A_303, %mul3A_304 : i32
    %mul3A_306 = arith.constant 10000 : i32
    %mul3A_307 = arith.muli %arg1, %mul3A_306 : i32
    %add3A_308 = arith.addi %mul3A_305, %mul3A_307 : i32
    "tpu.region"() ({
      %run_scoped3A = tpu.sem_alloc : memref<!tpu.dma_semaphore, #tpu.memory_space<semaphore_mem>>
      %dma_start3A_402 = tpu.memref_slice %arg2[%add3A_308] : memref<1280000xi32, #tpu.memory_space<hbm>> -> memref<10000xi32, #tpu.memory_space<hbm>>
      %dma_start3A_403 = tpu.memref_slice %arg2[%add3A_308] : memref<1280000xi32, #tpu.memory_space<hbm>> -> memref<10000xi32, #tpu.memory_space<hbm>>
      tpu.enqueue_dma source(%dma_start3A_403 : memref<10000xi32, #tpu.memory_space<hbm>>) target(%arg6 : memref<10000xi32, #tpu.memory_space<vmem>>) target_semaphore(%run_scoped3A : memref<!tpu.dma_semaphore, #tpu.memory_space<semaphore_mem>>)
      %dma_wait3A_404 = tpu.memref_slice %arg2[%add3A_308] : memref<1280000xi32, #tpu.memory_space<hbm>> -> memref<10000xi32, #tpu.memory_space<hbm>>
      %dma_wait3A_405 = tpu.memref_slice %arg2[%add3A_308] : memref<1280000xi32, #tpu.memory_space<hbm>> -> memref<10000xi32, #tpu.memory_space<hbm>>
      tpu.wait_dma2 semaphore(%run_scoped3A : memref<!tpu.dma_semaphore, #tpu.memory_space<semaphore_mem>>) src(%dma_wait3A_405 : memref<10000xi32, #tpu.memory_space<hbm>>) dst(%arg6 : memref<10000xi32, #tpu.memory_space<vmem>>)
      tpu.yield
    }) : () -> ()
    "tpu.region"() ({
      %run_scoped3A = tpu.sem_alloc : memref<!tpu.dma_semaphore, #tpu.memory_space<semaphore_mem>>
      %dma_start3A_402 = arith.constant 0 : i32
      %dma_start3A_403 = arith.constant 0 : i32
      %dma_start3A_404 = tpu.memref_slice %arg3[%arg1, %dma_start3A_402, %dma_start3A_403] : memref<16x125x80xi32, #tpu.memory_space<hbm>> -> memref<1x125x80xi32, #tpu.memory_space<hbm>>
      %dma_start3A_405 = tpu.memref_squeeze %dma_start3A_404 : memref<1x125x80xi32, #tpu.memory_space<hbm>> -> memref<125x80xi32, #tpu.memory_space<hbm>>
      %dma_start3A_406 = arith.constant 0 : i32
      %dma_start3A_407 = arith.constant 0 : i32
      %dma_start3A_408 = tpu.memref_slice %arg3[%arg1, %dma_start3A_406, %dma_start3A_407] : memref<16x125x80xi32, #tpu.memory_space<hbm>> -> memref<1x125x80xi32, #tpu.memory_space<hbm>>
      %dma_start3A_409 = tpu.memref_squeeze %dma_start3A_408 : memref<1x125x80xi32, #tpu.memory_space<hbm>> -> memref<125x80xi32, #tpu.memory_space<hbm>>
      tpu.enqueue_dma source(%dma_start3A_409 : memref<125x80xi32, #tpu.memory_space<hbm>>) target(%arg7 : memref<125x80xi32, #tpu.memory_space<vmem>>) target_semaphore(%run_scoped3A : memref<!tpu.dma_semaphore, #tpu.memory_space<semaphore_mem>>)
      %dma_wait3A_410 = arith.constant 0 : i32
      %dma_wait3A_411 = arith.constant 0 : i32
      %dma_wait3A_412 = tpu.memref_slice %arg3[%arg1, %dma_wait3A_410, %dma_wait3A_411] : memref<16x125x80xi32, #tpu.memory_space<hbm>> -> memref<1x125x80xi32, #tpu.memory_space<hbm>>
      %dma_wait3A_413 = tpu.memref_squeeze %dma_wait3A_412 : memref<1x125x80xi32, #tpu.memory_space<hbm>> -> memref<125x80xi32, #tpu.memory_space<hbm>>
      %dma_wait3A_414 = arith.constant 0 : i32
      %dma_wait3A_415 = arith.constant 0 : i32
      %dma_wait3A_416 = tpu.memref_slice %arg3[%arg1, %dma_wait3A_414, %dma_wait3A_415] : memref<16x125x80xi32, #tpu.memory_space<hbm>> -> memref<1x125x80xi32, #tpu.memory_space<hbm>>
      %dma_wait3A_417 = tpu.memref_squeeze %dma_wait3A_416 : memref<1x125x80xi32, #tpu.memory_space<hbm>> -> memref<125x80xi32, #tpu.memory_space<hbm>>
      tpu.wait_dma2 semaphore(%run_scoped3A : memref<!tpu.dma_semaphore, #tpu.memory_space<semaphore_mem>>) src(%dma_wait3A_417 : memref<125x80xi32, #tpu.memory_space<hbm>>) dst(%arg7 : memref<125x80xi32, #tpu.memory_space<vmem>>)
      tpu.yield
    }) : () -> ()
    %dma_start3A_309 = arith.constant 0 : i32
    %dma_start3A_310 = arith.constant 0 : i32
    %dma_start3A_311 = arith.constant 0 : i32
    %dma_start3A_312 = arith.constant 0 : i32
    %dma_start3A_313 = tpu.memref_slice %arg8[%dma_start3A_309, %dma_start3A_311, %dma_start3A_312] : memref<5x80x128xbf16, #tpu.memory_space<vmem>> -> memref<1x80x128xbf16, #tpu.memory_space<vmem>>
    %dma_start3A_314 = tpu.memref_squeeze %dma_start3A_313 : memref<1x80x128xbf16, #tpu.memory_space<vmem>> -> memref<80x128xbf16, #tpu.memory_space<vmem>>
    %dma_start3A_315 = arith.constant 0 : i32
    %dma_start3A_316 = tpu.memref_slice %arg6[%dma_start3A_315] : memref<10000xi32, #tpu.memory_space<vmem>> -> memref<80xi32, #tpu.memory_space<vmem>>
    %dma_start3A_317 = arith.constant 0 : i32
    %dma_start3A_318 = arith.constant 0 : i32
    %dma_start3A_319 = tpu.memref_slice %arg4[%dma_start3A_317, %dma_start3A_318] : memref<80000x128xbf16, #tpu.memory_space<hbm>> -> memref<80000x128xbf16, #tpu.memory_space<hbm>>
    %dma_start3A_320 = tpu.memref_slice %arg10[%dma_start3A_310] : memref<5x!tpu.dma_semaphore, #tpu.memory_space<semaphore_mem>> -> memref<1x!tpu.dma_semaphore, #tpu.memory_space<semaphore_mem>>
    %dma_start3A_321 = tpu.memref_squeeze %dma_start3A_320 : memref<1x!tpu.dma_semaphore, #tpu.memory_space<semaphore_mem>> -> memref<!tpu.dma_semaphore, #tpu.memory_space<semaphore_mem>>
    tpu.enqueue_indirect_dma source(%dma_start3A_319 : memref<80000x128xbf16, #tpu.memory_space<hbm>>) target(%dma_start3A_314 : memref<80x128xbf16, #tpu.memory_space<vmem>>) offsets(%dma_start3A_316 : memref<80xi32, #tpu.memory_space<vmem>>) semaphore(%dma_start3A_321 : memref<!tpu.dma_semaphore, #tpu.memory_space<semaphore_mem>>)
    %dma_start3A_322 = arith.constant 1 : i32
    %dma_start3A_323 = arith.constant 1 : i32
    %dma_start3A_324 = arith.constant 0 : i32
    %dma_start3A_325 = arith.constant 0 : i32
    %dma_start3A_326 = tpu.memref_slice %arg8[%dma_start3A_322, %dma_start3A_324, %dma_start3A_325] : memref<5x80x128xbf16, #tpu.memory_space<vmem>> -> memref<1x80x128xbf16, #tpu.memory_space<vmem>>
    %dma_start3A_327 = tpu.memref_squeeze %dma_start3A_326 : memref<1x80x128xbf16, #tpu.memory_space<vmem>> -> memref<80x128xbf16, #tpu.memory_space<vmem>>
    %dma_start3A_328 = arith.constant 80 : i32
    %dma_start3A_329 = tpu.memref_slice %arg6[%dma_start3A_328] : memref<10000xi32, #tpu.memory_space<vmem>> -> memref<80xi32, #tpu.memory_space<vmem>>
    %dma_start3A_330 = arith.constant 0 : i32
    %dma_start3A_331 = arith.constant 0 : i32
    %dma_start3A_332 = tpu.memref_slice %arg4[%dma_start3A_330, %dma_start3A_331] : memref<80000x128xbf16, #tpu.memory_space<hbm>> -> memref<80000x128xbf16, #tpu.memory_space<hbm>>
    %dma_start3A_333 = tpu.memref_slice %arg10[%dma_start3A_323] : memref<5x!tpu.dma_semaphore, #tpu.memory_space<semaphore_mem>> -> memref<1x!tpu.dma_semaphore, #tpu.memory_space<semaphore_mem>>
    %dma_start3A_334 = tpu.memref_squeeze %dma_start3A_333 : memref<1x!tpu.dma_semaphore, #tpu.memory_space<semaphore_mem>> -> memref<!tpu.dma_semaphore, #tpu.memory_space<semaphore_mem>>
    tpu.enqueue_indirect_dma source(%dma_start3A_332 : memref<80000x128xbf16, #tpu.memory_space<hbm>>) target(%dma_start3A_327 : memref<80x128xbf16, #tpu.memory_space<vmem>>) offsets(%dma_start3A_329 : memref<80xi32, #tpu.memory_space<vmem>>) semaphore(%dma_start3A_334 : memref<!tpu.dma_semaphore, #tpu.memory_space<semaphore_mem>>)
    %dma_start3A_335 = arith.constant 2 : i32
    %dma_start3A_336 = arith.constant 2 : i32
    %dma_start3A_337 = arith.constant 0 : i32
    %dma_start3A_338 = arith.constant 0 : i32
    %dma_start3A_339 = tpu.memref_slice %arg8[%dma_start3A_335, %dma_start3A_337, %dma_start3A_338] : memref<5x80x128xbf16, #tpu.memory_space<vmem>> -> memref<1x80x128xbf16, #tpu.memory_space<vmem>>
    %dma_start3A_340 = tpu.memref_squeeze %dma_start3A_339 : memref<1x80x128xbf16, #tpu.memory_space<vmem>> -> memref<80x128xbf16, #tpu.memory_space<vmem>>
    %dma_start3A_341 = arith.constant 160 : i32
    %dma_start3A_342 = tpu.memref_slice %arg6[%dma_start3A_341] : memref<10000xi32, #tpu.memory_space<vmem>> -> memref<80xi32, #tpu.memory_space<vmem>>
    %dma_start3A_343 = arith.constant 0 : i32
    %dma_start3A_344 = arith.constant 0 : i32
    %dma_start3A_345 = tpu.memref_slice %arg4[%dma_start3A_343, %dma_start3A_344] : memref<80000x128xbf16, #tpu.memory_space<hbm>> -> memref<80000x128xbf16, #tpu.memory_space<hbm>>
    %dma_start3A_346 = tpu.memref_slice %arg10[%dma_start3A_336] : memref<5x!tpu.dma_semaphore, #tpu.memory_space<semaphore_mem>> -> memref<1x!tpu.dma_semaphore, #tpu.memory_space<semaphore_mem>>
    %dma_start3A_347 = tpu.memref_squeeze %dma_start3A_346 : memref<1x!tpu.dma_semaphore, #tpu.memory_space<semaphore_mem>> -> memref<!tpu.dma_semaphore, #tpu.memory_space<semaphore_mem>>
    tpu.enqueue_indirect_dma source(%dma_start3A_345 : memref<80000x128xbf16, #tpu.memory_space<hbm>>) target(%dma_start3A_340 : memref<80x128xbf16, #tpu.memory_space<vmem>>) offsets(%dma_start3A_342 : memref<80xi32, #tpu.memory_space<vmem>>) semaphore(%dma_start3A_347 : memref<!tpu.dma_semaphore, #tpu.memory_space<semaphore_mem>>)
    %dma_start3A_348 = arith.constant 3 : i32
    %dma_start3A_349 = arith.constant 3 : i32
    %dma_start3A_350 = arith.constant 0 : i32
    %dma_start3A_351 = arith.constant 0 : i32
    %dma_start3A_352 = tpu.memref_slice %arg8[%dma_start3A_348, %dma_start3A_350, %dma_start3A_351] : memref<5x80x128xbf16, #tpu.memory_space<vmem>> -> memref<1x80x128xbf16, #tpu.memory_space<vmem>>
    %dma_start3A_353 = tpu.memref_squeeze %dma_start3A_352 : memref<1x80x128xbf16, #tpu.memory_space<vmem>> -> memref<80x128xbf16, #tpu.memory_space<vmem>>
    %dma_start3A_354 = arith.constant 240 : i32
    %dma_start3A_355 = tpu.memref_slice %arg6[%dma_start3A_354] : memref<10000xi32, #tpu.memory_space<vmem>> -> memref<80xi32, #tpu.memory_space<vmem>>
    %dma_start3A_356 = arith.constant 0 : i32
    %dma_start3A_357 = arith.constant 0 : i32
    %dma_start3A_358 = tpu.memref_slice %arg4[%dma_start3A_356, %dma_start3A_357] : memref<80000x128xbf16, #tpu.memory_space<hbm>> -> memref<80000x128xbf16, #tpu.memory_space<hbm>>
    %dma_start3A_359 = tpu.memref_slice %arg10[%dma_start3A_349] : memref<5x!tpu.dma_semaphore, #tpu.memory_space<semaphore_mem>> -> memref<1x!tpu.dma_semaphore, #tpu.memory_space<semaphore_mem>>
    %dma_start3A_360 = tpu.memref_squeeze %dma_start3A_359 : memref<1x!tpu.dma_semaphore, #tpu.memory_space<semaphore_mem>> -> memref<!tpu.dma_semaphore, #tpu.memory_space<semaphore_mem>>
    tpu.enqueue_indirect_dma source(%dma_start3A_358 : memref<80000x128xbf16, #tpu.memory_space<hbm>>) target(%dma_start3A_353 : memref<80x128xbf16, #tpu.memory_space<vmem>>) offsets(%dma_start3A_355 : memref<80xi32, #tpu.memory_space<vmem>>) semaphore(%dma_start3A_360 : memref<!tpu.dma_semaphore, #tpu.memory_space<semaphore_mem>>)
    %mul3A_361 = arith.constant 10000 : i32
    %mul3A_362 = arith.muli %add3A_303, %mul3A_361 : i32
    %mul3A_363 = arith.constant 625 : i32
    %mul3A_364 = arith.muli %arg1, %mul3A_363 : i32
    %add3A_365 = arith.addi %mul3A_362, %mul3A_364 : i32
    %mul3A_366 = arith.constant 625 : i32
    %mul3A_367 = arith.muli %arg1, %mul3A_366 : i32
    "tpu.region"() ({
      %run_scoped3A = tpu.sem_alloc : memref<!tpu.dma_semaphore, #tpu.memory_space<semaphore_mem>>
      %dma_start3A_402 = arith.constant 0 : i32
      %dma_start3A_403 = tpu.memref_slice %arg9[%mul3A_367, %dma_start3A_402] : memref<10000x128xbf16, #tpu.memory_space<vmem_shared>> -> memref<625x128xbf16, #tpu.memory_space<vmem_shared>>
      %dma_start3A_404 = arith.constant 0 : i32
      %dma_start3A_405 = tpu.memref_slice %arg4[%add3A_365, %dma_start3A_404] : memref<80000x128xbf16, #tpu.memory_space<hbm>> -> memref<625x128xbf16, #tpu.memory_space<hbm>>
      tpu.enqueue_dma source(%dma_start3A_405 : memref<625x128xbf16, #tpu.memory_space<hbm>>) target(%dma_start3A_403 : memref<625x128xbf16, #tpu.memory_space<vmem_shared>>) target_semaphore(%run_scoped3A : memref<!tpu.dma_semaphore, #tpu.memory_space<semaphore_mem>>)
      %dma_wait3A_406 = arith.constant 0 : i32
      %dma_wait3A_407 = tpu.memref_slice %arg9[%mul3A_367, %dma_wait3A_406] : memref<10000x128xbf16, #tpu.memory_space<vmem_shared>> -> memref<625x128xbf16, #tpu.memory_space<vmem_shared>>
      %dma_wait3A_408 = arith.constant 0 : i32
      %dma_wait3A_409 = tpu.memref_slice %arg4[%add3A_365, %dma_wait3A_408] : memref<80000x128xbf16, #tpu.memory_space<hbm>> -> memref<625x128xbf16, #tpu.memory_space<hbm>>
      tpu.wait_dma2 semaphore(%run_scoped3A : memref<!tpu.dma_semaphore, #tpu.memory_space<semaphore_mem>>) src(%dma_wait3A_409 : memref<625x128xbf16, #tpu.memory_space<hbm>>) dst(%dma_wait3A_407 : memref<625x128xbf16, #tpu.memory_space<vmem_shared>>)
      tpu.yield
    }) : () -> ()
    %barrier3A_368 = arith.constant 0 : index
    tpu.barrier barrier_id(%barrier3A_368)
    %scan3A_369 = arith.constant 0 : i32
    %scan3A_370 = arith.constant 0 : i32
    %scan3A_371 = arith.constant 25 : i32
    %scan3A_372 = arith.addi %scan3A_370, %scan3A_371 : i32
    %scan3A_373 = arith.constant 1 : i32
    %scan3A_374 = scf.for %scan3A_402 = %scan3A_370 to %scan3A_372 step %scan3A_373 iter_args(%scan3A_403 = %scan3A_369) -> (i32)  : i32 {
      %mul3A_404 = arith.constant 5 : i32
      %mul3A_405 = arith.muli %scan3A_402, %mul3A_404 : i32
      %add3A_406 = arith.constant 0 : i32
      %add3A_407 = arith.addi %mul3A_405, %add3A_406 : i32
      %dma_wait3A_408 = arith.constant 0 : i32
      %dma_wait3A_409 = arith.constant 0 : i32
      %dma_wait3A_410 = arith.constant 0 : i32
      %dma_wait3A_411 = arith.constant 0 : i32
      %dma_wait3A_412 = tpu.memref_slice %arg8[%dma_wait3A_408, %dma_wait3A_410, %dma_wait3A_411] : memref<5x80x128xbf16, #tpu.memory_space<vmem>> -> memref<1x80x128xbf16, #tpu.memory_space<vmem>>
      %dma_wait3A_413 = tpu.memref_squeeze %dma_wait3A_412 : memref<1x80x128xbf16, #tpu.memory_space<vmem>> -> memref<80x128xbf16, #tpu.memory_space<vmem>>
      %dma_wait3A_414 = arith.constant 0 : i32
      %dma_wait3A_415 = arith.constant 0 : i32
      %dma_wait3A_416 = tpu.memref_slice %arg4[%dma_wait3A_414, %dma_wait3A_415] : memref<80000x128xbf16, #tpu.memory_space<hbm>> -> memref<80x128xbf16, #tpu.memory_space<hbm>>
      %dma_wait3A_417 = tpu.memref_slice %arg10[%dma_wait3A_409] : memref<5x!tpu.dma_semaphore, #tpu.memory_space<semaphore_mem>> -> memref<1x!tpu.dma_semaphore, #tpu.memory_space<semaphore_mem>>
      %dma_wait3A_418 = tpu.memref_squeeze %dma_wait3A_417 : memref<1x!tpu.dma_semaphore, #tpu.memory_space<semaphore_mem>> -> memref<!tpu.dma_semaphore, #tpu.memory_space<semaphore_mem>>
      %dma_wait3A_419 = arith.constant 0 : i32
      %dma_wait3A_420 = arith.constant 0 : i32
      %dma_wait3A_421 = tpu.memref_slice %arg8[%dma_wait3A_408, %dma_wait3A_419, %dma_wait3A_420] : memref<5x80x128xbf16, #tpu.memory_space<vmem>> -> memref<1x80x128xbf16, #tpu.memory_space<vmem>>
      %dma_wait3A_422 = tpu.memref_squeeze %dma_wait3A_421 : memref<1x80x128xbf16, #tpu.memory_space<vmem>> -> memref<80x128xbf16, #tpu.memory_space<vmem>>
      %dma_wait3A_423 = arith.constant 0 : i32
      %dma_wait3A_424 = arith.constant 0 : i32
      %dma_wait3A_425 = tpu.memref_slice %arg4[%dma_wait3A_423, %dma_wait3A_424] : memref<80000x128xbf16, #tpu.memory_space<hbm>> -> memref<80x128xbf16, #tpu.memory_space<hbm>>
      tpu.wait_dma2 semaphore(%dma_wait3A_418 : memref<!tpu.dma_semaphore, #tpu.memory_space<semaphore_mem>>) src(%dma_wait3A_425 : memref<80x128xbf16, #tpu.memory_space<hbm>>) dst(%dma_wait3A_422 : memref<80x128xbf16, #tpu.memory_space<vmem>>)
      %dma_start3A_426 = arith.constant 0 : i32
      %dma_start3A_427 = arith.constant 0 : i32
      %dma_start3A_428 = arith.constant 0 : i32
      %dma_start3A_429 = arith.constant 0 : i32
      %dma_start3A_430 = tpu.memref_slice %arg8[%dma_start3A_426, %dma_start3A_428, %dma_start3A_429] : memref<5x80x128xbf16, #tpu.memory_space<vmem>> -> memref<1x80x128xbf16, #tpu.memory_space<vmem>>
      %dma_start3A_431 = tpu.memref_squeeze %dma_start3A_430 : memref<1x80x128xbf16, #tpu.memory_space<vmem>> -> memref<80x128xbf16, #tpu.memory_space<vmem>>
      %dma_start3A_432 = arith.constant 0 : i32
      %dma_start3A_433 = tpu.memref_slice %arg7[%add3A_407, %dma_start3A_432] : memref<125x80xi32, #tpu.memory_space<vmem>> -> memref<1x80xi32, #tpu.memory_space<vmem>>
      %dma_start3A_434 = tpu.memref_squeeze %dma_start3A_433 : memref<1x80xi32, #tpu.memory_space<vmem>> -> memref<80xi32, #tpu.memory_space<vmem>>
      %dma_start3A_435 = arith.constant 0 : i32
      %dma_start3A_436 = arith.constant 0 : i32
      %dma_start3A_437 = tpu.memref_slice %arg9[%dma_start3A_435, %dma_start3A_436] : memref<10000x128xbf16, #tpu.memory_space<vmem_shared>> -> memref<10000x128xbf16, #tpu.memory_space<vmem_shared>>
      %dma_start3A_438 = tpu.memref_slice %arg11[%dma_start3A_427] : memref<5x!tpu.dma_semaphore, #tpu.memory_space<semaphore_mem>> -> memref<1x!tpu.dma_semaphore, #tpu.memory_space<semaphore_mem>>
      %dma_start3A_439 = tpu.memref_squeeze %dma_start3A_438 : memref<1x!tpu.dma_semaphore, #tpu.memory_space<semaphore_mem>> -> memref<!tpu.dma_semaphore, #tpu.memory_space<semaphore_mem>>
      tpu.enqueue_indirect_dma source(%dma_start3A_431 : memref<80x128xbf16, #tpu.memory_space<vmem>>) target(%dma_start3A_437 : memref<10000x128xbf16, #tpu.memory_space<vmem_shared>>) offsets(%dma_start3A_434 : memref<80xi32, #tpu.memory_space<vmem>>) semaphore(%dma_start3A_439 : memref<!tpu.dma_semaphore, #tpu.memory_space<semaphore_mem>>) {add = true}
      %ge3A = arith.constant 1 : i32
      %ge3A_440 = arith.cmpi sge, %add3A_407, %ge3A : i32
      %convert_element_type3A = arith.extui %ge3A_440 : i1 to i32
      %cond3A = arith.constant 0 : i32
      %cond3A_441 = arith.cmpi ne, %convert_element_type3A, %cond3A : i32
      scf.if %cond3A_441 {
        %dma_wait3A_641 = arith.constant 4 : i32
        %dma_wait3A_642 = arith.constant 4 : i32
        %dma_wait3A_643 = arith.constant 0 : i32
        %dma_wait3A_644 = arith.constant 0 : i32
        %dma_wait3A_645 = tpu.memref_slice %arg8[%dma_wait3A_641, %dma_wait3A_643, %dma_wait3A_644] : memref<5x80x128xbf16, #tpu.memory_space<vmem>> -> memref<1x80x128xbf16, #tpu.memory_space<vmem>>
        %dma_wait3A_646 = tpu.memref_squeeze %dma_wait3A_645 : memref<1x80x128xbf16, #tpu.memory_space<vmem>> -> memref<80x128xbf16, #tpu.memory_space<vmem>>
        %dma_wait3A_647 = arith.constant 0 : i32
        %dma_wait3A_648 = arith.constant 0 : i32
        %dma_wait3A_649 = tpu.memref_slice %arg9[%dma_wait3A_647, %dma_wait3A_648] : memref<10000x128xbf16, #tpu.memory_space<vmem_shared>> -> memref<80x128xbf16, #tpu.memory_space<vmem_shared>>
        %dma_wait3A_650 = tpu.memref_slice %arg11[%dma_wait3A_642] : memref<5x!tpu.dma_semaphore, #tpu.memory_space<semaphore_mem>> -> memref<1x!tpu.dma_semaphore, #tpu.memory_space<semaphore_mem>>
        %dma_wait3A_651 = tpu.memref_squeeze %dma_wait3A_650 : memref<1x!tpu.dma_semaphore, #tpu.memory_space<semaphore_mem>> -> memref<!tpu.dma_semaphore, #tpu.memory_space<semaphore_mem>>
        %dma_wait3A_652 = arith.constant 0 : i32
        %dma_wait3A_653 = arith.constant 0 : i32
        %dma_wait3A_654 = tpu.memref_slice %arg9[%dma_wait3A_652, %dma_wait3A_653] : memref<10000x128xbf16, #tpu.memory_space<vmem_shared>> -> memref<80x128xbf16, #tpu.memory_space<vmem_shared>>
        %dma_wait3A_655 = arith.constant 0 : i32
        %dma_wait3A_656 = arith.constant 0 : i32
        %dma_wait3A_657 = tpu.memref_slice %arg8[%dma_wait3A_641, %dma_wait3A_655, %dma_wait3A_656] : memref<5x80x128xbf16, #tpu.memory_space<vmem>> -> memref<1x80x128xbf16, #tpu.memory_space<vmem>>
        %dma_wait3A_658 = tpu.memref_squeeze %dma_wait3A_657 : memref<1x80x128xbf16, #tpu.memory_space<vmem>> -> memref<80x128xbf16, #tpu.memory_space<vmem>>
        tpu.wait_dma2 semaphore(%dma_wait3A_651 : memref<!tpu.dma_semaphore, #tpu.memory_space<semaphore_mem>>) src(%dma_wait3A_658 : memref<80x128xbf16, #tpu.memory_space<vmem>>) dst(%dma_wait3A_654 : memref<80x128xbf16, #tpu.memory_space<vmem_shared>>)
      } else {
      }
      %add3A_442 = arith.constant 4 : i32
      %add3A_443 = arith.addi %add3A_407, %add3A_442 : i32
      %lt3A = arith.constant 125 : i32
      %lt3A_444 = arith.cmpi slt, %add3A_443, %lt3A : i32
      %convert_element_type3A_445 = arith.extui %lt3A_444 : i1 to i32
      %cond3A_446 = arith.constant 0 : i32
      %cond3A_447 = arith.cmpi ne, %convert_element_type3A_445, %cond3A_446 : i32
      scf.if %cond3A_447 {
        %add3A_641 = arith.constant 4 : i32
        %add3A_642 = arith.addi %add3A_407, %add3A_641 : i32
        %mul3A_643 = arith.constant 80 : i32
        %mul3A_644 = arith.muli %add3A_642, %mul3A_643 : i32
        %dma_start3A_645 = arith.constant 4 : i32
        %dma_start3A_646 = arith.constant 4 : i32
        %dma_start3A_647 = arith.constant 0 : i32
        %dma_start3A_648 = arith.constant 0 : i32
        %dma_start3A_649 = tpu.memref_slice %arg8[%dma_start3A_645, %dma_start3A_647, %dma_start3A_648] : memref<5x80x128xbf16, #tpu.memory_space<vmem>> -> memref<1x80x128xbf16, #tpu.memory_space<vmem>>
        %dma_start3A_650 = tpu.memref_squeeze %dma_start3A_649 : memref<1x80x128xbf16, #tpu.memory_space<vmem>> -> memref<80x128xbf16, #tpu.memory_space<vmem>>
        %dma_start3A_651 = tpu.memref_slice %arg6[%mul3A_644] : memref<10000xi32, #tpu.memory_space<vmem>> -> memref<80xi32, #tpu.memory_space<vmem>>
        %dma_start3A_652 = arith.constant 0 : i32
        %dma_start3A_653 = arith.constant 0 : i32
        %dma_start3A_654 = tpu.memref_slice %arg4[%dma_start3A_652, %dma_start3A_653] : memref<80000x128xbf16, #tpu.memory_space<hbm>> -> memref<80000x128xbf16, #tpu.memory_space<hbm>>
        %dma_start3A_655 = tpu.memref_slice %arg10[%dma_start3A_646] : memref<5x!tpu.dma_semaphore, #tpu.memory_space<semaphore_mem>> -> memref<1x!tpu.dma_semaphore, #tpu.memory_space<semaphore_mem>>
        %dma_start3A_656 = tpu.memref_squeeze %dma_start3A_655 : memref<1x!tpu.dma_semaphore, #tpu.memory_space<semaphore_mem>> -> memref<!tpu.dma_semaphore, #tpu.memory_space<semaphore_mem>>
        tpu.enqueue_indirect_dma source(%dma_start3A_654 : memref<80000x128xbf16, #tpu.memory_space<hbm>>) target(%dma_start3A_650 : memref<80x128xbf16, #tpu.memory_space<vmem>>) offsets(%dma_start3A_651 : memref<80xi32, #tpu.memory_space<vmem>>) semaphore(%dma_start3A_656 : memref<!tpu.dma_semaphore, #tpu.memory_space<semaphore_mem>>)
      } else {
      }
      %mul3A_448 = arith.constant 5 : i32
      %mul3A_449 = arith.muli %scan3A_402, %mul3A_448 : i32
      %add3A_450 = arith.constant 1 : i32
      %add3A_451 = arith.addi %mul3A_449, %add3A_450 : i32
      %dma_wait3A_452 = arith.constant 1 : i32
      %dma_wait3A_453 = arith.constant 1 : i32
      %dma_wait3A_454 = arith.constant 0 : i32
      %dma_wait3A_455 = arith.constant 0 : i32
      %dma_wait3A_456 = tpu.memref_slice %arg8[%dma_wait3A_452, %dma_wait3A_454, %dma_wait3A_455] : memref<5x80x128xbf16, #tpu.memory_space<vmem>> -> memref<1x80x128xbf16, #tpu.memory_space<vmem>>
      %dma_wait3A_457 = tpu.memref_squeeze %dma_wait3A_456 : memref<1x80x128xbf16, #tpu.memory_space<vmem>> -> memref<80x128xbf16, #tpu.memory_space<vmem>>
      %dma_wait3A_458 = arith.constant 0 : i32
      %dma_wait3A_459 = arith.constant 0 : i32
      %dma_wait3A_460 = tpu.memref_slice %arg4[%dma_wait3A_458, %dma_wait3A_459] : memref<80000x128xbf16, #tpu.memory_space<hbm>> -> memref<80x128xbf16, #tpu.memory_space<hbm>>
      %dma_wait3A_461 = tpu.memref_slice %arg10[%dma_wait3A_453] : memref<5x!tpu.dma_semaphore, #tpu.memory_space<semaphore_mem>> -> memref<1x!tpu.dma_semaphore, #tpu.memory_space<semaphore_mem>>
      %dma_wait3A_462 = tpu.memref_squeeze %dma_wait3A_461 : memref<1x!tpu.dma_semaphore, #tpu.memory_space<semaphore_mem>> -> memref<!tpu.dma_semaphore, #tpu.memory_space<semaphore_mem>>
      %dma_wait3A_463 = arith.constant 0 : i32
      %dma_wait3A_464 = arith.constant 0 : i32
      %dma_wait3A_465 = tpu.memref_slice %arg8[%dma_wait3A_452, %dma_wait3A_463, %dma_wait3A_464] : memref<5x80x128xbf16, #tpu.memory_space<vmem>> -> memref<1x80x128xbf16, #tpu.memory_space<vmem>>
      %dma_wait3A_466 = tpu.memref_squeeze %dma_wait3A_465 : memref<1x80x128xbf16, #tpu.memory_space<vmem>> -> memref<80x128xbf16, #tpu.memory_space<vmem>>
      %dma_wait3A_467 = arith.constant 0 : i32
      %dma_wait3A_468 = arith.constant 0 : i32
      %dma_wait3A_469 = tpu.memref_slice %arg4[%dma_wait3A_467, %dma_wait3A_468] : memref<80000x128xbf16, #tpu.memory_space<hbm>> -> memref<80x128xbf16, #tpu.memory_space<hbm>>
      tpu.wait_dma2 semaphore(%dma_wait3A_462 : memref<!tpu.dma_semaphore, #tpu.memory_space<semaphore_mem>>) src(%dma_wait3A_469 : memref<80x128xbf16, #tpu.memory_space<hbm>>) dst(%dma_wait3A_466 : memref<80x128xbf16, #tpu.memory_space<vmem>>)
      %dma_start3A_470 = arith.constant 1 : i32
      %dma_start3A_471 = arith.constant 1 : i32
      %dma_start3A_472 = arith.constant 0 : i32
      %dma_start3A_473 = arith.constant 0 : i32
      %dma_start3A_474 = tpu.memref_slice %arg8[%dma_start3A_470, %dma_start3A_472, %dma_start3A_473] : memref<5x80x128xbf16, #tpu.memory_space<vmem>> -> memref<1x80x128xbf16, #tpu.memory_space<vmem>>
      %dma_start3A_475 = tpu.memref_squeeze %dma_start3A_474 : memref<1x80x128xbf16, #tpu.memory_space<vmem>> -> memref<80x128xbf16, #tpu.memory_space<vmem>>
      %dma_start3A_476 = arith.constant 0 : i32
      %dma_start3A_477 = tpu.memref_slice %arg7[%add3A_451, %dma_start3A_476] : memref<125x80xi32, #tpu.memory_space<vmem>> -> memref<1x80xi32, #tpu.memory_space<vmem>>
      %dma_start3A_478 = tpu.memref_squeeze %dma_start3A_477 : memref<1x80xi32, #tpu.memory_space<vmem>> -> memref<80xi32, #tpu.memory_space<vmem>>
      %dma_start3A_479 = arith.constant 0 : i32
      %dma_start3A_480 = arith.constant 0 : i32
      %dma_start3A_481 = tpu.memref_slice %arg9[%dma_start3A_479, %dma_start3A_480] : memref<10000x128xbf16, #tpu.memory_space<vmem_shared>> -> memref<10000x128xbf16, #tpu.memory_space<vmem_shared>>
      %dma_start3A_482 = tpu.memref_slice %arg11[%dma_start3A_471] : memref<5x!tpu.dma_semaphore, #tpu.memory_space<semaphore_mem>> -> memref<1x!tpu.dma_semaphore, #tpu.memory_space<semaphore_mem>>
      %dma_start3A_483 = tpu.memref_squeeze %dma_start3A_482 : memref<1x!tpu.dma_semaphore, #tpu.memory_space<semaphore_mem>> -> memref<!tpu.dma_semaphore, #tpu.memory_space<semaphore_mem>>
      tpu.enqueue_indirect_dma source(%dma_start3A_475 : memref<80x128xbf16, #tpu.memory_space<vmem>>) target(%dma_start3A_481 : memref<10000x128xbf16, #tpu.memory_space<vmem_shared>>) offsets(%dma_start3A_478 : memref<80xi32, #tpu.memory_space<vmem>>) semaphore(%dma_start3A_483 : memref<!tpu.dma_semaphore, #tpu.memory_space<semaphore_mem>>) {add = true}
      %ge3A_484 = arith.constant 1 : i32
      %ge3A_485 = arith.cmpi sge, %add3A_451, %ge3A_484 : i32
      %convert_element_type3A_486 = arith.extui %ge3A_485 : i1 to i32
      %cond3A_487 = arith.constant 0 : i32
      %cond3A_488 = arith.cmpi ne, %convert_element_type3A_486, %cond3A_487 : i32
      scf.if %cond3A_488 {
        %dma_wait3A_641 = arith.constant 0 : i32
        %dma_wait3A_642 = arith.constant 0 : i32
        %dma_wait3A_643 = arith.constant 0 : i32
        %dma_wait3A_644 = arith.constant 0 : i32
        %dma_wait3A_645 = tpu.memref_slice %arg8[%dma_wait3A_641, %dma_wait3A_643, %dma_wait3A_644] : memref<5x80x128xbf16, #tpu.memory_space<vmem>> -> memref<1x80x128xbf16, #tpu.memory_space<vmem>>
        %dma_wait3A_646 = tpu.memref_squeeze %dma_wait3A_645 : memref<1x80x128xbf16, #tpu.memory_space<vmem>> -> memref<80x128xbf16, #tpu.memory_space<vmem>>
        %dma_wait3A_647 = arith.constant 0 : i32
        %dma_wait3A_648 = arith.constant 0 : i32
        %dma_wait3A_649 = tpu.memref_slice %arg9[%dma_wait3A_647, %dma_wait3A_648] : memref<10000x128xbf16, #tpu.memory_space<vmem_shared>> -> memref<80x128xbf16, #tpu.memory_space<vmem_shared>>
        %dma_wait3A_650 = tpu.memref_slice %arg11[%dma_wait3A_642] : memref<5x!tpu.dma_semaphore, #tpu.memory_space<semaphore_mem>> -> memref<1x!tpu.dma_semaphore, #tpu.memory_space<semaphore_mem>>
        %dma_wait3A_651 = tpu.memref_squeeze %dma_wait3A_650 : memref<1x!tpu.dma_semaphore, #tpu.memory_space<semaphore_mem>> -> memref<!tpu.dma_semaphore, #tpu.memory_space<semaphore_mem>>
        %dma_wait3A_652 = arith.constant 0 : i32
        %dma_wait3A_653 = arith.constant 0 : i32
        %dma_wait3A_654 = tpu.memref_slice %arg9[%dma_wait3A_652, %dma_wait3A_653] : memref<10000x128xbf16, #tpu.memory_space<vmem_shared>> -> memref<80x128xbf16, #tpu.memory_space<vmem_shared>>
        %dma_wait3A_655 = arith.constant 0 : i32
        %dma_wait3A_656 = arith.constant 0 : i32
        %dma_wait3A_657 = tpu.memref_slice %arg8[%dma_wait3A_641, %dma_wait3A_655, %dma_wait3A_656] : memref<5x80x128xbf16, #tpu.memory_space<vmem>> -> memref<1x80x128xbf16, #tpu.memory_space<vmem>>
        %dma_wait3A_658 = tpu.memref_squeeze %dma_wait3A_657 : memref<1x80x128xbf16, #tpu.memory_space<vmem>> -> memref<80x128xbf16, #tpu.memory_space<vmem>>
        tpu.wait_dma2 semaphore(%dma_wait3A_651 : memref<!tpu.dma_semaphore, #tpu.memory_space<semaphore_mem>>) src(%dma_wait3A_658 : memref<80x128xbf16, #tpu.memory_space<vmem>>) dst(%dma_wait3A_654 : memref<80x128xbf16, #tpu.memory_space<vmem_shared>>)
      } else {
      }
      %add3A_489 = arith.constant 4 : i32
      %add3A_490 = arith.addi %add3A_451, %add3A_489 : i32
      %lt3A_491 = arith.constant 125 : i32
      %lt3A_492 = arith.cmpi slt, %add3A_490, %lt3A_491 : i32
      %convert_element_type3A_493 = arith.extui %lt3A_492 : i1 to i32
      %cond3A_494 = arith.constant 0 : i32
      %cond3A_495 = arith.cmpi ne, %convert_element_type3A_493, %cond3A_494 : i32
      scf.if %cond3A_495 {
        %add3A_641 = arith.constant 4 : i32
        %add3A_642 = arith.addi %add3A_451, %add3A_641 : i32
        %mul3A_643 = arith.constant 80 : i32
        %mul3A_644 = arith.muli %add3A_642, %mul3A_643 : i32
        %dma_start3A_645 = arith.constant 0 : i32
        %dma_start3A_646 = arith.constant 0 : i32
        %dma_start3A_647 = arith.constant 0 : i32
        %dma_start3A_648 = arith.constant 0 : i32
        %dma_start3A_649 = tpu.memref_slice %arg8[%dma_start3A_645, %dma_start3A_647, %dma_start3A_648] : memref<5x80x128xbf16, #tpu.memory_space<vmem>> -> memref<1x80x128xbf16, #tpu.memory_space<vmem>>
        %dma_start3A_650 = tpu.memref_squeeze %dma_start3A_649 : memref<1x80x128xbf16, #tpu.memory_space<vmem>> -> memref<80x128xbf16, #tpu.memory_space<vmem>>
        %dma_start3A_651 = tpu.memref_slice %arg6[%mul3A_644] : memref<10000xi32, #tpu.memory_space<vmem>> -> memref<80xi32, #tpu.memory_space<vmem>>
        %dma_start3A_652 = arith.constant 0 : i32
        %dma_start3A_653 = arith.constant 0 : i32
        %dma_start3A_654 = tpu.memref_slice %arg4[%dma_start3A_652, %dma_start3A_653] : memref<80000x128xbf16, #tpu.memory_space<hbm>> -> memref<80000x128xbf16, #tpu.memory_space<hbm>>
        %dma_start3A_655 = tpu.memref_slice %arg10[%dma_start3A_646] : memref<5x!tpu.dma_semaphore, #tpu.memory_space<semaphore_mem>> -> memref<1x!tpu.dma_semaphore, #tpu.memory_space<semaphore_mem>>
        %dma_start3A_656 = tpu.memref_squeeze %dma_start3A_655 : memref<1x!tpu.dma_semaphore, #tpu.memory_space<semaphore_mem>> -> memref<!tpu.dma_semaphore, #tpu.memory_space<semaphore_mem>>
        tpu.enqueue_indirect_dma source(%dma_start3A_654 : memref<80000x128xbf16, #tpu.memory_space<hbm>>) target(%dma_start3A_650 : memref<80x128xbf16, #tpu.memory_space<vmem>>) offsets(%dma_start3A_651 : memref<80xi32, #tpu.memory_space<vmem>>) semaphore(%dma_start3A_656 : memref<!tpu.dma_semaphore, #tpu.memory_space<semaphore_mem>>)
      } else {
      }
      %mul3A_496 = arith.constant 5 : i32
      %mul3A_497 = arith.muli %scan3A_402, %mul3A_496 : i32
      %add3A_498 = arith.constant 2 : i32
      %add3A_499 = arith.addi %mul3A_497, %add3A_498 : i32
      %dma_wait3A_500 = arith.constant 2 : i32
      %dma_wait3A_501 = arith.constant 2 : i32
      %dma_wait3A_502 = arith.constant 0 : i32
      %dma_wait3A_503 = arith.constant 0 : i32
      %dma_wait3A_504 = tpu.memref_slice %arg8[%dma_wait3A_500, %dma_wait3A_502, %dma_wait3A_503] : memref<5x80x128xbf16, #tpu.memory_space<vmem>> -> memref<1x80x128xbf16, #tpu.memory_space<vmem>>
      %dma_wait3A_505 = tpu.memref_squeeze %dma_wait3A_504 : memref<1x80x128xbf16, #tpu.memory_space<vmem>> -> memref<80x128xbf16, #tpu.memory_space<vmem>>
      %dma_wait3A_506 = arith.constant 0 : i32
      %dma_wait3A_507 = arith.constant 0 : i32
      %dma_wait3A_508 = tpu.memref_slice %arg4[%dma_wait3A_506, %dma_wait3A_507] : memref<80000x128xbf16, #tpu.memory_space<hbm>> -> memref<80x128xbf16, #tpu.memory_space<hbm>>
      %dma_wait3A_509 = tpu.memref_slice %arg10[%dma_wait3A_501] : memref<5x!tpu.dma_semaphore, #tpu.memory_space<semaphore_mem>> -> memref<1x!tpu.dma_semaphore, #tpu.memory_space<semaphore_mem>>
      %dma_wait3A_510 = tpu.memref_squeeze %dma_wait3A_509 : memref<1x!tpu.dma_semaphore, #tpu.memory_space<semaphore_mem>> -> memref<!tpu.dma_semaphore, #tpu.memory_space<semaphore_mem>>
      %dma_wait3A_511 = arith.constant 0 : i32
      %dma_wait3A_512 = arith.constant 0 : i32
      %dma_wait3A_513 = tpu.memref_slice %arg8[%dma_wait3A_500, %dma_wait3A_511, %dma_wait3A_512] : memref<5x80x128xbf16, #tpu.memory_space<vmem>> -> memref<1x80x128xbf16, #tpu.memory_space<vmem>>
      %dma_wait3A_514 = tpu.memref_squeeze %dma_wait3A_513 : memref<1x80x128xbf16, #tpu.memory_space<vmem>> -> memref<80x128xbf16, #tpu.memory_space<vmem>>
      %dma_wait3A_515 = arith.constant 0 : i32
      %dma_wait3A_516 = arith.constant 0 : i32
      %dma_wait3A_517 = tpu.memref_slice %arg4[%dma_wait3A_515, %dma_wait3A_516] : memref<80000x128xbf16, #tpu.memory_space<hbm>> -> memref<80x128xbf16, #tpu.memory_space<hbm>>
      tpu.wait_dma2 semaphore(%dma_wait3A_510 : memref<!tpu.dma_semaphore, #tpu.memory_space<semaphore_mem>>) src(%dma_wait3A_517 : memref<80x128xbf16, #tpu.memory_space<hbm>>) dst(%dma_wait3A_514 : memref<80x128xbf16, #tpu.memory_space<vmem>>)
      %dma_start3A_518 = arith.constant 2 : i32
      %dma_start3A_519 = arith.constant 2 : i32
      %dma_start3A_520 = arith.constant 0 : i32
      %dma_start3A_521 = arith.constant 0 : i32
      %dma_start3A_522 = tpu.memref_slice %arg8[%dma_start3A_518, %dma_start3A_520, %dma_start3A_521] : memref<5x80x128xbf16, #tpu.memory_space<vmem>> -> memref<1x80x128xbf16, #tpu.memory_space<vmem>>
      %dma_start3A_523 = tpu.memref_squeeze %dma_start3A_522 : memref<1x80x128xbf16, #tpu.memory_space<vmem>> -> memref<80x128xbf16, #tpu.memory_space<vmem>>
      %dma_start3A_524 = arith.constant 0 : i32
      %dma_start3A_525 = tpu.memref_slice %arg7[%add3A_499, %dma_start3A_524] : memref<125x80xi32, #tpu.memory_space<vmem>> -> memref<1x80xi32, #tpu.memory_space<vmem>>
      %dma_start3A_526 = tpu.memref_squeeze %dma_start3A_525 : memref<1x80xi32, #tpu.memory_space<vmem>> -> memref<80xi32, #tpu.memory_space<vmem>>
      %dma_start3A_527 = arith.constant 0 : i32
      %dma_start3A_528 = arith.constant 0 : i32
      %dma_start3A_529 = tpu.memref_slice %arg9[%dma_start3A_527, %dma_start3A_528] : memref<10000x128xbf16, #tpu.memory_space<vmem_shared>> -> memref<10000x128xbf16, #tpu.memory_space<vmem_shared>>
      %dma_start3A_530 = tpu.memref_slice %arg11[%dma_start3A_519] : memref<5x!tpu.dma_semaphore, #tpu.memory_space<semaphore_mem>> -> memref<1x!tpu.dma_semaphore, #tpu.memory_space<semaphore_mem>>
      %dma_start3A_531 = tpu.memref_squeeze %dma_start3A_530 : memref<1x!tpu.dma_semaphore, #tpu.memory_space<semaphore_mem>> -> memref<!tpu.dma_semaphore, #tpu.memory_space<semaphore_mem>>
      tpu.enqueue_indirect_dma source(%dma_start3A_523 : memref<80x128xbf16, #tpu.memory_space<vmem>>) target(%dma_start3A_529 : memref<10000x128xbf16, #tpu.memory_space<vmem_shared>>) offsets(%dma_start3A_526 : memref<80xi32, #tpu.memory_space<vmem>>) semaphore(%dma_start3A_531 : memref<!tpu.dma_semaphore, #tpu.memory_space<semaphore_mem>>) {add = true}
      %ge3A_532 = arith.constant 1 : i32
      %ge3A_533 = arith.cmpi sge, %add3A_499, %ge3A_532 : i32
      %convert_element_type3A_534 = arith.extui %ge3A_533 : i1 to i32
      %cond3A_535 = arith.constant 0 : i32
      %cond3A_536 = arith.cmpi ne, %convert_element_type3A_534, %cond3A_535 : i32
      scf.if %cond3A_536 {
        %dma_wait3A_641 = arith.constant 1 : i32
        %dma_wait3A_642 = arith.constant 1 : i32
        %dma_wait3A_643 = arith.constant 0 : i32
        %dma_wait3A_644 = arith.constant 0 : i32
        %dma_wait3A_645 = tpu.memref_slice %arg8[%dma_wait3A_641, %dma_wait3A_643, %dma_wait3A_644] : memref<5x80x128xbf16, #tpu.memory_space<vmem>> -> memref<1x80x128xbf16, #tpu.memory_space<vmem>>
        %dma_wait3A_646 = tpu.memref_squeeze %dma_wait3A_645 : memref<1x80x128xbf16, #tpu.memory_space<vmem>> -> memref<80x128xbf16, #tpu.memory_space<vmem>>
        %dma_wait3A_647 = arith.constant 0 : i32
        %dma_wait3A_648 = arith.constant 0 : i32
        %dma_wait3A_649 = tpu.memref_slice %arg9[%dma_wait3A_647, %dma_wait3A_648] : memref<10000x128xbf16, #tpu.memory_space<vmem_shared>> -> memref<80x128xbf16, #tpu.memory_space<vmem_shared>>
        %dma_wait3A_650 = tpu.memref_slice %arg11[%dma_wait3A_642] : memref<5x!tpu.dma_semaphore, #tpu.memory_space<semaphore_mem>> -> memref<1x!tpu.dma_semaphore, #tpu.memory_space<semaphore_mem>>
        %dma_wait3A_651 = tpu.memref_squeeze %dma_wait3A_650 : memref<1x!tpu.dma_semaphore, #tpu.memory_space<semaphore_mem>> -> memref<!tpu.dma_semaphore, #tpu.memory_space<semaphore_mem>>
        %dma_wait3A_652 = arith.constant 0 : i32
        %dma_wait3A_653 = arith.constant 0 : i32
        %dma_wait3A_654 = tpu.memref_slice %arg9[%dma_wait3A_652, %dma_wait3A_653] : memref<10000x128xbf16, #tpu.memory_space<vmem_shared>> -> memref<80x128xbf16, #tpu.memory_space<vmem_shared>>
        %dma_wait3A_655 = arith.constant 0 : i32
        %dma_wait3A_656 = arith.constant 0 : i32
        %dma_wait3A_657 = tpu.memref_slice %arg8[%dma_wait3A_641, %dma_wait3A_655, %dma_wait3A_656] : memref<5x80x128xbf16, #tpu.memory_space<vmem>> -> memref<1x80x128xbf16, #tpu.memory_space<vmem>>
        %dma_wait3A_658 = tpu.memref_squeeze %dma_wait3A_657 : memref<1x80x128xbf16, #tpu.memory_space<vmem>> -> memref<80x128xbf16, #tpu.memory_space<vmem>>
        tpu.wait_dma2 semaphore(%dma_wait3A_651 : memref<!tpu.dma_semaphore, #tpu.memory_space<semaphore_mem>>) src(%dma_wait3A_658 : memref<80x128xbf16, #tpu.memory_space<vmem>>) dst(%dma_wait3A_654 : memref<80x128xbf16, #tpu.memory_space<vmem_shared>>)
      } else {
      }
      %add3A_537 = arith.constant 4 : i32
      %add3A_538 = arith.addi %add3A_499, %add3A_537 : i32
      %lt3A_539 = arith.constant 125 : i32
      %lt3A_540 = arith.cmpi slt, %add3A_538, %lt3A_539 : i32
      %convert_element_type3A_541 = arith.extui %lt3A_540 : i1 to i32
      %cond3A_542 = arith.constant 0 : i32
      %cond3A_543 = arith.cmpi ne, %convert_element_type3A_541, %cond3A_542 : i32
      scf.if %cond3A_543 {
        %add3A_641 = arith.constant 4 : i32
        %add3A_642 = arith.addi %add3A_499, %add3A_641 : i32
        %mul3A_643 = arith.constant 80 : i32
        %mul3A_644 = arith.muli %add3A_642, %mul3A_643 : i32
        %dma_start3A_645 = arith.constant 1 : i32
        %dma_start3A_646 = arith.constant 1 : i32
        %dma_start3A_647 = arith.constant 0 : i32
        %dma_start3A_648 = arith.constant 0 : i32
        %dma_start3A_649 = tpu.memref_slice %arg8[%dma_start3A_645, %dma_start3A_647, %dma_start3A_648] : memref<5x80x128xbf16, #tpu.memory_space<vmem>> -> memref<1x80x128xbf16, #tpu.memory_space<vmem>>
        %dma_start3A_650 = tpu.memref_squeeze %dma_start3A_649 : memref<1x80x128xbf16, #tpu.memory_space<vmem>> -> memref<80x128xbf16, #tpu.memory_space<vmem>>
        %dma_start3A_651 = tpu.memref_slice %arg6[%mul3A_644] : memref<10000xi32, #tpu.memory_space<vmem>> -> memref<80xi32, #tpu.memory_space<vmem>>
        %dma_start3A_652 = arith.constant 0 : i32
        %dma_start3A_653 = arith.constant 0 : i32
        %dma_start3A_654 = tpu.memref_slice %arg4[%dma_start3A_652, %dma_start3A_653] : memref<80000x128xbf16, #tpu.memory_space<hbm>> -> memref<80000x128xbf16, #tpu.memory_space<hbm>>
        %dma_start3A_655 = tpu.memref_slice %arg10[%dma_start3A_646] : memref<5x!tpu.dma_semaphore, #tpu.memory_space<semaphore_mem>> -> memref<1x!tpu.dma_semaphore, #tpu.memory_space<semaphore_mem>>
        %dma_start3A_656 = tpu.memref_squeeze %dma_start3A_655 : memref<1x!tpu.dma_semaphore, #tpu.memory_space<semaphore_mem>> -> memref<!tpu.dma_semaphore, #tpu.memory_space<semaphore_mem>>
        tpu.enqueue_indirect_dma source(%dma_start3A_654 : memref<80000x128xbf16, #tpu.memory_space<hbm>>) target(%dma_start3A_650 : memref<80x128xbf16, #tpu.memory_space<vmem>>) offsets(%dma_start3A_651 : memref<80xi32, #tpu.memory_space<vmem>>) semaphore(%dma_start3A_656 : memref<!tpu.dma_semaphore, #tpu.memory_space<semaphore_mem>>)
      } else {
      }
      %mul3A_544 = arith.constant 5 : i32
      %mul3A_545 = arith.muli %scan3A_402, %mul3A_544 : i32
      %add3A_546 = arith.constant 3 : i32
      %add3A_547 = arith.addi %mul3A_545, %add3A_546 : i32
      %dma_wait3A_548 = arith.constant 3 : i32
      %dma_wait3A_549 = arith.constant 3 : i32
      %dma_wait3A_550 = arith.constant 0 : i32
      %dma_wait3A_551 = arith.constant 0 : i32
      %dma_wait3A_552 = tpu.memref_slice %arg8[%dma_wait3A_548, %dma_wait3A_550, %dma_wait3A_551] : memref<5x80x128xbf16, #tpu.memory_space<vmem>> -> memref<1x80x128xbf16, #tpu.memory_space<vmem>>
      %dma_wait3A_553 = tpu.memref_squeeze %dma_wait3A_552 : memref<1x80x128xbf16, #tpu.memory_space<vmem>> -> memref<80x128xbf16, #tpu.memory_space<vmem>>
      %dma_wait3A_554 = arith.constant 0 : i32
      %dma_wait3A_555 = arith.constant 0 : i32
      %dma_wait3A_556 = tpu.memref_slice %arg4[%dma_wait3A_554, %dma_wait3A_555] : memref<80000x128xbf16, #tpu.memory_space<hbm>> -> memref<80x128xbf16, #tpu.memory_space<hbm>>
      %dma_wait3A_557 = tpu.memref_slice %arg10[%dma_wait3A_549] : memref<5x!tpu.dma_semaphore, #tpu.memory_space<semaphore_mem>> -> memref<1x!tpu.dma_semaphore, #tpu.memory_space<semaphore_mem>>
      %dma_wait3A_558 = tpu.memref_squeeze %dma_wait3A_557 : memref<1x!tpu.dma_semaphore, #tpu.memory_space<semaphore_mem>> -> memref<!tpu.dma_semaphore, #tpu.memory_space<semaphore_mem>>
      %dma_wait3A_559 = arith.constant 0 : i32
      %dma_wait3A_560 = arith.constant 0 : i32
      %dma_wait3A_561 = tpu.memref_slice %arg8[%dma_wait3A_548, %dma_wait3A_559, %dma_wait3A_560] : memref<5x80x128xbf16, #tpu.memory_space<vmem>> -> memref<1x80x128xbf16, #tpu.memory_space<vmem>>
      %dma_wait3A_562 = tpu.memref_squeeze %dma_wait3A_561 : memref<1x80x128xbf16, #tpu.memory_space<vmem>> -> memref<80x128xbf16, #tpu.memory_space<vmem>>
      %dma_wait3A_563 = arith.constant 0 : i32
      %dma_wait3A_564 = arith.constant 0 : i32
      %dma_wait3A_565 = tpu.memref_slice %arg4[%dma_wait3A_563, %dma_wait3A_564] : memref<80000x128xbf16, #tpu.memory_space<hbm>> -> memref<80x128xbf16, #tpu.memory_space<hbm>>
      tpu.wait_dma2 semaphore(%dma_wait3A_558 : memref<!tpu.dma_semaphore, #tpu.memory_space<semaphore_mem>>) src(%dma_wait3A_565 : memref<80x128xbf16, #tpu.memory_space<hbm>>) dst(%dma_wait3A_562 : memref<80x128xbf16, #tpu.memory_space<vmem>>)
      %dma_start3A_566 = arith.constant 3 : i32
      %dma_start3A_567 = arith.constant 3 : i32
      %dma_start3A_568 = arith.constant 0 : i32
      %dma_start3A_569 = arith.constant 0 : i32
      %dma_start3A_570 = tpu.memref_slice %arg8[%dma_start3A_566, %dma_start3A_568, %dma_start3A_569] : memref<5x80x128xbf16, #tpu.memory_space<vmem>> -> memref<1x80x128xbf16, #tpu.memory_space<vmem>>
      %dma_start3A_571 = tpu.memref_squeeze %dma_start3A_570 : memref<1x80x128xbf16, #tpu.memory_space<vmem>> -> memref<80x128xbf16, #tpu.memory_space<vmem>>
      %dma_start3A_572 = arith.constant 0 : i32
      %dma_start3A_573 = tpu.memref_slice %arg7[%add3A_547, %dma_start3A_572] : memref<125x80xi32, #tpu.memory_space<vmem>> -> memref<1x80xi32, #tpu.memory_space<vmem>>
      %dma_start3A_574 = tpu.memref_squeeze %dma_start3A_573 : memref<1x80xi32, #tpu.memory_space<vmem>> -> memref<80xi32, #tpu.memory_space<vmem>>
      %dma_start3A_575 = arith.constant 0 : i32
      %dma_start3A_576 = arith.constant 0 : i32
      %dma_start3A_577 = tpu.memref_slice %arg9[%dma_start3A_575, %dma_start3A_576] : memref<10000x128xbf16, #tpu.memory_space<vmem_shared>> -> memref<10000x128xbf16, #tpu.memory_space<vmem_shared>>
      %dma_start3A_578 = tpu.memref_slice %arg11[%dma_start3A_567] : memref<5x!tpu.dma_semaphore, #tpu.memory_space<semaphore_mem>> -> memref<1x!tpu.dma_semaphore, #tpu.memory_space<semaphore_mem>>
      %dma_start3A_579 = tpu.memref_squeeze %dma_start3A_578 : memref<1x!tpu.dma_semaphore, #tpu.memory_space<semaphore_mem>> -> memref<!tpu.dma_semaphore, #tpu.memory_space<semaphore_mem>>
      tpu.enqueue_indirect_dma source(%dma_start3A_571 : memref<80x128xbf16, #tpu.memory_space<vmem>>) target(%dma_start3A_577 : memref<10000x128xbf16, #tpu.memory_space<vmem_shared>>) offsets(%dma_start3A_574 : memref<80xi32, #tpu.memory_space<vmem>>) semaphore(%dma_start3A_579 : memref<!tpu.dma_semaphore, #tpu.memory_space<semaphore_mem>>) {add = true}
      %ge3A_580 = arith.constant 1 : i32
      %ge3A_581 = arith.cmpi sge, %add3A_547, %ge3A_580 : i32
      %convert_element_type3A_582 = arith.extui %ge3A_581 : i1 to i32
      %cond3A_583 = arith.constant 0 : i32
      %cond3A_584 = arith.cmpi ne, %convert_element_type3A_582, %cond3A_583 : i32
      scf.if %cond3A_584 {
        %dma_wait3A_641 = arith.constant 2 : i32
        %dma_wait3A_642 = arith.constant 2 : i32
        %dma_wait3A_643 = arith.constant 0 : i32
        %dma_wait3A_644 = arith.constant 0 : i32
        %dma_wait3A_645 = tpu.memref_slice %arg8[%dma_wait3A_641, %dma_wait3A_643, %dma_wait3A_644] : memref<5x80x128xbf16, #tpu.memory_space<vmem>> -> memref<1x80x128xbf16, #tpu.memory_space<vmem>>
        %dma_wait3A_646 = tpu.memref_squeeze %dma_wait3A_645 : memref<1x80x128xbf16, #tpu.memory_space<vmem>> -> memref<80x128xbf16, #tpu.memory_space<vmem>>
        %dma_wait3A_647 = arith.constant 0 : i32
        %dma_wait3A_648 = arith.constant 0 : i32
        %dma_wait3A_649 = tpu.memref_slice %arg9[%dma_wait3A_647, %dma_wait3A_648] : memref<10000x128xbf16, #tpu.memory_space<vmem_shared>> -> memref<80x128xbf16, #tpu.memory_space<vmem_shared>>
        %dma_wait3A_650 = tpu.memref_slice %arg11[%dma_wait3A_642] : memref<5x!tpu.dma_semaphore, #tpu.memory_space<semaphore_mem>> -> memref<1x!tpu.dma_semaphore, #tpu.memory_space<semaphore_mem>>
        %dma_wait3A_651 = tpu.memref_squeeze %dma_wait3A_650 : memref<1x!tpu.dma_semaphore, #tpu.memory_space<semaphore_mem>> -> memref<!tpu.dma_semaphore, #tpu.memory_space<semaphore_mem>>
        %dma_wait3A_652 = arith.constant 0 : i32
        %dma_wait3A_653 = arith.constant 0 : i32
        %dma_wait3A_654 = tpu.memref_slice %arg9[%dma_wait3A_652, %dma_wait3A_653] : memref<10000x128xbf16, #tpu.memory_space<vmem_shared>> -> memref<80x128xbf16, #tpu.memory_space<vmem_shared>>
        %dma_wait3A_655 = arith.constant 0 : i32
        %dma_wait3A_656 = arith.constant 0 : i32
        %dma_wait3A_657 = tpu.memref_slice %arg8[%dma_wait3A_641, %dma_wait3A_655, %dma_wait3A_656] : memref<5x80x128xbf16, #tpu.memory_space<vmem>> -> memref<1x80x128xbf16, #tpu.memory_space<vmem>>
        %dma_wait3A_658 = tpu.memref_squeeze %dma_wait3A_657 : memref<1x80x128xbf16, #tpu.memory_space<vmem>> -> memref<80x128xbf16, #tpu.memory_space<vmem>>
        tpu.wait_dma2 semaphore(%dma_wait3A_651 : memref<!tpu.dma_semaphore, #tpu.memory_space<semaphore_mem>>) src(%dma_wait3A_658 : memref<80x128xbf16, #tpu.memory_space<vmem>>) dst(%dma_wait3A_654 : memref<80x128xbf16, #tpu.memory_space<vmem_shared>>)
      } else {
      }
      %add3A_585 = arith.constant 4 : i32
      %add3A_586 = arith.addi %add3A_547, %add3A_585 : i32
      %lt3A_587 = arith.constant 125 : i32
      %lt3A_588 = arith.cmpi slt, %add3A_586, %lt3A_587 : i32
      %convert_element_type3A_589 = arith.extui %lt3A_588 : i1 to i32
      %cond3A_590 = arith.constant 0 : i32
      %cond3A_591 = arith.cmpi ne, %convert_element_type3A_589, %cond3A_590 : i32
      scf.if %cond3A_591 {
        %add3A_641 = arith.constant 4 : i32
        %add3A_642 = arith.addi %add3A_547, %add3A_641 : i32
        %mul3A_643 = arith.constant 80 : i32
        %mul3A_644 = arith.muli %add3A_642, %mul3A_643 : i32
        %dma_start3A_645 = arith.constant 2 : i32
        %dma_start3A_646 = arith.constant 2 : i32
        %dma_start3A_647 = arith.constant 0 : i32
        %dma_start3A_648 = arith.constant 0 : i32
        %dma_start3A_649 = tpu.memref_slice %arg8[%dma_start3A_645, %dma_start3A_647, %dma_start3A_648] : memref<5x80x128xbf16, #tpu.memory_space<vmem>> -> memref<1x80x128xbf16, #tpu.memory_space<vmem>>
        %dma_start3A_650 = tpu.memref_squeeze %dma_start3A_649 : memref<1x80x128xbf16, #tpu.memory_space<vmem>> -> memref<80x128xbf16, #tpu.memory_space<vmem>>
        %dma_start3A_651 = tpu.memref_slice %arg6[%mul3A_644] : memref<10000xi32, #tpu.memory_space<vmem>> -> memref<80xi32, #tpu.memory_space<vmem>>
        %dma_start3A_652 = arith.constant 0 : i32
        %dma_start3A_653 = arith.constant 0 : i32
        %dma_start3A_654 = tpu.memref_slice %arg4[%dma_start3A_652, %dma_start3A_653] : memref<80000x128xbf16, #tpu.memory_space<hbm>> -> memref<80000x128xbf16, #tpu.memory_space<hbm>>
        %dma_start3A_655 = tpu.memref_slice %arg10[%dma_start3A_646] : memref<5x!tpu.dma_semaphore, #tpu.memory_space<semaphore_mem>> -> memref<1x!tpu.dma_semaphore, #tpu.memory_space<semaphore_mem>>
        %dma_start3A_656 = tpu.memref_squeeze %dma_start3A_655 : memref<1x!tpu.dma_semaphore, #tpu.memory_space<semaphore_mem>> -> memref<!tpu.dma_semaphore, #tpu.memory_space<semaphore_mem>>
        tpu.enqueue_indirect_dma source(%dma_start3A_654 : memref<80000x128xbf16, #tpu.memory_space<hbm>>) target(%dma_start3A_650 : memref<80x128xbf16, #tpu.memory_space<vmem>>) offsets(%dma_start3A_651 : memref<80xi32, #tpu.memory_space<vmem>>) semaphore(%dma_start3A_656 : memref<!tpu.dma_semaphore, #tpu.memory_space<semaphore_mem>>)
      } else {
      }
      %mul3A_592 = arith.constant 5 : i32
      %mul3A_593 = arith.muli %scan3A_402, %mul3A_592 : i32
      %add3A_594 = arith.constant 4 : i32
      %add3A_595 = arith.addi %mul3A_593, %add3A_594 : i32
      %dma_wait3A_596 = arith.constant 4 : i32
      %dma_wait3A_597 = arith.constant 4 : i32
      %dma_wait3A_598 = arith.constant 0 : i32
      %dma_wait3A_599 = arith.constant 0 : i32
      %dma_wait3A_600 = tpu.memref_slice %arg8[%dma_wait3A_596, %dma_wait3A_598, %dma_wait3A_599] : memref<5x80x128xbf16, #tpu.memory_space<vmem>> -> memref<1x80x128xbf16, #tpu.memory_space<vmem>>
      %dma_wait3A_601 = tpu.memref_squeeze %dma_wait3A_600 : memref<1x80x128xbf16, #tpu.memory_space<vmem>> -> memref<80x128xbf16, #tpu.memory_space<vmem>>
      %dma_wait3A_602 = arith.constant 0 : i32
      %dma_wait3A_603 = arith.constant 0 : i32
      %dma_wait3A_604 = tpu.memref_slice %arg4[%dma_wait3A_602, %dma_wait3A_603] : memref<80000x128xbf16, #tpu.memory_space<hbm>> -> memref<80x128xbf16, #tpu.memory_space<hbm>>
      %dma_wait3A_605 = tpu.memref_slice %arg10[%dma_wait3A_597] : memref<5x!tpu.dma_semaphore, #tpu.memory_space<semaphore_mem>> -> memref<1x!tpu.dma_semaphore, #tpu.memory_space<semaphore_mem>>
      %dma_wait3A_606 = tpu.memref_squeeze %dma_wait3A_605 : memref<1x!tpu.dma_semaphore, #tpu.memory_space<semaphore_mem>> -> memref<!tpu.dma_semaphore, #tpu.memory_space<semaphore_mem>>
      %dma_wait3A_607 = arith.constant 0 : i32
      %dma_wait3A_608 = arith.constant 0 : i32
      %dma_wait3A_609 = tpu.memref_slice %arg8[%dma_wait3A_596, %dma_wait3A_607, %dma_wait3A_608] : memref<5x80x128xbf16, #tpu.memory_space<vmem>> -> memref<1x80x128xbf16, #tpu.memory_space<vmem>>
      %dma_wait3A_610 = tpu.memref_squeeze %dma_wait3A_609 : memref<1x80x128xbf16, #tpu.memory_space<vmem>> -> memref<80x128xbf16, #tpu.memory_space<vmem>>
      %dma_wait3A_611 = arith.constant 0 : i32
      %dma_wait3A_612 = arith.constant 0 : i32
      %dma_wait3A_613 = tpu.memref_slice %arg4[%dma_wait3A_611, %dma_wait3A_612] : memref<80000x128xbf16, #tpu.memory_space<hbm>> -> memref<80x128xbf16, #tpu.memory_space<hbm>>
      tpu.wait_dma2 semaphore(%dma_wait3A_606 : memref<!tpu.dma_semaphore, #tpu.memory_space<semaphore_mem>>) src(%dma_wait3A_613 : memref<80x128xbf16, #tpu.memory_space<hbm>>) dst(%dma_wait3A_610 : memref<80x128xbf16, #tpu.memory_space<vmem>>)
      %dma_start3A_614 = arith.constant 4 : i32
      %dma_start3A_615 = arith.constant 4 : i32
      %dma_start3A_616 = arith.constant 0 : i32
      %dma_start3A_617 = arith.constant 0 : i32
      %dma_start3A_618 = tpu.memref_slice %arg8[%dma_start3A_614, %dma_start3A_616, %dma_start3A_617] : memref<5x80x128xbf16, #tpu.memory_space<vmem>> -> memref<1x80x128xbf16, #tpu.memory_space<vmem>>
      %dma_start3A_619 = tpu.memref_squeeze %dma_start3A_618 : memref<1x80x128xbf16, #tpu.memory_space<vmem>> -> memref<80x128xbf16, #tpu.memory_space<vmem>>
      %dma_start3A_620 = arith.constant 0 : i32
      %dma_start3A_621 = tpu.memref_slice %arg7[%add3A_595, %dma_start3A_620] : memref<125x80xi32, #tpu.memory_space<vmem>> -> memref<1x80xi32, #tpu.memory_space<vmem>>
      %dma_start3A_622 = tpu.memref_squeeze %dma_start3A_621 : memref<1x80xi32, #tpu.memory_space<vmem>> -> memref<80xi32, #tpu.memory_space<vmem>>
      %dma_start3A_623 = arith.constant 0 : i32
      %dma_start3A_624 = arith.constant 0 : i32
      %dma_start3A_625 = tpu.memref_slice %arg9[%dma_start3A_623, %dma_start3A_624] : memref<10000x128xbf16, #tpu.memory_space<vmem_shared>> -> memref<10000x128xbf16, #tpu.memory_space<vmem_shared>>
      %dma_start3A_626 = tpu.memref_slice %arg11[%dma_start3A_615] : memref<5x!tpu.dma_semaphore, #tpu.memory_space<semaphore_mem>> -> memref<1x!tpu.dma_semaphore, #tpu.memory_space<semaphore_mem>>
      %dma_start3A_627 = tpu.memref_squeeze %dma_start3A_626 : memref<1x!tpu.dma_semaphore, #tpu.memory_space<semaphore_mem>> -> memref<!tpu.dma_semaphore, #tpu.memory_space<semaphore_mem>>
      tpu.enqueue_indirect_dma source(%dma_start3A_619 : memref<80x128xbf16, #tpu.memory_space<vmem>>) target(%dma_start3A_625 : memref<10000x128xbf16, #tpu.memory_space<vmem_shared>>) offsets(%dma_start3A_622 : memref<80xi32, #tpu.memory_space<vmem>>) semaphore(%dma_start3A_627 : memref<!tpu.dma_semaphore, #tpu.memory_space<semaphore_mem>>) {add = true}
      %ge3A_628 = arith.constant 1 : i32
      %ge3A_629 = arith.cmpi sge, %add3A_595, %ge3A_628 : i32
      %convert_element_type3A_630 = arith.extui %ge3A_629 : i1 to i32
      %cond3A_631 = arith.constant 0 : i32
      %cond3A_632 = arith.cmpi ne, %convert_element_type3A_630, %cond3A_631 : i32
      scf.if %cond3A_632 {
        %dma_wait3A_641 = arith.constant 3 : i32
        %dma_wait3A_642 = arith.constant 3 : i32
        %dma_wait3A_643 = arith.constant 0 : i32
        %dma_wait3A_644 = arith.constant 0 : i32
        %dma_wait3A_645 = tpu.memref_slice %arg8[%dma_wait3A_641, %dma_wait3A_643, %dma_wait3A_644] : memref<5x80x128xbf16, #tpu.memory_space<vmem>> -> memref<1x80x128xbf16, #tpu.memory_space<vmem>>
        %dma_wait3A_646 = tpu.memref_squeeze %dma_wait3A_645 : memref<1x80x128xbf16, #tpu.memory_space<vmem>> -> memref<80x128xbf16, #tpu.memory_space<vmem>>
        %dma_wait3A_647 = arith.constant 0 : i32
        %dma_wait3A_648 = arith.constant 0 : i32
        %dma_wait3A_649 = tpu.memref_slice %arg9[%dma_wait3A_647, %dma_wait3A_648] : memref<10000x128xbf16, #tpu.memory_space<vmem_shared>> -> memref<80x128xbf16, #tpu.memory_space<vmem_shared>>
        %dma_wait3A_650 = tpu.memref_slice %arg11[%dma_wait3A_642] : memref<5x!tpu.dma_semaphore, #tpu.memory_space<semaphore_mem>> -> memref<1x!tpu.dma_semaphore, #tpu.memory_space<semaphore_mem>>
        %dma_wait3A_651 = tpu.memref_squeeze %dma_wait3A_650 : memref<1x!tpu.dma_semaphore, #tpu.memory_space<semaphore_mem>> -> memref<!tpu.dma_semaphore, #tpu.memory_space<semaphore_mem>>
        %dma_wait3A_652 = arith.constant 0 : i32
        %dma_wait3A_653 = arith.constant 0 : i32
        %dma_wait3A_654 = tpu.memref_slice %arg9[%dma_wait3A_652, %dma_wait3A_653] : memref<10000x128xbf16, #tpu.memory_space<vmem_shared>> -> memref<80x128xbf16, #tpu.memory_space<vmem_shared>>
        %dma_wait3A_655 = arith.constant 0 : i32
        %dma_wait3A_656 = arith.constant 0 : i32
        %dma_wait3A_657 = tpu.memref_slice %arg8[%dma_wait3A_641, %dma_wait3A_655, %dma_wait3A_656] : memref<5x80x128xbf16, #tpu.memory_space<vmem>> -> memref<1x80x128xbf16, #tpu.memory_space<vmem>>
        %dma_wait3A_658 = tpu.memref_squeeze %dma_wait3A_657 : memref<1x80x128xbf16, #tpu.memory_space<vmem>> -> memref<80x128xbf16, #tpu.memory_space<vmem>>
        tpu.wait_dma2 semaphore(%dma_wait3A_651 : memref<!tpu.dma_semaphore, #tpu.memory_space<semaphore_mem>>) src(%dma_wait3A_658 : memref<80x128xbf16, #tpu.memory_space<vmem>>) dst(%dma_wait3A_654 : memref<80x128xbf16, #tpu.memory_space<vmem_shared>>)
      } else {
      }
      %add3A_633 = arith.constant 4 : i32
      %add3A_634 = arith.addi %add3A_595, %add3A_633 : i32
      %lt3A_635 = arith.constant 125 : i32
      %lt3A_636 = arith.cmpi slt, %add3A_634, %lt3A_635 : i32
      %convert_element_type3A_637 = arith.extui %lt3A_636 : i1 to i32
      %cond3A_638 = arith.constant 0 : i32
      %cond3A_639 = arith.cmpi ne, %convert_element_type3A_637, %cond3A_638 : i32
      scf.if %cond3A_639 {
        %add3A_641 = arith.constant 4 : i32
        %add3A_642 = arith.addi %add3A_595, %add3A_641 : i32
        %mul3A_643 = arith.constant 80 : i32
        %mul3A_644 = arith.muli %add3A_642, %mul3A_643 : i32
        %dma_start3A_645 = arith.constant 3 : i32
        %dma_start3A_646 = arith.constant 3 : i32
        %dma_start3A_647 = arith.constant 0 : i32
        %dma_start3A_648 = arith.constant 0 : i32
        %dma_start3A_649 = tpu.memref_slice %arg8[%dma_start3A_645, %dma_start3A_647, %dma_start3A_648] : memref<5x80x128xbf16, #tpu.memory_space<vmem>> -> memref<1x80x128xbf16, #tpu.memory_space<vmem>>
        %dma_start3A_650 = tpu.memref_squeeze %dma_start3A_649 : memref<1x80x128xbf16, #tpu.memory_space<vmem>> -> memref<80x128xbf16, #tpu.memory_space<vmem>>
        %dma_start3A_651 = tpu.memref_slice %arg6[%mul3A_644] : memref<10000xi32, #tpu.memory_space<vmem>> -> memref<80xi32, #tpu.memory_space<vmem>>
        %dma_start3A_652 = arith.constant 0 : i32
        %dma_start3A_653 = arith.constant 0 : i32
        %dma_start3A_654 = tpu.memref_slice %arg4[%dma_start3A_652, %dma_start3A_653] : memref<80000x128xbf16, #tpu.memory_space<hbm>> -> memref<80000x128xbf16, #tpu.memory_space<hbm>>
        %dma_start3A_655 = tpu.memref_slice %arg10[%dma_start3A_646] : memref<5x!tpu.dma_semaphore, #tpu.memory_space<semaphore_mem>> -> memref<1x!tpu.dma_semaphore, #tpu.memory_space<semaphore_mem>>
        %dma_start3A_656 = tpu.memref_squeeze %dma_start3A_655 : memref<1x!tpu.dma_semaphore, #tpu.memory_space<semaphore_mem>> -> memref<!tpu.dma_semaphore, #tpu.memory_space<semaphore_mem>>
        tpu.enqueue_indirect_dma source(%dma_start3A_654 : memref<80000x128xbf16, #tpu.memory_space<hbm>>) target(%dma_start3A_650 : memref<80x128xbf16, #tpu.memory_space<vmem>>) offsets(%dma_start3A_651 : memref<80xi32, #tpu.memory_space<vmem>>) semaphore(%dma_start3A_656 : memref<!tpu.dma_semaphore, #tpu.memory_space<semaphore_mem>>)
      } else {
      }
      %scan3A_640 = arith.constant 0 : i32
      scf.yield %scan3A_640 : i32
    }
    %scan3A_375 = arith.constant 25 : i32
    %dma_wait3A_376 = arith.constant 4 : i32
    %dma_wait3A_377 = arith.constant 4 : i32
    %dma_wait3A_378 = arith.constant 0 : i32
    %dma_wait3A_379 = arith.constant 0 : i32
    %dma_wait3A_380 = tpu.memref_slice %arg8[%dma_wait3A_376, %dma_wait3A_378, %dma_wait3A_379] : memref<5x80x128xbf16, #tpu.memory_space<vmem>> -> memref<1x80x128xbf16, #tpu.memory_space<vmem>>
    %dma_wait3A_381 = tpu.memref_squeeze %dma_wait3A_380 : memref<1x80x128xbf16, #tpu.memory_space<vmem>> -> memref<80x128xbf16, #tpu.memory_space<vmem>>
    %dma_wait3A_382 = arith.constant 0 : i32
    %dma_wait3A_383 = arith.constant 0 : i32
    %dma_wait3A_384 = tpu.memref_slice %arg9[%dma_wait3A_382, %dma_wait3A_383] : memref<10000x128xbf16, #tpu.memory_space<vmem_shared>> -> memref<80x128xbf16, #tpu.memory_space<vmem_shared>>
    %dma_wait3A_385 = tpu.memref_slice %arg11[%dma_wait3A_377] : memref<5x!tpu.dma_semaphore, #tpu.memory_space<semaphore_mem>> -> memref<1x!tpu.dma_semaphore, #tpu.memory_space<semaphore_mem>>
    %dma_wait3A_386 = tpu.memref_squeeze %dma_wait3A_385 : memref<1x!tpu.dma_semaphore, #tpu.memory_space<semaphore_mem>> -> memref<!tpu.dma_semaphore, #tpu.memory_space<semaphore_mem>>
    %dma_wait3A_387 = arith.constant 0 : i32
    %dma_wait3A_388 = arith.constant 0 : i32
    %dma_wait3A_389 = tpu.memref_slice %arg9[%dma_wait3A_387, %dma_wait3A_388] : memref<10000x128xbf16, #tpu.memory_space<vmem_shared>> -> memref<80x128xbf16, #tpu.memory_space<vmem_shared>>
    %dma_wait3A_390 = arith.constant 0 : i32
    %dma_wait3A_391 = arith.constant 0 : i32
    %dma_wait3A_392 = tpu.memref_slice %arg8[%dma_wait3A_376, %dma_wait3A_390, %dma_wait3A_391] : memref<5x80x128xbf16, #tpu.memory_space<vmem>> -> memref<1x80x128xbf16, #tpu.memory_space<vmem>>
    %dma_wait3A_393 = tpu.memref_squeeze %dma_wait3A_392 : memref<1x80x128xbf16, #tpu.memory_space<vmem>> -> memref<80x128xbf16, #tpu.memory_space<vmem>>
    tpu.wait_dma2 semaphore(%dma_wait3A_386 : memref<!tpu.dma_semaphore, #tpu.memory_space<semaphore_mem>>) src(%dma_wait3A_393 : memref<80x128xbf16, #tpu.memory_space<vmem>>) dst(%dma_wait3A_389 : memref<80x128xbf16, #tpu.memory_space<vmem_shared>>)
    %barrier3A_394 = arith.constant 0 : index
    tpu.barrier barrier_id(%barrier3A_394)
    %mul3A_395 = arith.constant 625 : i32
    %mul3A_396 = arith.muli %arg1, %mul3A_395 : i32
    %mul3A_397 = arith.constant 10000 : i32
    %mul3A_398 = arith.muli %add3A_303, %mul3A_397 : i32
    %mul3A_399 = arith.constant 625 : i32
    %mul3A_400 = arith.muli %arg1, %mul3A_399 : i32
    %add3A_401 = arith.addi %mul3A_398, %mul3A_400 : i32
    "tpu.region"() ({
      %run_scoped3A = tpu.sem_alloc : memref<!tpu.dma_semaphore, #tpu.memory_space<semaphore_mem>>
      %dma_start3A_402 = arith.constant 0 : i32
      %dma_start3A_403 = tpu.memref_slice %arg5[%add3A_401, %dma_start3A_402] : memref<80000x128xbf16, #tpu.memory_space<hbm>> -> memref<625x128xbf16, #tpu.memory_space<hbm>>
      %dma_start3A_404 = arith.constant 0 : i32
      %dma_start3A_405 = tpu.memref_slice %arg9[%mul3A_396, %dma_start3A_404] : memref<10000x128xbf16, #tpu.memory_space<vmem_shared>> -> memref<625x128xbf16, #tpu.memory_space<vmem_shared>>
      tpu.enqueue_dma source(%dma_start3A_405 : memref<625x128xbf16, #tpu.memory_space<vmem_shared>>) target(%dma_start3A_403 : memref<625x128xbf16, #tpu.memory_space<hbm>>) target_semaphore(%run_scoped3A : memref<!tpu.dma_semaphore, #tpu.memory_space<semaphore_mem>>)
      %dma_wait3A_406 = arith.constant 0 : i32
      %dma_wait3A_407 = tpu.memref_slice %arg5[%add3A_401, %dma_wait3A_406] : memref<80000x128xbf16, #tpu.memory_space<hbm>> -> memref<625x128xbf16, #tpu.memory_space<hbm>>
      %dma_wait3A_408 = arith.constant 0 : i32
      %dma_wait3A_409 = tpu.memref_slice %arg9[%mul3A_396, %dma_wait3A_408] : memref<10000x128xbf16, #tpu.memory_space<vmem_shared>> -> memref<625x128xbf16, #tpu.memory_space<vmem_shared>>
      tpu.wait_dma2 semaphore(%run_scoped3A : memref<!tpu.dma_semaphore, #tpu.memory_space<semaphore_mem>>) src(%dma_wait3A_409 : memref<625x128xbf16, #tpu.memory_space<vmem_shared>>) dst(%dma_wait3A_407 : memref<625x128xbf16, #tpu.memory_space<hbm>>)
      tpu.yield
    }) : () -> ()
    return
  }
}

module attributes {stable_mosaic.version = 14 : i64} {
  func.func @_prep_body(%arg0: i32, %arg1: memref<1000x128xf32, #tpu.memory_space<vmem>>, %arg2: memref<1x32x1000xf32, #tpu.memory_space<vmem>>, %arg3: memref<100x32xf32, #tpu.memory_space<vmem>>, %arg4: memref<2x1000x80xbf16, #tpu.memory_space<vmem>>, %arg5: memref<1000x1xf32, #tpu.memory_space<vmem>>) attributes {dimension_semantics = [#tpu.dimension_semantics<arbitrary>], iteration_bounds = array<i64: 10>, scalar_prefetch = 0 : i64, scratch_operands = 0 : i64, tpu.core_type = #tpu.core_type<tc>, window_params = [{transform_indices = @transform_0, window_bounds = array<i64: 1000, 128>}, {transform_indices = @transform_1, window_bounds = array<i64: 1, 32, 1000>}, {pipeline_mode = #tpu.pipeline_mode<synchronous>, transform_indices = @transform_2, window_bounds = array<i64: 100, 32>}, {transform_indices = @transform_3, window_bounds = array<i64: 2, 1000, 80>}, {transform_indices = @transform_4, window_bounds = array<i64: 1000, 1>}]} {
    %get3A = arith.constant 0 : index
    %get3A_0 = arith.constant 0 : index
    %get3A_1 = vector.load %arg1[%get3A, %get3A_0] : memref<1000x128xf32, #tpu.memory_space<vmem>>, vector<1000x128xf32>
    %broadcast_in_dim3A = arith.constant 1.000000e+00 : f32
    %broadcast_in_dim3A_2 = vector.broadcast %broadcast_in_dim3A : f32 to vector<32x1xf32>
    %get3A_3 = arith.constant 0 : index
    %get3A_4 = arith.constant 0 : index
    %get3A_5 = arith.constant 0 : index
    %get3A_6 = vector.load %arg2[%get3A_3, %get3A_4, %get3A_5] : memref<1x32x1000xf32, #tpu.memory_space<vmem>>, vector<1x32x1000xf32>
    %get3A_7 = vector.shape_cast %get3A_6 : vector<1x32x1000xf32> to vector<32x1000xf32>
    %dot_general3A = arith.constant dense<0.000000e+00> : vector<1000x1xf32>
    %dot_general3A_8 = tpu.matmul %get3A_7, %broadcast_in_dim3A_2, %dot_general3A {dimension_numbers = #tpu.dot_dimension_numbers<[0], [0], [1], [1], [0, 1, 1, 1], [], []>, transpose_lhs_hint = false} : vector<32x1000xf32>, vector<32x1xf32>, vector<1000x1xf32> -> vector<1000x1xf32>
    %add3A = arith.constant 1.000000e+00 : f32
    %add3A_9 = vector.broadcast %add3A : f32 to vector<1000x1xf32>
    %add3A_10 = arith.addf %dot_general3A_8, %add3A_9 : vector<1000x1xf32>
    %rsqrt3A = math.rsqrt %add3A_10 : vector<1000x1xf32>
    %slice3A = vector.extract_strided_slice %get3A_1 {offsets = [0, 0], sizes = [1000, 1], strides = [1, 1]} : vector<1000x128xf32> to vector<1000x1xf32>
    %convert_element_type3A = arith.fptosi %slice3A : vector<1000x1xf32> to vector<1000x1xi32>
    %iota3A = tpu.iota {dimensions = array<i32: 1>} : vector<1x100xi32>
    %iota3A_11 = vector.shape_cast %iota3A : vector<1x100xi32> to vector<100xi32>
    %broadcast_in_dim3A_12 = vector.shape_cast %iota3A_11 : vector<100xi32> to vector<1x100xi32>
    %eq3A = vector.broadcast %convert_element_type3A : vector<1000x1xi32> to vector<1000x100xi32>
    %eq3A_13 = vector.broadcast %broadcast_in_dim3A_12 : vector<1x100xi32> to vector<1000x100xi32>
    %eq3A_14 = arith.cmpi eq, %eq3A, %eq3A_13 : vector<1000x100xi32>
    %convert_element_type3A_15 = arith.extui %eq3A_14 : vector<1000x100xi1> to vector<1000x100xi32>
    %convert_element_type3A_16 = arith.sitofp %convert_element_type3A_15 : vector<1000x100xi32> to vector<1000x100xf32>
    %get3A_17 = arith.constant 0 : index
    %get3A_18 = arith.constant 0 : index
    %get3A_19 = vector.load %arg3[%get3A_17, %get3A_18] : memref<100x32xf32, #tpu.memory_space<vmem>>, vector<100x32xf32>
    %dot_general3A_20 = arith.constant dense<0.000000e+00> : vector<1000x32xf32>
    %dot_general3A_21 = tpu.matmul %convert_element_type3A_16, %get3A_19, %dot_general3A_20 {dimension_numbers = #tpu.dot_dimension_numbers<[1], [0], [0], [1], [0, 0, 1, 1], [], []>, transpose_lhs_hint = false} : vector<1000x100xf32>, vector<100x32xf32>, vector<1000x32xf32> -> vector<1000x32xf32>
    %slice3A_22 = vector.extract_strided_slice %get3A_1 {offsets = [0, 1], sizes = [1000, 48], strides = [1, 1]} : vector<1000x128xf32> to vector<1000x48xf32>
    %concatenate3A = tpu.concatenate %dot_general3A_21, %slice3A_22 in 1 : vector<1000x32xf32>, vector<1000x48xf32> -> vector<1000x80xf32>
    %slice3A_23 = vector.extract_strided_slice %get3A_1 {offsets = [0, 49], sizes = [1000, 79], strides = [1, 1]} : vector<1000x128xf32> to vector<1000x79xf32>
    %broadcast_in_dim3A_24 = arith.constant 0.000000e+00 : f32
    %broadcast_in_dim3A_25 = vector.broadcast %broadcast_in_dim3A_24 : f32 to vector<1000x1xf32>
    %concatenate3A_26 = tpu.concatenate %slice3A_23, %broadcast_in_dim3A_25 in 1 : vector<1000x79xf32>, vector<1000x1xf32> -> vector<1000x80xf32>
    %mul3A = vector.broadcast %rsqrt3A : vector<1000x1xf32> to vector<1000x80xf32>
    %mul3A_27 = arith.mulf %concatenate3A, %mul3A : vector<1000x80xf32>
    %convert_element_type3A_28 = arith.truncf %mul3A_27 : vector<1000x80xf32> to vector<1000x80xbf16>
    %swap3A = arith.constant 0 : index
    %swap3A_29 = arith.constant 0 : index
    %swap3A_30 = arith.constant 0 : index
    %swap3A_31 = vector.load %arg4[%swap3A, %swap3A_29, %swap3A_30] : memref<2x1000x80xbf16, #tpu.memory_space<vmem>>, vector<1x1000x80xbf16>
    %swap3A_32 = vector.shape_cast %swap3A_31 : vector<1x1000x80xbf16> to vector<1000x80xbf16>
    %swap3A_33 = vector.shape_cast %convert_element_type3A_28 : vector<1000x80xbf16> to vector<1x1000x80xbf16>
    tpu.vector_store %arg4[%swap3A, %swap3A_29, %swap3A_30], %swap3A_33 {strides = array<i32>} : memref<2x1000x80xbf16, #tpu.memory_space<vmem>>, vector<1x1000x80xbf16>,
    %mul3A_34 = vector.broadcast %rsqrt3A : vector<1000x1xf32> to vector<1000x80xf32>
    %mul3A_35 = arith.mulf %concatenate3A_26, %mul3A_34 : vector<1000x80xf32>
    %convert_element_type3A_36 = arith.truncf %mul3A_35 : vector<1000x80xf32> to vector<1000x80xbf16>
    %swap3A_37 = arith.constant 1 : index
    %swap3A_38 = arith.constant 0 : index
    %swap3A_39 = arith.constant 0 : index
    %swap3A_40 = vector.load %arg4[%swap3A_37, %swap3A_38, %swap3A_39] : memref<2x1000x80xbf16, #tpu.memory_space<vmem>>, vector<1x1000x80xbf16>
    %swap3A_41 = vector.shape_cast %swap3A_40 : vector<1x1000x80xbf16> to vector<1000x80xbf16>
    %swap3A_42 = vector.shape_cast %convert_element_type3A_36 : vector<1000x80xbf16> to vector<1x1000x80xbf16>
    tpu.vector_store %arg4[%swap3A_37, %swap3A_38, %swap3A_39], %swap3A_42 {strides = array<i32>} : memref<2x1000x80xbf16, #tpu.memory_space<vmem>>, vector<1x1000x80xbf16>,
    %swap3A_43 = arith.constant 0 : index
    %swap3A_44 = arith.constant 0 : index
    %swap3A_45 = vector.load %arg5[%swap3A_43, %swap3A_44] : memref<1000x1xf32, #tpu.memory_space<vmem>>, vector<1000x1xf32>
    tpu.vector_store %arg5[%swap3A_43, %swap3A_44], %rsqrt3A {strides = array<i32>} : memref<1000x1xf32, #tpu.memory_space<vmem>>, vector<1000x1xf32>,
    return
  }
  func.func @transform_0(%arg0: i32) -> (i32, i32) {
    %c0_i32 = arith.constant 0 : i32
    %c0_i32_0 = arith.constant 0 : i32
    return %arg0, %c0_i32 : i32, i32
  }
  func.func @transform_1(%arg0: i32) -> (i32, i32, i32) {
    %c0_i32 = arith.constant 0 : i32
    %c0_i32_0 = arith.constant 0 : i32
    %c0_i32_1 = arith.constant 0 : i32
    return %arg0, %c0_i32, %c0_i32_0 : i32, i32, i32
  }
  func.func @transform_2(%arg0: i32) -> (i32, i32) {
    %c0_i32 = arith.constant 0 : i32
    %c0_i32_0 = arith.constant 0 : i32
    %c0_i32_1 = arith.constant 0 : i32
    return %c0_i32, %c0_i32_0 : i32, i32
  }
  func.func @transform_3(%arg0: i32) -> (i32, i32, i32) {
    %c0_i32 = arith.constant 0 : i32
    %c0_i32_0 = arith.constant 0 : i32
    %c0_i32_1 = arith.constant 0 : i32
    return %c0_i32, %arg0, %c0_i32_0 : i32, i32, i32
  }
  func.func @transform_4(%arg0: i32) -> (i32, i32) {
    %c0_i32 = arith.constant 0 : i32
    %c0_i32_0 = arith.constant 0 : i32
    return %arg0, %c0_i32 : i32, i32
  }
}

module attributes {stable_mosaic.version = 14 : i64} {
  func.func @_mm_body(%arg0: i32, %arg1: memref<2x1000x80xbf16, #tpu.memory_space<vmem>>, %arg2: memref<1000x1xf32, #tpu.memory_space<vmem>>, %arg3: memref<160x2048xbf16, #tpu.memory_space<vmem>>, %arg4: memref<1x2048xf32, #tpu.memory_space<vmem>>, %arg5: memref<2048x1024xbf16, #tpu.memory_space<vmem>>, %arg6: memref<8x1000x128xbf16, #tpu.memory_space<vmem>>) attributes {dimension_semantics = [#tpu.dimension_semantics<arbitrary>], iteration_bounds = array<i64: 10>, scalar_prefetch = 0 : i64, scratch_operands = 0 : i64, tpu.core_type = #tpu.core_type<tc>, window_params = [{transform_indices = @transform_0, window_bounds = array<i64: 2, 1000, 80>}, {transform_indices = @transform_1, window_bounds = array<i64: 1000, 1>}, {pipeline_mode = #tpu.pipeline_mode<synchronous>, transform_indices = @transform_2, window_bounds = array<i64: 160, 2048>}, {pipeline_mode = #tpu.pipeline_mode<synchronous>, transform_indices = @transform_3, window_bounds = array<i64: 1, 2048>}, {pipeline_mode = #tpu.pipeline_mode<synchronous>, transform_indices = @transform_4, window_bounds = array<i64: 2048, 1024>}, {transform_indices = @transform_5, window_bounds = array<i64: 8, 1000, 128>}]} {
    %get3A = arith.constant 0 : index
    %get3A_0 = arith.constant 0 : index
    %get3A_1 = vector.load %arg2[%get3A, %get3A_0] : memref<1000x1xf32, #tpu.memory_space<vmem>>, vector<1000x1xf32>
    %get3A_2 = arith.constant 0 : index
    %get3A_3 = arith.constant 0 : index
    %get3A_4 = arith.constant 0 : index
    %get3A_5 = vector.load %arg1[%get3A_2, %get3A_3, %get3A_4] : memref<2x1000x80xbf16, #tpu.memory_space<vmem>>, vector<1x1000x80xbf16>
    %get3A_6 = vector.shape_cast %get3A_5 : vector<1x1000x80xbf16> to vector<1000x80xbf16>
    %convert_element_type3A = arith.extf %get3A_6 : vector<1000x80xbf16> to vector<1000x80xf32>
    %mul3A = vector.broadcast %get3A_1 : vector<1000x1xf32> to vector<1000x80xf32>
    %mul3A_7 = arith.mulf %convert_element_type3A, %mul3A : vector<1000x80xf32>
    %convert_element_type3A_8 = arith.truncf %mul3A_7 : vector<1000x80xf32> to vector<1000x80xbf16>
    %get3A_9 = arith.constant 1 : index
    %get3A_10 = arith.constant 0 : index
    %get3A_11 = arith.constant 0 : index
    %get3A_12 = vector.load %arg1[%get3A_9, %get3A_10, %get3A_11] : memref<2x1000x80xbf16, #tpu.memory_space<vmem>>, vector<1x1000x80xbf16>
    %get3A_13 = vector.shape_cast %get3A_12 : vector<1x1000x80xbf16> to vector<1000x80xbf16>
    %convert_element_type3A_14 = arith.extf %get3A_13 : vector<1000x80xbf16> to vector<1000x80xf32>
    %mul3A_15 = vector.broadcast %get3A_1 : vector<1000x1xf32> to vector<1000x80xf32>
    %mul3A_16 = arith.mulf %convert_element_type3A_14, %mul3A_15 : vector<1000x80xf32>
    %convert_element_type3A_17 = arith.truncf %mul3A_16 : vector<1000x80xf32> to vector<1000x80xbf16>
    %get3A_18 = arith.constant 0 : index
    %get3A_19 = arith.constant 0 : index
    %get3A_20 = vector.load %arg3[%get3A_18, %get3A_19] : memref<160x2048xbf16, #tpu.memory_space<vmem>>, vector<80x2048xbf16>
    %dot_general3A = arith.constant dense<0.000000e+00> : vector<1000x2048xf32>
    %dot_general3A_21 = tpu.matmul %convert_element_type3A_8, %get3A_20, %dot_general3A {dimension_numbers = #tpu.dot_dimension_numbers<[1], [0], [0], [1], [0, 0, 1, 1], [], []>, transpose_lhs_hint = false} : vector<1000x80xbf16>, vector<80x2048xbf16>, vector<1000x2048xf32> -> vector<1000x2048xf32>
    %get3A_22 = arith.constant 80 : index
    %get3A_23 = arith.constant 0 : index
    %get3A_24 = vector.load %arg3[%get3A_22, %get3A_23] : memref<160x2048xbf16, #tpu.memory_space<vmem>>, vector<80x2048xbf16>
    %dot_general3A_25 = arith.constant dense<0.000000e+00> : vector<1000x2048xf32>
    %dot_general3A_26 = tpu.matmul %convert_element_type3A_17, %get3A_24, %dot_general3A_25 {dimension_numbers = #tpu.dot_dimension_numbers<[1], [0], [0], [1], [0, 0, 1, 1], [], []>, transpose_lhs_hint = false} : vector<1000x80xbf16>, vector<80x2048xbf16>, vector<1000x2048xf32> -> vector<1000x2048xf32>
    %add3A = arith.addf %dot_general3A_21, %dot_general3A_26 : vector<1000x2048xf32>
    %get3A_27 = arith.constant 0 : index
    %get3A_28 = arith.constant 0 : index
    %get3A_29 = vector.load %arg4[%get3A_27, %get3A_28] : memref<1x2048xf32, #tpu.memory_space<vmem>>, vector<1x2048xf32>
    %add3A_30 = vector.broadcast %get3A_29 : vector<1x2048xf32> to vector<1000x2048xf32>
    %add3A_31 = arith.addf %add3A, %add3A_30 : vector<1000x2048xf32>
    %max3A = arith.constant 0.000000e+00 : f32
    %max3A_32 = vector.broadcast %max3A : f32 to vector<1000x2048xf32>
    %max3A_33 = arith.maximumf %add3A_31, %max3A_32 : vector<1000x2048xf32>
    %convert_element_type3A_34 = arith.truncf %max3A_33 : vector<1000x2048xf32> to vector<1000x2048xbf16>
    %get3A_35 = arith.constant 0 : index
    %get3A_36 = arith.constant 0 : index
    %get3A_37 = vector.load %arg5[%get3A_35, %get3A_36] : memref<2048x1024xbf16, #tpu.memory_space<vmem>>, vector<2048x1024xbf16>
    %dot_general3A_38 = arith.constant dense<0.000000e+00> : vector<1000x1024xf32>
    %dot_general3A_39 = tpu.matmul %convert_element_type3A_34, %get3A_37, %dot_general3A_38 {dimension_numbers = #tpu.dot_dimension_numbers<[1], [0], [0], [1], [0, 0, 1, 1], [], []>, transpose_lhs_hint = false} : vector<1000x2048xbf16>, vector<2048x1024xbf16>, vector<1000x1024xf32> -> vector<1000x1024xf32>
    %mul3A_40 = vector.broadcast %get3A_1 : vector<1000x1xf32> to vector<1000x1024xf32>
    %mul3A_41 = arith.mulf %dot_general3A_39, %mul3A_40 : vector<1000x1024xf32>
    %convert_element_type3A_42 = arith.truncf %mul3A_41 : vector<1000x1024xf32> to vector<1000x1024xbf16>
    %slice3A = vector.extract_strided_slice %convert_element_type3A_42 {offsets = [0, 0], sizes = [1000, 128], strides = [1, 1]} : vector<1000x1024xbf16> to vector<1000x128xbf16>
    %swap3A = arith.constant 0 : index
    %swap3A_43 = arith.constant 0 : index
    %swap3A_44 = arith.constant 0 : index
    %swap3A_45 = vector.load %arg6[%swap3A, %swap3A_43, %swap3A_44] : memref<8x1000x128xbf16, #tpu.memory_space<vmem>>, vector<1x1000x128xbf16>
    %swap3A_46 = vector.shape_cast %swap3A_45 : vector<1x1000x128xbf16> to vector<1000x128xbf16>
    %swap3A_47 = vector.shape_cast %slice3A : vector<1000x128xbf16> to vector<1x1000x128xbf16>
    tpu.vector_store %arg6[%swap3A, %swap3A_43, %swap3A_44], %swap3A_47 {strides = array<i32>} : memref<8x1000x128xbf16, #tpu.memory_space<vmem>>, vector<1x1000x128xbf16>,
    %slice3A_48 = vector.extract_strided_slice %convert_element_type3A_42 {offsets = [0, 128], sizes = [1000, 128], strides = [1, 1]} : vector<1000x1024xbf16> to vector<1000x128xbf16>
    %swap3A_49 = arith.constant 1 : index
    %swap3A_50 = arith.constant 0 : index
    %swap3A_51 = arith.constant 0 : index
    %swap3A_52 = vector.load %arg6[%swap3A_49, %swap3A_50, %swap3A_51] : memref<8x1000x128xbf16, #tpu.memory_space<vmem>>, vector<1x1000x128xbf16>
    %swap3A_53 = vector.shape_cast %swap3A_52 : vector<1x1000x128xbf16> to vector<1000x128xbf16>
    %swap3A_54 = vector.shape_cast %slice3A_48 : vector<1000x128xbf16> to vector<1x1000x128xbf16>
    tpu.vector_store %arg6[%swap3A_49, %swap3A_50, %swap3A_51], %swap3A_54 {strides = array<i32>} : memref<8x1000x128xbf16, #tpu.memory_space<vmem>>, vector<1x1000x128xbf16>,
    %slice3A_55 = vector.extract_strided_slice %convert_element_type3A_42 {offsets = [0, 256], sizes = [1000, 128], strides = [1, 1]} : vector<1000x1024xbf16> to vector<1000x128xbf16>
    %swap3A_56 = arith.constant 2 : index
    %swap3A_57 = arith.constant 0 : index
    %swap3A_58 = arith.constant 0 : index
    %swap3A_59 = vector.load %arg6[%swap3A_56, %swap3A_57, %swap3A_58] : memref<8x1000x128xbf16, #tpu.memory_space<vmem>>, vector<1x1000x128xbf16>
    %swap3A_60 = vector.shape_cast %swap3A_59 : vector<1x1000x128xbf16> to vector<1000x128xbf16>
    %swap3A_61 = vector.shape_cast %slice3A_55 : vector<1000x128xbf16> to vector<1x1000x128xbf16>
    tpu.vector_store %arg6[%swap3A_56, %swap3A_57, %swap3A_58], %swap3A_61 {strides = array<i32>} : memref<8x1000x128xbf16, #tpu.memory_space<vmem>>, vector<1x1000x128xbf16>,
    %slice3A_62 = vector.extract_strided_slice %convert_element_type3A_42 {offsets = [0, 384], sizes = [1000, 128], strides = [1, 1]} : vector<1000x1024xbf16> to vector<1000x128xbf16>
    %swap3A_63 = arith.constant 3 : index
    %swap3A_64 = arith.constant 0 : index
    %swap3A_65 = arith.constant 0 : index
    %swap3A_66 = vector.load %arg6[%swap3A_63, %swap3A_64, %swap3A_65] : memref<8x1000x128xbf16, #tpu.memory_space<vmem>>, vector<1x1000x128xbf16>
    %swap3A_67 = vector.shape_cast %swap3A_66 : vector<1x1000x128xbf16> to vector<1000x128xbf16>
    %swap3A_68 = vector.shape_cast %slice3A_62 : vector<1000x128xbf16> to vector<1x1000x128xbf16>
    tpu.vector_store %arg6[%swap3A_63, %swap3A_64, %swap3A_65], %swap3A_68 {strides = array<i32>} : memref<8x1000x128xbf16, #tpu.memory_space<vmem>>, vector<1x1000x128xbf16>,
    %slice3A_69 = vector.extract_strided_slice %convert_element_type3A_42 {offsets = [0, 512], sizes = [1000, 128], strides = [1, 1]} : vector<1000x1024xbf16> to vector<1000x128xbf16>
    %swap3A_70 = arith.constant 4 : index
    %swap3A_71 = arith.constant 0 : index
    %swap3A_72 = arith.constant 0 : index
    %swap3A_73 = vector.load %arg6[%swap3A_70, %swap3A_71, %swap3A_72] : memref<8x1000x128xbf16, #tpu.memory_space<vmem>>, vector<1x1000x128xbf16>
    %swap3A_74 = vector.shape_cast %swap3A_73 : vector<1x1000x128xbf16> to vector<1000x128xbf16>
    %swap3A_75 = vector.shape_cast %slice3A_69 : vector<1000x128xbf16> to vector<1x1000x128xbf16>
    tpu.vector_store %arg6[%swap3A_70, %swap3A_71, %swap3A_72], %swap3A_75 {strides = array<i32>} : memref<8x1000x128xbf16, #tpu.memory_space<vmem>>, vector<1x1000x128xbf16>,
    %slice3A_76 = vector.extract_strided_slice %convert_element_type3A_42 {offsets = [0, 640], sizes = [1000, 128], strides = [1, 1]} : vector<1000x1024xbf16> to vector<1000x128xbf16>
    %swap3A_77 = arith.constant 5 : index
    %swap3A_78 = arith.constant 0 : index
    %swap3A_79 = arith.constant 0 : index
    %swap3A_80 = vector.load %arg6[%swap3A_77, %swap3A_78, %swap3A_79] : memref<8x1000x128xbf16, #tpu.memory_space<vmem>>, vector<1x1000x128xbf16>
    %swap3A_81 = vector.shape_cast %swap3A_80 : vector<1x1000x128xbf16> to vector<1000x128xbf16>
    %swap3A_82 = vector.shape_cast %slice3A_76 : vector<1000x128xbf16> to vector<1x1000x128xbf16>
    tpu.vector_store %arg6[%swap3A_77, %swap3A_78, %swap3A_79], %swap3A_82 {strides = array<i32>} : memref<8x1000x128xbf16, #tpu.memory_space<vmem>>, vector<1x1000x128xbf16>,
    %slice3A_83 = vector.extract_strided_slice %convert_element_type3A_42 {offsets = [0, 768], sizes = [1000, 128], strides = [1, 1]} : vector<1000x1024xbf16> to vector<1000x128xbf16>
    %swap3A_84 = arith.constant 6 : index
    %swap3A_85 = arith.constant 0 : index
    %swap3A_86 = arith.constant 0 : index
    %swap3A_87 = vector.load %arg6[%swap3A_84, %swap3A_85, %swap3A_86] : memref<8x1000x128xbf16, #tpu.memory_space<vmem>>, vector<1x1000x128xbf16>
    %swap3A_88 = vector.shape_cast %swap3A_87 : vector<1x1000x128xbf16> to vector<1000x128xbf16>
    %swap3A_89 = vector.shape_cast %slice3A_83 : vector<1000x128xbf16> to vector<1x1000x128xbf16>
    tpu.vector_store %arg6[%swap3A_84, %swap3A_85, %swap3A_86], %swap3A_89 {strides = array<i32>} : memref<8x1000x128xbf16, #tpu.memory_space<vmem>>, vector<1x1000x128xbf16>,
    %slice3A_90 = vector.extract_strided_slice %convert_element_type3A_42 {offsets = [0, 896], sizes = [1000, 128], strides = [1, 1]} : vector<1000x1024xbf16> to vector<1000x128xbf16>
    %swap3A_91 = arith.constant 7 : index
    %swap3A_92 = arith.constant 0 : index
    %swap3A_93 = arith.constant 0 : index
    %swap3A_94 = vector.load %arg6[%swap3A_91, %swap3A_92, %swap3A_93] : memref<8x1000x128xbf16, #tpu.memory_space<vmem>>, vector<1x1000x128xbf16>
    %swap3A_95 = vector.shape_cast %swap3A_94 : vector<1x1000x128xbf16> to vector<1000x128xbf16>
    %swap3A_96 = vector.shape_cast %slice3A_90 : vector<1000x128xbf16> to vector<1x1000x128xbf16>
    tpu.vector_store %arg6[%swap3A_91, %swap3A_92, %swap3A_93], %swap3A_96 {strides = array<i32>} : memref<8x1000x128xbf16, #tpu.memory_space<vmem>>, vector<1x1000x128xbf16>,
    return
  }
  func.func @transform_0(%arg0: i32) -> (i32, i32, i32) {
    %c0_i32 = arith.constant 0 : i32
    %c0_i32_0 = arith.constant 0 : i32
    %c0_i32_1 = arith.constant 0 : i32
    return %c0_i32, %arg0, %c0_i32_0 : i32, i32, i32
  }
  func.func @transform_1(%arg0: i32) -> (i32, i32) {
    %c0_i32 = arith.constant 0 : i32
    %c0_i32_0 = arith.constant 0 : i32
    return %arg0, %c0_i32 : i32, i32
  }
  func.func @transform_2(%arg0: i32) -> (i32, i32) {
    %c0_i32 = arith.constant 0 : i32
    %c0_i32_0 = arith.constant 0 : i32
    %c0_i32_1 = arith.constant 0 : i32
    return %c0_i32, %c0_i32_0 : i32, i32
  }
  func.func @transform_3(%arg0: i32) -> (i32, i32) {
    %c0_i32 = arith.constant 0 : i32
    %c0_i32_0 = arith.constant 0 : i32
    %c0_i32_1 = arith.constant 0 : i32
    return %c0_i32, %c0_i32_0 : i32, i32
  }
  func.func @transform_4(%arg0: i32) -> (i32, i32) {
    %c0_i32 = arith.constant 0 : i32
    %c0_i32_0 = arith.constant 0 : i32
    %c0_i32_1 = arith.constant 0 : i32
    return %c0_i32, %c0_i32_0 : i32, i32
  }
  func.func @transform_5(%arg0: i32) -> (i32, i32, i32) {
    %c0_i32 = arith.constant 0 : i32
    %c0_i32_0 = arith.constant 0 : i32
    %c0_i32_1 = arith.constant 0 : i32
    return %c0_i32, %arg0, %c0_i32_0 : i32, i32, i32
  }
}

module attributes {stable_mosaic.version = 14 : i64} {
  func.func @_head_body(%arg0: i32, %arg1: memref<8x1000x128xbf16, #tpu.memory_space<vmem>>, %arg2: memref<1000x1xf32, #tpu.memory_space<vmem>>, %arg3: memref<1x1024xf32, #tpu.memory_space<vmem>>, %arg4: memref<1x1x1000xi32, #tpu.memory_space<vmem>>, %arg5: memref<1024x1024xf32, #tpu.memory_space<vmem>>, %arg6: memref<1x1024xf32, #tpu.memory_space<vmem>>, %arg7: memref<1024x512xf32, #tpu.memory_space<vmem>>, %arg8: memref<1x512xf32, #tpu.memory_space<vmem>>, %arg9: memref<512x10xf32, #tpu.memory_space<vmem>>, %arg10: memref<1x10xf32, #tpu.memory_space<vmem>>, %arg11: memref<16x10xf32, #tpu.memory_space<vmem>>, %arg12: memref<16x1024xf32, #tpu.memory_space<vmem>>, %arg13: memref<16x128xf32, #tpu.memory_space<vmem>>) attributes {dimension_semantics = [#tpu.dimension_semantics<arbitrary>], iteration_bounds = array<i64: 10>, scalar_prefetch = 0 : i64, scratch_operands = 2 : i64, tpu.core_type = #tpu.core_type<tc>, window_params = [{transform_indices = @transform_0, window_bounds = array<i64: 8, 1000, 128>}, {transform_indices = @transform_1, window_bounds = array<i64: 1000, 1>}, {pipeline_mode = #tpu.pipeline_mode<synchronous>, transform_indices = @transform_2, window_bounds = array<i64: 1, 1024>}, {transform_indices = @transform_3, window_bounds = array<i64: 1, 1, 1000>}, {pipeline_mode = #tpu.pipeline_mode<synchronous>, transform_indices = @transform_4, window_bounds = array<i64: 1024, 1024>}, {pipeline_mode = #tpu.pipeline_mode<synchronous>, transform_indices = @transform_5, window_bounds = array<i64: 1, 1024>}, {pipeline_mode = #tpu.pipeline_mode<synchronous>, transform_indices = @transform_6, window_bounds = array<i64: 1024, 512>}, {pipeline_mode = #tpu.pipeline_mode<synchronous>, transform_indices = @transform_7, window_bounds = array<i64: 1, 512>}, {pipeline_mode = #tpu.pipeline_mode<synchronous>, transform_indices = @transform_8, window_bounds = array<i64: 512, 10>}, {pipeline_mode = #tpu.pipeline_mode<synchronous>, transform_indices = @transform_9, window_bounds = array<i64: 1, 10>}, {pipeline_mode = #tpu.pipeline_mode<synchronous>, transform_indices = @transform_10, window_bounds = array<i64: 16, 10>}]} {
    %eq3A = arith.constant 0 : i32
    %eq3A_0 = arith.cmpi eq, %arg0, %eq3A : i32
    %convert_element_type3A = arith.extui %eq3A_0 : i1 to i32
    %cond3A = arith.constant 0 : i32
    %cond3A_1 = arith.cmpi ne, %convert_element_type3A, %cond3A : i32
    scf.if %cond3A_1 {
      %broadcast_in_dim3A_242 = arith.constant 0.000000e+00 : f32
      %broadcast_in_dim3A_243 = vector.broadcast %broadcast_in_dim3A_242 : f32 to vector<16x1024xf32>
      %swap3A_244 = arith.constant 0 : index
      %swap3A_245 = arith.constant 0 : index
      %swap3A_246 = vector.load %arg12[%swap3A_244, %swap3A_245] : memref<16x1024xf32, #tpu.memory_space<vmem>>, vector<16x1024xf32>
      tpu.vector_store %arg12[%swap3A_244, %swap3A_245], %broadcast_in_dim3A_243 {strides = array<i32>} : memref<16x1024xf32, #tpu.memory_space<vmem>>, vector<16x1024xf32>,
      %broadcast_in_dim3A_247 = arith.constant 0.000000e+00 : f32
      %broadcast_in_dim3A_248 = vector.broadcast %broadcast_in_dim3A_247 : f32 to vector<16x128xf32>
      %swap3A_249 = arith.constant 0 : index
      %swap3A_250 = arith.constant 0 : index
      %swap3A_251 = vector.load %arg13[%swap3A_249, %swap3A_250] : memref<16x128xf32, #tpu.memory_space<vmem>>, vector<16x128xf32>
      tpu.vector_store %arg13[%swap3A_249, %swap3A_250], %broadcast_in_dim3A_248 {strides = array<i32>} : memref<16x128xf32, #tpu.memory_space<vmem>>, vector<16x128xf32>,
    } else {
    }
    %get3A = arith.constant 0 : index
    %get3A_2 = arith.constant 0 : index
    %get3A_3 = vector.load %arg2[%get3A, %get3A_2] : memref<1000x1xf32, #tpu.memory_space<vmem>>, vector<1000x1xf32>
    %get3A_4 = arith.constant 0 : index
    %get3A_5 = arith.constant 0 : index
    %get3A_6 = arith.constant 0 : index
    %get3A_7 = vector.load %arg4[%get3A_4, %get3A_5, %get3A_6] : memref<1x1x1000xi32, #tpu.memory_space<vmem>>, vector<1x1x1000xi32>
    %get3A_8 = vector.shape_cast %get3A_7 : vector<1x1x1000xi32> to vector<1x1000xi32>
    %iota3A = tpu.iota {dimensions = array<i32: 1>} : vector<1x16xi32>
    %iota3A_9 = vector.shape_cast %iota3A : vector<1x16xi32> to vector<16xi32>
    %broadcast_in_dim3A = vector.shape_cast %iota3A_9 : vector<16xi32> to vector<16x1xi32>
    %eq3A_10 = vector.broadcast %get3A_8 : vector<1x1000xi32> to vector<16x1000xi32>
    %eq3A_11 = vector.broadcast %broadcast_in_dim3A : vector<16x1xi32> to vector<16x1000xi32>
    %eq3A_12 = arith.cmpi eq, %eq3A_10, %eq3A_11 : vector<16x1000xi32>
    %convert_element_type3A_13 = arith.extui %eq3A_12 : vector<16x1000xi1> to vector<16x1000xi32>
    %convert_element_type3A_14 = arith.sitofp %convert_element_type3A_13 : vector<16x1000xi32> to vector<16x1000xf32>
    %get3A_15 = arith.constant 0 : index
    %get3A_16 = arith.constant 0 : index
    %get3A_17 = vector.load %arg13[%get3A_15, %get3A_16] : memref<16x128xf32, #tpu.memory_space<vmem>>, vector<16x128xf32>
    %reduce_sum3A = arith.constant dense<0.000000e+00> : vector<16xf32>
    %reduce_sum3A_18 = vector.multi_reduction <add>, %convert_element_type3A_14, %reduce_sum3A [1] : vector<16x1000xf32> to vector<16xf32>
    %broadcast_in_dim3A_19 = vector.shape_cast %reduce_sum3A_18 : vector<16xf32> to vector<16x1xf32>
    %broadcast_in_dim3A_20 = vector.shape_cast %broadcast_in_dim3A_19 : vector<16x1xf32> to vector<16x1xf32>
    %broadcast_in_dim3A_21 = vector.broadcast %broadcast_in_dim3A_20 : vector<16x1xf32> to vector<16x128xf32>
    %add3A = arith.addf %get3A_17, %broadcast_in_dim3A_21 : vector<16x128xf32>
    %swap3A = arith.constant 0 : index
    %swap3A_22 = arith.constant 0 : index
    %swap3A_23 = vector.load %arg13[%swap3A, %swap3A_22] : memref<16x128xf32, #tpu.memory_space<vmem>>, vector<16x128xf32>
    tpu.vector_store %arg13[%swap3A, %swap3A_22], %add3A {strides = array<i32>} : memref<16x128xf32, #tpu.memory_space<vmem>>, vector<16x128xf32>,
    %get3A_24 = arith.constant 0 : index
    %get3A_25 = arith.constant 0 : index
    %get3A_26 = arith.constant 0 : index
    %get3A_27 = vector.load %arg1[%get3A_24, %get3A_25, %get3A_26] : memref<8x1000x128xbf16, #tpu.memory_space<vmem>>, vector<1x1000x128xbf16>
    %get3A_28 = vector.shape_cast %get3A_27 : vector<1x1000x128xbf16> to vector<1000x128xbf16>
    %convert_element_type3A_29 = arith.extf %get3A_28 : vector<1000x128xbf16> to vector<1000x128xf32>
    %mul3A = vector.broadcast %get3A_3 : vector<1000x1xf32> to vector<1000x128xf32>
    %mul3A_30 = arith.mulf %convert_element_type3A_29, %mul3A : vector<1000x128xf32>
    %get3A_31 = arith.constant 0 : index
    %get3A_32 = arith.constant 0 : index
    %get3A_33 = vector.load %arg3[%get3A_31, %get3A_32] : memref<1x1024xf32, #tpu.memory_space<vmem>>, vector<1x128xf32>
    %get3A_34 = vector.shape_cast %get3A_33 : vector<1x128xf32> to vector<128xf32>
    %broadcast_in_dim3A_35 = vector.shape_cast %get3A_34 : vector<128xf32> to vector<1x128xf32>
    %add3A_36 = vector.broadcast %broadcast_in_dim3A_35 : vector<1x128xf32> to vector<1000x128xf32>
    %add3A_37 = arith.addf %mul3A_30, %add3A_36 : vector<1000x128xf32>
    %max3A = arith.constant 0.000000e+00 : f32
    %max3A_38 = vector.broadcast %max3A : f32 to vector<1000x128xf32>
    %max3A_39 = arith.maximumf %add3A_37, %max3A_38 : vector<1000x128xf32>
    %get3A_40 = arith.constant 0 : index
    %get3A_41 = arith.constant 0 : index
    %get3A_42 = vector.load %arg12[%get3A_40, %get3A_41] : memref<16x1024xf32, #tpu.memory_space<vmem>>, vector<16x128xf32>
    %dot_general3A = arith.constant dense<0.000000e+00> : vector<16x128xf32>
    %dot_general3A_43 = tpu.matmul %convert_element_type3A_14, %max3A_39, %dot_general3A {dimension_numbers = #tpu.dot_dimension_numbers<[1], [0], [0], [1], [0, 0, 1, 1], [], []>, transpose_lhs_hint = false} : vector<16x1000xf32>, vector<1000x128xf32>, vector<16x128xf32> -> vector<16x128xf32>
    %add3A_44 = arith.addf %get3A_42, %dot_general3A_43 : vector<16x128xf32>
    %swap3A_45 = arith.constant 0 : index
    %swap3A_46 = arith.constant 0 : index
    %swap3A_47 = vector.load %arg12[%swap3A_45, %swap3A_46] : memref<16x1024xf32, #tpu.memory_space<vmem>>, vector<16x128xf32>
    tpu.vector_store %arg12[%swap3A_45, %swap3A_46], %add3A_44 {strides = array<i32>} : memref<16x1024xf32, #tpu.memory_space<vmem>>, vector<16x128xf32>,
    %get3A_48 = arith.constant 1 : index
    %get3A_49 = arith.constant 0 : index
    %get3A_50 = arith.constant 0 : index
    %get3A_51 = vector.load %arg1[%get3A_48, %get3A_49, %get3A_50] : memref<8x1000x128xbf16, #tpu.memory_space<vmem>>, vector<1x1000x128xbf16>
    %get3A_52 = vector.shape_cast %get3A_51 : vector<1x1000x128xbf16> to vector<1000x128xbf16>
    %convert_element_type3A_53 = arith.extf %get3A_52 : vector<1000x128xbf16> to vector<1000x128xf32>
    %mul3A_54 = vector.broadcast %get3A_3 : vector<1000x1xf32> to vector<1000x128xf32>
    %mul3A_55 = arith.mulf %convert_element_type3A_53, %mul3A_54 : vector<1000x128xf32>
    %get3A_56 = arith.constant 0 : index
    %get3A_57 = arith.constant 128 : index
    %get3A_58 = vector.load %arg3[%get3A_56, %get3A_57] : memref<1x1024xf32, #tpu.memory_space<vmem>>, vector<1x128xf32>
    %get3A_59 = vector.shape_cast %get3A_58 : vector<1x128xf32> to vector<128xf32>
    %broadcast_in_dim3A_60 = vector.shape_cast %get3A_59 : vector<128xf32> to vector<1x128xf32>
    %add3A_61 = vector.broadcast %broadcast_in_dim3A_60 : vector<1x128xf32> to vector<1000x128xf32>
    %add3A_62 = arith.addf %mul3A_55, %add3A_61 : vector<1000x128xf32>
    %max3A_63 = arith.constant 0.000000e+00 : f32
    %max3A_64 = vector.broadcast %max3A_63 : f32 to vector<1000x128xf32>
    %max3A_65 = arith.maximumf %add3A_62, %max3A_64 : vector<1000x128xf32>
    %get3A_66 = arith.constant 0 : index
    %get3A_67 = arith.constant 128 : index
    %get3A_68 = vector.load %arg12[%get3A_66, %get3A_67] : memref<16x1024xf32, #tpu.memory_space<vmem>>, vector<16x128xf32>
    %dot_general3A_69 = arith.constant dense<0.000000e+00> : vector<16x128xf32>
    %dot_general3A_70 = tpu.matmul %convert_element_type3A_14, %max3A_65, %dot_general3A_69 {dimension_numbers = #tpu.dot_dimension_numbers<[1], [0], [0], [1], [0, 0, 1, 1], [], []>, transpose_lhs_hint = false} : vector<16x1000xf32>, vector<1000x128xf32>, vector<16x128xf32> -> vector<16x128xf32>
    %add3A_71 = arith.addf %get3A_68, %dot_general3A_70 : vector<16x128xf32>
    %swap3A_72 = arith.constant 0 : index
    %swap3A_73 = arith.constant 128 : index
    %swap3A_74 = vector.load %arg12[%swap3A_72, %swap3A_73] : memref<16x1024xf32, #tpu.memory_space<vmem>>, vector<16x128xf32>
    tpu.vector_store %arg12[%swap3A_72, %swap3A_73], %add3A_71 {strides = array<i32>} : memref<16x1024xf32, #tpu.memory_space<vmem>>, vector<16x128xf32>,
    %get3A_75 = arith.constant 2 : index
    %get3A_76 = arith.constant 0 : index
    %get3A_77 = arith.constant 0 : index
    %get3A_78 = vector.load %arg1[%get3A_75, %get3A_76, %get3A_77] : memref<8x1000x128xbf16, #tpu.memory_space<vmem>>, vector<1x1000x128xbf16>
    %get3A_79 = vector.shape_cast %get3A_78 : vector<1x1000x128xbf16> to vector<1000x128xbf16>
    %convert_element_type3A_80 = arith.extf %get3A_79 : vector<1000x128xbf16> to vector<1000x128xf32>
    %mul3A_81 = vector.broadcast %get3A_3 : vector<1000x1xf32> to vector<1000x128xf32>
    %mul3A_82 = arith.mulf %convert_element_type3A_80, %mul3A_81 : vector<1000x128xf32>
    %get3A_83 = arith.constant 0 : index
    %get3A_84 = arith.constant 256 : index
    %get3A_85 = vector.load %arg3[%get3A_83, %get3A_84] : memref<1x1024xf32, #tpu.memory_space<vmem>>, vector<1x128xf32>
    %get3A_86 = vector.shape_cast %get3A_85 : vector<1x128xf32> to vector<128xf32>
    %broadcast_in_dim3A_87 = vector.shape_cast %get3A_86 : vector<128xf32> to vector<1x128xf32>
    %add3A_88 = vector.broadcast %broadcast_in_dim3A_87 : vector<1x128xf32> to vector<1000x128xf32>
    %add3A_89 = arith.addf %mul3A_82, %add3A_88 : vector<1000x128xf32>
    %max3A_90 = arith.constant 0.000000e+00 : f32
    %max3A_91 = vector.broadcast %max3A_90 : f32 to vector<1000x128xf32>
    %max3A_92 = arith.maximumf %add3A_89, %max3A_91 : vector<1000x128xf32>
    %get3A_93 = arith.constant 0 : index
    %get3A_94 = arith.constant 256 : index
    %get3A_95 = vector.load %arg12[%get3A_93, %get3A_94] : memref<16x1024xf32, #tpu.memory_space<vmem>>, vector<16x128xf32>
    %dot_general3A_96 = arith.constant dense<0.000000e+00> : vector<16x128xf32>
    %dot_general3A_97 = tpu.matmul %convert_element_type3A_14, %max3A_92, %dot_general3A_96 {dimension_numbers = #tpu.dot_dimension_numbers<[1], [0], [0], [1], [0, 0, 1, 1], [], []>, transpose_lhs_hint = false} : vector<16x1000xf32>, vector<1000x128xf32>, vector<16x128xf32> -> vector<16x128xf32>
    %add3A_98 = arith.addf %get3A_95, %dot_general3A_97 : vector<16x128xf32>
    %swap3A_99 = arith.constant 0 : index
    %swap3A_100 = arith.constant 256 : index
    %swap3A_101 = vector.load %arg12[%swap3A_99, %swap3A_100] : memref<16x1024xf32, #tpu.memory_space<vmem>>, vector<16x128xf32>
    tpu.vector_store %arg12[%swap3A_99, %swap3A_100], %add3A_98 {strides = array<i32>} : memref<16x1024xf32, #tpu.memory_space<vmem>>, vector<16x128xf32>,
    %get3A_102 = arith.constant 3 : index
    %get3A_103 = arith.constant 0 : index
    %get3A_104 = arith.constant 0 : index
    %get3A_105 = vector.load %arg1[%get3A_102, %get3A_103, %get3A_104] : memref<8x1000x128xbf16, #tpu.memory_space<vmem>>, vector<1x1000x128xbf16>
    %get3A_106 = vector.shape_cast %get3A_105 : vector<1x1000x128xbf16> to vector<1000x128xbf16>
    %convert_element_type3A_107 = arith.extf %get3A_106 : vector<1000x128xbf16> to vector<1000x128xf32>
    %mul3A_108 = vector.broadcast %get3A_3 : vector<1000x1xf32> to vector<1000x128xf32>
    %mul3A_109 = arith.mulf %convert_element_type3A_107, %mul3A_108 : vector<1000x128xf32>
    %get3A_110 = arith.constant 0 : index
    %get3A_111 = arith.constant 384 : index
    %get3A_112 = vector.load %arg3[%get3A_110, %get3A_111] : memref<1x1024xf32, #tpu.memory_space<vmem>>, vector<1x128xf32>
    %get3A_113 = vector.shape_cast %get3A_112 : vector<1x128xf32> to vector<128xf32>
    %broadcast_in_dim3A_114 = vector.shape_cast %get3A_113 : vector<128xf32> to vector<1x128xf32>
    %add3A_115 = vector.broadcast %broadcast_in_dim3A_114 : vector<1x128xf32> to vector<1000x128xf32>
    %add3A_116 = arith.addf %mul3A_109, %add3A_115 : vector<1000x128xf32>
    %max3A_117 = arith.constant 0.000000e+00 : f32
    %max3A_118 = vector.broadcast %max3A_117 : f32 to vector<1000x128xf32>
    %max3A_119 = arith.maximumf %add3A_116, %max3A_118 : vector<1000x128xf32>
    %get3A_120 = arith.constant 0 : index
    %get3A_121 = arith.constant 384 : index
    %get3A_122 = vector.load %arg12[%get3A_120, %get3A_121] : memref<16x1024xf32, #tpu.memory_space<vmem>>, vector<16x128xf32>
    %dot_general3A_123 = arith.constant dense<0.000000e+00> : vector<16x128xf32>
    %dot_general3A_124 = tpu.matmul %convert_element_type3A_14, %max3A_119, %dot_general3A_123 {dimension_numbers = #tpu.dot_dimension_numbers<[1], [0], [0], [1], [0, 0, 1, 1], [], []>, transpose_lhs_hint = false} : vector<16x1000xf32>, vector<1000x128xf32>, vector<16x128xf32> -> vector<16x128xf32>
    %add3A_125 = arith.addf %get3A_122, %dot_general3A_124 : vector<16x128xf32>
    %swap3A_126 = arith.constant 0 : index
    %swap3A_127 = arith.constant 384 : index
    %swap3A_128 = vector.load %arg12[%swap3A_126, %swap3A_127] : memref<16x1024xf32, #tpu.memory_space<vmem>>, vector<16x128xf32>
    tpu.vector_store %arg12[%swap3A_126, %swap3A_127], %add3A_125 {strides = array<i32>} : memref<16x1024xf32, #tpu.memory_space<vmem>>, vector<16x128xf32>,
    %get3A_129 = arith.constant 4 : index
    %get3A_130 = arith.constant 0 : index
    %get3A_131 = arith.constant 0 : index
    %get3A_132 = vector.load %arg1[%get3A_129, %get3A_130, %get3A_131] : memref<8x1000x128xbf16, #tpu.memory_space<vmem>>, vector<1x1000x128xbf16>
    %get3A_133 = vector.shape_cast %get3A_132 : vector<1x1000x128xbf16> to vector<1000x128xbf16>
    %convert_element_type3A_134 = arith.extf %get3A_133 : vector<1000x128xbf16> to vector<1000x128xf32>
    %mul3A_135 = vector.broadcast %get3A_3 : vector<1000x1xf32> to vector<1000x128xf32>
    %mul3A_136 = arith.mulf %convert_element_type3A_134, %mul3A_135 : vector<1000x128xf32>
    %get3A_137 = arith.constant 0 : index
    %get3A_138 = arith.constant 512 : index
    %get3A_139 = vector.load %arg3[%get3A_137, %get3A_138] : memref<1x1024xf32, #tpu.memory_space<vmem>>, vector<1x128xf32>
    %get3A_140 = vector.shape_cast %get3A_139 : vector<1x128xf32> to vector<128xf32>
    %broadcast_in_dim3A_141 = vector.shape_cast %get3A_140 : vector<128xf32> to vector<1x128xf32>
    %add3A_142 = vector.broadcast %broadcast_in_dim3A_141 : vector<1x128xf32> to vector<1000x128xf32>
    %add3A_143 = arith.addf %mul3A_136, %add3A_142 : vector<1000x128xf32>
    %max3A_144 = arith.constant 0.000000e+00 : f32
    %max3A_145 = vector.broadcast %max3A_144 : f32 to vector<1000x128xf32>
    %max3A_146 = arith.maximumf %add3A_143, %max3A_145 : vector<1000x128xf32>
    %get3A_147 = arith.constant 0 : index
    %get3A_148 = arith.constant 512 : index
    %get3A_149 = vector.load %arg12[%get3A_147, %get3A_148] : memref<16x1024xf32, #tpu.memory_space<vmem>>, vector<16x128xf32>
    %dot_general3A_150 = arith.constant dense<0.000000e+00> : vector<16x128xf32>
    %dot_general3A_151 = tpu.matmul %convert_element_type3A_14, %max3A_146, %dot_general3A_150 {dimension_numbers = #tpu.dot_dimension_numbers<[1], [0], [0], [1], [0, 0, 1, 1], [], []>, transpose_lhs_hint = false} : vector<16x1000xf32>, vector<1000x128xf32>, vector<16x128xf32> -> vector<16x128xf32>
    %add3A_152 = arith.addf %get3A_149, %dot_general3A_151 : vector<16x128xf32>
    %swap3A_153 = arith.constant 0 : index
    %swap3A_154 = arith.constant 512 : index
    %swap3A_155 = vector.load %arg12[%swap3A_153, %swap3A_154] : memref<16x1024xf32, #tpu.memory_space<vmem>>, vector<16x128xf32>
    tpu.vector_store %arg12[%swap3A_153, %swap3A_154], %add3A_152 {strides = array<i32>} : memref<16x1024xf32, #tpu.memory_space<vmem>>, vector<16x128xf32>,
    %get3A_156 = arith.constant 5 : index
    %get3A_157 = arith.constant 0 : index
    %get3A_158 = arith.constant 0 : index
    %get3A_159 = vector.load %arg1[%get3A_156, %get3A_157, %get3A_158] : memref<8x1000x128xbf16, #tpu.memory_space<vmem>>, vector<1x1000x128xbf16>
    %get3A_160 = vector.shape_cast %get3A_159 : vector<1x1000x128xbf16> to vector<1000x128xbf16>
    %convert_element_type3A_161 = arith.extf %get3A_160 : vector<1000x128xbf16> to vector<1000x128xf32>
    %mul3A_162 = vector.broadcast %get3A_3 : vector<1000x1xf32> to vector<1000x128xf32>
    %mul3A_163 = arith.mulf %convert_element_type3A_161, %mul3A_162 : vector<1000x128xf32>
    %get3A_164 = arith.constant 0 : index
    %get3A_165 = arith.constant 640 : index
    %get3A_166 = vector.load %arg3[%get3A_164, %get3A_165] : memref<1x1024xf32, #tpu.memory_space<vmem>>, vector<1x128xf32>
    %get3A_167 = vector.shape_cast %get3A_166 : vector<1x128xf32> to vector<128xf32>
    %broadcast_in_dim3A_168 = vector.shape_cast %get3A_167 : vector<128xf32> to vector<1x128xf32>
    %add3A_169 = vector.broadcast %broadcast_in_dim3A_168 : vector<1x128xf32> to vector<1000x128xf32>
    %add3A_170 = arith.addf %mul3A_163, %add3A_169 : vector<1000x128xf32>
    %max3A_171 = arith.constant 0.000000e+00 : f32
    %max3A_172 = vector.broadcast %max3A_171 : f32 to vector<1000x128xf32>
    %max3A_173 = arith.maximumf %add3A_170, %max3A_172 : vector<1000x128xf32>
    %get3A_174 = arith.constant 0 : index
    %get3A_175 = arith.constant 640 : index
    %get3A_176 = vector.load %arg12[%get3A_174, %get3A_175] : memref<16x1024xf32, #tpu.memory_space<vmem>>, vector<16x128xf32>
    %dot_general3A_177 = arith.constant dense<0.000000e+00> : vector<16x128xf32>
    %dot_general3A_178 = tpu.matmul %convert_element_type3A_14, %max3A_173, %dot_general3A_177 {dimension_numbers = #tpu.dot_dimension_numbers<[1], [0], [0], [1], [0, 0, 1, 1], [], []>, transpose_lhs_hint = false} : vector<16x1000xf32>, vector<1000x128xf32>, vector<16x128xf32> -> vector<16x128xf32>
    %add3A_179 = arith.addf %get3A_176, %dot_general3A_178 : vector<16x128xf32>
    %swap3A_180 = arith.constant 0 : index
    %swap3A_181 = arith.constant 640 : index
    %swap3A_182 = vector.load %arg12[%swap3A_180, %swap3A_181] : memref<16x1024xf32, #tpu.memory_space<vmem>>, vector<16x128xf32>
    tpu.vector_store %arg12[%swap3A_180, %swap3A_181], %add3A_179 {strides = array<i32>} : memref<16x1024xf32, #tpu.memory_space<vmem>>, vector<16x128xf32>,
    %get3A_183 = arith.constant 6 : index
    %get3A_184 = arith.constant 0 : index
    %get3A_185 = arith.constant 0 : index
    %get3A_186 = vector.load %arg1[%get3A_183, %get3A_184, %get3A_185] : memref<8x1000x128xbf16, #tpu.memory_space<vmem>>, vector<1x1000x128xbf16>
    %get3A_187 = vector.shape_cast %get3A_186 : vector<1x1000x128xbf16> to vector<1000x128xbf16>
    %convert_element_type3A_188 = arith.extf %get3A_187 : vector<1000x128xbf16> to vector<1000x128xf32>
    %mul3A_189 = vector.broadcast %get3A_3 : vector<1000x1xf32> to vector<1000x128xf32>
    %mul3A_190 = arith.mulf %convert_element_type3A_188, %mul3A_189 : vector<1000x128xf32>
    %get3A_191 = arith.constant 0 : index
    %get3A_192 = arith.constant 768 : index
    %get3A_193 = vector.load %arg3[%get3A_191, %get3A_192] : memref<1x1024xf32, #tpu.memory_space<vmem>>, vector<1x128xf32>
    %get3A_194 = vector.shape_cast %get3A_193 : vector<1x128xf32> to vector<128xf32>
    %broadcast_in_dim3A_195 = vector.shape_cast %get3A_194 : vector<128xf32> to vector<1x128xf32>
    %add3A_196 = vector.broadcast %broadcast_in_dim3A_195 : vector<1x128xf32> to vector<1000x128xf32>
    %add3A_197 = arith.addf %mul3A_190, %add3A_196 : vector<1000x128xf32>
    %max3A_198 = arith.constant 0.000000e+00 : f32
    %max3A_199 = vector.broadcast %max3A_198 : f32 to vector<1000x128xf32>
    %max3A_200 = arith.maximumf %add3A_197, %max3A_199 : vector<1000x128xf32>
    %get3A_201 = arith.constant 0 : index
    %get3A_202 = arith.constant 768 : index
    %get3A_203 = vector.load %arg12[%get3A_201, %get3A_202] : memref<16x1024xf32, #tpu.memory_space<vmem>>, vector<16x128xf32>
    %dot_general3A_204 = arith.constant dense<0.000000e+00> : vector<16x128xf32>
    %dot_general3A_205 = tpu.matmul %convert_element_type3A_14, %max3A_200, %dot_general3A_204 {dimension_numbers = #tpu.dot_dimension_numbers<[1], [0], [0], [1], [0, 0, 1, 1], [], []>, transpose_lhs_hint = false} : vector<16x1000xf32>, vector<1000x128xf32>, vector<16x128xf32> -> vector<16x128xf32>
    %add3A_206 = arith.addf %get3A_203, %dot_general3A_205 : vector<16x128xf32>
    %swap3A_207 = arith.constant 0 : index
    %swap3A_208 = arith.constant 768 : index
    %swap3A_209 = vector.load %arg12[%swap3A_207, %swap3A_208] : memref<16x1024xf32, #tpu.memory_space<vmem>>, vector<16x128xf32>
    tpu.vector_store %arg12[%swap3A_207, %swap3A_208], %add3A_206 {strides = array<i32>} : memref<16x1024xf32, #tpu.memory_space<vmem>>, vector<16x128xf32>,
    %get3A_210 = arith.constant 7 : index
    %get3A_211 = arith.constant 0 : index
    %get3A_212 = arith.constant 0 : index
    %get3A_213 = vector.load %arg1[%get3A_210, %get3A_211, %get3A_212] : memref<8x1000x128xbf16, #tpu.memory_space<vmem>>, vector<1x1000x128xbf16>
    %get3A_214 = vector.shape_cast %get3A_213 : vector<1x1000x128xbf16> to vector<1000x128xbf16>
    %convert_element_type3A_215 = arith.extf %get3A_214 : vector<1000x128xbf16> to vector<1000x128xf32>
    %mul3A_216 = vector.broadcast %get3A_3 : vector<1000x1xf32> to vector<1000x128xf32>
    %mul3A_217 = arith.mulf %convert_element_type3A_215, %mul3A_216 : vector<1000x128xf32>
    %get3A_218 = arith.constant 0 : index
    %get3A_219 = arith.constant 896 : index
    %get3A_220 = vector.load %arg3[%get3A_218, %get3A_219] : memref<1x1024xf32, #tpu.memory_space<vmem>>, vector<1x128xf32>
    %get3A_221 = vector.shape_cast %get3A_220 : vector<1x128xf32> to vector<128xf32>
    %broadcast_in_dim3A_222 = vector.shape_cast %get3A_221 : vector<128xf32> to vector<1x128xf32>
    %add3A_223 = vector.broadcast %broadcast_in_dim3A_222 : vector<1x128xf32> to vector<1000x128xf32>
    %add3A_224 = arith.addf %mul3A_217, %add3A_223 : vector<1000x128xf32>
    %max3A_225 = arith.constant 0.000000e+00 : f32
    %max3A_226 = vector.broadcast %max3A_225 : f32 to vector<1000x128xf32>
    %max3A_227 = arith.maximumf %add3A_224, %max3A_226 : vector<1000x128xf32>
    %get3A_228 = arith.constant 0 : index
    %get3A_229 = arith.constant 896 : index
    %get3A_230 = vector.load %arg12[%get3A_228, %get3A_229] : memref<16x1024xf32, #tpu.memory_space<vmem>>, vector<16x128xf32>
    %dot_general3A_231 = arith.constant dense<0.000000e+00> : vector<16x128xf32>
    %dot_general3A_232 = tpu.matmul %convert_element_type3A_14, %max3A_227, %dot_general3A_231 {dimension_numbers = #tpu.dot_dimension_numbers<[1], [0], [0], [1], [0, 0, 1, 1], [], []>, transpose_lhs_hint = false} : vector<16x1000xf32>, vector<1000x128xf32>, vector<16x128xf32> -> vector<16x128xf32>
    %add3A_233 = arith.addf %get3A_230, %dot_general3A_232 : vector<16x128xf32>
    %swap3A_234 = arith.constant 0 : index
    %swap3A_235 = arith.constant 896 : index
    %swap3A_236 = vector.load %arg12[%swap3A_234, %swap3A_235] : memref<16x1024xf32, #tpu.memory_space<vmem>>, vector<16x128xf32>
    tpu.vector_store %arg12[%swap3A_234, %swap3A_235], %add3A_233 {strides = array<i32>} : memref<16x1024xf32, #tpu.memory_space<vmem>>, vector<16x128xf32>,
    %eq3A_237 = arith.constant 9 : i32
    %eq3A_238 = arith.cmpi eq, %arg0, %eq3A_237 : i32
    %convert_element_type3A_239 = arith.extui %eq3A_238 : i1 to i32
    %cond3A_240 = arith.constant 0 : i32
    %cond3A_241 = arith.cmpi ne, %convert_element_type3A_239, %cond3A_240 : i32
    scf.if %cond3A_241 {
      %get3A_242 = arith.constant 0 : index
      %get3A_243 = arith.constant 0 : index
      %get3A_244 = vector.load %arg13[%get3A_242, %get3A_243] : memref<16x128xf32, #tpu.memory_space<vmem>>, vector<16x1xf32>
      %max3A_245 = arith.constant 1.000000e+00 : f32
      %max3A_246 = vector.broadcast %max3A_245 : f32 to vector<16x1xf32>
      %max3A_247 = arith.maximumf %get3A_244, %max3A_246 : vector<16x1xf32>
      %get3A_248 = arith.constant 0 : index
      %get3A_249 = arith.constant 0 : index
      %get3A_250 = vector.load %arg12[%get3A_248, %get3A_249] : memref<16x1024xf32, #tpu.memory_space<vmem>>, vector<16x1024xf32>
      %div3A = vector.broadcast %max3A_247 : vector<16x1xf32> to vector<16x1024xf32>
      %div3A_251 = arith.divf %get3A_250, %div3A : vector<16x1024xf32>
      %get3A_252 = arith.constant 0 : index
      %get3A_253 = arith.constant 0 : index
      %get3A_254 = vector.load %arg5[%get3A_252, %get3A_253] : memref<1024x1024xf32, #tpu.memory_space<vmem>>, vector<1024x1024xf32>
      %dot_general3A_255 = arith.constant dense<0.000000e+00> : vector<16x1024xf32>
      %dot_general3A_256 = tpu.matmul %div3A_251, %get3A_254, %dot_general3A_255 {dimension_numbers = #tpu.dot_dimension_numbers<[1], [0], [0], [1], [0, 0, 1, 1], [], []>, transpose_lhs_hint = false} : vector<16x1024xf32>, vector<1024x1024xf32>, vector<16x1024xf32> -> vector<16x1024xf32>
      %get3A_257 = arith.constant 0 : index
      %get3A_258 = arith.constant 0 : index
      %get3A_259 = vector.load %arg6[%get3A_257, %get3A_258] : memref<1x1024xf32, #tpu.memory_space<vmem>>, vector<1x1024xf32>
      %add3A_260 = vector.broadcast %get3A_259 : vector<1x1024xf32> to vector<16x1024xf32>
      %add3A_261 = arith.addf %dot_general3A_256, %add3A_260 : vector<16x1024xf32>
      %max3A_262 = arith.constant 0.000000e+00 : f32
      %max3A_263 = vector.broadcast %max3A_262 : f32 to vector<16x1024xf32>
      %max3A_264 = arith.maximumf %add3A_261, %max3A_263 : vector<16x1024xf32>
      %get3A_265 = arith.constant 0 : index
      %get3A_266 = arith.constant 0 : index
      %get3A_267 = vector.load %arg7[%get3A_265, %get3A_266] : memref<1024x512xf32, #tpu.memory_space<vmem>>, vector<1024x512xf32>
      %dot_general3A_268 = arith.constant dense<0.000000e+00> : vector<16x512xf32>
      %dot_general3A_269 = tpu.matmul %max3A_264, %get3A_267, %dot_general3A_268 {dimension_numbers = #tpu.dot_dimension_numbers<[1], [0], [0], [1], [0, 0, 1, 1], [], []>, transpose_lhs_hint = false} : vector<16x1024xf32>, vector<1024x512xf32>, vector<16x512xf32> -> vector<16x512xf32>
      %get3A_270 = arith.constant 0 : index
      %get3A_271 = arith.constant 0 : index
      %get3A_272 = vector.load %arg8[%get3A_270, %get3A_271] : memref<1x512xf32, #tpu.memory_space<vmem>>, vector<1x512xf32>
      %add3A_273 = vector.broadcast %get3A_272 : vector<1x512xf32> to vector<16x512xf32>
      %add3A_274 = arith.addf %dot_general3A_269, %add3A_273 : vector<16x512xf32>
      %max3A_275 = arith.constant 0.000000e+00 : f32
      %max3A_276 = vector.broadcast %max3A_275 : f32 to vector<16x512xf32>
      %max3A_277 = arith.maximumf %add3A_274, %max3A_276 : vector<16x512xf32>
      %get3A_278 = arith.constant 0 : index
      %get3A_279 = arith.constant 0 : index
      %get3A_280 = vector.load %arg9[%get3A_278, %get3A_279] : memref<512x10xf32, #tpu.memory_space<vmem>>, vector<512x10xf32>
      %dot_general3A_281 = arith.constant dense<0.000000e+00> : vector<16x10xf32>
      %dot_general3A_282 = tpu.matmul %max3A_277, %get3A_280, %dot_general3A_281 {dimension_numbers = #tpu.dot_dimension_numbers<[1], [0], [0], [1], [0, 0, 1, 1], [], []>, transpose_lhs_hint = false} : vector<16x512xf32>, vector<512x10xf32>, vector<16x10xf32> -> vector<16x10xf32>
      %get3A_283 = arith.constant 0 : index
      %get3A_284 = arith.constant 0 : index
      %get3A_285 = vector.load %arg10[%get3A_283, %get3A_284] : memref<1x10xf32, #tpu.memory_space<vmem>>, vector<1x10xf32>
      %add3A_286 = vector.broadcast %get3A_285 : vector<1x10xf32> to vector<16x10xf32>
      %add3A_287 = arith.addf %dot_general3A_282, %add3A_286 : vector<16x10xf32>
      %reduce_max3A = arith.constant dense<0xFF800000> : vector<16xf32>
      %reduce_max3A_288 = vector.multi_reduction <maximumf>, %add3A_287, %reduce_max3A [1] : vector<16x10xf32> to vector<16xf32>
      %broadcast_in_dim3A_289 = vector.shape_cast %reduce_max3A_288 : vector<16xf32> to vector<16x1xf32>
      %sub3A = vector.broadcast %broadcast_in_dim3A_289 : vector<16x1xf32> to vector<16x10xf32>
      %sub3A_290 = arith.subf %add3A_287, %sub3A : vector<16x10xf32>
      %exp3A = math.exp %sub3A_290 : vector<16x10xf32>
      %reduce_sum3A_291 = arith.constant dense<0.000000e+00> : vector<16xf32>
      %reduce_sum3A_292 = vector.multi_reduction <add>, %exp3A, %reduce_sum3A_291 [1] : vector<16x10xf32> to vector<16xf32>
      %broadcast_in_dim3A_293 = vector.shape_cast %reduce_sum3A_292 : vector<16xf32> to vector<16x1xf32>
      %div3A_294 = vector.broadcast %broadcast_in_dim3A_293 : vector<16x1xf32> to vector<16x10xf32>
      %div3A_295 = arith.divf %exp3A, %div3A_294 : vector<16x10xf32>
      %swap3A_296 = arith.constant 0 : index
      %swap3A_297 = arith.constant 0 : index
      %swap3A_298 = vector.load %arg11[%swap3A_296, %swap3A_297] : memref<16x10xf32, #tpu.memory_space<vmem>>, vector<16x10xf32>
      tpu.vector_store %arg11[%swap3A_296, %swap3A_297], %div3A_295 {strides = array<i32>} : memref<16x10xf32, #tpu.memory_space<vmem>>, vector<16x10xf32>,
    } else {
    }
    return
  }
  func.func @transform_0(%arg0: i32) -> (i32, i32, i32) {
    %c0_i32 = arith.constant 0 : i32
    %c0_i32_0 = arith.constant 0 : i32
    %c0_i32_1 = arith.constant 0 : i32
    return %c0_i32, %arg0, %c0_i32_0 : i32, i32, i32
  }
  func.func @transform_1(%arg0: i32) -> (i32, i32) {
    %c0_i32 = arith.constant 0 : i32
    %c0_i32_0 = arith.constant 0 : i32
    return %arg0, %c0_i32 : i32, i32
  }
  func.func @transform_2(%arg0: i32) -> (i32, i32) {
    %c0_i32 = arith.constant 0 : i32
    %c0_i32_0 = arith.constant 0 : i32
    %c0_i32_1 = arith.constant 0 : i32
    return %c0_i32, %c0_i32_0 : i32, i32
  }
  func.func @transform_3(%arg0: i32) -> (i32, i32, i32) {
    %c0_i32 = arith.constant 0 : i32
    %c0_i32_0 = arith.constant 0 : i32
    %c0_i32_1 = arith.constant 0 : i32
    return %arg0, %c0_i32, %c0_i32_0 : i32, i32, i32
  }
  func.func @transform_4(%arg0: i32) -> (i32, i32) {
    %c0_i32 = arith.constant 0 : i32
    %c0_i32_0 = arith.constant 0 : i32
    %c0_i32_1 = arith.constant 0 : i32
    return %c0_i32, %c0_i32_0 : i32, i32
  }
  func.func @transform_5(%arg0: i32) -> (i32, i32) {
    %c0_i32 = arith.constant 0 : i32
    %c0_i32_0 = arith.constant 0 : i32
    %c0_i32_1 = arith.constant 0 : i32
    return %c0_i32, %c0_i32_0 : i32, i32
  }
  func.func @transform_6(%arg0: i32) -> (i32, i32) {
    %c0_i32 = arith.constant 0 : i32
    %c0_i32_0 = arith.constant 0 : i32
    %c0_i32_1 = arith.constant 0 : i32
    return %c0_i32, %c0_i32_0 : i32, i32
  }
  func.func @transform_7(%arg0: i32) -> (i32, i32) {
    %c0_i32 = arith.constant 0 : i32
    %c0_i32_0 = arith.constant 0 : i32
    %c0_i32_1 = arith.constant 0 : i32
    return %c0_i32, %c0_i32_0 : i32, i32
  }
  func.func @transform_8(%arg0: i32) -> (i32, i32) {
    %c0_i32 = arith.constant 0 : i32
    %c0_i32_0 = arith.constant 0 : i32
    %c0_i32_1 = arith.constant 0 : i32
    return %c0_i32, %c0_i32_0 : i32, i32
  }
  func.func @transform_9(%arg0: i32) -> (i32, i32) {
    %c0_i32 = arith.constant 0 : i32
    %c0_i32_0 = arith.constant 0 : i32
    %c0_i32_1 = arith.constant 0 : i32
    return %c0_i32, %c0_i32_0 : i32, i32
  }
  func.func @transform_10(%arg0: i32) -> (i32, i32) {
    %c0_i32 = arith.constant 0 : i32
    %c0_i32_0 = arith.constant 0 : i32
    %c0_i32_1 = arith.constant 0 : i32
    return %c0_i32, %c0_i32_0 : i32, i32
  }
}

</mosaic_0001>

<sc_bundles>
// kernel: kernel.11.cloned.1.call-start
scs
__scs_entry_jumppad:
0x0: {  	(pc) =	sbr.rel $0x88, $3  }
0x1: {  	(tag) =	ssettag $0x0;
	lr =	simm.s32 $0x1  }
0x2: {  	[smem:$0x3F93] =	sst lr;
	_ =	strace $0xD0000000  }
0x3: {  	_ = 	snop  }
0x4: {  	_ = 	snop  }
0x5: {  	_ = 	snop  }
0x6: {  	_ = 	snop  }
0x7: {  	_ = 	snop  }
__scs_overlays_trampoline_lowered:
0x8: {  	[smem:$0x3FA2] =	sst s0  }
0x9: {  	[smem:$0x3FA3] =	sst s1  }
0xa: {  	[smem:$0x3FA4] =	sst s2  }
0xb: {  	[smem:$0x3FA5] =	sst s3  }
0xc: {  	[smem:$0x3FA6] =	sst s4  }
0xd: {  	[smem:$0x3FA7] =	sst s5  }
0xe: {  	[smem:$0x3FA8] =	sst s6  }
0xf: {  	[smem:$0x3FA9] =	sst s7  }
0x10: {  	[smem:$0x3FAA] =	sst s8  }
0x11: {  	[smem:$0x3FAB] =	sst s9;
	s0 =	simm.s32 @!p0 $0x0  }
0x12: {  	s1 =	sld [smem:$0x3F91];
	s0 =	simm.s32 @p0 $0x1  }
0x13: {  	[smem:$0x3FAC] =	sst s0;
	s0 =	simm.s32 @!p1 $0x0  }
0x14: {  	s2 =	sld [smem:$0x3F90];
	s0 =	simm.s32 @p1 $0x1  }
0x15: {  	[smem:$0x3FAD] =	sst s0;
	s0 =	simm.s32 @!p2 $0x0  }
0x16: {  	s3 =	sld [smem:$0x3FDB];
	s0 =	simm.s32 @p2 $0x1  }
0x17: {  	s4 =	simm.s32 $0x1BF5;
	[smem:$0x3FAF] =	sst s0  }
0x18: {  	s0 =	sld [smem:$0x3F92];
	_ =	swait.ge [sflag:s4], $0x0  }
0x19: {  	s7 =	sld [smem:$0x3F93]  }
0x1a: {  	s8 =	sadd.s32 $0xFFFFE003, lr  }
0x1b: {  	s9 =	sadd.s32 $0xFFFFFEF7, lr;
	s5 =	simm.s32 $0xFFFFFFFF;
	p2 =	slt.u32 s8, $0xFFFFF086  }
0x1c: {  	p1 =	slt.u32 s9, $0xF7A;
	s5 =	simm.s32 @!p2 $0x0  }
0x1d: {  	s5 =	simm.s32 @p1 $0x1;
	p0 =	seq.s32 s7, s2  }
0x1e: {  	s7 =	smul.u32 @!p0 $0xF7A, s2;
	p2 =	seq.s32 @!p0 s5, $0x0  }
0x1f: {  	s9 =	smul.u32 $0xF7A, s1;
	s8 =	simm.s32 @!p0 $0x1BF5;
	p2 =	por !p2, p0  }
0x20: {  	[sflag:s8] =	ssyncset.s32 @!p0 $0xFFFFF086;
	s6 =	sadd.s32 @!p0 s3, s7;
	s7 =	simm.s32 @!p0 $0x108  }
0x21: {  	s3 =	sadd.s32 s3, s9;
	s6 =	sadd.s32 @!p0 $0x88, s6;
	s7 =	simm.s32 @p2 $0x1082  }
0x22: {  	[simem:s7], [sflag:s8] =	dma.local @!p0 [hbm:s6], $0xF7A  }
0x23: {  	s9 =	sor.u32 $0xD0000000, s2;
	s6 =	simm.s32 $0x108;
	_ =	swait.ge @!p0 [sflag:s8], $0x0  }
0x24: {  	s3 =	sadd.s32 $0x88, s3;
	s6 =	simm.s32 @!p1 $0x1082;
	[sflag:s4] =	ssyncset.s32 $0xFFFFF086  }
0x25: {  	[simem:s6], [sflag:s4] =	dma.local [hbm:s3], $0xF7A  }
0x26: {  	[smem:$0x3F93] =	sst s1;
	(tag) =	ssettag s2;
	_ =	strace s9  }
0x27: {  	s1 =	sld [smem:$0x3FA3]  }
0x28: {  	s2 =	sld [smem:$0x3FA4]  }
0x29: {  	s4 =	sld [smem:$0x3FA6]  }
0x2a: {  	p0 =	seq.s32 s5, $0x0;
	s5 =	sld [smem:$0x3FA7]  }
0x2b: {  	s6 =	sld [smem:$0x3FA8]  }
0x2c: {  	s7 =	sld [smem:$0x3FA9]  }
0x2d: {  	s3 =	simm.s32 $0x108;
	s8 =	sld [smem:$0x3FAA]  }
0x2e: {  	s3 =	simm.s32 @!p0 $0x1082;
	s9 =	sld [smem:$0x3FAB]  }
0x2f: {  	lr =	sadd.s32 s0, s3;
	s0 =	sld [smem:$0x3FA2]  }
0x30: {  	s3 =	sld [smem:$0x3FA5]  }
0x31: {  	[smem:$0x3FAE] =	sst s10  }
0x32: {  	s10 =	sld [smem:$0x3FAC];
	_ =	sdelay $0x3  }
0x33: {  	p0 =	seq.s32 s10, $0x1;
	s10 =	sld [smem:$0x3FAE];
	_ =	sdelay $0x3  }
0x34: {  	[smem:$0x3FAE] =	sst s10  }
0x35: {  	s10 =	sld [smem:$0x3FAD];
	_ =	sdelay $0x3  }
0x36: {  	p1 =	seq.s32 s10, $0x1;
	s10 =	sld [smem:$0x3FAE];
	_ =	sdelay $0x3  }
0x37: {  	[smem:$0x3FAE] =	sst s10  }
0x38: {  	s10 =	sld [smem:$0x3FAF]  }
0x39: {  	_ = 	snop;
	(pc) =	sbr.ind lr, $3  }
0x3a: {  	_ = 	snop  }
0x3b: {  	_ = 	snop  }
0x3c: {  	p2 =	seq.s32 s10, $0x1;
	s10 =	sld [smem:$0x3FAE]  }
0x3d: {  	_ =	shalt  }
0x3e: {  	_ =	shalt  }
0x3f: {  	_ =	shalt  }
0x40: {  	_ =	shalt  }
0x41: {  	_ =	shalt  }
0x42: {  	_ =	shalt  }
0x43: {  	_ =	shalt  }
0x44: {  	_ =	shalt  }
0x45: {  	_ =	shalt  }
0x46: {  	_ =	shalt  }
0x47: {  	_ =	shalt  }
0x48: {  	_ =	shalt  }
0x49: {  	_ =	shalt  }
0x4a: {  	_ =	shalt  }
0x4b: {  	_ =	shalt  }
0x4c: {  	_ =	shalt  }
0x4d: {  	_ =	shalt  }
0x4e: {  	_ =	shalt  }
0x4f: {  	_ =	shalt  }
0x50: {  	_ =	shalt  }
0x51: {  	_ =	shalt  }
0x52: {  	_ =	shalt  }
0x53: {  	_ =	shalt  }
0x54: {  	_ =	shalt  }
0x55: {  	_ =	shalt  }
0x56: {  	_ =	shalt  }
0x57: {  	_ =	shalt  }
0x58: {  	_ =	shalt  }
0x59: {  	_ =	shalt  }
0x5a: {  	_ =	shalt  }
0x5b: {  	_ =	shalt  }
0x5c: {  	_ =	shalt  }
0x5d: {  	_ =	shalt  }
0x5e: {  	_ =	shalt  }
0x5f: {  	_ =	shalt  }
0x60: {  	_ =	shalt  }
0x61: {  	_ =	shalt  }
0x62: {  	_ =	shalt  }
0x63: {  	_ =	shalt  }
0x64: {  	_ =	shalt  }
0x65: {  	_ =	shalt  }
0x66: {  	_ =	shalt  }
0x67: {  	_ =	shalt  }
0x68: {  	_ =	shalt  }
0x69: {  	_ =	shalt  }
0x6a: {  	_ =	shalt  }
0x6b: {  	_ =	shalt  }
0x6c: {  	_ =	shalt  }
0x6d: {  	_ =	shalt  }
0x6e: {  	_ =	shalt  }
0x6f: {  	_ =	shalt  }
0x70: {  	_ =	shalt  }
0x71: {  	_ =	shalt  }
0x72: {  	_ =	shalt  }
0x73: {  	_ =	shalt  }
0x74: {  	_ =	shalt  }
0x75: {  	_ =	shalt  }
0x76: {  	_ =	shalt  }
0x77: {  	_ =	shalt  }
0x78: {  	_ =	shalt  }
0x79: {  	_ =	shalt  }
0x7a: {  	_ =	shalt  }
0x7b: {  	_ =	shalt  }
0x7c: {  	_ =	shalt  }
0x7d: {  	_ =	shalt  }
0x7e: {  	_ =	shalt  }
0x7f: {  	_ =	shalt  }
0x80: {  	_ =	shalt  }
0x81: {  	_ =	shalt  }
0x82: {  	_ =	shalt  }
0x83: {  	_ =	shalt  }
0x84: {  	_ =	shalt  }
0x85: {  	_ =	shalt  }
0x86: {  	_ =	shalt  }
0x87: {  	_ =	shalt  }
.Lfunc_end0:
.L_simem_size_0:
called_computation.1_lowered:
.L_overlay_start_0:
0x88: {  	s2 =	sld [smem:$0x3FD9]  }
0x89: {  	s3 =	sld [smem:$0x3FFE];
	_ =	sdelay $0x1  }
0x8a: {  	s1 =	srdreg.scid  }
0x8b: {  	s0 =	sand.u32 $0x1, s1  }
0x8c: {  	s16 =	sshll.u32 s0, $0xA;
	s2 =	sadd.s32 s3, s2  }
0x8d: {  	s2 =	sadd.s32 s2, s16  }
0x8e: {  	[smem:$0x3FBA] =	sst s2  }
0x8f: {  	_ = 	snop  }
0x90: {  	(tm) =	ssettm $0x1  }
0x91: {  	s17 =	sld [smem:$0x3FFB];
	_ =	sdelay $0x3  }
0x92: {  	_ =	strace s17  }
0x93: {  	s2 =	sld [smem:$0x3FFC];
	_ =	sdelay $0x3  }
0x94: {  	_ =	strace s2  }
0x95: {  	s2 =	sld [smem:$0x3FFD];
	_ =	sdelay $0x3  }
0x96: {  	_ =	strace s2  }
0x97: {  	_ =	strace $0x8FFFFFFF  }
0x98: {  	s18 =	sld [smem:$0x3FDB];
	_ =	sdelay $0x1  }
0x99: {  	s19 =	simm.s32 $_scs_section_size  }
0x9a: {  	s4 =	simm.s32 $_size__tile_overlayer_lowered;
	s5 =	simm.s32 $_tile_overlayer_lowered  }
0x9b: {  	s22 =	simm.s32 $0x1BFF;
	s21 =	sshll.u32 s5, $0x1;
	s2 =	sadd.s32 s19, s18  }
0x9c: {  	s6 =	simm.s32 $0x0;
	s20 =	sshll.u32 s4, $0x1;
	s4 =	sadd.s32 s21, s2  }
0x9d: {  	[timem:s6], [sflag:s22] =	dma.local [hbm:s4], s20  }
0x9e: {  	_ =	swait.ge [sflag:s22], s20  }
0x9f: {  	s3 =	ssub.s32 $0x0, s20;
	[sflag:s22] =	ssyncset.done $0x0  }
0xa0: {  	[sflag:s22] =	ssyncadd.s32 s3;
	_ =	sdelay $0x1  }
0xa1: {  	s23 =	simm.s32 $0x1B8B  }
0xa2: {  	_ =	swait.ge [sflag:s23], $0x1  }
0xa3: {  	[sflag:s23] =	ssyncset.done $0x0  }
0xa4: {  	s25 =	simm.s32 $0x1B8E;
	s24 =	sld [smem:$0x3FFE];
	[sflag:s23] =	ssyncadd.s32 $0xFFFFFFFF  }
0xa5: {  	s26 =	simm.s32 $execute0_lowered;
	[smem:$0x3FD2] =	sst s25  }
0xa6: {  	s4 =	sshll.u32 s26, $0x1;
	_ =	strace $0x80000049;
	[dreg:$0x1] =	wrdreg $0xFFFFFFFF  }
0xa7: {  	s28 =	simm.s32 $_size_execute0_lowered;
	s2 =	sadd.s32 s2, s4;
	[dreg:$0x0] =	wrdreg $0x0  }
0xa8: {  	s4 =	sshll.u32 s28, $0x1;
	[dreg:$0x2] =	wrdreg s2  }
0xa9: {  	[dreg:$0x3] =	wrdreg s4  }
0xaa: {  	[dreg:$0x4] =	wrdreg $0xC0  }
0xab: {  	_ =	task [dreg:s6], $0x5FFFF  }
0xac: {  	[dreg:$0x1] =	wrdreg $0xFFFFFFFF  }
0xad: {  	[dreg:$0x0] =	wrdreg $0x60  }
0xae: {  	[dreg:$0x2] =	wrdreg s24  }
0xaf: {  	[dreg:$0x3] =	wrdreg $0x8CA00  }
0xb0: {  	[dreg:$0x4] =	wrdreg $0x9  }
0xb1: {  	_ =	task.clear_ibuf [dreg:s6], $0x5FFFF;
	_ =	strace $0x90000049  }
0xb2: {  	s29 =	simm.s32 $0x9;
	_ =	strace $0x8000004B  }
0xb3: {  	_ =	swait.ge [sflag:s29], $0x1  }
0xb4: {  	[sflag:s29] =	ssyncadd.s32 $0xFFFFFFFF  }
0xb5: {  	_ =	strace $0x9000004B  }
0xb6: {  	_ =	sfence  }
0xb7: {  	s30 =	sld [smem:$0x0];
	_ =	sdelay $0x2  }
0xb8: {  	s31 =	sshll.u32 s1, $0xD;
	s1 =	sshrl.u32 s1, $0x2  }
0xb9: {  	s3 =	sand.u32 $0x4000, s31;
	s1 =	sadd.s32 s1, s30  }
0xba: {  	s0 =	sor.u32 s3, s0;
	s1 =	sshll.u32 s1, $0x11  }
0xbb: {  	s0 =	sor.u32 s1, s0  }
0xbc: {  	s0 =	sadd.s32 $0x8F2B, s0  }
0xbd: {  	[sflag:s0] =	ssyncadd.remote.s32 $0x1  }
0xbe: {  	_ =	sfence.sel $0xFFFF  }
0xbf: {  	[dreg:$0x0] =	wrdreg $0xFFFFFFFF;
	(pc) =	sbr.abs _section_cstart, $3  }
0xc0: {  	[dreg:$0x1] =	wrdreg $0xFFFFFFFF  }
0xc1: {  	_ =	task.clear_ibuf [dreg:s6], $0x2FFFF;
	_ =	strace $0x9FFFFFFF  }
0xc2: {  	(tm) =	ssettm $0x7FFFFFFF  }
0xc3: {  	_ =	shalt  }
tec
execute0_lowered:
.L_overlay_start_1:
0x0: {  	(tag) =	ssettag $0x1  }
0x1: {  	s0 =	srdreg.scid;
	s1 =	rddreg [dreg:$0x0]  }
0x2: {  	s11 =	stileid.u32;
	s2 =	rddreg [dreg:$0x1];
	s3 =	simm.s32 $0x0  }
0x3: {  	s10 =	simm.s32 $0xB;
	s12 =	simm.s32 $0x50;
	s13 =	simm.s32 $0x4E20  }
0x4: {  	s14 =	simm.s32 $0x5AA0;
	s16 =	simm.s32 $0x6720;
	s18 =	simm.s32 $0x73A0  }
0x5: {  	s21 =	simm.s32 $0x1;
	s29 =	simm.s32 $0x3;
	s31 =	simm.s32 $0x7  }
0x6: {  	s17 =	simm.s32 $0x8;
	s30 =	simm.s32 $0x9;
	s4 =	smul.u32 $0x2710, s11  }
0x7: {  	s15 =	simm.s32 $0xA;
	s22 =	simm.s32 $0x0;
	s7 =	smul.u32 $0xC35, s11  }
0x8: {  	s0 =	sand.u32 $0x1, s0;
	[smem:$0x7FF] =	sst s3;
	s9 =	smul.u32 $0x186A0, s11  }
0x9: {  	s28 =	sshll.u32 s11, $0x6;
	s5 =	smul.u32 $0x27100, s0;
	_ =	strace $0x8000004A  }
0xa: {  	s6 =	smul.u32 $0xC350, s0;
	s0 =	ssub.s32 $0x2, s0;
	s19 =	sor.u32 $0x1C0B, s28  }
0xb: {  	s23 =	sshrl.u32 s0, $0x1;
	s9 =	sshrl.u32 s9, $0x2;
	s5 =	sadd.s32 s4, s5  }
0xc: {  	s4 =	sshrl.u32 s4, $0x3;
	s7 =	sadd.s32 s7, s6;
	s0 =	ssub.s32 s0, s23  }
0xd: {  	s25 =	sadd.s32 s9, s2;
	s23 =	simm.s32 $0x8020;
	s5 =	sshrl.u32 s5, $0x3  }
0xe: {  	s8 =	sadd.s32 s4, s1;
	s4 =	sadd.s32 $0x1B800, s1;
	s9 =	smax.u32 s0, $0x1  }
.Ltmp0:
0xf: {  	s20 =	sshrl.u32 s25, $0x3;
	s0 =	simm.s32 $0x4;
	(pc) =	sbr.rel .LBB2_1-.Ltmp0, $4  }
0x10: {  	s25 =	simm.s32 $0x5;
	s5 =	sadd.s32 s5, s1;
	s24 =	sadd.s32 $0x2C00, s8  }
0x11: {  	s1 =	sadd.s32 s7, s1;
	s26 =	sadd.s32 s4, s7;
	[dreg:$0x4] =	wrdreg s24  }
0x12: {  	s5 =	sadd.s32 $0x11A00, s5;
	[dreg:$0x5] =	wrdreg s26;
	s8 =	sadd.s32 $0x34000, s1  }
0x13: {  	s24 =	simm.s32 $0x2;
	s26 =	simm.s32 $0x6;
	[dreg:$0x3] =	wrdreg s5  }
.LBB2_4:
0x14: {  	_ =	swait.ge [sflag:s25], $0xC80  }
0x15: {  	[sflag:s25] =	ssyncset.done $0x0  }
0x16: {  	[sflag:s25] =	ssyncadd.s32 $0xFFFFF380  }
0x17: {  	[spmem:s2] =	stream.indirect.scatter.add.bf16 [tilespmem:s23], [sflag:$0xA], $0x28, s5, s12, $0xb8;
	[tilespmem:$0xEE48] =	vst v63  }
0x18: {  	_ =	swait.ge [sflag:s30], $0xC80  }
0x19: {  	[sflag:s30] =	ssyncset.done $0x0  }
0x1a: {  	[sflag:s30] =	ssyncadd.s32 $0xFFFFF380  }
0x1b: {  	_ =	swait.ge [sflag:s15], $0xC80  }
0x1c: {  	s22 =	sadd.s32 $0x1, s22;
	[sflag:s15] =	ssyncset.done $0x0  }
0x1d: {  	p0 =	sne.s32 s22, s9;
	[sflag:s15] =	ssyncadd.s32 $0xFFFFF380  }
.Ltmp1:
0x1e: {  	[bflag:$0x0] =	sbarrier.arrive $0xFFFF;
	(pc) =	sbr.rel @!p0 .LBB2_5-.Ltmp1, $4  }
0x1f: {  	[hbm:s8], [sflag:s19] =	dma.local [spmem:s20], $0xC35  }
0x20: {  	_ =	swait.ge [sflag:s10], $0xC35  }
0x21: {  	[sflag:s10] =	ssyncset.done $0x0  }
0x22: {  	[sflag:s10] =	ssyncadd.s32 $0xFFFFF3CB  }
.LBB2_1:
0x23: {  	s1 =	rddreg [dreg:$0x3]  }
0x24: {  	[tilespmem:s3], [sflag:$0xB] =	stream.linear.gather [hbm4b:s1+s3], $0x2710, $0x38;
	[tilespmem:$0xEE48] =	vst v63  }
0x25: {  	_ =	swait.ge [sflag:s10], $0x2710  }
0x26: {  	[sflag:s10] =	ssyncset.done $0x0  }
0x27: {  	s5 =	simm.s32 $0x2710;
	s7 =	rddreg [dreg:$0x4];
	[sflag:s10] =	ssyncadd.s32 $0xFFFFD8F0  }
0x28: {  	[tilespmem:s5], [sflag:$0xB] =	stream.linear.gather [hbm4b:s7+s3], $0x2710, $0x38;
	[tilespmem:$0xEE48] =	vst v63  }
0x29: {  	_ =	swait.ge [sflag:s10], $0x2710  }
0x2a: {  	[sflag:s10] =	ssyncset.done $0x0  }
0x2b: {  	[sflag:s10] =	ssyncadd.s32 $0xFFFFD8F0  }
0x2c: {  	[tilespmem:s13], [sflag:$0x1] =	stream.indirect.gather [hbm4b:s4+s12], $0x28, s3, s12, $0xb8;
	[tilespmem:$0xEE48] =	vst v63  }
0x2d: {  	_ = 	snop  }
0x2e: {  	[tilespmem:s14], [sflag:$0x2] =	stream.indirect.gather [hbm4b:s4+s12], $0x28, s12, s12, $0xb8;
	[tilespmem:$0xEE48] =	vst v63  }
0x2f: {  	s11 =	simm.s32 $0xA0  }
0x30: {  	[tilespmem:s16], [sflag:$0x3] =	stream.indirect.gather [hbm4b:s4+s12], $0x28, s11, s12, $0xb8;
	[tilespmem:$0xEE48] =	vst v63  }
0x31: {  	s6 =	simm.s32 $0xF0;
	s7 =	rddreg [dreg:$0x5]  }
0x32: {  	[tilespmem:s18], [sflag:$0x4] =	stream.indirect.gather [hbm4b:s4+s12], $0x28, s6, s12, $0xb8;
	[tilespmem:$0xEE48] =	vst v63  }
0x33: {  	[spmem:s20], [sflag:s19] =	dma.local [hbm:s7], $0xC35  }
0x34: {  	_ =	swait.ge [sflag:s10], $0xC35  }
0x35: {  	[sflag:s10] =	ssyncset.done $0x0  }
0x36: {  	[sflag:s10] =	ssyncadd.s32 $0xFFFFF3CB  }
0x37: {  	[bflag:$0x0] =	sbarrier.arrive $0xFFFF  }
0x38: {  	_ =	swait.ge [sflag:s21], $0xC80  }
0x39: {  	[sflag:s21] =	ssyncset.done $0x0  }
0x3a: {  	[sflag:s21] =	ssyncadd.s32 $0xFFFFF380  }
0x3b: {  	[spmem:s2] =	stream.indirect.scatter.add.bf16 [tilespmem:s13], [sflag:$0x6], $0x28, s5, s12, $0xb8;
	[tilespmem:$0xEE48] =	vst v63  }
0x3c: {  	s11 =	simm.s32 $0x140  }
0x3d: {  	[tilespmem:s23], [sflag:$0x5] =	stream.indirect.gather [hbm4b:s4+s12], $0x28, s11, s12, $0xb8;
	[tilespmem:$0xEE48] =	vst v63  }
0x3e: {  	_ =	swait.ge [sflag:s24], $0xC80  }
0x3f: {  	[sflag:s24] =	ssyncset.done $0x0  }
0x40: {  	s5 =	simm.s32 $0x2760;
	[sflag:s24] =	ssyncadd.s32 $0xFFFFF380  }
0x41: {  	[spmem:s2] =	stream.indirect.scatter.add.bf16 [tilespmem:s14], [sflag:$0x7], $0x28, s5, s12, $0xb8;
	[tilespmem:$0xEE48] =	vst v63  }
0x42: {  	_ =	swait.ge [sflag:s26], $0xC80  }
0x43: {  	[sflag:s26] =	ssyncset.done $0x0  }
0x44: {  	s6 =	simm.s32 $0x190;
	[sflag:s26] =	ssyncadd.s32 $0xFFFFF380  }
0x45: {  	[tilespmem:s13], [sflag:$0x1] =	stream.indirect.gather [hbm4b:s4+s12], $0x28, s6, s12, $0xb8;
	[tilespmem:$0xEE48] =	vst v63  }
0x46: {  	_ =	swait.ge [sflag:s29], $0xC80  }
0x47: {  	[sflag:s29] =	ssyncset.done $0x0  }
0x48: {  	s7 =	simm.s32 $0x27B0;
	[sflag:s29] =	ssyncadd.s32 $0xFFFFF380  }
0x49: {  	[spmem:s2] =	stream.indirect.scatter.add.bf16 [tilespmem:s16], [sflag:$0x8], $0x28, s7, s12, $0xb8;
	[tilespmem:$0xEE48] =	vst v63  }
0x4a: {  	_ =	swait.ge [sflag:s31], $0xC80  }
0x4b: {  	[sflag:s31] =	ssyncset.done $0x0  }
0x4c: {  	s11 =	simm.s32 $0x1E0;
	[sflag:s31] =	ssyncadd.s32 $0xFFFFF380  }
0x4d: {  	[tilespmem:s14], [sflag:$0x2] =	stream.indirect.gather [hbm4b:s4+s12], $0x28, s11, s12, $0xb8;
	[tilespmem:$0xEE48] =	vst v63  }
0x4e: {  	_ =	swait.ge [sflag:s0], $0xC80  }
0x4f: {  	[sflag:s0] =	ssyncset.done $0x0  }
0x50: {  	s5 =	simm.s32 $0x2800;
	[sflag:s0] =	ssyncadd.s32 $0xFFFFF380  }
0x51: {  	[spmem:s2] =	stream.indirect.scatter.add.bf16 [tilespmem:s18], [sflag:$0x9], $0x28, s5, s12, $0xb8;
	[tilespmem:$0xEE48] =	vst v63  }
0x52: {  	_ =	swait.ge [sflag:s17], $0xC80  }
0x53: {  	[sflag:s17] =	ssyncset.done $0x0  }
0x54: {  	s6 =	simm.s32 $0x230;
	[sflag:s17] =	ssyncadd.s32 $0xFFFFF380  }
0x55: {  	[tilespmem:s16], [sflag:$0x3] =	stream.indirect.gather [hbm4b:s4+s12], $0x28, s6, s12, $0xb8;
	[tilespmem:$0xEE48] =	vst v63  }
0x56: {  	_ =	swait.ge [sflag:s25], $0xC80  }
0x57: {  	[sflag:s25] =	ssyncset.done $0x0  }
0x58: {  	s7 =	simm.s32 $0x2850;
	[sflag:s25] =	ssyncadd.s32 $0xFFFFF380  }
0x59: {  	[spmem:s2] =	stream.indirect.scatter.add.bf16 [tilespmem:s23], [sflag:$0xA], $0x28, s7, s12, $0xb8;
	[tilespmem:$0xEE48] =	vst v63  }
0x5a: {  	_ =	swait.ge [sflag:s30], $0xC80  }
0x5b: {  	[sflag:s30] =	ssyncset.done $0x0  }
0x5c: {  	s28 =	simm.s32 $0x0;
	s11 =	simm.s32 $0x280;
	[sflag:s30] =	ssyncadd.s32 $0xFFFFF380  }
0x5d: {  	[tilespmem:s18], [sflag:$0x4] =	stream.indirect.gather [hbm4b:s4+s12], $0x28, s11, s12, $0xb8;
	[tilespmem:$0xEE48] =	vst v63  }
.LBB2_2:
0x5e: {  	_ =	swait.ge [sflag:s21], $0xC80  }
0x5f: {  	s1 =	sshra.s32 s28, $0x2;
	[sflag:s21] =	ssyncset.done $0x0  }
0x60: {  	s5 =	sadd.s32 $0x28A0, s1;
	[sflag:s21] =	ssyncadd.s32 $0xFFFFF380  }
0x61: {  	[spmem:s2] =	stream.indirect.scatter.add.bf16 [tilespmem:s13], [sflag:$0x6], $0x28, s5, s12, $0xb8;
	[tilespmem:$0xEE48] =	vst v63  }
0x62: {  	_ =	swait.ge [sflag:s15], $0xC80  }
0x63: {  	[sflag:s15] =	ssyncset.done $0x0  }
0x64: {  	s6 =	sadd.s32 $0x2D0, s1;
	[sflag:s15] =	ssyncadd.s32 $0xFFFFF380  }
0x65: {  	[tilespmem:s23], [sflag:$0x5] =	stream.indirect.gather [hbm4b:s4+s12], $0x28, s6, s12, $0xb8;
	[tilespmem:$0xEE48] =	vst v63  }
0x66: {  	_ =	swait.ge [sflag:s24], $0xC80  }
0x67: {  	[sflag:s24] =	ssyncset.done $0x0  }
0x68: {  	s7 =	sadd.s32 $0x28F0, s1;
	[sflag:s24] =	ssyncadd.s32 $0xFFFFF380  }
0x69: {  	[spmem:s2] =	stream.indirect.scatter.add.bf16 [tilespmem:s14], [sflag:$0x7], $0x28, s7, s12, $0xb8;
	[tilespmem:$0xEE48] =	vst v63  }
0x6a: {  	_ =	swait.ge [sflag:s26], $0xC80  }
0x6b: {  	p0 =	seq.s32 s28, $0x8FC0;
	[sflag:s26] =	ssyncset.done $0x0  }
0x6c: {  	s5 =	simm.s32 @p0 $0x3;
	[sflag:s26] =	ssyncadd.s32 $0xFFFFF380  }
0x6d: {  	_ =	swait.ge @p0 [sflag:s5], $0xC80  }
0x6e: {  	[sflag:s5] =	ssyncset.done @p0 $0x0  }
0x6f: {  	[sflag:s5] =	ssyncadd.s32 @p0 $0xFFFFF380;
	s5 =	sshra.s32 @p0 s28, $0x2  }
0x70: {  	s6 =	simm.s32 @p0 $0x50;
	s7 =	simm.s32 @p0 $0x6720;
	s5 =	sadd.s32 @p0 $0x2940, s5  }
0x71: {  	[spmem:s2] =	stream.indirect.scatter.add.bf16 @p0 [tilespmem:s7], [sflag:$0x8], $0x28, s5, s6, $0xb8;
	[tilespmem:$0xEE48] =	vst v63  }
0x72: {  	s5 =	simm.s32 @p0 $0x7  }
0x73: {  	_ =	swait.ge @p0 [sflag:s5], $0xC80  }
0x74: {  	[sflag:s5] =	ssyncset.done @p0 $0x0  }
0x75: {  	[sflag:s5] =	ssyncadd.s32 @p0 $0xFFFFF380;
	s5 =	sshra.s32 @!p0 s28, $0x2  }
0x76: {  	s11 =	simm.s32 @!p0 $0x4E20;
	s7 =	simm.s32 @!p0 $0x50;
	s6 =	sadd.s32 @!p0 $0x320, s5  }
0x77: {  	[tilespmem:s11], [sflag:$0x1] =	stream.indirect.gather @!p0 [hbm4b:s4+s7], $0x28, s6, s7, $0xb8;
	[tilespmem:$0xEE48] =	vst v63  }
0x78: {  	s6 =	simm.s32 @!p0 $0x3  }
0x79: {  	_ =	swait.ge @!p0 [sflag:s6], $0xC80  }
0x7a: {  	[sflag:s6] =	ssyncset.done @!p0 $0x0  }
0x7b: {  	s11 =	simm.s32 @!p0 $0x6720;
	[sflag:s6] =	ssyncadd.s32 @!p0 $0xFFFFF380;
	s6 =	sadd.s32 @!p0 $0x2940, s5  }
0x7c: {  	[spmem:s2] =	stream.indirect.scatter.add.bf16 @!p0 [tilespmem:s11], [sflag:$0x8], $0x28, s6, s7, $0xb8;
	[tilespmem:$0xEE48] =	vst v63  }
0x7d: {  	s6 =	simm.s32 @!p0 $0x7  }
0x7e: {  	_ =	swait.ge @!p0 [sflag:s6], $0xC80  }
0x7f: {  	[sflag:s6] =	ssyncset.done @!p0 $0x0  }
0x80: {  	s5 =	sadd.s32 @!p0 $0x370, s5;
	[sflag:s6] =	ssyncadd.s32 @!p0 $0xFFFFF380;
	s6 =	simm.s32 @!p0 $0x5AA0  }
0x81: {  	[tilespmem:s6], [sflag:$0x2] =	stream.indirect.gather @!p0 [hbm4b:s4+s7], $0x28, s5, s7, $0xb8;
	[tilespmem:$0xEE48] =	vst v63  }
0x82: {  	_ =	swait.ge [sflag:s0], $0xC80  }
0x83: {  	[sflag:s0] =	ssyncset.done $0x0  }
.Ltmp2:
0x84: {  	s11 =	sadd.s32 $0x2990, s1;
	[sflag:s0] =	ssyncadd.s32 $0xFFFFF380;
	(pc) =	sbr.rel @p0 .LBB2_4-.Ltmp2, $4  }
0x85: {  	[spmem:s2] =	stream.indirect.scatter.add.bf16 [tilespmem:s18], [sflag:$0x9], $0x28, s11, s12, $0xb8;
	[tilespmem:$0xEE48] =	vst v63  }
0x86: {  	_ =	swait.ge [sflag:s17], $0xC80  }
0x87: {  	[sflag:s17] =	ssyncset.done $0x0  }
0x88: {  	s5 =	sadd.s32 $0x29E0, s1;
	[sflag:s17] =	ssyncadd.s32 $0xFFFFF380  }
0x89: {  	s6 =	sadd.s32 $0x3C0, s1  }
0x8a: {  	[tilespmem:s16], [sflag:$0x3] =	stream.indirect.gather [hbm4b:s4+s12], $0x28, s6, s12, $0xb8;
	[tilespmem:$0xEE48] =	vst v63  }
0x8b: {  	_ =	swait.ge [sflag:s25], $0xC80  }
0x8c: {  	[sflag:s25] =	ssyncset.done $0x0  }
0x8d: {  	[sflag:s25] =	ssyncadd.s32 $0xFFFFF380  }
0x8e: {  	[spmem:s2] =	stream.indirect.scatter.add.bf16 [tilespmem:s23], [sflag:$0xA], $0x28, s5, s12, $0xb8;
	[tilespmem:$0xEE48] =	vst v63  }
.Ltmp3:
0x8f: {  	_ = 	snop;
	(pc) =	sbr.rel .LBB2_2-.Ltmp3, $4  }
0x90: {  	_ =	swait.ge [sflag:s30], $0xC80  }
0x91: {  	[sflag:s30] =	ssyncset.done $0x0  }
0x92: {  	s11 =	sadd.s32 $0x410, s1;
	s28 =	sadd.s32 $0x640, s28;
	[sflag:s30] =	ssyncadd.s32 $0xFFFFF380  }
0x93: {  	[tilespmem:s18], [sflag:$0x4] =	stream.indirect.gather [hbm4b:s4+s12], $0x28, s11, s12, $0xb8;
	[tilespmem:$0xEE48] =	vst v63  }
.LBB2_5:
0x94: {  	_ =	sfence.sel $0x180000  }
0x95: {  	[bflag:$0x0] =	sbarrier.arrive $0xFFFF  }
0x96: {  	_ =	strace $0x9000004A  }
0x97: {  	s0 =	stileid.u32;
	[bflag:$0x2] =	sbarrier.arrive $0xFFFF  }
0x98: {  	p0 =	sne.s32 s0, $0x0;
	s0 =	rddreg [dreg:$0x2]  }
0x99: {  	s0 =	sadd.s32 @!p0 $0x100000, s0  }
0x9a: {  	[sflag:s0] =	ssyncadd.tile.s32 @!p0 $0x1;
	_ =	shalt  }
.Lfunc_end2:
_tile_overlayer_lowered:
.L_overlay_start_2:
0x9b: {  	(tag) =	ssettag $0x2  }
0x9c: {  	s0 =	rddreg [dreg:$0x0];
	s2 =	stileid.u32  }
0x9d: {  	s1 =	rddreg [dreg:$0x1];
	p0 =	sne.s32 s2, $0x0  }
0x9e: {  	s3 =	rddreg [dreg:$0x2];
	[bflag:$0x3] =	sbarrier.arrive $0xFFFF;
	s2 =	simm.s32 @!p0 $0x1C0B  }
0x9f: {  	[timem:s3], [sflag:s2] =	dma.local @!p0 [hbm:s0], s1  }
0xa0: {  	s0 =	simm.s32 @!p0 $0xB  }
0xa1: {  	_ =	swait.ge @!p0 [sflag:s0], s1  }
0xa2: {  	s1 =	ssub.s32 @!p0 $0x0, s1;
	[sflag:s0] =	ssyncset.done @!p0 $0x0  }
0xa3: {  	[sflag:s0] =	ssyncadd.s32 @!p0 s1  }
0xa4: {  	[bflag:$0x3] =	sbarrier.arrive $0xFFFF  }
0xa5: {  	_ =	shalt  }

// kernel: kernel.14.cloned.1.call-start
scs
__scs_entry_jumppad:
0x0: {  	(pc) =	sbr.rel $0x88, $3  }
0x1: {  	(tag) =	ssettag $0x0;
	lr =	simm.s32 $0x1  }
0x2: {  	[smem:$0x3F93] =	sst lr;
	_ =	strace $0xD0000000  }
0x3: {  	_ = 	snop  }
0x4: {  	_ = 	snop  }
0x5: {  	_ = 	snop  }
0x6: {  	_ = 	snop  }
0x7: {  	_ = 	snop  }
__scs_overlays_trampoline_lowered:
0x8: {  	[smem:$0x3FA2] =	sst s0  }
0x9: {  	[smem:$0x3FA3] =	sst s1  }
0xa: {  	[smem:$0x3FA4] =	sst s2  }
0xb: {  	[smem:$0x3FA5] =	sst s3  }
0xc: {  	[smem:$0x3FA6] =	sst s4  }
0xd: {  	[smem:$0x3FA7] =	sst s5  }
0xe: {  	[smem:$0x3FA8] =	sst s6  }
0xf: {  	[smem:$0x3FA9] =	sst s7  }
0x10: {  	[smem:$0x3FAA] =	sst s8  }
0x11: {  	[smem:$0x3FAB] =	sst s9;
	s0 =	simm.s32 @!p0 $0x0  }
0x12: {  	s1 =	sld [smem:$0x3F91];
	s0 =	simm.s32 @p0 $0x1  }
0x13: {  	[smem:$0x3FAC] =	sst s0;
	s0 =	simm.s32 @!p1 $0x0  }
0x14: {  	s2 =	sld [smem:$0x3F90];
	s0 =	simm.s32 @p1 $0x1  }
0x15: {  	[smem:$0x3FAD] =	sst s0;
	s0 =	simm.s32 @!p2 $0x0  }
0x16: {  	s3 =	sld [smem:$0x3FDB];
	s0 =	simm.s32 @p2 $0x1  }
0x17: {  	s4 =	simm.s32 $0x1BF5;
	[smem:$0x3FAF] =	sst s0  }
0x18: {  	s0 =	sld [smem:$0x3F92];
	_ =	swait.ge [sflag:s4], $0x0  }
0x19: {  	s7 =	sld [smem:$0x3F93]  }
0x1a: {  	s8 =	sadd.s32 $0xFFFFE003, lr  }
0x1b: {  	s9 =	sadd.s32 $0xFFFFFEF7, lr;
	s5 =	simm.s32 $0xFFFFFFFF;
	p2 =	slt.u32 s8, $0xFFFFF086  }
0x1c: {  	p1 =	slt.u32 s9, $0xF7A;
	s5 =	simm.s32 @!p2 $0x0  }
0x1d: {  	s5 =	simm.s32 @p1 $0x1;
	p0 =	seq.s32 s7, s2  }
0x1e: {  	s7 =	smul.u32 @!p0 $0xF7A, s2;
	p2 =	seq.s32 @!p0 s5, $0x0  }
0x1f: {  	s9 =	smul.u32 $0xF7A, s1;
	s8 =	simm.s32 @!p0 $0x1BF5;
	p2 =	por !p2, p0  }
0x20: {  	[sflag:s8] =	ssyncset.s32 @!p0 $0xFFFFF086;
	s6 =	sadd.s32 @!p0 s3, s7;
	s7 =	simm.s32 @!p0 $0x108  }
0x21: {  	s3 =	sadd.s32 s3, s9;
	s6 =	sadd.s32 @!p0 $0x88, s6;
	s7 =	simm.s32 @p2 $0x1082  }
0x22: {  	[simem:s7], [sflag:s8] =	dma.local @!p0 [hbm:s6], $0xF7A  }
0x23: {  	s9 =	sor.u32 $0xD0000000, s2;
	s6 =	simm.s32 $0x108;
	_ =	swait.ge @!p0 [sflag:s8], $0x0  }
0x24: {  	s3 =	sadd.s32 $0x88, s3;
	s6 =	simm.s32 @!p1 $0x1082;
	[sflag:s4] =	ssyncset.s32 $0xFFFFF086  }
0x25: {  	[simem:s6], [sflag:s4] =	dma.local [hbm:s3], $0xF7A  }
0x26: {  	[smem:$0x3F93] =	sst s1;
	(tag) =	ssettag s2;
	_ =	strace s9  }
0x27: {  	s1 =	sld [smem:$0x3FA3]  }
0x28: {  	s2 =	sld [smem:$0x3FA4]  }
0x29: {  	s4 =	sld [smem:$0x3FA6]  }
0x2a: {  	p0 =	seq.s32 s5, $0x0;
	s5 =	sld [smem:$0x3FA7]  }
0x2b: {  	s6 =	sld [smem:$0x3FA8]  }
0x2c: {  	s7 =	sld [smem:$0x3FA9]  }
0x2d: {  	s3 =	simm.s32 $0x108;
	s8 =	sld [smem:$0x3FAA]  }
0x2e: {  	s3 =	simm.s32 @!p0 $0x1082;
	s9 =	sld [smem:$0x3FAB]  }
0x2f: {  	lr =	sadd.s32 s0, s3;
	s0 =	sld [smem:$0x3FA2]  }
0x30: {  	s3 =	sld [smem:$0x3FA5]  }
0x31: {  	[smem:$0x3FAE] =	sst s10  }
0x32: {  	s10 =	sld [smem:$0x3FAC];
	_ =	sdelay $0x3  }
0x33: {  	p0 =	seq.s32 s10, $0x1;
	s10 =	sld [smem:$0x3FAE];
	_ =	sdelay $0x3  }
0x34: {  	[smem:$0x3FAE] =	sst s10  }
0x35: {  	s10 =	sld [smem:$0x3FAD];
	_ =	sdelay $0x3  }
0x36: {  	p1 =	seq.s32 s10, $0x1;
	s10 =	sld [smem:$0x3FAE];
	_ =	sdelay $0x3  }
0x37: {  	[smem:$0x3FAE] =	sst s10  }
0x38: {  	s10 =	sld [smem:$0x3FAF]  }
0x39: {  	_ = 	snop;
	(pc) =	sbr.ind lr, $3  }
0x3a: {  	_ = 	snop  }
0x3b: {  	_ = 	snop  }
0x3c: {  	p2 =	seq.s32 s10, $0x1;
	s10 =	sld [smem:$0x3FAE]  }
0x3d: {  	_ =	shalt  }
0x3e: {  	_ =	shalt  }
0x3f: {  	_ =	shalt  }
0x40: {  	_ =	shalt  }
0x41: {  	_ =	shalt  }
0x42: {  	_ =	shalt  }
0x43: {  	_ =	shalt  }
0x44: {  	_ =	shalt  }
0x45: {  	_ =	shalt  }
0x46: {  	_ =	shalt  }
0x47: {  	_ =	shalt  }
0x48: {  	_ =	shalt  }
0x49: {  	_ =	shalt  }
0x4a: {  	_ =	shalt  }
0x4b: {  	_ =	shalt  }
0x4c: {  	_ =	shalt  }
0x4d: {  	_ =	shalt  }
0x4e: {  	_ =	shalt  }
0x4f: {  	_ =	shalt  }
0x50: {  	_ =	shalt  }
0x51: {  	_ =	shalt  }
0x52: {  	_ =	shalt  }
0x53: {  	_ =	shalt  }
0x54: {  	_ =	shalt  }
0x55: {  	_ =	shalt  }
0x56: {  	_ =	shalt  }
0x57: {  	_ =	shalt  }
0x58: {  	_ =	shalt  }
0x59: {  	_ =	shalt  }
0x5a: {  	_ =	shalt  }
0x5b: {  	_ =	shalt  }
0x5c: {  	_ =	shalt  }
0x5d: {  	_ =	shalt  }
0x5e: {  	_ =	shalt  }
0x5f: {  	_ =	shalt  }
0x60: {  	_ =	shalt  }
0x61: {  	_ =	shalt  }
0x62: {  	_ =	shalt  }
0x63: {  	_ =	shalt  }
0x64: {  	_ =	shalt  }
0x65: {  	_ =	shalt  }
0x66: {  	_ =	shalt  }
0x67: {  	_ =	shalt  }
0x68: {  	_ =	shalt  }
0x69: {  	_ =	shalt  }
0x6a: {  	_ =	shalt  }
0x6b: {  	_ =	shalt  }
0x6c: {  	_ =	shalt  }
0x6d: {  	_ =	shalt  }
0x6e: {  	_ =	shalt  }
0x6f: {  	_ =	shalt  }
0x70: {  	_ =	shalt  }
0x71: {  	_ =	shalt  }
0x72: {  	_ =	shalt  }
0x73: {  	_ =	shalt  }
0x74: {  	_ =	shalt  }
0x75: {  	_ =	shalt  }
0x76: {  	_ =	shalt  }
0x77: {  	_ =	shalt  }
0x78: {  	_ =	shalt  }
0x79: {  	_ =	shalt  }
0x7a: {  	_ =	shalt  }
0x7b: {  	_ =	shalt  }
0x7c: {  	_ =	shalt  }
0x7d: {  	_ =	shalt  }
0x7e: {  	_ =	shalt  }
0x7f: {  	_ =	shalt  }
0x80: {  	_ =	shalt  }
0x81: {  	_ =	shalt  }
0x82: {  	_ =	shalt  }
0x83: {  	_ =	shalt  }
0x84: {  	_ =	shalt  }
0x85: {  	_ =	shalt  }
0x86: {  	_ =	shalt  }
0x87: {  	_ =	shalt  }
.Lfunc_end0:
.L_simem_size_0:
called_computation.2_lowered:
.L_overlay_start_0:
0x88: {  	s2 =	sld [smem:$0x3FD9]  }
0x89: {  	s3 =	sld [smem:$0x3FFE];
	_ =	sdelay $0x1  }
0x8a: {  	s1 =	srdreg.scid  }
0x8b: {  	s0 =	sand.u32 $0x1, s1  }
0x8c: {  	s16 =	sshll.u32 s0, $0xA;
	s2 =	sadd.s32 s3, s2  }
0x8d: {  	s2 =	sadd.s32 s2, s16  }
0x8e: {  	[smem:$0x3FBA] =	sst s2  }
0x8f: {  	_ = 	snop  }
0x90: {  	(tm) =	ssettm $0x1  }
0x91: {  	s17 =	sld [smem:$0x3FFB];
	_ =	sdelay $0x3  }
0x92: {  	_ =	strace s17  }
0x93: {  	s2 =	sld [smem:$0x3FFC];
	_ =	sdelay $0x3  }
0x94: {  	_ =	strace s2  }
0x95: {  	s2 =	sld [smem:$0x3FFD];
	_ =	sdelay $0x3  }
0x96: {  	_ =	strace s2  }
0x97: {  	_ =	strace $0x8FFFFFFF  }
0x98: {  	s18 =	sld [smem:$0x3FDB];
	_ =	sdelay $0x1  }
0x99: {  	s19 =	simm.s32 $_scs_section_size  }
0x9a: {  	s4 =	simm.s32 $_size__tile_overlayer_lowered;
	s5 =	simm.s32 $_tile_overlayer_lowered  }
0x9b: {  	s22 =	simm.s32 $0x1BFF;
	s21 =	sshll.u32 s5, $0x1;
	s2 =	sadd.s32 s19, s18  }
0x9c: {  	s6 =	simm.s32 $0x0;
	s20 =	sshll.u32 s4, $0x1;
	s4 =	sadd.s32 s21, s2  }
0x9d: {  	[timem:s6], [sflag:s22] =	dma.local [hbm:s4], s20  }
0x9e: {  	_ =	swait.ge [sflag:s22], s20  }
0x9f: {  	s3 =	ssub.s32 $0x0, s20;
	[sflag:s22] =	ssyncset.done $0x0  }
0xa0: {  	[sflag:s22] =	ssyncadd.s32 s3;
	_ =	sdelay $0x1  }
0xa1: {  	s23 =	simm.s32 $0x1B8B  }
0xa2: {  	_ =	swait.ge [sflag:s23], $0x1  }
0xa3: {  	[sflag:s23] =	ssyncset.done $0x0  }
0xa4: {  	s25 =	simm.s32 $0x1B8E;
	s24 =	sld [smem:$0x3FFE];
	[sflag:s23] =	ssyncadd.s32 $0xFFFFFFFF  }
0xa5: {  	s26 =	simm.s32 $execute0_lowered;
	[smem:$0x3FD2] =	sst s25  }
0xa6: {  	s4 =	sshll.u32 s26, $0x1;
	_ =	strace $0x8000004C;
	[dreg:$0x1] =	wrdreg $0xFFFFFFFF  }
0xa7: {  	s28 =	simm.s32 $_size_execute0_lowered;
	s2 =	sadd.s32 s2, s4;
	[dreg:$0x0] =	wrdreg $0x0  }
0xa8: {  	s4 =	sshll.u32 s28, $0x1;
	[dreg:$0x2] =	wrdreg s2  }
0xa9: {  	[dreg:$0x3] =	wrdreg s4  }
0xaa: {  	[dreg:$0x4] =	wrdreg $0xC0  }
0xab: {  	_ =	task [dreg:s6], $0x5FFFF  }
0xac: {  	[dreg:$0x1] =	wrdreg $0xFFFFFFFF  }
0xad: {  	[dreg:$0x0] =	wrdreg $0x60  }
0xae: {  	[dreg:$0x2] =	wrdreg s24  }
0xaf: {  	[dreg:$0x3] =	wrdreg $0xB2200  }
0xb0: {  	[dreg:$0x4] =	wrdreg $0x9  }
0xb1: {  	_ =	task.clear_ibuf [dreg:s6], $0x5FFFF;
	_ =	strace $0x9000004C  }
0xb2: {  	s29 =	simm.s32 $0x9;
	_ =	strace $0x8000004E  }
0xb3: {  	_ =	swait.ge [sflag:s29], $0x1  }
0xb4: {  	[sflag:s29] =	ssyncadd.s32 $0xFFFFFFFF  }
0xb5: {  	_ =	strace $0x9000004E  }
0xb6: {  	_ =	sfence  }
0xb7: {  	s30 =	sld [smem:$0x0];
	_ =	sdelay $0x2  }
0xb8: {  	s31 =	sshll.u32 s1, $0xD;
	s1 =	sshrl.u32 s1, $0x2  }
0xb9: {  	s3 =	sand.u32 $0x4000, s31;
	s1 =	sadd.s32 s1, s30  }
0xba: {  	s0 =	sor.u32 s3, s0;
	s1 =	sshll.u32 s1, $0x11  }
0xbb: {  	s0 =	sor.u32 s1, s0  }
0xbc: {  	s0 =	sadd.s32 $0x8F2B, s0  }
0xbd: {  	[sflag:s0] =	ssyncadd.remote.s32 $0x1  }
0xbe: {  	_ =	sfence.sel $0xFFFF  }
0xbf: {  	[dreg:$0x0] =	wrdreg $0xFFFFFFFF;
	(pc) =	sbr.abs _section_cstart, $3  }
0xc0: {  	[dreg:$0x1] =	wrdreg $0xFFFFFFFF  }
0xc1: {  	_ =	task.clear_ibuf [dreg:s6], $0x2FFFF;
	_ =	strace $0x9FFFFFFF  }
0xc2: {  	(tm) =	ssettm $0x7FFFFFFF  }
0xc3: {  	_ =	shalt  }
tec
execute0_lowered:
.L_overlay_start_1:
0x0: {  	(tag) =	ssettag $0x1  }
0x1: {  	s0 =	rddreg [dreg:$0x0]  }
0x2: {  	s2 =	rddreg [dreg:$0x1]  }
0x3: {  	s11 =	stileid.u32;
	s3 =	simm.s32 $0x0;
	s4 =	srdreg.scid  }
0x4: {  	s29 =	simm.s32 $0x8A20;
	s30 =	simm.s32 $0x1;
	s28 =	simm.s32 $0x0  }
0x5: {  	s1 =	smul.u32 $0x2710, s11;
	[smem:$0x7FF] =	sst s3;
	s5 =	sadd.s32 $0x4C800, s0  }
0x6: {  	s7 =	sand.u32 $0x1, s4;
	s4 =	sadd.s32 $0x10FE00, s0;
	s13 =	smul.u32 $0x27100, s11  }
0x7: {  	_ =	strace $0x8000004D;
	s6 =	ssub.s32 $0x2, s7;
	s8 =	smul.u32 $0x9C400, s7  }
0x8: {  	s14 =	smul.u32 $0x9C40, s7;
	s10 =	sshrl.u32 s1, $0x3;
	s9 =	sshrl.u32 s6, $0x1  }
0x9: {  	s3 =	sadd.s32 s10, s0;
	s0 =	sadd.s32 $0x73A00, s0;
	s10 =	smul.u32 $0x271, s11  }
0xa: {  	s9 =	ssub.s32 s6, s9;
	s12 =	sadd.s32 s1, s8;
	s8 =	sshrl.u32 s13, $0x2  }
0xb: {  	s6 =	sshrl.u32 s12, $0x3;
	s12 =	sshll.u32 s7, $0x2;
	s8 =	sadd.s32 s8, s2  }
0xc: {  	s7 =	sshllo.u32 s7, $0x2;
	s31 =	smax.u32 s9, $0x1;
	s9 =	simm.s32 $0x3  }
0xd: {  	s6 =	sadd.s32 s5, s6;
	s15 =	sor.u32 $0x1, s12;
	s22 =	smul.u32 $0x27100, s7  }
0xe: {  	s11 =	sadd.s32 s10, s14;
	[dreg:$0x4] =	wrdreg s8;
	s7 =	smul.u32 $0x2710, s7  }
0xf: {  	s18 =	sor.u32 $0x2, s12;
	[dreg:$0x3] =	wrdreg s6;
	s13 =	smul.u32 $0x27100, s15  }
0x10: {  	s6 =	sadd.s32 $0x2C00, s3;
	s16 =	sshll.u32 s11, $0x3;
	s3 =	smul.u32 $0x2710, s15  }
0x11: {  	[dreg:$0x10] =	wrdreg s31;
	s19 =	smul.u32 $0x27100, s18;
	s11 =	sadd.s32 s4, s16  }
0x12: {  	s15 =	simm.s32 $0x8;
	s8 =	sadd.s32 s0, s16;
	[dreg:$0x5] =	wrdreg s11  }
0x13: {  	s7 =	sadd.s32 s10, s7;
	[dreg:$0x6] =	wrdreg s8;
	s17 =	sadd.s32 s1, s13  }
0x14: {  	s3 =	sadd.s32 s10, s3;
	s11 =	smul.u32 $0x2710, s18;
	s21 =	sadd.s32 s1, s19  }
0x15: {  	s1 =	sadd.s32 s1, s22;
	s25 =	sshll.u32 s7, $0x3;
	s22 =	simm.s32 $0x50  }
0x16: {  	s7 =	simm.s32 $0x6;
	s13 =	simm.s32 $0x4;
	s19 =	simm.s32 $0x9  }
0x17: {  	s8 =	sshrl.u32 s17, $0x3;
	s3 =	sshll.u32 s3, $0x3;
	s26 =	sadd.s32 s4, s25  }
0x18: {  	s1 =	sshrl.u32 s1, $0x3;
	s8 =	sadd.s32 s5, s8;
	[dreg:$0xe] =	wrdreg s26  }
0x19: {  	s17 =	simm.s32 $0x5;
	s20 =	sadd.s32 s4, s3;
	[dreg:$0x7] =	wrdreg s8  }
0x1a: {  	s3 =	sadd.s32 s0, s3;
	s11 =	sadd.s32 s10, s11;
	[dreg:$0x8] =	wrdreg s20  }
0x1b: {  	s1 =	sadd.s32 s5, s1;
	s26 =	simm.s32 $0x7620;
	[dreg:$0x9] =	wrdreg s3  }
0x1c: {  	s3 =	sshrl.u32 s21, $0x3;
	s23 =	sshll.u32 s11, $0x3;
	[dreg:$0xd] =	wrdreg s1  }
0x1d: {  	s20 =	simm.s32 $0xB;
	s21 =	simm.s32 $0x2710;
	s3 =	sadd.s32 s5, s3  }
.Ltmp0:
0x1e: {  	s24 =	sadd.s32 s4, s23;
	[dreg:$0xa] =	wrdreg s3;
	(pc) =	sbr.rel .LBB2_1-.Ltmp0, $4  }
0x1f: {  	s1 =	simm.s32 $0x2;
	s11 =	simm.s32 $0x7;
	[dreg:$0xb] =	wrdreg s24  }
0x20: {  	s3 =	sadd.s32 s0, s23;
	s0 =	sadd.s32 s0, s25;
	s23 =	simm.s32 $0x4E20  }
0x21: {  	s24 =	simm.s32 $0x6220;
	s25 =	simm.s32 $0xA;
	[dreg:$0xc] =	wrdreg s3  }
0x22: {  	[dreg:$0xf] =	wrdreg s0;
	s0 =	simm.s32 $0x9E20;
	s3 =	simm.s32 $0x280  }
.LBB2_13:
0x23: {  	_ =	swait.ge [sflag:s17], $0x1400  }
0x24: {  	[sflag:s17] =	ssyncset.done $0x0  }
0x25: {  	[sflag:s17] =	ssyncadd.s32 $0xFFFFEC00  }
0x26: {  	[spmem:s2] =	stream.indirect.scatter.add.bf16 [tilespmem:s0], [sflag:$0xA], $0x40, s12, s22, $0xb8;
	[tilespmem:$0x14E60] =	vst v63  }
0x27: {  	_ =	swait.ge [sflag:s19], $0x1400  }
0x28: {  	[sflag:s19] =	ssyncset.done $0x0  }
0x29: {  	[sflag:s19] =	ssyncadd.s32 $0xFFFFEC00  }
0x2a: {  	_ =	swait.ge [sflag:s25], $0x1400  }
0x2b: {  	[sflag:s25] =	ssyncset.done $0x0  }
0x2c: {  	[sflag:s25] =	ssyncadd.s32 $0xFFFFEC00  }
0x2d: {  	[bflag:$0x0] =	sbarrier.arrive $0xFFFF  }
0x2e: {  	s8 =	rddreg [dreg:$0xf]  }
0x2f: {  	[hbm:s8], [sflag:s31] =	dma.local [spmem:s5], $0x1388  }
0x30: {  	_ =	swait.ge [sflag:s20], $0x1388  }
0x31: {  	s28 =	sadd.s32 $0x1, s28;
	s31 =	rddreg [dreg:$0x10]  }
0x32: {  	p0 =	sne.s32 s28, s31  }
.Ltmp1:
0x33: {  	_ = 	snop;
	(pc) =	sbr.rel @!p0 .LBB2_14-.Ltmp1, $3  }
0x34: {  	_ =	sdelay $0x1  }
0x35: {  	[sflag:s20] =	ssyncset.done $0x0  }
0x36: {  	[sflag:s20] =	ssyncadd.s32 $0xFFFFEC78  }
.LBB2_1:
0x37: {  	s5 =	simm.s32 $0x0;
	s8 =	rddreg [dreg:$0x3]  }
0x38: {  	[tilespmem:s5], [sflag:$0xB] =	stream.linear.gather [hbm4b:s8+s5], $0x2710, $0x38;
	[tilespmem:$0x14E60] =	vst v63  }
0x39: {  	_ =	swait.ge [sflag:s20], $0x2710  }
0x3a: {  	[sflag:s20] =	ssyncset.done $0x0  }
0x3b: {  	[sflag:s20] =	ssyncadd.s32 $0xFFFFD8F0  }
0x3c: {  	[tilespmem:s21], [sflag:$0xB] =	stream.linear.gather [hbm4b:s6+s5], $0x2710, $0x38;
	[tilespmem:$0x14E60] =	vst v63  }
0x3d: {  	_ =	swait.ge [sflag:s20], $0x2710  }
0x3e: {  	[sflag:s20] =	ssyncset.done $0x0  }
0x3f: {  	[sflag:s20] =	ssyncadd.s32 $0xFFFFD8F0  }
0x40: {  	[tilespmem:s23], [sflag:$0x1] =	stream.indirect.gather [hbm4b:s4+s22], $0x40, s5, s22, $0xb8;
	[tilespmem:$0x14E60] =	vst v63  }
0x41: {  	s16 =	simm.s32 $0xA0;
	s8 =	stileid.u32  }
0x42: {  	[tilespmem:s24], [sflag:$0x2] =	stream.indirect.gather [hbm4b:s4+s22], $0x40, s22, s22, $0xb8;
	[tilespmem:$0x14E60] =	vst v63  }
0x43: {  	s18 =	simm.s32 $0xF0;
	s10 =	rddreg [dreg:$0x4];
	s5 =	sshll.u32 s8, $0x6  }
0x44: {  	[tilespmem:s26], [sflag:$0x3] =	stream.indirect.gather [hbm4b:s4+s22], $0x40, s16, s22, $0xb8;
	[tilespmem:$0x14E60] =	vst v63  }
0x45: {  	s12 =	rddreg [dreg:$0x5];
	s31 =	sor.u32 $0x1C0B, s5;
	s5 =	sshrl.u32 s10, $0x3  }
0x46: {  	[tilespmem:s29], [sflag:$0x4] =	stream.indirect.gather [hbm4b:s4+s22], $0x40, s18, s22, $0xb8;
	[tilespmem:$0x14E60] =	vst v63  }
0x47: {  	[spmem:s5], [sflag:s31] =	dma.local [hbm:s12], $0x1388  }
0x48: {  	_ =	swait.ge [sflag:s20], $0x1388  }
0x49: {  	[sflag:s20] =	ssyncset.done $0x0  }
0x4a: {  	[sflag:s20] =	ssyncadd.s32 $0xFFFFEC78  }
0x4b: {  	[bflag:$0x0] =	sbarrier.arrive $0xFFFF  }
0x4c: {  	_ =	swait.ge [sflag:s30], $0x1400  }
0x4d: {  	[sflag:s30] =	ssyncset.done $0x0  }
0x4e: {  	[sflag:s30] =	ssyncadd.s32 $0xFFFFEC00  }
0x4f: {  	[spmem:s2] =	stream.indirect.scatter.add.bf16 [tilespmem:s23], [sflag:$0x6], $0x40, s21, s22, $0xb8;
	[tilespmem:$0x14E60] =	vst v63  }
0x50: {  	s14 =	simm.s32 $0x140  }
0x51: {  	[tilespmem:s0], [sflag:$0x5] =	stream.indirect.gather [hbm4b:s4+s22], $0x40, s14, s22, $0xb8;
	[tilespmem:$0x14E60] =	vst v63  }
0x52: {  	_ =	swait.ge [sflag:s1], $0x1400  }
0x53: {  	[sflag:s1] =	ssyncset.done $0x0  }
0x54: {  	s16 =	simm.s32 $0x2760;
	[sflag:s1] =	ssyncadd.s32 $0xFFFFEC00  }
0x55: {  	[spmem:s2] =	stream.indirect.scatter.add.bf16 [tilespmem:s24], [sflag:$0x7], $0x40, s16, s22, $0xb8;
	[tilespmem:$0x14E60] =	vst v63  }
0x56: {  	_ =	swait.ge [sflag:s7], $0x1400  }
0x57: {  	[sflag:s7] =	ssyncset.done $0x0  }
0x58: {  	s18 =	simm.s32 $0x190;
	[sflag:s7] =	ssyncadd.s32 $0xFFFFEC00  }
0x59: {  	[tilespmem:s23], [sflag:$0x1] =	stream.indirect.gather [hbm4b:s4+s22], $0x40, s18, s22, $0xb8;
	[tilespmem:$0x14E60] =	vst v63  }
0x5a: {  	_ =	swait.ge [sflag:s9], $0x1400  }
0x5b: {  	[sflag:s9] =	ssyncset.done $0x0  }
0x5c: {  	s10 =	simm.s32 $0x27B0;
	[sflag:s9] =	ssyncadd.s32 $0xFFFFEC00  }
0x5d: {  	[spmem:s2] =	stream.indirect.scatter.add.bf16 [tilespmem:s26], [sflag:$0x8], $0x40, s10, s22, $0xb8;
	[tilespmem:$0x14E60] =	vst v63  }
0x5e: {  	_ =	swait.ge [sflag:s11], $0x1400  }
0x5f: {  	[sflag:s11] =	ssyncset.done $0x0  }
0x60: {  	s12 =	simm.s32 $0x1E0;
	[sflag:s11] =	ssyncadd.s32 $0xFFFFEC00  }
0x61: {  	[tilespmem:s24], [sflag:$0x2] =	stream.indirect.gather [hbm4b:s4+s22], $0x40, s12, s22, $0xb8;
	[tilespmem:$0x14E60] =	vst v63  }
0x62: {  	_ =	swait.ge [sflag:s13], $0x1400  }
0x63: {  	[sflag:s13] =	ssyncset.done $0x0  }
0x64: {  	s14 =	simm.s32 $0x2800;
	[sflag:s13] =	ssyncadd.s32 $0xFFFFEC00  }
0x65: {  	[spmem:s2] =	stream.indirect.scatter.add.bf16 [tilespmem:s29], [sflag:$0x9], $0x40, s14, s22, $0xb8;
	[tilespmem:$0x14E60] =	vst v63  }
0x66: {  	_ =	swait.ge [sflag:s15], $0x1400  }
0x67: {  	[sflag:s15] =	ssyncset.done $0x0  }
0x68: {  	s16 =	simm.s32 $0x230;
	[sflag:s15] =	ssyncadd.s32 $0xFFFFEC00  }
0x69: {  	[tilespmem:s26], [sflag:$0x3] =	stream.indirect.gather [hbm4b:s4+s22], $0x40, s16, s22, $0xb8;
	[tilespmem:$0x14E60] =	vst v63  }
0x6a: {  	_ =	swait.ge [sflag:s17], $0x1400  }
0x6b: {  	[sflag:s17] =	ssyncset.done $0x0  }
0x6c: {  	s18 =	simm.s32 $0x2850;
	[sflag:s17] =	ssyncadd.s32 $0xFFFFEC00  }
0x6d: {  	[spmem:s2] =	stream.indirect.scatter.add.bf16 [tilespmem:s0], [sflag:$0xA], $0x40, s18, s22, $0xb8;
	[tilespmem:$0x14E60] =	vst v63  }
0x6e: {  	_ =	swait.ge [sflag:s19], $0x1400  }
0x6f: {  	[sflag:s19] =	ssyncset.done $0x0  }
0x70: {  	s8 =	simm.s32 $0x0;
	[sflag:s19] =	ssyncadd.s32 $0xFFFFEC00  }
0x71: {  	[tilespmem:s29], [sflag:$0x4] =	stream.indirect.gather [hbm4b:s4+s22], $0x40, s3, s22, $0xb8;
	[tilespmem:$0x14E60] =	vst v63  }
.LBB2_2:
0x72: {  	_ =	swait.ge [sflag:s30], $0x1400  }
0x73: {  	s10 =	sshra.s32 s8, $0x2;
	[sflag:s30] =	ssyncset.done $0x0  }
0x74: {  	s12 =	sadd.s32 $0x28A0, s10;
	[sflag:s30] =	ssyncadd.s32 $0xFFFFEC00  }
0x75: {  	[spmem:s2] =	stream.indirect.scatter.add.bf16 [tilespmem:s23], [sflag:$0x6], $0x40, s12, s22, $0xb8;
	[tilespmem:$0x14E60] =	vst v63  }
0x76: {  	_ =	swait.ge [sflag:s25], $0x1400  }
0x77: {  	[sflag:s25] =	ssyncset.done $0x0  }
0x78: {  	s14 =	sadd.s32 $0x2D0, s10;
	[sflag:s25] =	ssyncadd.s32 $0xFFFFEC00  }
0x79: {  	[tilespmem:s0], [sflag:$0x5] =	stream.indirect.gather [hbm4b:s4+s22], $0x40, s14, s22, $0xb8;
	[tilespmem:$0x14E60] =	vst v63  }
0x7a: {  	_ =	swait.ge [sflag:s1], $0x1400  }
0x7b: {  	[sflag:s1] =	ssyncset.done $0x0  }
0x7c: {  	s16 =	sadd.s32 $0x28F0, s10;
	[sflag:s1] =	ssyncadd.s32 $0xFFFFEC00  }
0x7d: {  	[spmem:s2] =	stream.indirect.scatter.add.bf16 [tilespmem:s24], [sflag:$0x7], $0x40, s16, s22, $0xb8;
	[tilespmem:$0x14E60] =	vst v63  }
0x7e: {  	_ =	swait.ge [sflag:s7], $0x1400  }
0x7f: {  	p0 =	seq.s32 s8, $0x8FC0;
	[sflag:s7] =	ssyncset.done $0x0  }
0x80: {  	s12 =	simm.s32 @p0 $0x3;
	[sflag:s7] =	ssyncadd.s32 $0xFFFFEC00  }
0x81: {  	_ =	swait.ge @p0 [sflag:s12], $0x1400  }
0x82: {  	[sflag:s12] =	ssyncset.done @p0 $0x0  }
0x83: {  	[sflag:s12] =	ssyncadd.s32 @p0 $0xFFFFEC00;
	s12 =	sshra.s32 @p0 s8, $0x2  }
0x84: {  	s14 =	simm.s32 @p0 $0x50;
	s16 =	simm.s32 @p0 $0x7620;
	s12 =	sadd.s32 @p0 $0x2940, s12  }
0x85: {  	[spmem:s2] =	stream.indirect.scatter.add.bf16 @p0 [tilespmem:s16], [sflag:$0x8], $0x40, s12, s14, $0xb8;
	[tilespmem:$0x14E60] =	vst v63  }
0x86: {  	s12 =	simm.s32 @p0 $0x7  }
0x87: {  	_ =	swait.ge @p0 [sflag:s12], $0x1400  }
0x88: {  	[sflag:s12] =	ssyncset.done @p0 $0x0  }
0x89: {  	[sflag:s12] =	ssyncadd.s32 @p0 $0xFFFFEC00;
	s12 =	sshra.s32 @!p0 s8, $0x2  }
0x8a: {  	s18 =	simm.s32 @!p0 $0x4E20;
	s16 =	simm.s32 @!p0 $0x50;
	s14 =	sadd.s32 @!p0 $0x320, s12  }
0x8b: {  	[tilespmem:s18], [sflag:$0x1] =	stream.indirect.gather @!p0 [hbm4b:s4+s16], $0x40, s14, s16, $0xb8;
	[tilespmem:$0x14E60] =	vst v63  }
0x8c: {  	s14 =	simm.s32 @!p0 $0x3  }
0x8d: {  	_ =	swait.ge @!p0 [sflag:s14], $0x1400  }
0x8e: {  	[sflag:s14] =	ssyncset.done @!p0 $0x0  }
0x8f: {  	s18 =	simm.s32 @!p0 $0x7620;
	[sflag:s14] =	ssyncadd.s32 @!p0 $0xFFFFEC00;
	s14 =	sadd.s32 @!p0 $0x2940, s12  }
0x90: {  	[spmem:s2] =	stream.indirect.scatter.add.bf16 @!p0 [tilespmem:s18], [sflag:$0x8], $0x40, s14, s16, $0xb8;
	[tilespmem:$0x14E60] =	vst v63  }
0x91: {  	s14 =	simm.s32 @!p0 $0x7  }
0x92: {  	_ =	swait.ge @!p0 [sflag:s14], $0x1400  }
0x93: {  	[sflag:s14] =	ssyncset.done @!p0 $0x0  }
0x94: {  	s12 =	sadd.s32 @!p0 $0x370, s12;
	[sflag:s14] =	ssyncadd.s32 @!p0 $0xFFFFEC00;
	s14 =	simm.s32 @!p0 $0x6220  }
0x95: {  	[tilespmem:s14], [sflag:$0x2] =	stream.indirect.gather @!p0 [hbm4b:s4+s16], $0x40, s12, s16, $0xb8;
	[tilespmem:$0x14E60] =	vst v63  }
0x96: {  	_ =	swait.ge [sflag:s13], $0x1400  }
0x97: {  	[sflag:s13] =	ssyncset.done $0x0  }
.Ltmp2:
0x98: {  	s18 =	sadd.s32 $0x2990, s10;
	[sflag:s13] =	ssyncadd.s32 $0xFFFFEC00;
	(pc) =	sbr.rel @p0 .LBB2_4-.Ltmp2, $4  }
0x99: {  	[spmem:s2] =	stream.indirect.scatter.add.bf16 [tilespmem:s29], [sflag:$0x9], $0x40, s18, s22, $0xb8;
	[tilespmem:$0x14E60] =	vst v63  }
0x9a: {  	_ =	swait.ge [sflag:s15], $0x1400  }
0x9b: {  	[sflag:s15] =	ssyncset.done $0x0  }
0x9c: {  	s12 =	sadd.s32 $0x29E0, s10;
	[sflag:s15] =	ssyncadd.s32 $0xFFFFEC00  }
0x9d: {  	s14 =	sadd.s32 $0x3C0, s10  }
0x9e: {  	[tilespmem:s26], [sflag:$0x3] =	stream.indirect.gather [hbm4b:s4+s22], $0x40, s14, s22, $0xb8;
	[tilespmem:$0x14E60] =	vst v63  }
0x9f: {  	_ =	swait.ge [sflag:s17], $0x1400  }
0xa0: {  	[sflag:s17] =	ssyncset.done $0x0  }
0xa1: {  	[sflag:s17] =	ssyncadd.s32 $0xFFFFEC00  }
0xa2: {  	[spmem:s2] =	stream.indirect.scatter.add.bf16 [tilespmem:s0], [sflag:$0xA], $0x40, s12, s22, $0xb8;
	[tilespmem:$0x14E60] =	vst v63  }
.Ltmp3:
0xa3: {  	_ = 	snop;
	(pc) =	sbr.rel .LBB2_2-.Ltmp3, $4  }
0xa4: {  	_ =	swait.ge [sflag:s19], $0x1400  }
0xa5: {  	[sflag:s19] =	ssyncset.done $0x0  }
0xa6: {  	s18 =	sadd.s32 $0x410, s10;
	s8 =	sadd.s32 $0x640, s8;
	[sflag:s19] =	ssyncadd.s32 $0xFFFFEC00  }
0xa7: {  	[tilespmem:s29], [sflag:$0x4] =	stream.indirect.gather [hbm4b:s4+s22], $0x40, s18, s22, $0xb8;
	[tilespmem:$0x14E60] =	vst v63  }
.LBB2_4:
0xa8: {  	_ =	swait.ge [sflag:s17], $0x1400  }
0xa9: {  	[sflag:s17] =	ssyncset.done $0x0  }
0xaa: {  	[sflag:s17] =	ssyncadd.s32 $0xFFFFEC00  }
0xab: {  	[spmem:s2] =	stream.indirect.scatter.add.bf16 [tilespmem:s0], [sflag:$0xA], $0x40, s12, s22, $0xb8;
	[tilespmem:$0x14E60] =	vst v63  }
0xac: {  	_ =	swait.ge [sflag:s19], $0x1400  }
0xad: {  	[sflag:s19] =	ssyncset.done $0x0  }
0xae: {  	[sflag:s19] =	ssyncadd.s32 $0xFFFFEC00  }
0xaf: {  	_ =	swait.ge [sflag:s25], $0x1400  }
0xb0: {  	[sflag:s25] =	ssyncset.done $0x0  }
0xb1: {  	[sflag:s25] =	ssyncadd.s32 $0xFFFFEC00  }
0xb2: {  	[bflag:$0x0] =	sbarrier.arrive $0xFFFF  }
0xb3: {  	s8 =	rddreg [dreg:$0x6]  }
0xb4: {  	[hbm:s8], [sflag:s31] =	dma.local [spmem:s5], $0x1388  }
0xb5: {  	_ =	swait.ge [sflag:s20], $0x1388  }
0xb6: {  	[sflag:s20] =	ssyncset.done $0x0  }
0xb7: {  	s8 =	simm.s32 $0x0;
	s10 =	rddreg [dreg:$0x7];
	[sflag:s20] =	ssyncadd.s32 $0xFFFFEC78  }
0xb8: {  	[tilespmem:s8], [sflag:$0xB] =	stream.linear.gather [hbm4b:s10+s8], $0x2710, $0x38;
	[tilespmem:$0x14E60] =	vst v63  }
0xb9: {  	_ =	swait.ge [sflag:s20], $0x2710  }
0xba: {  	[sflag:s20] =	ssyncset.done $0x0  }
0xbb: {  	[sflag:s20] =	ssyncadd.s32 $0xFFFFD8F0  }
0xbc: {  	[tilespmem:s21], [sflag:$0xB] =	stream.linear.gather [hbm4b:s6+s8], $0x2710, $0x38;
	[tilespmem:$0x14E60] =	vst v63  }
0xbd: {  	_ =	swait.ge [sflag:s20], $0x2710  }
0xbe: {  	[sflag:s20] =	ssyncset.done $0x0  }
0xbf: {  	[sflag:s20] =	ssyncadd.s32 $0xFFFFD8F0  }
0xc0: {  	[tilespmem:s23], [sflag:$0x1] =	stream.indirect.gather [hbm4b:s4+s22], $0x40, s8, s22, $0xb8;
	[tilespmem:$0x14E60] =	vst v63  }
0xc1: {  	_ = 	snop  }
0xc2: {  	[tilespmem:s24], [sflag:$0x2] =	stream.indirect.gather [hbm4b:s4+s22], $0x40, s22, s22, $0xb8;
	[tilespmem:$0x14E60] =	vst v63  }
0xc3: {  	s14 =	simm.s32 $0xA0  }
0xc4: {  	[tilespmem:s26], [sflag:$0x3] =	stream.indirect.gather [hbm4b:s4+s22], $0x40, s14, s22, $0xb8;
	[tilespmem:$0x14E60] =	vst v63  }
0xc5: {  	s16 =	simm.s32 $0xF0;
	s18 =	rddreg [dreg:$0x8]  }
0xc6: {  	[tilespmem:s29], [sflag:$0x4] =	stream.indirect.gather [hbm4b:s4+s22], $0x40, s16, s22, $0xb8;
	[tilespmem:$0x14E60] =	vst v63  }
0xc7: {  	[spmem:s5], [sflag:s31] =	dma.local [hbm:s18], $0x1388  }
0xc8: {  	_ =	swait.ge [sflag:s20], $0x1388  }
0xc9: {  	[sflag:s20] =	ssyncset.done $0x0  }
0xca: {  	[sflag:s20] =	ssyncadd.s32 $0xFFFFEC78  }
0xcb: {  	[bflag:$0x0] =	sbarrier.arrive $0xFFFF  }
0xcc: {  	_ =	swait.ge [sflag:s30], $0x1400  }
0xcd: {  	[sflag:s30] =	ssyncset.done $0x0  }
0xce: {  	[sflag:s30] =	ssyncadd.s32 $0xFFFFEC00  }
0xcf: {  	[spmem:s2] =	stream.indirect.scatter.add.bf16 [tilespmem:s23], [sflag:$0x6], $0x40, s21, s22, $0xb8;
	[tilespmem:$0x14E60] =	vst v63  }
0xd0: {  	s12 =	simm.s32 $0x140  }
0xd1: {  	[tilespmem:s0], [sflag:$0x5] =	stream.indirect.gather [hbm4b:s4+s22], $0x40, s12, s22, $0xb8;
	[tilespmem:$0x14E60] =	vst v63  }
0xd2: {  	_ =	swait.ge [sflag:s1], $0x1400  }
0xd3: {  	[sflag:s1] =	ssyncset.done $0x0  }
0xd4: {  	s14 =	simm.s32 $0x2760;
	[sflag:s1] =	ssyncadd.s32 $0xFFFFEC00  }
0xd5: {  	[spmem:s2] =	stream.indirect.scatter.add.bf16 [tilespmem:s24], [sflag:$0x7], $0x40, s14, s22, $0xb8;
	[tilespmem:$0x14E60] =	vst v63  }
0xd6: {  	_ =	swait.ge [sflag:s7], $0x1400  }
0xd7: {  	[sflag:s7] =	ssyncset.done $0x0  }
0xd8: {  	s16 =	simm.s32 $0x190;
	[sflag:s7] =	ssyncadd.s32 $0xFFFFEC00  }
0xd9: {  	[tilespmem:s23], [sflag:$0x1] =	stream.indirect.gather [hbm4b:s4+s22], $0x40, s16, s22, $0xb8;
	[tilespmem:$0x14E60] =	vst v63  }
0xda: {  	_ =	swait.ge [sflag:s9], $0x1400  }
0xdb: {  	[sflag:s9] =	ssyncset.done $0x0  }
0xdc: {  	s18 =	simm.s32 $0x27B0;
	[sflag:s9] =	ssyncadd.s32 $0xFFFFEC00  }
0xdd: {  	[spmem:s2] =	stream.indirect.scatter.add.bf16 [tilespmem:s26], [sflag:$0x8], $0x40, s18, s22, $0xb8;
	[tilespmem:$0x14E60] =	vst v63  }
0xde: {  	_ =	swait.ge [sflag:s11], $0x1400  }
0xdf: {  	[sflag:s11] =	ssyncset.done $0x0  }
0xe0: {  	s12 =	simm.s32 $0x1E0;
	[sflag:s11] =	ssyncadd.s32 $0xFFFFEC00  }
0xe1: {  	[tilespmem:s24], [sflag:$0x2] =	stream.indirect.gather [hbm4b:s4+s22], $0x40, s12, s22, $0xb8;
	[tilespmem:$0x14E60] =	vst v63  }
0xe2: {  	_ =	swait.ge [sflag:s13], $0x1400  }
0xe3: {  	[sflag:s13] =	ssyncset.done $0x0  }
0xe4: {  	s14 =	simm.s32 $0x2800;
	[sflag:s13] =	ssyncadd.s32 $0xFFFFEC00  }
0xe5: {  	[spmem:s2] =	stream.indirect.scatter.add.bf16 [tilespmem:s29], [sflag:$0x9], $0x40, s14, s22, $0xb8;
	[tilespmem:$0x14E60] =	vst v63  }
0xe6: {  	_ =	swait.ge [sflag:s15], $0x1400  }
0xe7: {  	[sflag:s15] =	ssyncset.done $0x0  }
0xe8: {  	s16 =	simm.s32 $0x230;
	[sflag:s15] =	ssyncadd.s32 $0xFFFFEC00  }
0xe9: {  	[tilespmem:s26], [sflag:$0x3] =	stream.indirect.gather [hbm4b:s4+s22], $0x40, s16, s22, $0xb8;
	[tilespmem:$0x14E60] =	vst v63  }
0xea: {  	_ =	swait.ge [sflag:s17], $0x1400  }
0xeb: {  	[sflag:s17] =	ssyncset.done $0x0  }
0xec: {  	s18 =	simm.s32 $0x2850;
	[sflag:s17] =	ssyncadd.s32 $0xFFFFEC00  }
0xed: {  	[spmem:s2] =	stream.indirect.scatter.add.bf16 [tilespmem:s0], [sflag:$0xA], $0x40, s18, s22, $0xb8;
	[tilespmem:$0x14E60] =	vst v63  }
0xee: {  	_ =	swait.ge [sflag:s19], $0x1400  }
0xef: {  	[sflag:s19] =	ssyncset.done $0x0  }
0xf0: {  	[sflag:s19] =	ssyncadd.s32 $0xFFFFEC00  }
0xf1: {  	[tilespmem:s29], [sflag:$0x4] =	stream.indirect.gather [hbm4b:s4+s22], $0x40, s3, s22, $0xb8;
	[tilespmem:$0x14E60] =	vst v63  }
.LBB2_5:
0xf2: {  	_ =	swait.ge [sflag:s30], $0x1400  }
0xf3: {  	s10 =	sshra.s32 s8, $0x2;
	[sflag:s30] =	ssyncset.done $0x0  }
0xf4: {  	s12 =	sadd.s32 $0x28A0, s10;
	[sflag:s30] =	ssyncadd.s32 $0xFFFFEC00  }
0xf5: {  	[spmem:s2] =	stream.indirect.scatter.add.bf16 [tilespmem:s23], [sflag:$0x6], $0x40, s12, s22, $0xb8;
	[tilespmem:$0x14E60] =	vst v63  }
0xf6: {  	_ =	swait.ge [sflag:s25], $0x1400  }
0xf7: {  	[sflag:s25] =	ssyncset.done $0x0  }
0xf8: {  	s14 =	sadd.s32 $0x2D0, s10;
	[sflag:s25] =	ssyncadd.s32 $0xFFFFEC00  }
0xf9: {  	[tilespmem:s0], [sflag:$0x5] =	stream.indirect.gather [hbm4b:s4+s22], $0x40, s14, s22, $0xb8;
	[tilespmem:$0x14E60] =	vst v63  }
0xfa: {  	_ =	swait.ge [sflag:s1], $0x1400  }
0xfb: {  	[sflag:s1] =	ssyncset.done $0x0  }
0xfc: {  	s16 =	sadd.s32 $0x28F0, s10;
	[sflag:s1] =	ssyncadd.s32 $0xFFFFEC00  }
0xfd: {  	[spmem:s2] =	stream.indirect.scatter.add.bf16 [tilespmem:s24], [sflag:$0x7], $0x40, s16, s22, $0xb8;
	[tilespmem:$0x14E60] =	vst v63  }
0xfe: {  	_ =	swait.ge [sflag:s7], $0x1400  }
0xff: {  	p0 =	seq.s32 s8, $0x8FC0;
	[sflag:s7] =	ssyncset.done $0x0  }
0x100: {  	s12 =	simm.s32 @p0 $0x3;
	[sflag:s7] =	ssyncadd.s32 $0xFFFFEC00  }
0x101: {  	_ =	swait.ge @p0 [sflag:s12], $0x1400  }
0x102: {  	[sflag:s12] =	ssyncset.done @p0 $0x0  }
0x103: {  	[sflag:s12] =	ssyncadd.s32 @p0 $0xFFFFEC00;
	s12 =	sshra.s32 @p0 s8, $0x2  }
0x104: {  	s14 =	simm.s32 @p0 $0x50;
	s16 =	simm.s32 @p0 $0x7620;
	s12 =	sadd.s32 @p0 $0x2940, s12  }
0x105: {  	[spmem:s2] =	stream.indirect.scatter.add.bf16 @p0 [tilespmem:s16], [sflag:$0x8], $0x40, s12, s14, $0xb8;
	[tilespmem:$0x14E60] =	vst v63  }
0x106: {  	s12 =	simm.s32 @p0 $0x7  }
0x107: {  	_ =	swait.ge @p0 [sflag:s12], $0x1400  }
0x108: {  	[sflag:s12] =	ssyncset.done @p0 $0x0  }
0x109: {  	[sflag:s12] =	ssyncadd.s32 @p0 $0xFFFFEC00;
	s12 =	sshra.s32 @!p0 s8, $0x2  }
0x10a: {  	s18 =	simm.s32 @!p0 $0x4E20;
	s16 =	simm.s32 @!p0 $0x50;
	s14 =	sadd.s32 @!p0 $0x320, s12  }
0x10b: {  	[tilespmem:s18], [sflag:$0x1] =	stream.indirect.gather @!p0 [hbm4b:s4+s16], $0x40, s14, s16, $0xb8;
	[tilespmem:$0x14E60] =	vst v63  }
0x10c: {  	s14 =	simm.s32 @!p0 $0x3  }
0x10d: {  	_ =	swait.ge @!p0 [sflag:s14], $0x1400  }
0x10e: {  	[sflag:s14] =	ssyncset.done @!p0 $0x0  }
0x10f: {  	s18 =	simm.s32 @!p0 $0x7620;
	[sflag:s14] =	ssyncadd.s32 @!p0 $0xFFFFEC00;
	s14 =	sadd.s32 @!p0 $0x2940, s12  }
0x110: {  	[spmem:s2] =	stream.indirect.scatter.add.bf16 @!p0 [tilespmem:s18], [sflag:$0x8], $0x40, s14, s16, $0xb8;
	[tilespmem:$0x14E60] =	vst v63  }
0x111: {  	s14 =	simm.s32 @!p0 $0x7  }
0x112: {  	_ =	swait.ge @!p0 [sflag:s14], $0x1400  }
0x113: {  	[sflag:s14] =	ssyncset.done @!p0 $0x0  }
0x114: {  	s12 =	sadd.s32 @!p0 $0x370, s12;
	[sflag:s14] =	ssyncadd.s32 @!p0 $0xFFFFEC00;
	s14 =	simm.s32 @!p0 $0x6220  }
0x115: {  	[tilespmem:s14], [sflag:$0x2] =	stream.indirect.gather @!p0 [hbm4b:s4+s16], $0x40, s12, s16, $0xb8;
	[tilespmem:$0x14E60] =	vst v63  }
0x116: {  	_ =	swait.ge [sflag:s13], $0x1400  }
0x117: {  	[sflag:s13] =	ssyncset.done $0x0  }
.Ltmp4:
0x118: {  	s18 =	sadd.s32 $0x2990, s10;
	[sflag:s13] =	ssyncadd.s32 $0xFFFFEC00;
	(pc) =	sbr.rel @p0 .LBB2_7-.Ltmp4, $4  }
0x119: {  	[spmem:s2] =	stream.indirect.scatter.add.bf16 [tilespmem:s29], [sflag:$0x9], $0x40, s18, s22, $0xb8;
	[tilespmem:$0x14E60] =	vst v63  }
0x11a: {  	_ =	swait.ge [sflag:s15], $0x1400  }
0x11b: {  	[sflag:s15] =	ssyncset.done $0x0  }
0x11c: {  	s12 =	sadd.s32 $0x29E0, s10;
	[sflag:s15] =	ssyncadd.s32 $0xFFFFEC00  }
0x11d: {  	s14 =	sadd.s32 $0x3C0, s10  }
0x11e: {  	[tilespmem:s26], [sflag:$0x3] =	stream.indirect.gather [hbm4b:s4+s22], $0x40, s14, s22, $0xb8;
	[tilespmem:$0x14E60] =	vst v63  }
0x11f: {  	_ =	swait.ge [sflag:s17], $0x1400  }
0x120: {  	[sflag:s17] =	ssyncset.done $0x0  }
0x121: {  	[sflag:s17] =	ssyncadd.s32 $0xFFFFEC00  }
0x122: {  	[spmem:s2] =	stream.indirect.scatter.add.bf16 [tilespmem:s0], [sflag:$0xA], $0x40, s12, s22, $0xb8;
	[tilespmem:$0x14E60] =	vst v63  }
.Ltmp5:
0x123: {  	_ = 	snop;
	(pc) =	sbr.rel .LBB2_5-.Ltmp5, $4  }
0x124: {  	_ =	swait.ge [sflag:s19], $0x1400  }
0x125: {  	[sflag:s19] =	ssyncset.done $0x0  }
0x126: {  	s18 =	sadd.s32 $0x410, s10;
	s8 =	sadd.s32 $0x640, s8;
	[sflag:s19] =	ssyncadd.s32 $0xFFFFEC00  }
0x127: {  	[tilespmem:s29], [sflag:$0x4] =	stream.indirect.gather [hbm4b:s4+s22], $0x40, s18, s22, $0xb8;
	[tilespmem:$0x14E60] =	vst v63  }
.LBB2_7:
0x128: {  	_ =	swait.ge [sflag:s17], $0x1400  }
0x129: {  	[sflag:s17] =	ssyncset.done $0x0  }
0x12a: {  	[sflag:s17] =	ssyncadd.s32 $0xFFFFEC00  }
0x12b: {  	[spmem:s2] =	stream.indirect.scatter.add.bf16 [tilespmem:s0], [sflag:$0xA], $0x40, s12, s22, $0xb8;
	[tilespmem:$0x14E60] =	vst v63  }
0x12c: {  	_ =	swait.ge [sflag:s19], $0x1400  }
0x12d: {  	[sflag:s19] =	ssyncset.done $0x0  }
0x12e: {  	[sflag:s19] =	ssyncadd.s32 $0xFFFFEC00  }
0x12f: {  	_ =	swait.ge [sflag:s25], $0x1400  }
0x130: {  	[sflag:s25] =	ssyncset.done $0x0  }
0x131: {  	[sflag:s25] =	ssyncadd.s32 $0xFFFFEC00  }
0x132: {  	[bflag:$0x0] =	sbarrier.arrive $0xFFFF  }
0x133: {  	s8 =	rddreg [dreg:$0x9]  }
0x134: {  	[hbm:s8], [sflag:s31] =	dma.local [spmem:s5], $0x1388  }
0x135: {  	_ =	swait.ge [sflag:s20], $0x1388  }
0x136: {  	[sflag:s20] =	ssyncset.done $0x0  }
0x137: {  	s8 =	simm.s32 $0x0;
	s10 =	rddreg [dreg:$0xa];
	[sflag:s20] =	ssyncadd.s32 $0xFFFFEC78  }
0x138: {  	[tilespmem:s8], [sflag:$0xB] =	stream.linear.gather [hbm4b:s10+s8], $0x2710, $0x38;
	[tilespmem:$0x14E60] =	vst v63  }
0x139: {  	_ =	swait.ge [sflag:s20], $0x2710  }
0x13a: {  	[sflag:s20] =	ssyncset.done $0x0  }
0x13b: {  	[sflag:s20] =	ssyncadd.s32 $0xFFFFD8F0  }
0x13c: {  	[tilespmem:s21], [sflag:$0xB] =	stream.linear.gather [hbm4b:s6+s8], $0x2710, $0x38;
	[tilespmem:$0x14E60] =	vst v63  }
0x13d: {  	_ =	swait.ge [sflag:s20], $0x2710  }
0x13e: {  	[sflag:s20] =	ssyncset.done $0x0  }
0x13f: {  	[sflag:s20] =	ssyncadd.s32 $0xFFFFD8F0  }
0x140: {  	[tilespmem:s23], [sflag:$0x1] =	stream.indirect.gather [hbm4b:s4+s22], $0x40, s8, s22, $0xb8;
	[tilespmem:$0x14E60] =	vst v63  }
0x141: {  	_ = 	snop  }
0x142: {  	[tilespmem:s24], [sflag:$0x2] =	stream.indirect.gather [hbm4b:s4+s22], $0x40, s22, s22, $0xb8;
	[tilespmem:$0x14E60] =	vst v63  }
0x143: {  	s14 =	simm.s32 $0xA0  }
0x144: {  	[tilespmem:s26], [sflag:$0x3] =	stream.indirect.gather [hbm4b:s4+s22], $0x40, s14, s22, $0xb8;
	[tilespmem:$0x14E60] =	vst v63  }
0x145: {  	s16 =	simm.s32 $0xF0;
	s18 =	rddreg [dreg:$0xb]  }
0x146: {  	[tilespmem:s29], [sflag:$0x4] =	stream.indirect.gather [hbm4b:s4+s22], $0x40, s16, s22, $0xb8;
	[tilespmem:$0x14E60] =	vst v63  }
0x147: {  	[spmem:s5], [sflag:s31] =	dma.local [hbm:s18], $0x1388  }
0x148: {  	_ =	swait.ge [sflag:s20], $0x1388  }
0x149: {  	[sflag:s20] =	ssyncset.done $0x0  }
0x14a: {  	[sflag:s20] =	ssyncadd.s32 $0xFFFFEC78  }
0x14b: {  	[bflag:$0x0] =	sbarrier.arrive $0xFFFF  }
0x14c: {  	_ =	swait.ge [sflag:s30], $0x1400  }
0x14d: {  	[sflag:s30] =	ssyncset.done $0x0  }
0x14e: {  	[sflag:s30] =	ssyncadd.s32 $0xFFFFEC00  }
0x14f: {  	[spmem:s2] =	stream.indirect.scatter.add.bf16 [tilespmem:s23], [sflag:$0x6], $0x40, s21, s22, $0xb8;
	[tilespmem:$0x14E60] =	vst v63  }
0x150: {  	s12 =	simm.s32 $0x140  }
0x151: {  	[tilespmem:s0], [sflag:$0x5] =	stream.indirect.gather [hbm4b:s4+s22], $0x40, s12, s22, $0xb8;
	[tilespmem:$0x14E60] =	vst v63  }
0x152: {  	_ =	swait.ge [sflag:s1], $0x1400  }
0x153: {  	[sflag:s1] =	ssyncset.done $0x0  }
0x154: {  	s14 =	simm.s32 $0x2760;
	[sflag:s1] =	ssyncadd.s32 $0xFFFFEC00  }
0x155: {  	[spmem:s2] =	stream.indirect.scatter.add.bf16 [tilespmem:s24], [sflag:$0x7], $0x40, s14, s22, $0xb8;
	[tilespmem:$0x14E60] =	vst v63  }
0x156: {  	_ =	swait.ge [sflag:s7], $0x1400  }
0x157: {  	[sflag:s7] =	ssyncset.done $0x0  }
0x158: {  	s16 =	simm.s32 $0x190;
	[sflag:s7] =	ssyncadd.s32 $0xFFFFEC00  }
0x159: {  	[tilespmem:s23], [sflag:$0x1] =	stream.indirect.gather [hbm4b:s4+s22], $0x40, s16, s22, $0xb8;
	[tilespmem:$0x14E60] =	vst v63  }
0x15a: {  	_ =	swait.ge [sflag:s9], $0x1400  }
0x15b: {  	[sflag:s9] =	ssyncset.done $0x0  }
0x15c: {  	s18 =	simm.s32 $0x27B0;
	[sflag:s9] =	ssyncadd.s32 $0xFFFFEC00  }
0x15d: {  	[spmem:s2] =	stream.indirect.scatter.add.bf16 [tilespmem:s26], [sflag:$0x8], $0x40, s18, s22, $0xb8;
	[tilespmem:$0x14E60] =	vst v63  }
0x15e: {  	_ =	swait.ge [sflag:s11], $0x1400  }
0x15f: {  	[sflag:s11] =	ssyncset.done $0x0  }
0x160: {  	s12 =	simm.s32 $0x1E0;
	[sflag:s11] =	ssyncadd.s32 $0xFFFFEC00  }
0x161: {  	[tilespmem:s24], [sflag:$0x2] =	stream.indirect.gather [hbm4b:s4+s22], $0x40, s12, s22, $0xb8;
	[tilespmem:$0x14E60] =	vst v63  }
0x162: {  	_ =	swait.ge [sflag:s13], $0x1400  }
0x163: {  	[sflag:s13] =	ssyncset.done $0x0  }
0x164: {  	s14 =	simm.s32 $0x2800;
	[sflag:s13] =	ssyncadd.s32 $0xFFFFEC00  }
0x165: {  	[spmem:s2] =	stream.indirect.scatter.add.bf16 [tilespmem:s29], [sflag:$0x9], $0x40, s14, s22, $0xb8;
	[tilespmem:$0x14E60] =	vst v63  }
0x166: {  	_ =	swait.ge [sflag:s15], $0x1400  }
0x167: {  	[sflag:s15] =	ssyncset.done $0x0  }
0x168: {  	s16 =	simm.s32 $0x230;
	[sflag:s15] =	ssyncadd.s32 $0xFFFFEC00  }
0x169: {  	[tilespmem:s26], [sflag:$0x3] =	stream.indirect.gather [hbm4b:s4+s22], $0x40, s16, s22, $0xb8;
	[tilespmem:$0x14E60] =	vst v63  }
0x16a: {  	_ =	swait.ge [sflag:s17], $0x1400  }
0x16b: {  	[sflag:s17] =	ssyncset.done $0x0  }
0x16c: {  	s18 =	simm.s32 $0x2850;
	[sflag:s17] =	ssyncadd.s32 $0xFFFFEC00  }
0x16d: {  	[spmem:s2] =	stream.indirect.scatter.add.bf16 [tilespmem:s0], [sflag:$0xA], $0x40, s18, s22, $0xb8;
	[tilespmem:$0x14E60] =	vst v63  }
0x16e: {  	_ =	swait.ge [sflag:s19], $0x1400  }
0x16f: {  	[sflag:s19] =	ssyncset.done $0x0  }
0x170: {  	[sflag:s19] =	ssyncadd.s32 $0xFFFFEC00  }
0x171: {  	[tilespmem:s29], [sflag:$0x4] =	stream.indirect.gather [hbm4b:s4+s22], $0x40, s3, s22, $0xb8;
	[tilespmem:$0x14E60] =	vst v63  }
.LBB2_8:
0x172: {  	_ =	swait.ge [sflag:s30], $0x1400  }
0x173: {  	s10 =	sshra.s32 s8, $0x2;
	[sflag:s30] =	ssyncset.done $0x0  }
0x174: {  	s12 =	sadd.s32 $0x28A0, s10;
	[sflag:s30] =	ssyncadd.s32 $0xFFFFEC00  }
0x175: {  	[spmem:s2] =	stream.indirect.scatter.add.bf16 [tilespmem:s23], [sflag:$0x6], $0x40, s12, s22, $0xb8;
	[tilespmem:$0x14E60] =	vst v63  }
0x176: {  	_ =	swait.ge [sflag:s25], $0x1400  }
0x177: {  	[sflag:s25] =	ssyncset.done $0x0  }
0x178: {  	s14 =	sadd.s32 $0x2D0, s10;
	[sflag:s25] =	ssyncadd.s32 $0xFFFFEC00  }
0x179: {  	[tilespmem:s0], [sflag:$0x5] =	stream.indirect.gather [hbm4b:s4+s22], $0x40, s14, s22, $0xb8;
	[tilespmem:$0x14E60] =	vst v63  }
0x17a: {  	_ =	swait.ge [sflag:s1], $0x1400  }
0x17b: {  	[sflag:s1] =	ssyncset.done $0x0  }
0x17c: {  	s16 =	sadd.s32 $0x28F0, s10;
	[sflag:s1] =	ssyncadd.s32 $0xFFFFEC00  }
0x17d: {  	[spmem:s2] =	stream.indirect.scatter.add.bf16 [tilespmem:s24], [sflag:$0x7], $0x40, s16, s22, $0xb8;
	[tilespmem:$0x14E60] =	vst v63  }
0x17e: {  	_ =	swait.ge [sflag:s7], $0x1400  }
0x17f: {  	p0 =	seq.s32 s8, $0x8FC0;
	[sflag:s7] =	ssyncset.done $0x0  }
0x180: {  	s12 =	simm.s32 @p0 $0x3;
	[sflag:s7] =	ssyncadd.s32 $0xFFFFEC00  }
0x181: {  	_ =	swait.ge @p0 [sflag:s12], $0x1400  }
0x182: {  	[sflag:s12] =	ssyncset.done @p0 $0x0  }
0x183: {  	[sflag:s12] =	ssyncadd.s32 @p0 $0xFFFFEC00;
	s12 =	sshra.s32 @p0 s8, $0x2  }
0x184: {  	s14 =	simm.s32 @p0 $0x50;
	s16 =	simm.s32 @p0 $0x7620;
	s12 =	sadd.s32 @p0 $0x2940, s12  }
0x185: {  	[spmem:s2] =	stream.indirect.scatter.add.bf16 @p0 [tilespmem:s16], [sflag:$0x8], $0x40, s12, s14, $0xb8;
	[tilespmem:$0x14E60] =	vst v63  }
0x186: {  	s12 =	simm.s32 @p0 $0x7  }
0x187: {  	_ =	swait.ge @p0 [sflag:s12], $0x1400  }
0x188: {  	[sflag:s12] =	ssyncset.done @p0 $0x0  }
0x189: {  	[sflag:s12] =	ssyncadd.s32 @p0 $0xFFFFEC00;
	s12 =	sshra.s32 @!p0 s8, $0x2  }
0x18a: {  	s18 =	simm.s32 @!p0 $0x4E20;
	s16 =	simm.s32 @!p0 $0x50;
	s14 =	sadd.s32 @!p0 $0x320, s12  }
0x18b: {  	[tilespmem:s18], [sflag:$0x1] =	stream.indirect.gather @!p0 [hbm4b:s4+s16], $0x40, s14, s16, $0xb8;
	[tilespmem:$0x14E60] =	vst v63  }
0x18c: {  	s14 =	simm.s32 @!p0 $0x3  }
0x18d: {  	_ =	swait.ge @!p0 [sflag:s14], $0x1400  }
0x18e: {  	[sflag:s14] =	ssyncset.done @!p0 $0x0  }
0x18f: {  	s18 =	simm.s32 @!p0 $0x7620;
	[sflag:s14] =	ssyncadd.s32 @!p0 $0xFFFFEC00;
	s14 =	sadd.s32 @!p0 $0x2940, s12  }
0x190: {  	[spmem:s2] =	stream.indirect.scatter.add.bf16 @!p0 [tilespmem:s18], [sflag:$0x8], $0x40, s14, s16, $0xb8;
	[tilespmem:$0x14E60] =	vst v63  }
0x191: {  	s14 =	simm.s32 @!p0 $0x7  }
0x192: {  	_ =	swait.ge @!p0 [sflag:s14], $0x1400  }
0x193: {  	[sflag:s14] =	ssyncset.done @!p0 $0x0  }
0x194: {  	s12 =	sadd.s32 @!p0 $0x370, s12;
	[sflag:s14] =	ssyncadd.s32 @!p0 $0xFFFFEC00;
	s14 =	simm.s32 @!p0 $0x6220  }
0x195: {  	[tilespmem:s14], [sflag:$0x2] =	stream.indirect.gather @!p0 [hbm4b:s4+s16], $0x40, s12, s16, $0xb8;
	[tilespmem:$0x14E60] =	vst v63  }
0x196: {  	_ =	swait.ge [sflag:s13], $0x1400  }
0x197: {  	[sflag:s13] =	ssyncset.done $0x0  }
.Ltmp6:
0x198: {  	s18 =	sadd.s32 $0x2990, s10;
	[sflag:s13] =	ssyncadd.s32 $0xFFFFEC00;
	(pc) =	sbr.rel @p0 .LBB2_10-.Ltmp6, $4  }
0x199: {  	[spmem:s2] =	stream.indirect.scatter.add.bf16 [tilespmem:s29], [sflag:$0x9], $0x40, s18, s22, $0xb8;
	[tilespmem:$0x14E60] =	vst v63  }
0x19a: {  	_ =	swait.ge [sflag:s15], $0x1400  }
0x19b: {  	[sflag:s15] =	ssyncset.done $0x0  }
0x19c: {  	s12 =	sadd.s32 $0x29E0, s10;
	[sflag:s15] =	ssyncadd.s32 $0xFFFFEC00  }
0x19d: {  	s14 =	sadd.s32 $0x3C0, s10  }
0x19e: {  	[tilespmem:s26], [sflag:$0x3] =	stream.indirect.gather [hbm4b:s4+s22], $0x40, s14, s22, $0xb8;
	[tilespmem:$0x14E60] =	vst v63  }
0x19f: {  	_ =	swait.ge [sflag:s17], $0x1400  }
0x1a0: {  	[sflag:s17] =	ssyncset.done $0x0  }
0x1a1: {  	[sflag:s17] =	ssyncadd.s32 $0xFFFFEC00  }
0x1a2: {  	[spmem:s2] =	stream.indirect.scatter.add.bf16 [tilespmem:s0], [sflag:$0xA], $0x40, s12, s22, $0xb8;
	[tilespmem:$0x14E60] =	vst v63  }
.Ltmp7:
0x1a3: {  	_ = 	snop;
	(pc) =	sbr.rel .LBB2_8-.Ltmp7, $4  }
0x1a4: {  	_ =	swait.ge [sflag:s19], $0x1400  }
0x1a5: {  	[sflag:s19] =	ssyncset.done $0x0  }
0x1a6: {  	s18 =	sadd.s32 $0x410, s10;
	s8 =	sadd.s32 $0x640, s8;
	[sflag:s19] =	ssyncadd.s32 $0xFFFFEC00  }
0x1a7: {  	[tilespmem:s29], [sflag:$0x4] =	stream.indirect.gather [hbm4b:s4+s22], $0x40, s18, s22, $0xb8;
	[tilespmem:$0x14E60] =	vst v63  }
.LBB2_10:
0x1a8: {  	_ =	swait.ge [sflag:s17], $0x1400  }
0x1a9: {  	[sflag:s17] =	ssyncset.done $0x0  }
0x1aa: {  	[sflag:s17] =	ssyncadd.s32 $0xFFFFEC00  }
0x1ab: {  	[spmem:s2] =	stream.indirect.scatter.add.bf16 [tilespmem:s0], [sflag:$0xA], $0x40, s12, s22, $0xb8;
	[tilespmem:$0x14E60] =	vst v63  }
0x1ac: {  	_ =	swait.ge [sflag:s19], $0x1400  }
0x1ad: {  	[sflag:s19] =	ssyncset.done $0x0  }
0x1ae: {  	[sflag:s19] =	ssyncadd.s32 $0xFFFFEC00  }
0x1af: {  	_ =	swait.ge [sflag:s25], $0x1400  }
0x1b0: {  	[sflag:s25] =	ssyncset.done $0x0  }
0x1b1: {  	[sflag:s25] =	ssyncadd.s32 $0xFFFFEC00  }
0x1b2: {  	[bflag:$0x0] =	sbarrier.arrive $0xFFFF  }
0x1b3: {  	s8 =	rddreg [dreg:$0xc]  }
0x1b4: {  	[hbm:s8], [sflag:s31] =	dma.local [spmem:s5], $0x1388  }
0x1b5: {  	_ =	swait.ge [sflag:s20], $0x1388  }
0x1b6: {  	[sflag:s20] =	ssyncset.done $0x0  }
0x1b7: {  	s8 =	simm.s32 $0x0;
	s10 =	rddreg [dreg:$0xd];
	[sflag:s20] =	ssyncadd.s32 $0xFFFFEC78  }
0x1b8: {  	[tilespmem:s8], [sflag:$0xB] =	stream.linear.gather [hbm4b:s10+s8], $0x2710, $0x38;
	[tilespmem:$0x14E60] =	vst v63  }
0x1b9: {  	_ =	swait.ge [sflag:s20], $0x2710  }
0x1ba: {  	[sflag:s20] =	ssyncset.done $0x0  }
0x1bb: {  	[sflag:s20] =	ssyncadd.s32 $0xFFFFD8F0  }
0x1bc: {  	[tilespmem:s21], [sflag:$0xB] =	stream.linear.gather [hbm4b:s6+s8], $0x2710, $0x38;
	[tilespmem:$0x14E60] =	vst v63  }
0x1bd: {  	_ =	swait.ge [sflag:s20], $0x2710  }
0x1be: {  	[sflag:s20] =	ssyncset.done $0x0  }
0x1bf: {  	[sflag:s20] =	ssyncadd.s32 $0xFFFFD8F0  }
0x1c0: {  	[tilespmem:s23], [sflag:$0x1] =	stream.indirect.gather [hbm4b:s4+s22], $0x40, s8, s22, $0xb8;
	[tilespmem:$0x14E60] =	vst v63  }
0x1c1: {  	_ = 	snop  }
0x1c2: {  	[tilespmem:s24], [sflag:$0x2] =	stream.indirect.gather [hbm4b:s4+s22], $0x40, s22, s22, $0xb8;
	[tilespmem:$0x14E60] =	vst v63  }
0x1c3: {  	s14 =	simm.s32 $0xA0  }
0x1c4: {  	[tilespmem:s26], [sflag:$0x3] =	stream.indirect.gather [hbm4b:s4+s22], $0x40, s14, s22, $0xb8;
	[tilespmem:$0x14E60] =	vst v63  }
0x1c5: {  	s16 =	simm.s32 $0xF0;
	s18 =	rddreg [dreg:$0xe]  }
0x1c6: {  	[tilespmem:s29], [sflag:$0x4] =	stream.indirect.gather [hbm4b:s4+s22], $0x40, s16, s22, $0xb8;
	[tilespmem:$0x14E60] =	vst v63  }
0x1c7: {  	[spmem:s5], [sflag:s31] =	dma.local [hbm:s18], $0x1388  }
0x1c8: {  	_ =	swait.ge [sflag:s20], $0x1388  }
0x1c9: {  	[sflag:s20] =	ssyncset.done $0x0  }
0x1ca: {  	[sflag:s20] =	ssyncadd.s32 $0xFFFFEC78  }
0x1cb: {  	[bflag:$0x0] =	sbarrier.arrive $0xFFFF  }
0x1cc: {  	_ =	swait.ge [sflag:s30], $0x1400  }
0x1cd: {  	[sflag:s30] =	ssyncset.done $0x0  }
0x1ce: {  	[sflag:s30] =	ssyncadd.s32 $0xFFFFEC00  }
0x1cf: {  	[spmem:s2] =	stream.indirect.scatter.add.bf16 [tilespmem:s23], [sflag:$0x6], $0x40, s21, s22, $0xb8;
	[tilespmem:$0x14E60] =	vst v63  }
0x1d0: {  	s12 =	simm.s32 $0x140  }
0x1d1: {  	[tilespmem:s0], [sflag:$0x5] =	stream.indirect.gather [hbm4b:s4+s22], $0x40, s12, s22, $0xb8;
	[tilespmem:$0x14E60] =	vst v63  }
0x1d2: {  	_ =	swait.ge [sflag:s1], $0x1400  }
0x1d3: {  	[sflag:s1] =	ssyncset.done $0x0  }
0x1d4: {  	s14 =	simm.s32 $0x2760;
	[sflag:s1] =	ssyncadd.s32 $0xFFFFEC00  }
0x1d5: {  	[spmem:s2] =	stream.indirect.scatter.add.bf16 [tilespmem:s24], [sflag:$0x7], $0x40, s14, s22, $0xb8;
	[tilespmem:$0x14E60] =	vst v63  }
0x1d6: {  	_ =	swait.ge [sflag:s7], $0x1400  }
0x1d7: {  	[sflag:s7] =	ssyncset.done $0x0  }
0x1d8: {  	s16 =	simm.s32 $0x190;
	[sflag:s7] =	ssyncadd.s32 $0xFFFFEC00  }
0x1d9: {  	[tilespmem:s23], [sflag:$0x1] =	stream.indirect.gather [hbm4b:s4+s22], $0x40, s16, s22, $0xb8;
	[tilespmem:$0x14E60] =	vst v63  }
0x1da: {  	_ =	swait.ge [sflag:s9], $0x1400  }
0x1db: {  	[sflag:s9] =	ssyncset.done $0x0  }
0x1dc: {  	s18 =	simm.s32 $0x27B0;
	[sflag:s9] =	ssyncadd.s32 $0xFFFFEC00  }
0x1dd: {  	[spmem:s2] =	stream.indirect.scatter.add.bf16 [tilespmem:s26], [sflag:$0x8], $0x40, s18, s22, $0xb8;
	[tilespmem:$0x14E60] =	vst v63  }
0x1de: {  	_ =	swait.ge [sflag:s11], $0x1400  }
0x1df: {  	[sflag:s11] =	ssyncset.done $0x0  }
0x1e0: {  	s12 =	simm.s32 $0x1E0;
	[sflag:s11] =	ssyncadd.s32 $0xFFFFEC00  }
0x1e1: {  	[tilespmem:s24], [sflag:$0x2] =	stream.indirect.gather [hbm4b:s4+s22], $0x40, s12, s22, $0xb8;
	[tilespmem:$0x14E60] =	vst v63  }
0x1e2: {  	_ =	swait.ge [sflag:s13], $0x1400  }
0x1e3: {  	[sflag:s13] =	ssyncset.done $0x0  }
0x1e4: {  	s14 =	simm.s32 $0x2800;
	[sflag:s13] =	ssyncadd.s32 $0xFFFFEC00  }
0x1e5: {  	[spmem:s2] =	stream.indirect.scatter.add.bf16 [tilespmem:s29], [sflag:$0x9], $0x40, s14, s22, $0xb8;
	[tilespmem:$0x14E60] =	vst v63  }
0x1e6: {  	_ =	swait.ge [sflag:s15], $0x1400  }
0x1e7: {  	[sflag:s15] =	ssyncset.done $0x0  }
0x1e8: {  	s16 =	simm.s32 $0x230;
	[sflag:s15] =	ssyncadd.s32 $0xFFFFEC00  }
0x1e9: {  	[tilespmem:s26], [sflag:$0x3] =	stream.indirect.gather [hbm4b:s4+s22], $0x40, s16, s22, $0xb8;
	[tilespmem:$0x14E60] =	vst v63  }
0x1ea: {  	_ =	swait.ge [sflag:s17], $0x1400  }
0x1eb: {  	[sflag:s17] =	ssyncset.done $0x0  }
0x1ec: {  	s18 =	simm.s32 $0x2850;
	[sflag:s17] =	ssyncadd.s32 $0xFFFFEC00  }
0x1ed: {  	[spmem:s2] =	stream.indirect.scatter.add.bf16 [tilespmem:s0], [sflag:$0xA], $0x40, s18, s22, $0xb8;
	[tilespmem:$0x14E60] =	vst v63  }
0x1ee: {  	_ =	swait.ge [sflag:s19], $0x1400  }
0x1ef: {  	[sflag:s19] =	ssyncset.done $0x0  }
0x1f0: {  	[sflag:s19] =	ssyncadd.s32 $0xFFFFEC00  }
0x1f1: {  	[tilespmem:s29], [sflag:$0x4] =	stream.indirect.gather [hbm4b:s4+s22], $0x40, s3, s22, $0xb8;
	[tilespmem:$0x14E60] =	vst v63  }
.LBB2_11:
0x1f2: {  	_ =	swait.ge [sflag:s30], $0x1400  }
0x1f3: {  	s10 =	sshra.s32 s8, $0x2;
	[sflag:s30] =	ssyncset.done $0x0  }
0x1f4: {  	s12 =	sadd.s32 $0x28A0, s10;
	[sflag:s30] =	ssyncadd.s32 $0xFFFFEC00  }
0x1f5: {  	[spmem:s2] =	stream.indirect.scatter.add.bf16 [tilespmem:s23], [sflag:$0x6], $0x40, s12, s22, $0xb8;
	[tilespmem:$0x14E60] =	vst v63  }
0x1f6: {  	_ =	swait.ge [sflag:s25], $0x1400  }
0x1f7: {  	[sflag:s25] =	ssyncset.done $0x0  }
0x1f8: {  	s14 =	sadd.s32 $0x2D0, s10;
	[sflag:s25] =	ssyncadd.s32 $0xFFFFEC00  }
0x1f9: {  	[tilespmem:s0], [sflag:$0x5] =	stream.indirect.gather [hbm4b:s4+s22], $0x40, s14, s22, $0xb8;
	[tilespmem:$0x14E60] =	vst v63  }
0x1fa: {  	_ =	swait.ge [sflag:s1], $0x1400  }
0x1fb: {  	[sflag:s1] =	ssyncset.done $0x0  }
0x1fc: {  	s16 =	sadd.s32 $0x28F0, s10;
	[sflag:s1] =	ssyncadd.s32 $0xFFFFEC00  }
0x1fd: {  	[spmem:s2] =	stream.indirect.scatter.add.bf16 [tilespmem:s24], [sflag:$0x7], $0x40, s16, s22, $0xb8;
	[tilespmem:$0x14E60] =	vst v63  }
0x1fe: {  	_ =	swait.ge [sflag:s7], $0x1400  }
0x1ff: {  	p0 =	seq.s32 s8, $0x8FC0;
	[sflag:s7] =	ssyncset.done $0x0  }
0x200: {  	s12 =	simm.s32 @p0 $0x3;
	[sflag:s7] =	ssyncadd.s32 $0xFFFFEC00  }
0x201: {  	_ =	swait.ge @p0 [sflag:s12], $0x1400  }
0x202: {  	[sflag:s12] =	ssyncset.done @p0 $0x0  }
0x203: {  	[sflag:s12] =	ssyncadd.s32 @p0 $0xFFFFEC00;
	s12 =	sshra.s32 @p0 s8, $0x2  }
0x204: {  	s14 =	simm.s32 @p0 $0x50;
	s16 =	simm.s32 @p0 $0x7620;
	s12 =	sadd.s32 @p0 $0x2940, s12  }
0x205: {  	[spmem:s2] =	stream.indirect.scatter.add.bf16 @p0 [tilespmem:s16], [sflag:$0x8], $0x40, s12, s14, $0xb8;
	[tilespmem:$0x14E60] =	vst v63  }
0x206: {  	s12 =	simm.s32 @p0 $0x7  }
0x207: {  	_ =	swait.ge @p0 [sflag:s12], $0x1400  }
0x208: {  	[sflag:s12] =	ssyncset.done @p0 $0x0  }
0x209: {  	[sflag:s12] =	ssyncadd.s32 @p0 $0xFFFFEC00;
	s12 =	sshra.s32 @!p0 s8, $0x2  }
0x20a: {  	s18 =	simm.s32 @!p0 $0x4E20;
	s16 =	simm.s32 @!p0 $0x50;
	s14 =	sadd.s32 @!p0 $0x320, s12  }
0x20b: {  	[tilespmem:s18], [sflag:$0x1] =	stream.indirect.gather @!p0 [hbm4b:s4+s16], $0x40, s14, s16, $0xb8;
	[tilespmem:$0x14E60] =	vst v63  }
0x20c: {  	s14 =	simm.s32 @!p0 $0x3  }
0x20d: {  	_ =	swait.ge @!p0 [sflag:s14], $0x1400  }
0x20e: {  	[sflag:s14] =	ssyncset.done @!p0 $0x0  }
0x20f: {  	s18 =	simm.s32 @!p0 $0x7620;
	[sflag:s14] =	ssyncadd.s32 @!p0 $0xFFFFEC00;
	s14 =	sadd.s32 @!p0 $0x2940, s12  }
0x210: {  	[spmem:s2] =	stream.indirect.scatter.add.bf16 @!p0 [tilespmem:s18], [sflag:$0x8], $0x40, s14, s16, $0xb8;
	[tilespmem:$0x14E60] =	vst v63  }
0x211: {  	s14 =	simm.s32 @!p0 $0x7  }
0x212: {  	_ =	swait.ge @!p0 [sflag:s14], $0x1400  }
0x213: {  	[sflag:s14] =	ssyncset.done @!p0 $0x0  }
0x214: {  	s12 =	sadd.s32 @!p0 $0x370, s12;
	[sflag:s14] =	ssyncadd.s32 @!p0 $0xFFFFEC00;
	s14 =	simm.s32 @!p0 $0x6220  }
0x215: {  	[tilespmem:s14], [sflag:$0x2] =	stream.indirect.gather @!p0 [hbm4b:s4+s16], $0x40, s12, s16, $0xb8;
	[tilespmem:$0x14E60] =	vst v63  }
0x216: {  	_ =	swait.ge [sflag:s13], $0x1400  }
0x217: {  	[sflag:s13] =	ssyncset.done $0x0  }
.Ltmp8:
0x218: {  	s18 =	sadd.s32 $0x2990, s10;
	[sflag:s13] =	ssyncadd.s32 $0xFFFFEC00;
	(pc) =	sbr.rel @p0 .LBB2_13-.Ltmp8, $4  }
0x219: {  	[spmem:s2] =	stream.indirect.scatter.add.bf16 [tilespmem:s29], [sflag:$0x9], $0x40, s18, s22, $0xb8;
	[tilespmem:$0x14E60] =	vst v63  }
0x21a: {  	_ =	swait.ge [sflag:s15], $0x1400  }
0x21b: {  	[sflag:s15] =	ssyncset.done $0x0  }
0x21c: {  	s12 =	sadd.s32 $0x29E0, s10;
	[sflag:s15] =	ssyncadd.s32 $0xFFFFEC00  }
0x21d: {  	s14 =	sadd.s32 $0x3C0, s10  }
0x21e: {  	[tilespmem:s26], [sflag:$0x3] =	stream.indirect.gather [hbm4b:s4+s22], $0x40, s14, s22, $0xb8;
	[tilespmem:$0x14E60] =	vst v63  }
0x21f: {  	_ =	swait.ge [sflag:s17], $0x1400  }
0x220: {  	[sflag:s17] =	ssyncset.done $0x0  }
0x221: {  	[sflag:s17] =	ssyncadd.s32 $0xFFFFEC00  }
0x222: {  	[spmem:s2] =	stream.indirect.scatter.add.bf16 [tilespmem:s0], [sflag:$0xA], $0x40, s12, s22, $0xb8;
	[tilespmem:$0x14E60] =	vst v63  }
.Ltmp9:
0x223: {  	_ = 	snop;
	(pc) =	sbr.rel .LBB2_11-.Ltmp9, $4  }
0x224: {  	_ =	swait.ge [sflag:s19], $0x1400  }
0x225: {  	[sflag:s19] =	ssyncset.done $0x0  }
0x226: {  	s18 =	sadd.s32 $0x410, s10;
	s8 =	sadd.s32 $0x640, s8;
	[sflag:s19] =	ssyncadd.s32 $0xFFFFEC00  }
0x227: {  	[tilespmem:s29], [sflag:$0x4] =	stream.indirect.gather [hbm4b:s4+s22], $0x40, s18, s22, $0xb8;
	[tilespmem:$0x14E60] =	vst v63  }
.LBB2_14:
0x228: {  	_ =	sfence.sel $0x180000  }
0x229: {  	[bflag:$0x0] =	sbarrier.arrive $0xFFFF  }
0x22a: {  	_ =	strace $0x9000004D  }
0x22b: {  	s0 =	stileid.u32;
	[bflag:$0x2] =	sbarrier.arrive $0xFFFF  }
0x22c: {  	p0 =	sne.s32 s0, $0x0;
	s0 =	rddreg [dreg:$0x2]  }
0x22d: {  	s0 =	sadd.s32 @!p0 $0x100000, s0  }
0x22e: {  	[sflag:s0] =	ssyncadd.tile.s32 @!p0 $0x1;
	_ =	shalt  }
.Lfunc_end2:
_tile_overlayer_lowered:
.L_overlay_start_2:
0x22f: {  	(tag) =	ssettag $0x2  }
0x230: {  	s0 =	rddreg [dreg:$0x0];
	s2 =	stileid.u32  }
0x231: {  	s1 =	rddreg [dreg:$0x1];
	p0 =	sne.s32 s2, $0x0  }
0x232: {  	s3 =	rddreg [dreg:$0x2];
	[bflag:$0x3] =	sbarrier.arrive $0xFFFF;
	s2 =	simm.s32 @!p0 $0x1C0B  }
0x233: {  	[timem:s3], [sflag:s2] =	dma.local @!p0 [hbm:s0], s1  }
0x234: {  	s0 =	simm.s32 @!p0 $0xB  }
0x235: {  	_ =	swait.ge @!p0 [sflag:s0], s1  }
0x236: {  	s1 =	ssub.s32 @!p0 $0x0, s1;
	[sflag:s0] =	ssyncset.done @!p0 $0x0  }
0x237: {  	[sflag:s0] =	ssyncadd.s32 @!p0 s1  }
0x238: {  	[bflag:$0x3] =	sbarrier.arrive $0xFFFF  }
0x239: {  	_ =	shalt  }

// kernel: kernel.8.cloned.1.call-start
scs
__scs_entry_jumppad:
0x0: {  	(pc) =	sbr.rel $0x88, $3  }
0x1: {  	(tag) =	ssettag $0x0;
	lr =	simm.s32 $0x1  }
0x2: {  	[smem:$0x3F93] =	sst lr;
	_ =	strace $0xD0000000  }
0x3: {  	_ = 	snop  }
0x4: {  	_ = 	snop  }
0x5: {  	_ = 	snop  }
0x6: {  	_ = 	snop  }
0x7: {  	_ = 	snop  }
__scs_overlays_trampoline_lowered:
0x8: {  	[smem:$0x3FA2] =	sst s0  }
0x9: {  	[smem:$0x3FA3] =	sst s1  }
0xa: {  	[smem:$0x3FA4] =	sst s2  }
0xb: {  	[smem:$0x3FA5] =	sst s3  }
0xc: {  	[smem:$0x3FA6] =	sst s4  }
0xd: {  	[smem:$0x3FA7] =	sst s5  }
0xe: {  	[smem:$0x3FA8] =	sst s6  }
0xf: {  	[smem:$0x3FA9] =	sst s7  }
0x10: {  	[smem:$0x3FAA] =	sst s8  }
0x11: {  	[smem:$0x3FAB] =	sst s9;
	s0 =	simm.s32 @!p0 $0x0  }
0x12: {  	s1 =	sld [smem:$0x3F91];
	s0 =	simm.s32 @p0 $0x1  }
0x13: {  	[smem:$0x3FAC] =	sst s0;
	s0 =	simm.s32 @!p1 $0x0  }
0x14: {  	s2 =	sld [smem:$0x3F90];
	s0 =	simm.s32 @p1 $0x1  }
0x15: {  	[smem:$0x3FAD] =	sst s0;
	s0 =	simm.s32 @!p2 $0x0  }
0x16: {  	s3 =	sld [smem:$0x3FDB];
	s0 =	simm.s32 @p2 $0x1  }
0x17: {  	s4 =	simm.s32 $0x1BF5;
	[smem:$0x3FAF] =	sst s0  }
0x18: {  	s0 =	sld [smem:$0x3F92];
	_ =	swait.ge [sflag:s4], $0x0  }
0x19: {  	s7 =	sld [smem:$0x3F93]  }
0x1a: {  	s8 =	sadd.s32 $0xFFFFE003, lr  }
0x1b: {  	s9 =	sadd.s32 $0xFFFFFEF7, lr;
	s5 =	simm.s32 $0xFFFFFFFF;
	p2 =	slt.u32 s8, $0xFFFFF086  }
0x1c: {  	p1 =	slt.u32 s9, $0xF7A;
	s5 =	simm.s32 @!p2 $0x0  }
0x1d: {  	s5 =	simm.s32 @p1 $0x1;
	p0 =	seq.s32 s7, s2  }
0x1e: {  	s7 =	smul.u32 @!p0 $0xF7A, s2;
	p2 =	seq.s32 @!p0 s5, $0x0  }
0x1f: {  	s9 =	smul.u32 $0xF7A, s1;
	s8 =	simm.s32 @!p0 $0x1BF5;
	p2 =	por !p2, p0  }
0x20: {  	[sflag:s8] =	ssyncset.s32 @!p0 $0xFFFFF086;
	s6 =	sadd.s32 @!p0 s3, s7;
	s7 =	simm.s32 @!p0 $0x108  }
0x21: {  	s3 =	sadd.s32 s3, s9;
	s6 =	sadd.s32 @!p0 $0x88, s6;
	s7 =	simm.s32 @p2 $0x1082  }
0x22: {  	[simem:s7], [sflag:s8] =	dma.local @!p0 [hbm:s6], $0xF7A  }
0x23: {  	s9 =	sor.u32 $0xD0000000, s2;
	s6 =	simm.s32 $0x108;
	_ =	swait.ge @!p0 [sflag:s8], $0x0  }
0x24: {  	s3 =	sadd.s32 $0x88, s3;
	s6 =	simm.s32 @!p1 $0x1082;
	[sflag:s4] =	ssyncset.s32 $0xFFFFF086  }
0x25: {  	[simem:s6], [sflag:s4] =	dma.local [hbm:s3], $0xF7A  }
0x26: {  	[smem:$0x3F93] =	sst s1;
	(tag) =	ssettag s2;
	_ =	strace s9  }
0x27: {  	s1 =	sld [smem:$0x3FA3]  }
0x28: {  	s2 =	sld [smem:$0x3FA4]  }
0x29: {  	s4 =	sld [smem:$0x3FA6]  }
0x2a: {  	p0 =	seq.s32 s5, $0x0;
	s5 =	sld [smem:$0x3FA7]  }
0x2b: {  	s6 =	sld [smem:$0x3FA8]  }
0x2c: {  	s7 =	sld [smem:$0x3FA9]  }
0x2d: {  	s3 =	simm.s32 $0x108;
	s8 =	sld [smem:$0x3FAA]  }
0x2e: {  	s3 =	simm.s32 @!p0 $0x1082;
	s9 =	sld [smem:$0x3FAB]  }
0x2f: {  	lr =	sadd.s32 s0, s3;
	s0 =	sld [smem:$0x3FA2]  }
0x30: {  	s3 =	sld [smem:$0x3FA5]  }
0x31: {  	[smem:$0x3FAE] =	sst s10  }
0x32: {  	s10 =	sld [smem:$0x3FAC];
	_ =	sdelay $0x3  }
0x33: {  	p0 =	seq.s32 s10, $0x1;
	s10 =	sld [smem:$0x3FAE];
	_ =	sdelay $0x3  }
0x34: {  	[smem:$0x3FAE] =	sst s10  }
0x35: {  	s10 =	sld [smem:$0x3FAD];
	_ =	sdelay $0x3  }
0x36: {  	p1 =	seq.s32 s10, $0x1;
	s10 =	sld [smem:$0x3FAE];
	_ =	sdelay $0x3  }
0x37: {  	[smem:$0x3FAE] =	sst s10  }
0x38: {  	s10 =	sld [smem:$0x3FAF]  }
0x39: {  	_ = 	snop;
	(pc) =	sbr.ind lr, $3  }
0x3a: {  	_ = 	snop  }
0x3b: {  	_ = 	snop  }
0x3c: {  	p2 =	seq.s32 s10, $0x1;
	s10 =	sld [smem:$0x3FAE]  }
0x3d: {  	_ =	shalt  }
0x3e: {  	_ =	shalt  }
0x3f: {  	_ =	shalt  }
0x40: {  	_ =	shalt  }
0x41: {  	_ =	shalt  }
0x42: {  	_ =	shalt  }
0x43: {  	_ =	shalt  }
0x44: {  	_ =	shalt  }
0x45: {  	_ =	shalt  }
0x46: {  	_ =	shalt  }
0x47: {  	_ =	shalt  }
0x48: {  	_ =	shalt  }
0x49: {  	_ =	shalt  }
0x4a: {  	_ =	shalt  }
0x4b: {  	_ =	shalt  }
0x4c: {  	_ =	shalt  }
0x4d: {  	_ =	shalt  }
0x4e: {  	_ =	shalt  }
0x4f: {  	_ =	shalt  }
0x50: {  	_ =	shalt  }
0x51: {  	_ =	shalt  }
0x52: {  	_ =	shalt  }
0x53: {  	_ =	shalt  }
0x54: {  	_ =	shalt  }
0x55: {  	_ =	shalt  }
0x56: {  	_ =	shalt  }
0x57: {  	_ =	shalt  }
0x58: {  	_ =	shalt  }
0x59: {  	_ =	shalt  }
0x5a: {  	_ =	shalt  }
0x5b: {  	_ =	shalt  }
0x5c: {  	_ =	shalt  }
0x5d: {  	_ =	shalt  }
0x5e: {  	_ =	shalt  }
0x5f: {  	_ =	shalt  }
0x60: {  	_ =	shalt  }
0x61: {  	_ =	shalt  }
0x62: {  	_ =	shalt  }
0x63: {  	_ =	shalt  }
0x64: {  	_ =	shalt  }
0x65: {  	_ =	shalt  }
0x66: {  	_ =	shalt  }
0x67: {  	_ =	shalt  }
0x68: {  	_ =	shalt  }
0x69: {  	_ =	shalt  }
0x6a: {  	_ =	shalt  }
0x6b: {  	_ =	shalt  }
0x6c: {  	_ =	shalt  }
0x6d: {  	_ =	shalt  }
0x6e: {  	_ =	shalt  }
0x6f: {  	_ =	shalt  }
0x70: {  	_ =	shalt  }
0x71: {  	_ =	shalt  }
0x72: {  	_ =	shalt  }
0x73: {  	_ =	shalt  }
0x74: {  	_ =	shalt  }
0x75: {  	_ =	shalt  }
0x76: {  	_ =	shalt  }
0x77: {  	_ =	shalt  }
0x78: {  	_ =	shalt  }
0x79: {  	_ =	shalt  }
0x7a: {  	_ =	shalt  }
0x7b: {  	_ =	shalt  }
0x7c: {  	_ =	shalt  }
0x7d: {  	_ =	shalt  }
0x7e: {  	_ =	shalt  }
0x7f: {  	_ =	shalt  }
0x80: {  	_ =	shalt  }
0x81: {  	_ =	shalt  }
0x82: {  	_ =	shalt  }
0x83: {  	_ =	shalt  }
0x84: {  	_ =	shalt  }
0x85: {  	_ =	shalt  }
0x86: {  	_ =	shalt  }
0x87: {  	_ =	shalt  }
.Lfunc_end0:
.L_simem_size_0:
called_computation_lowered:
.L_overlay_start_0:
0x88: {  	s2 =	sld [smem:$0x3FD9]  }
0x89: {  	s3 =	sld [smem:$0x3FFE];
	_ =	sdelay $0x1  }
0x8a: {  	s1 =	srdreg.scid  }
0x8b: {  	s0 =	sand.u32 $0x1, s1  }
0x8c: {  	s16 =	sshll.u32 s0, $0xA;
	s2 =	sadd.s32 s3, s2  }
0x8d: {  	s2 =	sadd.s32 s2, s16  }
0x8e: {  	[smem:$0x3FBA] =	sst s2  }
0x8f: {  	_ = 	snop  }
0x90: {  	(tm) =	ssettm $0x1  }
0x91: {  	s17 =	sld [smem:$0x3FFB];
	_ =	sdelay $0x3  }
0x92: {  	_ =	strace s17  }
0x93: {  	s2 =	sld [smem:$0x3FFC];
	_ =	sdelay $0x3  }
0x94: {  	_ =	strace s2  }
0x95: {  	s2 =	sld [smem:$0x3FFD];
	_ =	sdelay $0x3  }
0x96: {  	_ =	strace s2  }
0x97: {  	_ =	strace $0x8FFFFFFF  }
0x98: {  	s18 =	sld [smem:$0x3FDB];
	_ =	sdelay $0x1  }
0x99: {  	s19 =	simm.s32 $_scs_section_size  }
0x9a: {  	s4 =	simm.s32 $_size__tile_overlayer_lowered;
	s5 =	simm.s32 $_tile_overlayer_lowered  }
0x9b: {  	s22 =	simm.s32 $0x1BFF;
	s21 =	sshll.u32 s5, $0x1;
	s2 =	sadd.s32 s19, s18  }
0x9c: {  	s6 =	simm.s32 $0x0;
	s20 =	sshll.u32 s4, $0x1;
	s4 =	sadd.s32 s21, s2  }
0x9d: {  	[timem:s6], [sflag:s22] =	dma.local [hbm:s4], s20  }
0x9e: {  	_ =	swait.ge [sflag:s22], s20  }
0x9f: {  	s3 =	ssub.s32 $0x0, s20;
	[sflag:s22] =	ssyncset.done $0x0  }
0xa0: {  	[sflag:s22] =	ssyncadd.s32 s3;
	_ =	sdelay $0x1  }
0xa1: {  	s23 =	simm.s32 $0x1B8B  }
0xa2: {  	_ =	swait.ge [sflag:s23], $0x1  }
0xa3: {  	[sflag:s23] =	ssyncset.done $0x0  }
0xa4: {  	s25 =	simm.s32 $0x1B8E;
	s24 =	sld [smem:$0x3FFE];
	[sflag:s23] =	ssyncadd.s32 $0xFFFFFFFF  }
0xa5: {  	s26 =	simm.s32 $execute0_lowered;
	[smem:$0x3FD2] =	sst s25  }
0xa6: {  	s4 =	sshll.u32 s26, $0x1;
	_ =	strace $0x80000046;
	[dreg:$0x1] =	wrdreg $0xFFFFFFFF  }
0xa7: {  	s28 =	simm.s32 $_size_execute0_lowered;
	s2 =	sadd.s32 s2, s4;
	[dreg:$0x0] =	wrdreg $0x0  }
0xa8: {  	s4 =	sshll.u32 s28, $0x1;
	[dreg:$0x2] =	wrdreg s2  }
0xa9: {  	[dreg:$0x3] =	wrdreg s4  }
0xaa: {  	[dreg:$0x4] =	wrdreg $0xC0  }
0xab: {  	_ =	task [dreg:s6], $0x5FFFF  }
0xac: {  	[dreg:$0x1] =	wrdreg $0xFFFFFFFF  }
0xad: {  	[dreg:$0x0] =	wrdreg $0x60  }
0xae: {  	[dreg:$0x2] =	wrdreg s24  }
0xaf: {  	[dreg:$0x3] =	wrdreg $0x9  }
0xb0: {  	_ =	task.clear_ibuf [dreg:s6], $0x4FFFF;
	_ =	strace $0x90000046  }
0xb1: {  	s29 =	simm.s32 $0x9;
	_ =	strace $0x80000048  }
0xb2: {  	_ =	swait.ge [sflag:s29], $0x1  }
0xb3: {  	[sflag:s29] =	ssyncadd.s32 $0xFFFFFFFF  }
0xb4: {  	_ =	strace $0x90000048  }
0xb5: {  	_ =	sfence  }
0xb6: {  	s30 =	sld [smem:$0x0];
	_ =	sdelay $0x2  }
0xb7: {  	s31 =	sshll.u32 s1, $0xD;
	s1 =	sshrl.u32 s1, $0x2  }
0xb8: {  	s3 =	sand.u32 $0x4000, s31;
	s1 =	sadd.s32 s1, s30  }
0xb9: {  	s0 =	sor.u32 s3, s0;
	s1 =	sshll.u32 s1, $0x11  }
0xba: {  	s0 =	sor.u32 s1, s0  }
0xbb: {  	s0 =	sadd.s32 $0x8F2B, s0  }
0xbc: {  	[sflag:s0] =	ssyncadd.remote.s32 $0x1  }
0xbd: {  	_ =	sfence.sel $0xFFFF  }
0xbe: {  	[dreg:$0x0] =	wrdreg $0xFFFFFFFF;
	(pc) =	sbr.abs _section_cstart, $3  }
0xbf: {  	[dreg:$0x1] =	wrdreg $0xFFFFFFFF  }
0xc0: {  	_ =	task.clear_ibuf [dreg:s6], $0x2FFFF;
	_ =	strace $0x9FFFFFFF  }
0xc1: {  	(tm) =	ssettm $0x7FFFFFFF  }
tec
execute0_lowered:
.L_overlay_start_1:
0x0: {  	(tag) =	ssettag $0x1  }
0x1: {  	s0 =	srdreg.scid;
	s6 =	rddreg [dreg:$0x0];
	s9 =	simm.s32 $0x1  }
0x2: {  	s2 =	simm.s32 $0x0;
	s17 =	simm.s32 $0x3E8;
	s18 =	simm.s32 $0x7D0  }
0x3: {  	s19 =	simm.s32 $0xBB8;
	s20 =	simm.s32 $0xFA0;
	s21 =	simm.s32 $0x1388  }
0x4: {  	s22 =	simm.s32 $0x1770;
	s23 =	simm.s32 $0x1B58;
	s24 =	simm.s32 $0x1F40  }
0x5: {  	s25 =	simm.s32 $0x2328;
	s26 =	simm.s32 $0x0;
	s4 =	sand.u32 $0x1, s0  }
0x6: {  	s0 =	stileid.u32;
	[smem:$0x7FF] =	sst s2;
	s1 =	sshll.u32 s4, $0x4  }
0x7: {  	s5 =	sand.u32 $0x1, s0;
	s4 =	ssub.s32 $0x2, s4;
	s3 =	sor.u32 s0, s1  }
0x8: {  	p1 =	seq.s32 s5, $0x1;
	s1 =	rddreg [dreg:$0x1];
	_ =	strace $0x80000047  }
0x9: {  	s31 =	sshrl.u32 s4, $0x1;
	p0 =	seq.s32 s3, $0x0;
	s7 =	smul.u32 $0x138, s3  }
0xa: {  	s8 =	sshrl.u32 s3, $0x1;
	s30 =	smul.u32 $0x3E8, s3;
	s3 =	simm.s32 $0x1  }
0xb: {  	s16 =	ssub.s32 s4, s31;
	s4 =	sxor.u32 $0x139, s5;
	p0 =	por !p0, !p1  }
0xc: {  	p0 =	por !p0, !p0;
	s7 =	sadd.s32 s8, s7;
	s8 =	sshrl.u32 s30, $0x3  }
0xd: {  	s16 =	smax.u32 s16, $0x1;
	s9 =	simm.s32 @!p0 $0x0;
	s15 =	sadd.s32 s8, s6  }
0xe: {  	s7 =	ssub.s32 s7, s9;
	s8 =	sadd.s32 $0x9B40, s15;
	s9 =	sadd.s32 $0xAAE0, s15  }
0xf: {  	s10 =	sadd.s32 $0xBA80, s15;
	s11 =	sadd.s32 $0xCA20, s15;
	s7 =	sshll.u32 s7, $0x1  }
0x10: {  	s12 =	sadd.s32 $0xD9C0, s15;
	s13 =	sadd.s32 $0xE960, s15;
	s7 =	sand.u32 $0x1FFFFFFE, s7  }
0x11: {  	s14 =	sadd.s32 $0xF900, s15;
	s7 =	sadd.s32 s7, s6;
	s6 =	sadd.s32 $0x7C00, s15  }
0x12: {  	v0 =	vimm.f32 $0.0e+00;
	v1 =	vimm.f32 $1.000000000e+00;
	s5 =	sadd.s32 $0x2C00, s7;
	s7 =	sadd.s32 $0x8BA0, s15;
	s15 =	sadd.s32 $0x108A0, s15  }
.LBB2_1:
0x13: {  	s28 =	simm.s32 $0x40;
	s29 =	simm.s32 $0x0  }
.LBB2_2:
0x14: {  	p0 =	sne.s32 s28, $0x9C00;
	[tilespmem:s29+$0x0] =	vst v0;
	s29 =	smov.u32 s28;
	s28 =	sadd.s32 $0x40, s28  }
.Ltmp0:
0x15: {  	(pc) =	sbr.rel @p0 .LBB2_2-.Ltmp0, $2  }
0x16: {  	_ =	sdelay $0x2  }
0x17: {  	s29 =	sshra.s32 s29, $0x2  }
0x18: {  	[tilespmem:s29+$0x0] =	vst v0;
	s28 =	simm.s32 $0x2710;
	p0 =	sne.s32 s4, $0x1  }
0x19: {  	[tilespmem:s28], [sflag:$0x1] =	stream.linear.gather [hbm4b:s5+s2], $0x1390, $0x38;
	[tilespmem:$0x3AA0] =	vst v63  }
.Ltmp1:
0x1a: {  	_ = 	snop;
	(pc) =	sbr.rel @!p0 .LBB2_5-.Ltmp1, $4  }
0x1b: {  	_ =	swait.ge [sflag:s3], $0x1390  }
0x1c: {  	[sflag:s3] =	ssyncset.done $0x0  }
0x1d: {  	[sflag:s3] =	ssyncadd.s32 $0xFFFFEC70  }
0x1e: {  	s29 =	sadd.s32 $0xFFFFFFFF, s4;
	v2 =	vld [tilespmem:s28+$0x0]  }
.LBB2_4:
0x1f: {  	p0 =	sne.s32 s29, $0x1;
	_ =	sdelay $0x3  }
.Ltmp2:
0x20: {  	(pc) =	sbr.rel @p0 .LBB2_4-.Ltmp2, $3  }
0x21: {  	_ =	sdelay $0x1  }
0x22: {  	s28 =	sadd.s32 $0x10, s28;
	[tilespmem:v2+s2+$0x0] =	vst.idx.add.f32.msk $0xffff, v1  }
0x23: {  	s29 =	sadd.s32 $0xFFFFFFFF, s29;
	v2 =	vld [tilespmem:s28+$0x0]  }
.LBB2_5:
0x24: {  	_ =	sdelay $0x7  }
0x25: {  	[tilespmem:v2+s2+$0x0] =	vst.idx.add.f32.msk $0xffff, v1  }
0x26: {  	[hbm4b:s6+s2] =	stream.linear.scatter [tilespmem:s2], [sflag:$0x1], $0x3E8, $0x38;
	[tilespmem:$0x3AA0] =	vst v63  }
0x27: {  	_ =	swait.ge [sflag:s3], $0x3E8  }
0x28: {  	[sflag:s3] =	ssyncset.done $0x0  }
0x29: {  	[sflag:s3] =	ssyncadd.s32 $0xFFFFFC18  }
0x2a: {  	[hbm4b:s7+s2] =	stream.linear.scatter [tilespmem:s17], [sflag:$0x1], $0x3E8, $0x38;
	[tilespmem:$0x3AA0] =	vst v63  }
0x2b: {  	_ =	swait.ge [sflag:s3], $0x3E8  }
0x2c: {  	[sflag:s3] =	ssyncset.done $0x0  }
0x2d: {  	[sflag:s3] =	ssyncadd.s32 $0xFFFFFC18  }
0x2e: {  	[hbm4b:s8+s2] =	stream.linear.scatter [tilespmem:s18], [sflag:$0x1], $0x3E8, $0x38;
	[tilespmem:$0x3AA0] =	vst v63  }
0x2f: {  	_ =	swait.ge [sflag:s3], $0x3E8  }
0x30: {  	[sflag:s3] =	ssyncset.done $0x0  }
0x31: {  	[sflag:s3] =	ssyncadd.s32 $0xFFFFFC18  }
0x32: {  	[hbm4b:s9+s2] =	stream.linear.scatter [tilespmem:s19], [sflag:$0x1], $0x3E8, $0x38;
	[tilespmem:$0x3AA0] =	vst v63  }
0x33: {  	_ =	swait.ge [sflag:s3], $0x3E8  }
0x34: {  	[sflag:s3] =	ssyncset.done $0x0  }
0x35: {  	[sflag:s3] =	ssyncadd.s32 $0xFFFFFC18  }
0x36: {  	[hbm4b:s10+s2] =	stream.linear.scatter [tilespmem:s20], [sflag:$0x1], $0x3E8, $0x38;
	[tilespmem:$0x3AA0] =	vst v63  }
0x37: {  	_ =	swait.ge [sflag:s3], $0x3E8  }
0x38: {  	[sflag:s3] =	ssyncset.done $0x0  }
0x39: {  	[sflag:s3] =	ssyncadd.s32 $0xFFFFFC18  }
0x3a: {  	[hbm4b:s11+s2] =	stream.linear.scatter [tilespmem:s21], [sflag:$0x1], $0x3E8, $0x38;
	[tilespmem:$0x3AA0] =	vst v63  }
0x3b: {  	_ =	swait.ge [sflag:s3], $0x3E8  }
0x3c: {  	[sflag:s3] =	ssyncset.done $0x0  }
0x3d: {  	[sflag:s3] =	ssyncadd.s32 $0xFFFFFC18  }
0x3e: {  	[hbm4b:s12+s2] =	stream.linear.scatter [tilespmem:s22], [sflag:$0x1], $0x3E8, $0x38;
	[tilespmem:$0x3AA0] =	vst v63  }
0x3f: {  	_ =	swait.ge [sflag:s3], $0x3E8  }
0x40: {  	[sflag:s3] =	ssyncset.done $0x0  }
0x41: {  	[sflag:s3] =	ssyncadd.s32 $0xFFFFFC18  }
0x42: {  	[hbm4b:s13+s2] =	stream.linear.scatter [tilespmem:s23], [sflag:$0x1], $0x3E8, $0x38;
	[tilespmem:$0x3AA0] =	vst v63  }
0x43: {  	_ =	swait.ge [sflag:s3], $0x3E8  }
0x44: {  	[sflag:s3] =	ssyncset.done $0x0  }
0x45: {  	[sflag:s3] =	ssyncadd.s32 $0xFFFFFC18  }
0x46: {  	[hbm4b:s14+s2] =	stream.linear.scatter [tilespmem:s24], [sflag:$0x1], $0x3E8, $0x38;
	[tilespmem:$0x3AA0] =	vst v63  }
0x47: {  	s26 =	sadd.s32 $0x1, s26;
	_ =	swait.ge [sflag:s3], $0x3E8  }
0x48: {  	p0 =	sne.s32 s26, s16;
	[sflag:s3] =	ssyncset.done $0x0  }
.Ltmp3:
0x49: {  	[sflag:s3] =	ssyncadd.s32 $0xFFFFFC18;
	(pc) =	sbr.rel @p0 .LBB2_1-.Ltmp3, $4  }
0x4a: {  	[hbm4b:s15+s2] =	stream.linear.scatter [tilespmem:s25], [sflag:$0x1], $0x3E8, $0x38;
	[tilespmem:$0x3AA0] =	vst v63  }
0x4b: {  	_ =	swait.ge [sflag:s3], $0x3E8  }
0x4c: {  	[sflag:s3] =	ssyncset.done $0x0  }
0x4d: {  	[sflag:s3] =	ssyncadd.s32 $0xFFFFFC18  }
0x4e: {  	_ =	sfence.sel $0x180000  }
0x4f: {  	[bflag:$0x0] =	sbarrier.arrive $0xFFFF  }
0x50: {  	p0 =	sne.s32 s0, $0x0;
	_ =	strace $0x90000047  }
0x51: {  	s0 =	sadd.s32 @!p0 $0x100000, s1;
	[bflag:$0x2] =	sbarrier.arrive $0xFFFF  }
0x52: {  	[sflag:s0] =	ssyncadd.tile.s32 @!p0 $0x1;
	_ =	shalt  }
.Lfunc_end2:
_tile_overlayer_lowered:
.L_overlay_start_2:
0x53: {  	(tag) =	ssettag $0x2  }
0x54: {  	s0 =	rddreg [dreg:$0x0];
	s2 =	stileid.u32  }
0x55: {  	s1 =	rddreg [dreg:$0x1];
	p0 =	sne.s32 s2, $0x0  }
0x56: {  	s3 =	rddreg [dreg:$0x2];
	[bflag:$0x3] =	sbarrier.arrive $0xFFFF;
	s2 =	simm.s32 @!p0 $0x1C01  }
0x57: {  	[timem:s3], [sflag:s2] =	dma.local @!p0 [hbm:s0], s1  }
0x58: {  	s0 =	simm.s32 @!p0 $0x1  }
0x59: {  	_ =	swait.ge @!p0 [sflag:s0], s1  }
0x5a: {  	s1 =	ssub.s32 @!p0 $0x0, s1;
	[sflag:s0] =	ssyncset.done @!p0 $0x0  }
0x5b: {  	[sflag:s0] =	ssyncadd.s32 @!p0 s1  }
0x5c: {  	[bflag:$0x3] =	sbarrier.arrive $0xFFFF  }
0x5d: {  	_ =	shalt  }

</sc_bundles>
